<compile_context>
chip_gen: v7x
topology: tpu7x:2x2x1
jax: 0.10.2.dev20260603
libtpu: 0.0.44.dev20260713+nightly
codegen_flags: <defaults>
</compile_context>

<pallas_src>
import jax
import jax.numpy as jnp
from jax import lax
from jax.experimental import pallas as pl
from jax.experimental.pallas import tpu as pltpu
from jax.experimental.pallas import tpu_sc as plsc

NC = 2
NS = 16
LANES = 16
NW = NC * NS
EMBED = 64
CHUNK = 128
NBUF = 4


def _mf_body(user_hbm, itemp_hbm, itemn_hbm, users_hbm, items_hbm,
             pscore_hbm, nscore_hbm,
             idxu, idxp, idxn, urows, prows, nrows, psc, nsc, *sems):
    gsem = sems[0:NBUF]
    isem = sems[NBUF:2 * NBUF]
    osem = sems[2 * NBUF:3 * NBUF]
    wid = lax.axis_index("s") * NC + lax.axis_index("c")
    n_per_w = user_hbm.shape[0] // NW
    nchunk = n_per_w // CHUNK
    base_w = wid * n_per_w

    def chunk_base(g):
        return pl.multiple_of(base_w + g * CHUNK, CHUNK)

    def fire_idx(g, b, sync):
        base = chunk_base(g)
        if sync:
            pltpu.sync_copy(user_hbm.at[pl.ds(base, CHUNK)], idxu.at[b])
            pltpu.sync_copy(itemp_hbm.at[pl.ds(base, CHUNK)], idxp.at[b])
            pltpu.sync_copy(itemn_hbm.at[pl.ds(base, CHUNK)], idxn.at[b])
        else:
            pltpu.async_copy(user_hbm.at[pl.ds(base, CHUNK)], idxu.at[b], isem[b])
            pltpu.async_copy(itemp_hbm.at[pl.ds(base, CHUNK)], idxp.at[b], isem[b])
            pltpu.async_copy(itemn_hbm.at[pl.ds(base, CHUNK)], idxn.at[b], isem[b])

    def wait_idx(b):
        pltpu.make_async_copy(user_hbm.at[pl.ds(0, CHUNK)], idxu.at[b], isem[b]).wait()
        pltpu.make_async_copy(itemp_hbm.at[pl.ds(0, CHUNK)], idxp.at[b], isem[b]).wait()
        pltpu.make_async_copy(itemn_hbm.at[pl.ds(0, CHUNK)], idxn.at[b], isem[b]).wait()

    def fire_gather(b):
        pltpu.async_copy(users_hbm.at[idxu.at[b]], urows.at[b], gsem[b])
        pltpu.async_copy(items_hbm.at[idxp.at[b]], prows.at[b], gsem[b])
        pltpu.async_copy(items_hbm.at[idxn.at[b]], nrows.at[b], gsem[b])

    def wait_gather(b):
        pltpu.make_async_copy(users_hbm.at[idxu.at[b]], urows.at[b], gsem[b]).wait()
        pltpu.make_async_copy(items_hbm.at[idxp.at[b]], prows.at[b], gsem[b]).wait()
        pltpu.make_async_copy(items_hbm.at[idxn.at[b]], nrows.at[b], gsem[b]).wait()

    def fire_out(g, b):
        base = chunk_base(g)
        pltpu.async_copy(psc.at[b], pscore_hbm.at[pl.ds(base, CHUNK)], osem[b])
        pltpu.async_copy(nsc.at[b], nscore_hbm.at[pl.ds(base, CHUNK)], osem[b])

    def wait_out(b):
        pltpu.make_async_copy(psc.at[b], pscore_hbm.at[pl.ds(0, CHUNK)], osem[b]).wait()
        pltpu.make_async_copy(nsc.at[b], nscore_hbm.at[pl.ds(0, CHUNK)], osem[b]).wait()

    def compute(b):
        last_lane = lax.iota(jnp.int32, LANES) == (LANES - 1)

        def row_body(r, carry):
            accp = None
            accn = None
            for k in range(EMBED // (2 * LANES)):
                uu = plsc.unpack(urows[b, r, pl.ds(k * 2 * LANES, 2 * LANES)],
                                 format=plsc.PackFormat.INTERLEAVED)
                pp = plsc.unpack(prows[b, r, pl.ds(k * 2 * LANES, 2 * LANES)],
                                 format=plsc.PackFormat.INTERLEAVED)
                nn = plsc.unpack(nrows[b, r, pl.ds(k * 2 * LANES, 2 * LANES)],
                                 format=plsc.PackFormat.INTERLEAVED)
                for h in range(2):
                    accp = uu[h] * pp[h] if accp is None else accp + uu[h] * pp[h]
                    accn = uu[h] * nn[h] if accn is None else accn + uu[h] * nn[h]
            ridx = jnp.full((LANES,), 0, jnp.int32) + r
            plsc.store_scatter(psc.at[b], [ridx], plsc.cumsum(accp), mask=last_lane)
            plsc.store_scatter(nsc.at[b], [ridx], plsc.cumsum(accn), mask=last_lane)
            return carry

        lax.fori_loop(0, CHUNK, row_body, 0, unroll=4)

    for b in range(NBUF):
        fire_idx(b, b, sync=True)
        fire_gather(b)

    def outer(i, carry):
        for b in range(NBUF):
            g = i * NBUF + b
            wait_gather(b)

            @pl.when(g < nchunk - NBUF)
            def _():
                fire_idx(g + NBUF, b, sync=False)

            @pl.when(g >= NBUF)
            def _():
                wait_out(b)

            compute(b)
            fire_out(g, b)

            @pl.when(g < nchunk - NBUF)
            def _():
                wait_idx(b)
                fire_gather(b)

        return carry

    lax.fori_loop(0, nchunk // NBUF, outer, 0)

    for b in range(NBUF):
        wait_out(b)


def kernel(user, item_p, item_n, users, items):
    B, L = user.shape
    N = B * L
    uf = user.reshape(N)
    pf = item_p.reshape(N)
    nf = item_n.reshape(N)
    mesh = plsc.VectorSubcoreMesh(core_axis_name="c", subcore_axis_name="s")
    f = pl.kernel(
        _mf_body,
        out_type=(jax.ShapeDtypeStruct((N,), jnp.float32),
                  jax.ShapeDtypeStruct((N,), jnp.float32)),
        mesh=mesh,
        compiler_params=pltpu.CompilerParams(needs_layout_passes=False,
                                             use_tc_tiling_on_sc=False),
        scratch_types=[
            pltpu.VMEM((NBUF, CHUNK), jnp.int32),
            pltpu.VMEM((NBUF, CHUNK), jnp.int32),
            pltpu.VMEM((NBUF, CHUNK), jnp.int32),
            pltpu.VMEM((NBUF, CHUNK, EMBED), jnp.bfloat16),
            pltpu.VMEM((NBUF, CHUNK, EMBED), jnp.bfloat16),
            pltpu.VMEM((NBUF, CHUNK, EMBED), jnp.bfloat16),
            pltpu.VMEM((NBUF, CHUNK), jnp.float32),
            pltpu.VMEM((NBUF, CHUNK), jnp.float32),
        ] + [pltpu.SemaphoreType.DMA] * (3 * NBUF),
    )
    p_score, n_score = f(uf, pf, nf, users.astype(jnp.bfloat16),
                         items.astype(jnp.bfloat16))
    return p_score.reshape(B, L), n_score.reshape(B, L)

# --- scband reference (transcript-rebuilt; emitter-appended) ---
"""Pipeline reference for scband-mf-21852793602101 (READ-ONLY COPY).

The authoritative reference and input builder live on the scoring server;
editing this copy changes nothing except your own understanding.
"""

import jax, jax.numpy as jnp
import numpy as np
import math

NUM_USERS = 1000000
NUM_ITEMS = 1000000
EMBED = 64
B = 16384
L = 50

def setup_inputs(seed: int = 0) -> dict:
    key = jax.random.key(seed)
    ku, ki, k1, k2, k3 = jax.random.split(key, 5)
    stdv = 1.0 / math.sqrt(EMBED)
    users = jax.random.uniform(ku, (NUM_USERS, EMBED), minval=-stdv, maxval=stdv, dtype=jnp.float32)
    items = jax.random.uniform(ki, (NUM_ITEMS, EMBED), minval=-stdv, maxval=stdv, dtype=jnp.float32)
    user = jax.random.randint(k1, (B, L), 0, NUM_USERS, dtype=jnp.int32)
    item_p = jax.random.randint(k2, (B, L), 0, NUM_ITEMS, dtype=jnp.int32)
    item_n = jax.random.randint(k3, (B, L), 0, NUM_ITEMS, dtype=jnp.int32)
    return {"user": user, "item_p": item_p, "item_n": item_n, "users": users, "items": items}

def reference(user, item_p, item_n, users, items):
    # pair_forward of MF: gather user/item embeddings, elementwise product, sum over embed dim
    u = jnp.take(users, user, axis=0)          # [B, L, EMBED]
    p = jnp.take(items, item_p, axis=0)        # [B, L, EMBED]
    n = jnp.take(items, item_n, axis=0)        # [B, L, EMBED]
    p_score = jnp.sum(u * p, axis=2)           # [B, L]
    n_score = jnp.sum(u * n, axis=2)           # [B, L]
    return (p_score, n_score)

if __name__ == "__main__":
    import jax
    _d = setup_inputs()
    print(jax.jit(kernel)(*tuple(_d.values())))

</pallas_src>

<mosaic_0001>
#map = affine_map<(d0, d1) -> (0)>
#map1 = affine_map<(d0, d1) -> (0, 0)>
module attributes {stable_mosaic.version = 14 : i64} {
  func.func @_mf_body(%arg0: i32, %arg1: i32, %arg2: memref<819200xi32, #tpu.memory_space<hbm>>, %arg3: memref<819200xi32, #tpu.memory_space<hbm>>, %arg4: memref<819200xi32, #tpu.memory_space<hbm>>, %arg5: memref<1000000x64xbf16, #tpu.memory_space<hbm>>, %arg6: memref<1000000x64xbf16, #tpu.memory_space<hbm>>, %arg7: memref<819200xf32, #tpu.memory_space<hbm>>, %arg8: memref<819200xf32, #tpu.memory_space<hbm>>, %arg9: memref<4x128xi32, #tpu.memory_space<vmem>>, %arg10: memref<4x128xi32, #tpu.memory_space<vmem>>, %arg11: memref<4x128xi32, #tpu.memory_space<vmem>>, %arg12: memref<4x128x64xbf16, #tpu.memory_space<vmem>>, %arg13: memref<4x128x64xbf16, #tpu.memory_space<vmem>>, %arg14: memref<4x128x64xbf16, #tpu.memory_space<vmem>>, %arg15: memref<4x128xf32, #tpu.memory_space<vmem>>, %arg16: memref<4x128xf32, #tpu.memory_space<vmem>>, %arg17: memref<!tpu.dma_semaphore, #tpu.memory_space<semaphore_mem>>, %arg18: memref<!tpu.dma_semaphore, #tpu.memory_space<semaphore_mem>>, %arg19: memref<!tpu.dma_semaphore, #tpu.memory_space<semaphore_mem>>, %arg20: memref<!tpu.dma_semaphore, #tpu.memory_space<semaphore_mem>>, %arg21: memref<!tpu.dma_semaphore, #tpu.memory_space<semaphore_mem>>, %arg22: memref<!tpu.dma_semaphore, #tpu.memory_space<semaphore_mem>>, %arg23: memref<!tpu.dma_semaphore, #tpu.memory_space<semaphore_mem>>, %arg24: memref<!tpu.dma_semaphore, #tpu.memory_space<semaphore_mem>>, %arg25: memref<!tpu.dma_semaphore, #tpu.memory_space<semaphore_mem>>, %arg26: memref<!tpu.dma_semaphore, #tpu.memory_space<semaphore_mem>>, %arg27: memref<!tpu.dma_semaphore, #tpu.memory_space<semaphore_mem>>, %arg28: memref<!tpu.dma_semaphore, #tpu.memory_space<semaphore_mem>>) attributes {dimension_semantics = [#tpu.dimension_semantics<core_parallel>, #tpu.dimension_semantics<subcore_parallel>], iteration_bounds = array<i64: 2, 16>, scalar_prefetch = 0 : i64, scratch_operands = 20 : i64, tpu.core_type = #tpu.core_type<sc_vector_subcore>, window_params = [{transform_indices = #map}, {transform_indices = #map}, {transform_indices = #map}, {transform_indices = #map1}, {transform_indices = #map1}, {transform_indices = #map}, {transform_indices = #map}]} {
    %mul3A = arith.constant 2 : i32
    %mul3A_0 = arith.muli %arg1, %mul3A : i32
    %add3A = arith.addi %mul3A_0, %arg0 : i32
    %mul3A_1 = arith.constant 25600 : i32
    %mul3A_2 = arith.muli %add3A, %mul3A_1 : i32
    %add3A_3 = arith.constant 0 : i32
    %add3A_4 = arith.addi %mul3A_2, %add3A_3 : i32
    %multiple_of3A = tpu.assume_multiple %add3A_4, 128 : i32
    %run_scoped3A = arith.constant 0 : i32
    "tpu.region"() ({
      %run_scoped3A_260 = tpu.sem_alloc : memref<!tpu.dma_semaphore, #tpu.memory_space<semaphore_mem>>
      %dma_start3A_261 = arith.constant 0 : i32
      %dma_start3A_262 = tpu.memref_slice %arg9[%run_scoped3A, %dma_start3A_261] : memref<4x128xi32, #tpu.memory_space<vmem>> -> memref<1x128xi32, #tpu.memory_space<vmem>>
      %dma_start3A_263 = tpu.memref_squeeze %dma_start3A_262 : memref<1x128xi32, #tpu.memory_space<vmem>> -> memref<128xi32, #tpu.memory_space<vmem>>
      %dma_start3A_264 = tpu.memref_slice %arg2[%multiple_of3A] : memref<819200xi32, #tpu.memory_space<hbm>> -> memref<128xi32, #tpu.memory_space<hbm>>
      %dma_start3A_265 = arith.constant 0 : i32
      %dma_start3A_266 = tpu.memref_slice %arg9[%run_scoped3A, %dma_start3A_265] : memref<4x128xi32, #tpu.memory_space<vmem>> -> memref<1x128xi32, #tpu.memory_space<vmem>>
      %dma_start3A_267 = tpu.memref_squeeze %dma_start3A_266 : memref<1x128xi32, #tpu.memory_space<vmem>> -> memref<128xi32, #tpu.memory_space<vmem>>
      %dma_start3A_268 = tpu.memref_slice %arg2[%multiple_of3A] : memref<819200xi32, #tpu.memory_space<hbm>> -> memref<128xi32, #tpu.memory_space<hbm>>
      tpu.enqueue_dma source(%dma_start3A_268 : memref<128xi32, #tpu.memory_space<hbm>>) target(%dma_start3A_267 : memref<128xi32, #tpu.memory_space<vmem>>) target_semaphore(%run_scoped3A_260 : memref<!tpu.dma_semaphore, #tpu.memory_space<semaphore_mem>>)
      %dma_wait3A_269 = arith.constant 0 : i32
      %dma_wait3A_270 = tpu.memref_slice %arg9[%run_scoped3A, %dma_wait3A_269] : memref<4x128xi32, #tpu.memory_space<vmem>> -> memref<1x128xi32, #tpu.memory_space<vmem>>
      %dma_wait3A_271 = tpu.memref_squeeze %dma_wait3A_270 : memref<1x128xi32, #tpu.memory_space<vmem>> -> memref<128xi32, #tpu.memory_space<vmem>>
      %dma_wait3A_272 = tpu.memref_slice %arg2[%multiple_of3A] : memref<819200xi32, #tpu.memory_space<hbm>> -> memref<128xi32, #tpu.memory_space<hbm>>
      %dma_wait3A_273 = arith.constant 0 : i32
      %dma_wait3A_274 = tpu.memref_slice %arg9[%run_scoped3A, %dma_wait3A_273] : memref<4x128xi32, #tpu.memory_space<vmem>> -> memref<1x128xi32, #tpu.memory_space<vmem>>
      %dma_wait3A_275 = tpu.memref_squeeze %dma_wait3A_274 : memref<1x128xi32, #tpu.memory_space<vmem>> -> memref<128xi32, #tpu.memory_space<vmem>>
      %dma_wait3A_276 = tpu.memref_slice %arg2[%multiple_of3A] : memref<819200xi32, #tpu.memory_space<hbm>> -> memref<128xi32, #tpu.memory_space<hbm>>
      tpu.wait_dma2 semaphore(%run_scoped3A_260 : memref<!tpu.dma_semaphore, #tpu.memory_space<semaphore_mem>>) src(%dma_wait3A_276 : memref<128xi32, #tpu.memory_space<hbm>>) dst(%dma_wait3A_275 : memref<128xi32, #tpu.memory_space<vmem>>)
      tpu.yield
    }) : () -> ()
    %run_scoped3A_5 = arith.constant 0 : i32
    "tpu.region"() ({
      %run_scoped3A_260 = tpu.sem_alloc : memref<!tpu.dma_semaphore, #tpu.memory_space<semaphore_mem>>
      %dma_start3A_261 = arith.constant 0 : i32
      %dma_start3A_262 = tpu.memref_slice %arg10[%run_scoped3A_5, %dma_start3A_261] : memref<4x128xi32, #tpu.memory_space<vmem>> -> memref<1x128xi32, #tpu.memory_space<vmem>>
      %dma_start3A_263 = tpu.memref_squeeze %dma_start3A_262 : memref<1x128xi32, #tpu.memory_space<vmem>> -> memref<128xi32, #tpu.memory_space<vmem>>
      %dma_start3A_264 = tpu.memref_slice %arg3[%multiple_of3A] : memref<819200xi32, #tpu.memory_space<hbm>> -> memref<128xi32, #tpu.memory_space<hbm>>
      %dma_start3A_265 = arith.constant 0 : i32
      %dma_start3A_266 = tpu.memref_slice %arg10[%run_scoped3A_5, %dma_start3A_265] : memref<4x128xi32, #tpu.memory_space<vmem>> -> memref<1x128xi32, #tpu.memory_space<vmem>>
      %dma_start3A_267 = tpu.memref_squeeze %dma_start3A_266 : memref<1x128xi32, #tpu.memory_space<vmem>> -> memref<128xi32, #tpu.memory_space<vmem>>
      %dma_start3A_268 = tpu.memref_slice %arg3[%multiple_of3A] : memref<819200xi32, #tpu.memory_space<hbm>> -> memref<128xi32, #tpu.memory_space<hbm>>
      tpu.enqueue_dma source(%dma_start3A_268 : memref<128xi32, #tpu.memory_space<hbm>>) target(%dma_start3A_267 : memref<128xi32, #tpu.memory_space<vmem>>) target_semaphore(%run_scoped3A_260 : memref<!tpu.dma_semaphore, #tpu.memory_space<semaphore_mem>>)
      %dma_wait3A_269 = arith.constant 0 : i32
      %dma_wait3A_270 = tpu.memref_slice %arg10[%run_scoped3A_5, %dma_wait3A_269] : memref<4x128xi32, #tpu.memory_space<vmem>> -> memref<1x128xi32, #tpu.memory_space<vmem>>
      %dma_wait3A_271 = tpu.memref_squeeze %dma_wait3A_270 : memref<1x128xi32, #tpu.memory_space<vmem>> -> memref<128xi32, #tpu.memory_space<vmem>>
      %dma_wait3A_272 = tpu.memref_slice %arg3[%multiple_of3A] : memref<819200xi32, #tpu.memory_space<hbm>> -> memref<128xi32, #tpu.memory_space<hbm>>
      %dma_wait3A_273 = arith.constant 0 : i32
      %dma_wait3A_274 = tpu.memref_slice %arg10[%run_scoped3A_5, %dma_wait3A_273] : memref<4x128xi32, #tpu.memory_space<vmem>> -> memref<1x128xi32, #tpu.memory_space<vmem>>
      %dma_wait3A_275 = tpu.memref_squeeze %dma_wait3A_274 : memref<1x128xi32, #tpu.memory_space<vmem>> -> memref<128xi32, #tpu.memory_space<vmem>>
      %dma_wait3A_276 = tpu.memref_slice %arg3[%multiple_of3A] : memref<819200xi32, #tpu.memory_space<hbm>> -> memref<128xi32, #tpu.memory_space<hbm>>
      tpu.wait_dma2 semaphore(%run_scoped3A_260 : memref<!tpu.dma_semaphore, #tpu.memory_space<semaphore_mem>>) src(%dma_wait3A_276 : memref<128xi32, #tpu.memory_space<hbm>>) dst(%dma_wait3A_275 : memref<128xi32, #tpu.memory_space<vmem>>)
      tpu.yield
    }) : () -> ()
    %run_scoped3A_6 = arith.constant 0 : i32
    "tpu.region"() ({
      %run_scoped3A_260 = tpu.sem_alloc : memref<!tpu.dma_semaphore, #tpu.memory_space<semaphore_mem>>
      %dma_start3A_261 = arith.constant 0 : i32
      %dma_start3A_262 = tpu.memref_slice %arg11[%run_scoped3A_6, %dma_start3A_261] : memref<4x128xi32, #tpu.memory_space<vmem>> -> memref<1x128xi32, #tpu.memory_space<vmem>>
      %dma_start3A_263 = tpu.memref_squeeze %dma_start3A_262 : memref<1x128xi32, #tpu.memory_space<vmem>> -> memref<128xi32, #tpu.memory_space<vmem>>
      %dma_start3A_264 = tpu.memref_slice %arg4[%multiple_of3A] : memref<819200xi32, #tpu.memory_space<hbm>> -> memref<128xi32, #tpu.memory_space<hbm>>
      %dma_start3A_265 = arith.constant 0 : i32
      %dma_start3A_266 = tpu.memref_slice %arg11[%run_scoped3A_6, %dma_start3A_265] : memref<4x128xi32, #tpu.memory_space<vmem>> -> memref<1x128xi32, #tpu.memory_space<vmem>>
      %dma_start3A_267 = tpu.memref_squeeze %dma_start3A_266 : memref<1x128xi32, #tpu.memory_space<vmem>> -> memref<128xi32, #tpu.memory_space<vmem>>
      %dma_start3A_268 = tpu.memref_slice %arg4[%multiple_of3A] : memref<819200xi32, #tpu.memory_space<hbm>> -> memref<128xi32, #tpu.memory_space<hbm>>
      tpu.enqueue_dma source(%dma_start3A_268 : memref<128xi32, #tpu.memory_space<hbm>>) target(%dma_start3A_267 : memref<128xi32, #tpu.memory_space<vmem>>) target_semaphore(%run_scoped3A_260 : memref<!tpu.dma_semaphore, #tpu.memory_space<semaphore_mem>>)
      %dma_wait3A_269 = arith.constant 0 : i32
      %dma_wait3A_270 = tpu.memref_slice %arg11[%run_scoped3A_6, %dma_wait3A_269] : memref<4x128xi32, #tpu.memory_space<vmem>> -> memref<1x128xi32, #tpu.memory_space<vmem>>
      %dma_wait3A_271 = tpu.memref_squeeze %dma_wait3A_270 : memref<1x128xi32, #tpu.memory_space<vmem>> -> memref<128xi32, #tpu.memory_space<vmem>>
      %dma_wait3A_272 = tpu.memref_slice %arg4[%multiple_of3A] : memref<819200xi32, #tpu.memory_space<hbm>> -> memref<128xi32, #tpu.memory_space<hbm>>
      %dma_wait3A_273 = arith.constant 0 : i32
      %dma_wait3A_274 = tpu.memref_slice %arg11[%run_scoped3A_6, %dma_wait3A_273] : memref<4x128xi32, #tpu.memory_space<vmem>> -> memref<1x128xi32, #tpu.memory_space<vmem>>
      %dma_wait3A_275 = tpu.memref_squeeze %dma_wait3A_274 : memref<1x128xi32, #tpu.memory_space<vmem>> -> memref<128xi32, #tpu.memory_space<vmem>>
      %dma_wait3A_276 = tpu.memref_slice %arg4[%multiple_of3A] : memref<819200xi32, #tpu.memory_space<hbm>> -> memref<128xi32, #tpu.memory_space<hbm>>
      tpu.wait_dma2 semaphore(%run_scoped3A_260 : memref<!tpu.dma_semaphore, #tpu.memory_space<semaphore_mem>>) src(%dma_wait3A_276 : memref<128xi32, #tpu.memory_space<hbm>>) dst(%dma_wait3A_275 : memref<128xi32, #tpu.memory_space<vmem>>)
      tpu.yield
    }) : () -> ()
    %dma_start3A = arith.constant 0 : i32
    %dma_start3A_7 = arith.constant 0 : i32
    %dma_start3A_8 = arith.constant 0 : i32
    %dma_start3A_9 = arith.constant 0 : i32
    %dma_start3A_10 = tpu.memref_slice %arg12[%dma_start3A_7, %dma_start3A_8, %dma_start3A_9] : memref<4x128x64xbf16, #tpu.memory_space<vmem>> -> memref<1x128x64xbf16, #tpu.memory_space<vmem>>
    %dma_start3A_11 = tpu.memref_squeeze %dma_start3A_10 : memref<1x128x64xbf16, #tpu.memory_space<vmem>> -> memref<128x64xbf16, #tpu.memory_space<vmem>>
    %dma_start3A_12 = arith.constant 0 : i32
    %dma_start3A_13 = tpu.memref_slice %arg9[%dma_start3A, %dma_start3A_12] : memref<4x128xi32, #tpu.memory_space<vmem>> -> memref<1x128xi32, #tpu.memory_space<vmem>>
    %dma_start3A_14 = tpu.memref_squeeze %dma_start3A_13 : memref<1x128xi32, #tpu.memory_space<vmem>> -> memref<128xi32, #tpu.memory_space<vmem>>
    %dma_start3A_15 = arith.constant 0 : i32
    %dma_start3A_16 = arith.constant 0 : i32
    %dma_start3A_17 = tpu.memref_slice %arg5[%dma_start3A_15, %dma_start3A_16] : memref<1000000x64xbf16, #tpu.memory_space<hbm>> -> memref<1000000x64xbf16, #tpu.memory_space<hbm>>
    tpu.enqueue_indirect_dma source(%dma_start3A_17 : memref<1000000x64xbf16, #tpu.memory_space<hbm>>) target(%dma_start3A_11 : memref<128x64xbf16, #tpu.memory_space<vmem>>) offsets(%dma_start3A_14 : memref<128xi32, #tpu.memory_space<vmem>>) semaphore(%arg17 : memref<!tpu.dma_semaphore, #tpu.memory_space<semaphore_mem>>)
    %dma_start3A_18 = arith.constant 0 : i32
    %dma_start3A_19 = arith.constant 0 : i32
    %dma_start3A_20 = arith.constant 0 : i32
    %dma_start3A_21 = arith.constant 0 : i32
    %dma_start3A_22 = tpu.memref_slice %arg13[%dma_start3A_19, %dma_start3A_20, %dma_start3A_21] : memref<4x128x64xbf16, #tpu.memory_space<vmem>> -> memref<1x128x64xbf16, #tpu.memory_space<vmem>>
    %dma_start3A_23 = tpu.memref_squeeze %dma_start3A_22 : memref<1x128x64xbf16, #tpu.memory_space<vmem>> -> memref<128x64xbf16, #tpu.memory_space<vmem>>
    %dma_start3A_24 = arith.constant 0 : i32
    %dma_start3A_25 = tpu.memref_slice %arg10[%dma_start3A_18, %dma_start3A_24] : memref<4x128xi32, #tpu.memory_space<vmem>> -> memref<1x128xi32, #tpu.memory_space<vmem>>
    %dma_start3A_26 = tpu.memref_squeeze %dma_start3A_25 : memref<1x128xi32, #tpu.memory_space<vmem>> -> memref<128xi32, #tpu.memory_space<vmem>>
    %dma_start3A_27 = arith.constant 0 : i32
    %dma_start3A_28 = arith.constant 0 : i32
    %dma_start3A_29 = tpu.memref_slice %arg6[%dma_start3A_27, %dma_start3A_28] : memref<1000000x64xbf16, #tpu.memory_space<hbm>> -> memref<1000000x64xbf16, #tpu.memory_space<hbm>>
    tpu.enqueue_indirect_dma source(%dma_start3A_29 : memref<1000000x64xbf16, #tpu.memory_space<hbm>>) target(%dma_start3A_23 : memref<128x64xbf16, #tpu.memory_space<vmem>>) offsets(%dma_start3A_26 : memref<128xi32, #tpu.memory_space<vmem>>) semaphore(%arg17 : memref<!tpu.dma_semaphore, #tpu.memory_space<semaphore_mem>>)
    %dma_start3A_30 = arith.constant 0 : i32
    %dma_start3A_31 = arith.constant 0 : i32
    %dma_start3A_32 = arith.constant 0 : i32
    %dma_start3A_33 = arith.constant 0 : i32
    %dma_start3A_34 = tpu.memref_slice %arg14[%dma_start3A_31, %dma_start3A_32, %dma_start3A_33] : memref<4x128x64xbf16, #tpu.memory_space<vmem>> -> memref<1x128x64xbf16, #tpu.memory_space<vmem>>
    %dma_start3A_35 = tpu.memref_squeeze %dma_start3A_34 : memref<1x128x64xbf16, #tpu.memory_space<vmem>> -> memref<128x64xbf16, #tpu.memory_space<vmem>>
    %dma_start3A_36 = arith.constant 0 : i32
    %dma_start3A_37 = tpu.memref_slice %arg11[%dma_start3A_30, %dma_start3A_36] : memref<4x128xi32, #tpu.memory_space<vmem>> -> memref<1x128xi32, #tpu.memory_space<vmem>>
    %dma_start3A_38 = tpu.memref_squeeze %dma_start3A_37 : memref<1x128xi32, #tpu.memory_space<vmem>> -> memref<128xi32, #tpu.memory_space<vmem>>
    %dma_start3A_39 = arith.constant 0 : i32
    %dma_start3A_40 = arith.constant 0 : i32
    %dma_start3A_41 = tpu.memref_slice %arg6[%dma_start3A_39, %dma_start3A_40] : memref<1000000x64xbf16, #tpu.memory_space<hbm>> -> memref<1000000x64xbf16, #tpu.memory_space<hbm>>
    tpu.enqueue_indirect_dma source(%dma_start3A_41 : memref<1000000x64xbf16, #tpu.memory_space<hbm>>) target(%dma_start3A_35 : memref<128x64xbf16, #tpu.memory_space<vmem>>) offsets(%dma_start3A_38 : memref<128xi32, #tpu.memory_space<vmem>>) semaphore(%arg17 : memref<!tpu.dma_semaphore, #tpu.memory_space<semaphore_mem>>)
    %add3A_42 = arith.constant 128 : i32
    %add3A_43 = arith.addi %mul3A_2, %add3A_42 : i32
    %multiple_of3A_44 = tpu.assume_multiple %add3A_43, 128 : i32
    %run_scoped3A_45 = arith.constant 1 : i32
    "tpu.region"() ({
      %run_scoped3A_260 = tpu.sem_alloc : memref<!tpu.dma_semaphore, #tpu.memory_space<semaphore_mem>>
      %dma_start3A_261 = arith.constant 0 : i32
      %dma_start3A_262 = tpu.memref_slice %arg9[%run_scoped3A_45, %dma_start3A_261] : memref<4x128xi32, #tpu.memory_space<vmem>> -> memref<1x128xi32, #tpu.memory_space<vmem>>
      %dma_start3A_263 = tpu.memref_squeeze %dma_start3A_262 : memref<1x128xi32, #tpu.memory_space<vmem>> -> memref<128xi32, #tpu.memory_space<vmem>>
      %dma_start3A_264 = tpu.memref_slice %arg2[%multiple_of3A_44] : memref<819200xi32, #tpu.memory_space<hbm>> -> memref<128xi32, #tpu.memory_space<hbm>>
      %dma_start3A_265 = arith.constant 0 : i32
      %dma_start3A_266 = tpu.memref_slice %arg9[%run_scoped3A_45, %dma_start3A_265] : memref<4x128xi32, #tpu.memory_space<vmem>> -> memref<1x128xi32, #tpu.memory_space<vmem>>
      %dma_start3A_267 = tpu.memref_squeeze %dma_start3A_266 : memref<1x128xi32, #tpu.memory_space<vmem>> -> memref<128xi32, #tpu.memory_space<vmem>>
      %dma_start3A_268 = tpu.memref_slice %arg2[%multiple_of3A_44] : memref<819200xi32, #tpu.memory_space<hbm>> -> memref<128xi32, #tpu.memory_space<hbm>>
      tpu.enqueue_dma source(%dma_start3A_268 : memref<128xi32, #tpu.memory_space<hbm>>) target(%dma_start3A_267 : memref<128xi32, #tpu.memory_space<vmem>>) target_semaphore(%run_scoped3A_260 : memref<!tpu.dma_semaphore, #tpu.memory_space<semaphore_mem>>)
      %dma_wait3A_269 = arith.constant 0 : i32
      %dma_wait3A_270 = tpu.memref_slice %arg9[%run_scoped3A_45, %dma_wait3A_269] : memref<4x128xi32, #tpu.memory_space<vmem>> -> memref<1x128xi32, #tpu.memory_space<vmem>>
      %dma_wait3A_271 = tpu.memref_squeeze %dma_wait3A_270 : memref<1x128xi32, #tpu.memory_space<vmem>> -> memref<128xi32, #tpu.memory_space<vmem>>
      %dma_wait3A_272 = tpu.memref_slice %arg2[%multiple_of3A_44] : memref<819200xi32, #tpu.memory_space<hbm>> -> memref<128xi32, #tpu.memory_space<hbm>>
      %dma_wait3A_273 = arith.constant 0 : i32
      %dma_wait3A_274 = tpu.memref_slice %arg9[%run_scoped3A_45, %dma_wait3A_273] : memref<4x128xi32, #tpu.memory_space<vmem>> -> memref<1x128xi32, #tpu.memory_space<vmem>>
      %dma_wait3A_275 = tpu.memref_squeeze %dma_wait3A_274 : memref<1x128xi32, #tpu.memory_space<vmem>> -> memref<128xi32, #tpu.memory_space<vmem>>
      %dma_wait3A_276 = tpu.memref_slice %arg2[%multiple_of3A_44] : memref<819200xi32, #tpu.memory_space<hbm>> -> memref<128xi32, #tpu.memory_space<hbm>>
      tpu.wait_dma2 semaphore(%run_scoped3A_260 : memref<!tpu.dma_semaphore, #tpu.memory_space<semaphore_mem>>) src(%dma_wait3A_276 : memref<128xi32, #tpu.memory_space<hbm>>) dst(%dma_wait3A_275 : memref<128xi32, #tpu.memory_space<vmem>>)
      tpu.yield
    }) : () -> ()
    %run_scoped3A_46 = arith.constant 1 : i32
    "tpu.region"() ({
      %run_scoped3A_260 = tpu.sem_alloc : memref<!tpu.dma_semaphore, #tpu.memory_space<semaphore_mem>>
      %dma_start3A_261 = arith.constant 0 : i32
      %dma_start3A_262 = tpu.memref_slice %arg10[%run_scoped3A_46, %dma_start3A_261] : memref<4x128xi32, #tpu.memory_space<vmem>> -> memref<1x128xi32, #tpu.memory_space<vmem>>
      %dma_start3A_263 = tpu.memref_squeeze %dma_start3A_262 : memref<1x128xi32, #tpu.memory_space<vmem>> -> memref<128xi32, #tpu.memory_space<vmem>>
      %dma_start3A_264 = tpu.memref_slice %arg3[%multiple_of3A_44] : memref<819200xi32, #tpu.memory_space<hbm>> -> memref<128xi32, #tpu.memory_space<hbm>>
      %dma_start3A_265 = arith.constant 0 : i32
      %dma_start3A_266 = tpu.memref_slice %arg10[%run_scoped3A_46, %dma_start3A_265] : memref<4x128xi32, #tpu.memory_space<vmem>> -> memref<1x128xi32, #tpu.memory_space<vmem>>
      %dma_start3A_267 = tpu.memref_squeeze %dma_start3A_266 : memref<1x128xi32, #tpu.memory_space<vmem>> -> memref<128xi32, #tpu.memory_space<vmem>>
      %dma_start3A_268 = tpu.memref_slice %arg3[%multiple_of3A_44] : memref<819200xi32, #tpu.memory_space<hbm>> -> memref<128xi32, #tpu.memory_space<hbm>>
      tpu.enqueue_dma source(%dma_start3A_268 : memref<128xi32, #tpu.memory_space<hbm>>) target(%dma_start3A_267 : memref<128xi32, #tpu.memory_space<vmem>>) target_semaphore(%run_scoped3A_260 : memref<!tpu.dma_semaphore, #tpu.memory_space<semaphore_mem>>)
      %dma_wait3A_269 = arith.constant 0 : i32
      %dma_wait3A_270 = tpu.memref_slice %arg10[%run_scoped3A_46, %dma_wait3A_269] : memref<4x128xi32, #tpu.memory_space<vmem>> -> memref<1x128xi32, #tpu.memory_space<vmem>>
      %dma_wait3A_271 = tpu.memref_squeeze %dma_wait3A_270 : memref<1x128xi32, #tpu.memory_space<vmem>> -> memref<128xi32, #tpu.memory_space<vmem>>
      %dma_wait3A_272 = tpu.memref_slice %arg3[%multiple_of3A_44] : memref<819200xi32, #tpu.memory_space<hbm>> -> memref<128xi32, #tpu.memory_space<hbm>>
      %dma_wait3A_273 = arith.constant 0 : i32
      %dma_wait3A_274 = tpu.memref_slice %arg10[%run_scoped3A_46, %dma_wait3A_273] : memref<4x128xi32, #tpu.memory_space<vmem>> -> memref<1x128xi32, #tpu.memory_space<vmem>>
      %dma_wait3A_275 = tpu.memref_squeeze %dma_wait3A_274 : memref<1x128xi32, #tpu.memory_space<vmem>> -> memref<128xi32, #tpu.memory_space<vmem>>
      %dma_wait3A_276 = tpu.memref_slice %arg3[%multiple_of3A_44] : memref<819200xi32, #tpu.memory_space<hbm>> -> memref<128xi32, #tpu.memory_space<hbm>>
      tpu.wait_dma2 semaphore(%run_scoped3A_260 : memref<!tpu.dma_semaphore, #tpu.memory_space<semaphore_mem>>) src(%dma_wait3A_276 : memref<128xi32, #tpu.memory_space<hbm>>) dst(%dma_wait3A_275 : memref<128xi32, #tpu.memory_space<vmem>>)
      tpu.yield
    }) : () -> ()
    %run_scoped3A_47 = arith.constant 1 : i32
    "tpu.region"() ({
      %run_scoped3A_260 = tpu.sem_alloc : memref<!tpu.dma_semaphore, #tpu.memory_space<semaphore_mem>>
      %dma_start3A_261 = arith.constant 0 : i32
      %dma_start3A_262 = tpu.memref_slice %arg11[%run_scoped3A_47, %dma_start3A_261] : memref<4x128xi32, #tpu.memory_space<vmem>> -> memref<1x128xi32, #tpu.memory_space<vmem>>
      %dma_start3A_263 = tpu.memref_squeeze %dma_start3A_262 : memref<1x128xi32, #tpu.memory_space<vmem>> -> memref<128xi32, #tpu.memory_space<vmem>>
      %dma_start3A_264 = tpu.memref_slice %arg4[%multiple_of3A_44] : memref<819200xi32, #tpu.memory_space<hbm>> -> memref<128xi32, #tpu.memory_space<hbm>>
      %dma_start3A_265 = arith.constant 0 : i32
      %dma_start3A_266 = tpu.memref_slice %arg11[%run_scoped3A_47, %dma_start3A_265] : memref<4x128xi32, #tpu.memory_space<vmem>> -> memref<1x128xi32, #tpu.memory_space<vmem>>
      %dma_start3A_267 = tpu.memref_squeeze %dma_start3A_266 : memref<1x128xi32, #tpu.memory_space<vmem>> -> memref<128xi32, #tpu.memory_space<vmem>>
      %dma_start3A_268 = tpu.memref_slice %arg4[%multiple_of3A_44] : memref<819200xi32, #tpu.memory_space<hbm>> -> memref<128xi32, #tpu.memory_space<hbm>>
      tpu.enqueue_dma source(%dma_start3A_268 : memref<128xi32, #tpu.memory_space<hbm>>) target(%dma_start3A_267 : memref<128xi32, #tpu.memory_space<vmem>>) target_semaphore(%run_scoped3A_260 : memref<!tpu.dma_semaphore, #tpu.memory_space<semaphore_mem>>)
      %dma_wait3A_269 = arith.constant 0 : i32
      %dma_wait3A_270 = tpu.memref_slice %arg11[%run_scoped3A_47, %dma_wait3A_269] : memref<4x128xi32, #tpu.memory_space<vmem>> -> memref<1x128xi32, #tpu.memory_space<vmem>>
      %dma_wait3A_271 = tpu.memref_squeeze %dma_wait3A_270 : memref<1x128xi32, #tpu.memory_space<vmem>> -> memref<128xi32, #tpu.memory_space<vmem>>
      %dma_wait3A_272 = tpu.memref_slice %arg4[%multiple_of3A_44] : memref<819200xi32, #tpu.memory_space<hbm>> -> memref<128xi32, #tpu.memory_space<hbm>>
      %dma_wait3A_273 = arith.constant 0 : i32
      %dma_wait3A_274 = tpu.memref_slice %arg11[%run_scoped3A_47, %dma_wait3A_273] : memref<4x128xi32, #tpu.memory_space<vmem>> -> memref<1x128xi32, #tpu.memory_space<vmem>>
      %dma_wait3A_275 = tpu.memref_squeeze %dma_wait3A_274 : memref<1x128xi32, #tpu.memory_space<vmem>> -> memref<128xi32, #tpu.memory_space<vmem>>
      %dma_wait3A_276 = tpu.memref_slice %arg4[%multiple_of3A_44] : memref<819200xi32, #tpu.memory_space<hbm>> -> memref<128xi32, #tpu.memory_space<hbm>>
      tpu.wait_dma2 semaphore(%run_scoped3A_260 : memref<!tpu.dma_semaphore, #tpu.memory_space<semaphore_mem>>) src(%dma_wait3A_276 : memref<128xi32, #tpu.memory_space<hbm>>) dst(%dma_wait3A_275 : memref<128xi32, #tpu.memory_space<vmem>>)
      tpu.yield
    }) : () -> ()
    %dma_start3A_48 = arith.constant 1 : i32
    %dma_start3A_49 = arith.constant 1 : i32
    %dma_start3A_50 = arith.constant 0 : i32
    %dma_start3A_51 = arith.constant 0 : i32
    %dma_start3A_52 = tpu.memref_slice %arg12[%dma_start3A_49, %dma_start3A_50, %dma_start3A_51] : memref<4x128x64xbf16, #tpu.memory_space<vmem>> -> memref<1x128x64xbf16, #tpu.memory_space<vmem>>
    %dma_start3A_53 = tpu.memref_squeeze %dma_start3A_52 : memref<1x128x64xbf16, #tpu.memory_space<vmem>> -> memref<128x64xbf16, #tpu.memory_space<vmem>>
    %dma_start3A_54 = arith.constant 0 : i32
    %dma_start3A_55 = tpu.memref_slice %arg9[%dma_start3A_48, %dma_start3A_54] : memref<4x128xi32, #tpu.memory_space<vmem>> -> memref<1x128xi32, #tpu.memory_space<vmem>>
    %dma_start3A_56 = tpu.memref_squeeze %dma_start3A_55 : memref<1x128xi32, #tpu.memory_space<vmem>> -> memref<128xi32, #tpu.memory_space<vmem>>
    %dma_start3A_57 = arith.constant 0 : i32
    %dma_start3A_58 = arith.constant 0 : i32
    %dma_start3A_59 = tpu.memref_slice %arg5[%dma_start3A_57, %dma_start3A_58] : memref<1000000x64xbf16, #tpu.memory_space<hbm>> -> memref<1000000x64xbf16, #tpu.memory_space<hbm>>
    tpu.enqueue_indirect_dma source(%dma_start3A_59 : memref<1000000x64xbf16, #tpu.memory_space<hbm>>) target(%dma_start3A_53 : memref<128x64xbf16, #tpu.memory_space<vmem>>) offsets(%dma_start3A_56 : memref<128xi32, #tpu.memory_space<vmem>>) semaphore(%arg18 : memref<!tpu.dma_semaphore, #tpu.memory_space<semaphore_mem>>)
    %dma_start3A_60 = arith.constant 1 : i32
    %dma_start3A_61 = arith.constant 1 : i32
    %dma_start3A_62 = arith.constant 0 : i32
    %dma_start3A_63 = arith.constant 0 : i32
    %dma_start3A_64 = tpu.memref_slice %arg13[%dma_start3A_61, %dma_start3A_62, %dma_start3A_63] : memref<4x128x64xbf16, #tpu.memory_space<vmem>> -> memref<1x128x64xbf16, #tpu.memory_space<vmem>>
    %dma_start3A_65 = tpu.memref_squeeze %dma_start3A_64 : memref<1x128x64xbf16, #tpu.memory_space<vmem>> -> memref<128x64xbf16, #tpu.memory_space<vmem>>
    %dma_start3A_66 = arith.constant 0 : i32
    %dma_start3A_67 = tpu.memref_slice %arg10[%dma_start3A_60, %dma_start3A_66] : memref<4x128xi32, #tpu.memory_space<vmem>> -> memref<1x128xi32, #tpu.memory_space<vmem>>
    %dma_start3A_68 = tpu.memref_squeeze %dma_start3A_67 : memref<1x128xi32, #tpu.memory_space<vmem>> -> memref<128xi32, #tpu.memory_space<vmem>>
    %dma_start3A_69 = arith.constant 0 : i32
    %dma_start3A_70 = arith.constant 0 : i32
    %dma_start3A_71 = tpu.memref_slice %arg6[%dma_start3A_69, %dma_start3A_70] : memref<1000000x64xbf16, #tpu.memory_space<hbm>> -> memref<1000000x64xbf16, #tpu.memory_space<hbm>>
    tpu.enqueue_indirect_dma source(%dma_start3A_71 : memref<1000000x64xbf16, #tpu.memory_space<hbm>>) target(%dma_start3A_65 : memref<128x64xbf16, #tpu.memory_space<vmem>>) offsets(%dma_start3A_68 : memref<128xi32, #tpu.memory_space<vmem>>) semaphore(%arg18 : memref<!tpu.dma_semaphore, #tpu.memory_space<semaphore_mem>>)
    %dma_start3A_72 = arith.constant 1 : i32
    %dma_start3A_73 = arith.constant 1 : i32
    %dma_start3A_74 = arith.constant 0 : i32
    %dma_start3A_75 = arith.constant 0 : i32
    %dma_start3A_76 = tpu.memref_slice %arg14[%dma_start3A_73, %dma_start3A_74, %dma_start3A_75] : memref<4x128x64xbf16, #tpu.memory_space<vmem>> -> memref<1x128x64xbf16, #tpu.memory_space<vmem>>
    %dma_start3A_77 = tpu.memref_squeeze %dma_start3A_76 : memref<1x128x64xbf16, #tpu.memory_space<vmem>> -> memref<128x64xbf16, #tpu.memory_space<vmem>>
    %dma_start3A_78 = arith.constant 0 : i32
    %dma_start3A_79 = tpu.memref_slice %arg11[%dma_start3A_72, %dma_start3A_78] : memref<4x128xi32, #tpu.memory_space<vmem>> -> memref<1x128xi32, #tpu.memory_space<vmem>>
    %dma_start3A_80 = tpu.memref_squeeze %dma_start3A_79 : memref<1x128xi32, #tpu.memory_space<vmem>> -> memref<128xi32, #tpu.memory_space<vmem>>
    %dma_start3A_81 = arith.constant 0 : i32
    %dma_start3A_82 = arith.constant 0 : i32
    %dma_start3A_83 = tpu.memref_slice %arg6[%dma_start3A_81, %dma_start3A_82] : memref<1000000x64xbf16, #tpu.memory_space<hbm>> -> memref<1000000x64xbf16, #tpu.memory_space<hbm>>
    tpu.enqueue_indirect_dma source(%dma_start3A_83 : memref<1000000x64xbf16, #tpu.memory_space<hbm>>) target(%dma_start3A_77 : memref<128x64xbf16, #tpu.memory_space<vmem>>) offsets(%dma_start3A_80 : memref<128xi32, #tpu.memory_space<vmem>>) semaphore(%arg18 : memref<!tpu.dma_semaphore, #tpu.memory_space<semaphore_mem>>)
    %add3A_84 = arith.constant 256 : i32
    %add3A_85 = arith.addi %mul3A_2, %add3A_84 : i32
    %multiple_of3A_86 = tpu.assume_multiple %add3A_85, 128 : i32
    %run_scoped3A_87 = arith.constant 2 : i32
    "tpu.region"() ({
      %run_scoped3A_260 = tpu.sem_alloc : memref<!tpu.dma_semaphore, #tpu.memory_space<semaphore_mem>>
      %dma_start3A_261 = arith.constant 0 : i32
      %dma_start3A_262 = tpu.memref_slice %arg9[%run_scoped3A_87, %dma_start3A_261] : memref<4x128xi32, #tpu.memory_space<vmem>> -> memref<1x128xi32, #tpu.memory_space<vmem>>
      %dma_start3A_263 = tpu.memref_squeeze %dma_start3A_262 : memref<1x128xi32, #tpu.memory_space<vmem>> -> memref<128xi32, #tpu.memory_space<vmem>>
      %dma_start3A_264 = tpu.memref_slice %arg2[%multiple_of3A_86] : memref<819200xi32, #tpu.memory_space<hbm>> -> memref<128xi32, #tpu.memory_space<hbm>>
      %dma_start3A_265 = arith.constant 0 : i32
      %dma_start3A_266 = tpu.memref_slice %arg9[%run_scoped3A_87, %dma_start3A_265] : memref<4x128xi32, #tpu.memory_space<vmem>> -> memref<1x128xi32, #tpu.memory_space<vmem>>
      %dma_start3A_267 = tpu.memref_squeeze %dma_start3A_266 : memref<1x128xi32, #tpu.memory_space<vmem>> -> memref<128xi32, #tpu.memory_space<vmem>>
      %dma_start3A_268 = tpu.memref_slice %arg2[%multiple_of3A_86] : memref<819200xi32, #tpu.memory_space<hbm>> -> memref<128xi32, #tpu.memory_space<hbm>>
      tpu.enqueue_dma source(%dma_start3A_268 : memref<128xi32, #tpu.memory_space<hbm>>) target(%dma_start3A_267 : memref<128xi32, #tpu.memory_space<vmem>>) target_semaphore(%run_scoped3A_260 : memref<!tpu.dma_semaphore, #tpu.memory_space<semaphore_mem>>)
      %dma_wait3A_269 = arith.constant 0 : i32
      %dma_wait3A_270 = tpu.memref_slice %arg9[%run_scoped3A_87, %dma_wait3A_269] : memref<4x128xi32, #tpu.memory_space<vmem>> -> memref<1x128xi32, #tpu.memory_space<vmem>>
      %dma_wait3A_271 = tpu.memref_squeeze %dma_wait3A_270 : memref<1x128xi32, #tpu.memory_space<vmem>> -> memref<128xi32, #tpu.memory_space<vmem>>
      %dma_wait3A_272 = tpu.memref_slice %arg2[%multiple_of3A_86] : memref<819200xi32, #tpu.memory_space<hbm>> -> memref<128xi32, #tpu.memory_space<hbm>>
      %dma_wait3A_273 = arith.constant 0 : i32
      %dma_wait3A_274 = tpu.memref_slice %arg9[%run_scoped3A_87, %dma_wait3A_273] : memref<4x128xi32, #tpu.memory_space<vmem>> -> memref<1x128xi32, #tpu.memory_space<vmem>>
      %dma_wait3A_275 = tpu.memref_squeeze %dma_wait3A_274 : memref<1x128xi32, #tpu.memory_space<vmem>> -> memref<128xi32, #tpu.memory_space<vmem>>
      %dma_wait3A_276 = tpu.memref_slice %arg2[%multiple_of3A_86] : memref<819200xi32, #tpu.memory_space<hbm>> -> memref<128xi32, #tpu.memory_space<hbm>>
      tpu.wait_dma2 semaphore(%run_scoped3A_260 : memref<!tpu.dma_semaphore, #tpu.memory_space<semaphore_mem>>) src(%dma_wait3A_276 : memref<128xi32, #tpu.memory_space<hbm>>) dst(%dma_wait3A_275 : memref<128xi32, #tpu.memory_space<vmem>>)
      tpu.yield
    }) : () -> ()
    %run_scoped3A_88 = arith.constant 2 : i32
    "tpu.region"() ({
      %run_scoped3A_260 = tpu.sem_alloc : memref<!tpu.dma_semaphore, #tpu.memory_space<semaphore_mem>>
      %dma_start3A_261 = arith.constant 0 : i32
      %dma_start3A_262 = tpu.memref_slice %arg10[%run_scoped3A_88, %dma_start3A_261] : memref<4x128xi32, #tpu.memory_space<vmem>> -> memref<1x128xi32, #tpu.memory_space<vmem>>
      %dma_start3A_263 = tpu.memref_squeeze %dma_start3A_262 : memref<1x128xi32, #tpu.memory_space<vmem>> -> memref<128xi32, #tpu.memory_space<vmem>>
      %dma_start3A_264 = tpu.memref_slice %arg3[%multiple_of3A_86] : memref<819200xi32, #tpu.memory_space<hbm>> -> memref<128xi32, #tpu.memory_space<hbm>>
      %dma_start3A_265 = arith.constant 0 : i32
      %dma_start3A_266 = tpu.memref_slice %arg10[%run_scoped3A_88, %dma_start3A_265] : memref<4x128xi32, #tpu.memory_space<vmem>> -> memref<1x128xi32, #tpu.memory_space<vmem>>
      %dma_start3A_267 = tpu.memref_squeeze %dma_start3A_266 : memref<1x128xi32, #tpu.memory_space<vmem>> -> memref<128xi32, #tpu.memory_space<vmem>>
      %dma_start3A_268 = tpu.memref_slice %arg3[%multiple_of3A_86] : memref<819200xi32, #tpu.memory_space<hbm>> -> memref<128xi32, #tpu.memory_space<hbm>>
      tpu.enqueue_dma source(%dma_start3A_268 : memref<128xi32, #tpu.memory_space<hbm>>) target(%dma_start3A_267 : memref<128xi32, #tpu.memory_space<vmem>>) target_semaphore(%run_scoped3A_260 : memref<!tpu.dma_semaphore, #tpu.memory_space<semaphore_mem>>)
      %dma_wait3A_269 = arith.constant 0 : i32
      %dma_wait3A_270 = tpu.memref_slice %arg10[%run_scoped3A_88, %dma_wait3A_269] : memref<4x128xi32, #tpu.memory_space<vmem>> -> memref<1x128xi32, #tpu.memory_space<vmem>>
      %dma_wait3A_271 = tpu.memref_squeeze %dma_wait3A_270 : memref<1x128xi32, #tpu.memory_space<vmem>> -> memref<128xi32, #tpu.memory_space<vmem>>
      %dma_wait3A_272 = tpu.memref_slice %arg3[%multiple_of3A_86] : memref<819200xi32, #tpu.memory_space<hbm>> -> memref<128xi32, #tpu.memory_space<hbm>>
      %dma_wait3A_273 = arith.constant 0 : i32
      %dma_wait3A_274 = tpu.memref_slice %arg10[%run_scoped3A_88, %dma_wait3A_273] : memref<4x128xi32, #tpu.memory_space<vmem>> -> memref<1x128xi32, #tpu.memory_space<vmem>>
      %dma_wait3A_275 = tpu.memref_squeeze %dma_wait3A_274 : memref<1x128xi32, #tpu.memory_space<vmem>> -> memref<128xi32, #tpu.memory_space<vmem>>
      %dma_wait3A_276 = tpu.memref_slice %arg3[%multiple_of3A_86] : memref<819200xi32, #tpu.memory_space<hbm>> -> memref<128xi32, #tpu.memory_space<hbm>>
      tpu.wait_dma2 semaphore(%run_scoped3A_260 : memref<!tpu.dma_semaphore, #tpu.memory_space<semaphore_mem>>) src(%dma_wait3A_276 : memref<128xi32, #tpu.memory_space<hbm>>) dst(%dma_wait3A_275 : memref<128xi32, #tpu.memory_space<vmem>>)
      tpu.yield
    }) : () -> ()
    %run_scoped3A_89 = arith.constant 2 : i32
    "tpu.region"() ({
      %run_scoped3A_260 = tpu.sem_alloc : memref<!tpu.dma_semaphore, #tpu.memory_space<semaphore_mem>>
      %dma_start3A_261 = arith.constant 0 : i32
      %dma_start3A_262 = tpu.memref_slice %arg11[%run_scoped3A_89, %dma_start3A_261] : memref<4x128xi32, #tpu.memory_space<vmem>> -> memref<1x128xi32, #tpu.memory_space<vmem>>
      %dma_start3A_263 = tpu.memref_squeeze %dma_start3A_262 : memref<1x128xi32, #tpu.memory_space<vmem>> -> memref<128xi32, #tpu.memory_space<vmem>>
      %dma_start3A_264 = tpu.memref_slice %arg4[%multiple_of3A_86] : memref<819200xi32, #tpu.memory_space<hbm>> -> memref<128xi32, #tpu.memory_space<hbm>>
      %dma_start3A_265 = arith.constant 0 : i32
      %dma_start3A_266 = tpu.memref_slice %arg11[%run_scoped3A_89, %dma_start3A_265] : memref<4x128xi32, #tpu.memory_space<vmem>> -> memref<1x128xi32, #tpu.memory_space<vmem>>
      %dma_start3A_267 = tpu.memref_squeeze %dma_start3A_266 : memref<1x128xi32, #tpu.memory_space<vmem>> -> memref<128xi32, #tpu.memory_space<vmem>>
      %dma_start3A_268 = tpu.memref_slice %arg4[%multiple_of3A_86] : memref<819200xi32, #tpu.memory_space<hbm>> -> memref<128xi32, #tpu.memory_space<hbm>>
      tpu.enqueue_dma source(%dma_start3A_268 : memref<128xi32, #tpu.memory_space<hbm>>) target(%dma_start3A_267 : memref<128xi32, #tpu.memory_space<vmem>>) target_semaphore(%run_scoped3A_260 : memref<!tpu.dma_semaphore, #tpu.memory_space<semaphore_mem>>)
      %dma_wait3A_269 = arith.constant 0 : i32
      %dma_wait3A_270 = tpu.memref_slice %arg11[%run_scoped3A_89, %dma_wait3A_269] : memref<4x128xi32, #tpu.memory_space<vmem>> -> memref<1x128xi32, #tpu.memory_space<vmem>>
      %dma_wait3A_271 = tpu.memref_squeeze %dma_wait3A_270 : memref<1x128xi32, #tpu.memory_space<vmem>> -> memref<128xi32, #tpu.memory_space<vmem>>
      %dma_wait3A_272 = tpu.memref_slice %arg4[%multiple_of3A_86] : memref<819200xi32, #tpu.memory_space<hbm>> -> memref<128xi32, #tpu.memory_space<hbm>>
      %dma_wait3A_273 = arith.constant 0 : i32
      %dma_wait3A_274 = tpu.memref_slice %arg11[%run_scoped3A_89, %dma_wait3A_273] : memref<4x128xi32, #tpu.memory_space<vmem>> -> memref<1x128xi32, #tpu.memory_space<vmem>>
      %dma_wait3A_275 = tpu.memref_squeeze %dma_wait3A_274 : memref<1x128xi32, #tpu.memory_space<vmem>> -> memref<128xi32, #tpu.memory_space<vmem>>
      %dma_wait3A_276 = tpu.memref_slice %arg4[%multiple_of3A_86] : memref<819200xi32, #tpu.memory_space<hbm>> -> memref<128xi32, #tpu.memory_space<hbm>>
      tpu.wait_dma2 semaphore(%run_scoped3A_260 : memref<!tpu.dma_semaphore, #tpu.memory_space<semaphore_mem>>) src(%dma_wait3A_276 : memref<128xi32, #tpu.memory_space<hbm>>) dst(%dma_wait3A_275 : memref<128xi32, #tpu.memory_space<vmem>>)
      tpu.yield
    }) : () -> ()
    %dma_start3A_90 = arith.constant 2 : i32
    %dma_start3A_91 = arith.constant 2 : i32
    %dma_start3A_92 = arith.constant 0 : i32
    %dma_start3A_93 = arith.constant 0 : i32
    %dma_start3A_94 = tpu.memref_slice %arg12[%dma_start3A_91, %dma_start3A_92, %dma_start3A_93] : memref<4x128x64xbf16, #tpu.memory_space<vmem>> -> memref<1x128x64xbf16, #tpu.memory_space<vmem>>
    %dma_start3A_95 = tpu.memref_squeeze %dma_start3A_94 : memref<1x128x64xbf16, #tpu.memory_space<vmem>> -> memref<128x64xbf16, #tpu.memory_space<vmem>>
    %dma_start3A_96 = arith.constant 0 : i32
    %dma_start3A_97 = tpu.memref_slice %arg9[%dma_start3A_90, %dma_start3A_96] : memref<4x128xi32, #tpu.memory_space<vmem>> -> memref<1x128xi32, #tpu.memory_space<vmem>>
    %dma_start3A_98 = tpu.memref_squeeze %dma_start3A_97 : memref<1x128xi32, #tpu.memory_space<vmem>> -> memref<128xi32, #tpu.memory_space<vmem>>
    %dma_start3A_99 = arith.constant 0 : i32
    %dma_start3A_100 = arith.constant 0 : i32
    %dma_start3A_101 = tpu.memref_slice %arg5[%dma_start3A_99, %dma_start3A_100] : memref<1000000x64xbf16, #tpu.memory_space<hbm>> -> memref<1000000x64xbf16, #tpu.memory_space<hbm>>
    tpu.enqueue_indirect_dma source(%dma_start3A_101 : memref<1000000x64xbf16, #tpu.memory_space<hbm>>) target(%dma_start3A_95 : memref<128x64xbf16, #tpu.memory_space<vmem>>) offsets(%dma_start3A_98 : memref<128xi32, #tpu.memory_space<vmem>>) semaphore(%arg19 : memref<!tpu.dma_semaphore, #tpu.memory_space<semaphore_mem>>)
    %dma_start3A_102 = arith.constant 2 : i32
    %dma_start3A_103 = arith.constant 2 : i32
    %dma_start3A_104 = arith.constant 0 : i32
    %dma_start3A_105 = arith.constant 0 : i32
    %dma_start3A_106 = tpu.memref_slice %arg13[%dma_start3A_103, %dma_start3A_104, %dma_start3A_105] : memref<4x128x64xbf16, #tpu.memory_space<vmem>> -> memref<1x128x64xbf16, #tpu.memory_space<vmem>>
    %dma_start3A_107 = tpu.memref_squeeze %dma_start3A_106 : memref<1x128x64xbf16, #tpu.memory_space<vmem>> -> memref<128x64xbf16, #tpu.memory_space<vmem>>
    %dma_start3A_108 = arith.constant 0 : i32
    %dma_start3A_109 = tpu.memref_slice %arg10[%dma_start3A_102, %dma_start3A_108] : memref<4x128xi32, #tpu.memory_space<vmem>> -> memref<1x128xi32, #tpu.memory_space<vmem>>
    %dma_start3A_110 = tpu.memref_squeeze %dma_start3A_109 : memref<1x128xi32, #tpu.memory_space<vmem>> -> memref<128xi32, #tpu.memory_space<vmem>>
    %dma_start3A_111 = arith.constant 0 : i32
    %dma_start3A_112 = arith.constant 0 : i32
    %dma_start3A_113 = tpu.memref_slice %arg6[%dma_start3A_111, %dma_start3A_112] : memref<1000000x64xbf16, #tpu.memory_space<hbm>> -> memref<1000000x64xbf16, #tpu.memory_space<hbm>>
    tpu.enqueue_indirect_dma source(%dma_start3A_113 : memref<1000000x64xbf16, #tpu.memory_space<hbm>>) target(%dma_start3A_107 : memref<128x64xbf16, #tpu.memory_space<vmem>>) offsets(%dma_start3A_110 : memref<128xi32, #tpu.memory_space<vmem>>) semaphore(%arg19 : memref<!tpu.dma_semaphore, #tpu.memory_space<semaphore_mem>>)
    %dma_start3A_114 = arith.constant 2 : i32
    %dma_start3A_115 = arith.constant 2 : i32
    %dma_start3A_116 = arith.constant 0 : i32
    %dma_start3A_117 = arith.constant 0 : i32
    %dma_start3A_118 = tpu.memref_slice %arg14[%dma_start3A_115, %dma_start3A_116, %dma_start3A_117] : memref<4x128x64xbf16, #tpu.memory_space<vmem>> -> memref<1x128x64xbf16, #tpu.memory_space<vmem>>
    %dma_start3A_119 = tpu.memref_squeeze %dma_start3A_118 : memref<1x128x64xbf16, #tpu.memory_space<vmem>> -> memref<128x64xbf16, #tpu.memory_space<vmem>>
    %dma_start3A_120 = arith.constant 0 : i32
    %dma_start3A_121 = tpu.memref_slice %arg11[%dma_start3A_114, %dma_start3A_120] : memref<4x128xi32, #tpu.memory_space<vmem>> -> memref<1x128xi32, #tpu.memory_space<vmem>>
    %dma_start3A_122 = tpu.memref_squeeze %dma_start3A_121 : memref<1x128xi32, #tpu.memory_space<vmem>> -> memref<128xi32, #tpu.memory_space<vmem>>
    %dma_start3A_123 = arith.constant 0 : i32
    %dma_start3A_124 = arith.constant 0 : i32
    %dma_start3A_125 = tpu.memref_slice %arg6[%dma_start3A_123, %dma_start3A_124] : memref<1000000x64xbf16, #tpu.memory_space<hbm>> -> memref<1000000x64xbf16, #tpu.memory_space<hbm>>
    tpu.enqueue_indirect_dma source(%dma_start3A_125 : memref<1000000x64xbf16, #tpu.memory_space<hbm>>) target(%dma_start3A_119 : memref<128x64xbf16, #tpu.memory_space<vmem>>) offsets(%dma_start3A_122 : memref<128xi32, #tpu.memory_space<vmem>>) semaphore(%arg19 : memref<!tpu.dma_semaphore, #tpu.memory_space<semaphore_mem>>)
    %add3A_126 = arith.constant 384 : i32
    %add3A_127 = arith.addi %mul3A_2, %add3A_126 : i32
    %multiple_of3A_128 = tpu.assume_multiple %add3A_127, 128 : i32
    %run_scoped3A_129 = arith.constant 3 : i32
    "tpu.region"() ({
      %run_scoped3A_260 = tpu.sem_alloc : memref<!tpu.dma_semaphore, #tpu.memory_space<semaphore_mem>>
      %dma_start3A_261 = arith.constant 0 : i32
      %dma_start3A_262 = tpu.memref_slice %arg9[%run_scoped3A_129, %dma_start3A_261] : memref<4x128xi32, #tpu.memory_space<vmem>> -> memref<1x128xi32, #tpu.memory_space<vmem>>
      %dma_start3A_263 = tpu.memref_squeeze %dma_start3A_262 : memref<1x128xi32, #tpu.memory_space<vmem>> -> memref<128xi32, #tpu.memory_space<vmem>>
      %dma_start3A_264 = tpu.memref_slice %arg2[%multiple_of3A_128] : memref<819200xi32, #tpu.memory_space<hbm>> -> memref<128xi32, #tpu.memory_space<hbm>>
      %dma_start3A_265 = arith.constant 0 : i32
      %dma_start3A_266 = tpu.memref_slice %arg9[%run_scoped3A_129, %dma_start3A_265] : memref<4x128xi32, #tpu.memory_space<vmem>> -> memref<1x128xi32, #tpu.memory_space<vmem>>
      %dma_start3A_267 = tpu.memref_squeeze %dma_start3A_266 : memref<1x128xi32, #tpu.memory_space<vmem>> -> memref<128xi32, #tpu.memory_space<vmem>>
      %dma_start3A_268 = tpu.memref_slice %arg2[%multiple_of3A_128] : memref<819200xi32, #tpu.memory_space<hbm>> -> memref<128xi32, #tpu.memory_space<hbm>>
      tpu.enqueue_dma source(%dma_start3A_268 : memref<128xi32, #tpu.memory_space<hbm>>) target(%dma_start3A_267 : memref<128xi32, #tpu.memory_space<vmem>>) target_semaphore(%run_scoped3A_260 : memref<!tpu.dma_semaphore, #tpu.memory_space<semaphore_mem>>)
      %dma_wait3A_269 = arith.constant 0 : i32
      %dma_wait3A_270 = tpu.memref_slice %arg9[%run_scoped3A_129, %dma_wait3A_269] : memref<4x128xi32, #tpu.memory_space<vmem>> -> memref<1x128xi32, #tpu.memory_space<vmem>>
      %dma_wait3A_271 = tpu.memref_squeeze %dma_wait3A_270 : memref<1x128xi32, #tpu.memory_space<vmem>> -> memref<128xi32, #tpu.memory_space<vmem>>
      %dma_wait3A_272 = tpu.memref_slice %arg2[%multiple_of3A_128] : memref<819200xi32, #tpu.memory_space<hbm>> -> memref<128xi32, #tpu.memory_space<hbm>>
      %dma_wait3A_273 = arith.constant 0 : i32
      %dma_wait3A_274 = tpu.memref_slice %arg9[%run_scoped3A_129, %dma_wait3A_273] : memref<4x128xi32, #tpu.memory_space<vmem>> -> memref<1x128xi32, #tpu.memory_space<vmem>>
      %dma_wait3A_275 = tpu.memref_squeeze %dma_wait3A_274 : memref<1x128xi32, #tpu.memory_space<vmem>> -> memref<128xi32, #tpu.memory_space<vmem>>
      %dma_wait3A_276 = tpu.memref_slice %arg2[%multiple_of3A_128] : memref<819200xi32, #tpu.memory_space<hbm>> -> memref<128xi32, #tpu.memory_space<hbm>>
      tpu.wait_dma2 semaphore(%run_scoped3A_260 : memref<!tpu.dma_semaphore, #tpu.memory_space<semaphore_mem>>) src(%dma_wait3A_276 : memref<128xi32, #tpu.memory_space<hbm>>) dst(%dma_wait3A_275 : memref<128xi32, #tpu.memory_space<vmem>>)
      tpu.yield
    }) : () -> ()
    %run_scoped3A_130 = arith.constant 3 : i32
    "tpu.region"() ({
      %run_scoped3A_260 = tpu.sem_alloc : memref<!tpu.dma_semaphore, #tpu.memory_space<semaphore_mem>>
      %dma_start3A_261 = arith.constant 0 : i32
      %dma_start3A_262 = tpu.memref_slice %arg10[%run_scoped3A_130, %dma_start3A_261] : memref<4x128xi32, #tpu.memory_space<vmem>> -> memref<1x128xi32, #tpu.memory_space<vmem>>
      %dma_start3A_263 = tpu.memref_squeeze %dma_start3A_262 : memref<1x128xi32, #tpu.memory_space<vmem>> -> memref<128xi32, #tpu.memory_space<vmem>>
      %dma_start3A_264 = tpu.memref_slice %arg3[%multiple_of3A_128] : memref<819200xi32, #tpu.memory_space<hbm>> -> memref<128xi32, #tpu.memory_space<hbm>>
      %dma_start3A_265 = arith.constant 0 : i32
      %dma_start3A_266 = tpu.memref_slice %arg10[%run_scoped3A_130, %dma_start3A_265] : memref<4x128xi32, #tpu.memory_space<vmem>> -> memref<1x128xi32, #tpu.memory_space<vmem>>
      %dma_start3A_267 = tpu.memref_squeeze %dma_start3A_266 : memref<1x128xi32, #tpu.memory_space<vmem>> -> memref<128xi32, #tpu.memory_space<vmem>>
      %dma_start3A_268 = tpu.memref_slice %arg3[%multiple_of3A_128] : memref<819200xi32, #tpu.memory_space<hbm>> -> memref<128xi32, #tpu.memory_space<hbm>>
      tpu.enqueue_dma source(%dma_start3A_268 : memref<128xi32, #tpu.memory_space<hbm>>) target(%dma_start3A_267 : memref<128xi32, #tpu.memory_space<vmem>>) target_semaphore(%run_scoped3A_260 : memref<!tpu.dma_semaphore, #tpu.memory_space<semaphore_mem>>)
      %dma_wait3A_269 = arith.constant 0 : i32
      %dma_wait3A_270 = tpu.memref_slice %arg10[%run_scoped3A_130, %dma_wait3A_269] : memref<4x128xi32, #tpu.memory_space<vmem>> -> memref<1x128xi32, #tpu.memory_space<vmem>>
      %dma_wait3A_271 = tpu.memref_squeeze %dma_wait3A_270 : memref<1x128xi32, #tpu.memory_space<vmem>> -> memref<128xi32, #tpu.memory_space<vmem>>
      %dma_wait3A_272 = tpu.memref_slice %arg3[%multiple_of3A_128] : memref<819200xi32, #tpu.memory_space<hbm>> -> memref<128xi32, #tpu.memory_space<hbm>>
      %dma_wait3A_273 = arith.constant 0 : i32
      %dma_wait3A_274 = tpu.memref_slice %arg10[%run_scoped3A_130, %dma_wait3A_273] : memref<4x128xi32, #tpu.memory_space<vmem>> -> memref<1x128xi32, #tpu.memory_space<vmem>>
      %dma_wait3A_275 = tpu.memref_squeeze %dma_wait3A_274 : memref<1x128xi32, #tpu.memory_space<vmem>> -> memref<128xi32, #tpu.memory_space<vmem>>
      %dma_wait3A_276 = tpu.memref_slice %arg3[%multiple_of3A_128] : memref<819200xi32, #tpu.memory_space<hbm>> -> memref<128xi32, #tpu.memory_space<hbm>>
      tpu.wait_dma2 semaphore(%run_scoped3A_260 : memref<!tpu.dma_semaphore, #tpu.memory_space<semaphore_mem>>) src(%dma_wait3A_276 : memref<128xi32, #tpu.memory_space<hbm>>) dst(%dma_wait3A_275 : memref<128xi32, #tpu.memory_space<vmem>>)
      tpu.yield
    }) : () -> ()
    %run_scoped3A_131 = arith.constant 3 : i32
    "tpu.region"() ({
      %run_scoped3A_260 = tpu.sem_alloc : memref<!tpu.dma_semaphore, #tpu.memory_space<semaphore_mem>>
      %dma_start3A_261 = arith.constant 0 : i32
      %dma_start3A_262 = tpu.memref_slice %arg11[%run_scoped3A_131, %dma_start3A_261] : memref<4x128xi32, #tpu.memory_space<vmem>> -> memref<1x128xi32, #tpu.memory_space<vmem>>
      %dma_start3A_263 = tpu.memref_squeeze %dma_start3A_262 : memref<1x128xi32, #tpu.memory_space<vmem>> -> memref<128xi32, #tpu.memory_space<vmem>>
      %dma_start3A_264 = tpu.memref_slice %arg4[%multiple_of3A_128] : memref<819200xi32, #tpu.memory_space<hbm>> -> memref<128xi32, #tpu.memory_space<hbm>>
      %dma_start3A_265 = arith.constant 0 : i32
      %dma_start3A_266 = tpu.memref_slice %arg11[%run_scoped3A_131, %dma_start3A_265] : memref<4x128xi32, #tpu.memory_space<vmem>> -> memref<1x128xi32, #tpu.memory_space<vmem>>
      %dma_start3A_267 = tpu.memref_squeeze %dma_start3A_266 : memref<1x128xi32, #tpu.memory_space<vmem>> -> memref<128xi32, #tpu.memory_space<vmem>>
      %dma_start3A_268 = tpu.memref_slice %arg4[%multiple_of3A_128] : memref<819200xi32, #tpu.memory_space<hbm>> -> memref<128xi32, #tpu.memory_space<hbm>>
      tpu.enqueue_dma source(%dma_start3A_268 : memref<128xi32, #tpu.memory_space<hbm>>) target(%dma_start3A_267 : memref<128xi32, #tpu.memory_space<vmem>>) target_semaphore(%run_scoped3A_260 : memref<!tpu.dma_semaphore, #tpu.memory_space<semaphore_mem>>)
      %dma_wait3A_269 = arith.constant 0 : i32
      %dma_wait3A_270 = tpu.memref_slice %arg11[%run_scoped3A_131, %dma_wait3A_269] : memref<4x128xi32, #tpu.memory_space<vmem>> -> memref<1x128xi32, #tpu.memory_space<vmem>>
      %dma_wait3A_271 = tpu.memref_squeeze %dma_wait3A_270 : memref<1x128xi32, #tpu.memory_space<vmem>> -> memref<128xi32, #tpu.memory_space<vmem>>
      %dma_wait3A_272 = tpu.memref_slice %arg4[%multiple_of3A_128] : memref<819200xi32, #tpu.memory_space<hbm>> -> memref<128xi32, #tpu.memory_space<hbm>>
      %dma_wait3A_273 = arith.constant 0 : i32
      %dma_wait3A_274 = tpu.memref_slice %arg11[%run_scoped3A_131, %dma_wait3A_273] : memref<4x128xi32, #tpu.memory_space<vmem>> -> memref<1x128xi32, #tpu.memory_space<vmem>>
      %dma_wait3A_275 = tpu.memref_squeeze %dma_wait3A_274 : memref<1x128xi32, #tpu.memory_space<vmem>> -> memref<128xi32, #tpu.memory_space<vmem>>
      %dma_wait3A_276 = tpu.memref_slice %arg4[%multiple_of3A_128] : memref<819200xi32, #tpu.memory_space<hbm>> -> memref<128xi32, #tpu.memory_space<hbm>>
      tpu.wait_dma2 semaphore(%run_scoped3A_260 : memref<!tpu.dma_semaphore, #tpu.memory_space<semaphore_mem>>) src(%dma_wait3A_276 : memref<128xi32, #tpu.memory_space<hbm>>) dst(%dma_wait3A_275 : memref<128xi32, #tpu.memory_space<vmem>>)
      tpu.yield
    }) : () -> ()
    %dma_start3A_132 = arith.constant 3 : i32
    %dma_start3A_133 = arith.constant 3 : i32
    %dma_start3A_134 = arith.constant 0 : i32
    %dma_start3A_135 = arith.constant 0 : i32
    %dma_start3A_136 = tpu.memref_slice %arg12[%dma_start3A_133, %dma_start3A_134, %dma_start3A_135] : memref<4x128x64xbf16, #tpu.memory_space<vmem>> -> memref<1x128x64xbf16, #tpu.memory_space<vmem>>
    %dma_start3A_137 = tpu.memref_squeeze %dma_start3A_136 : memref<1x128x64xbf16, #tpu.memory_space<vmem>> -> memref<128x64xbf16, #tpu.memory_space<vmem>>
    %dma_start3A_138 = arith.constant 0 : i32
    %dma_start3A_139 = tpu.memref_slice %arg9[%dma_start3A_132, %dma_start3A_138] : memref<4x128xi32, #tpu.memory_space<vmem>> -> memref<1x128xi32, #tpu.memory_space<vmem>>
    %dma_start3A_140 = tpu.memref_squeeze %dma_start3A_139 : memref<1x128xi32, #tpu.memory_space<vmem>> -> memref<128xi32, #tpu.memory_space<vmem>>
    %dma_start3A_141 = arith.constant 0 : i32
    %dma_start3A_142 = arith.constant 0 : i32
    %dma_start3A_143 = tpu.memref_slice %arg5[%dma_start3A_141, %dma_start3A_142] : memref<1000000x64xbf16, #tpu.memory_space<hbm>> -> memref<1000000x64xbf16, #tpu.memory_space<hbm>>
    tpu.enqueue_indirect_dma source(%dma_start3A_143 : memref<1000000x64xbf16, #tpu.memory_space<hbm>>) target(%dma_start3A_137 : memref<128x64xbf16, #tpu.memory_space<vmem>>) offsets(%dma_start3A_140 : memref<128xi32, #tpu.memory_space<vmem>>) semaphore(%arg20 : memref<!tpu.dma_semaphore, #tpu.memory_space<semaphore_mem>>)
    %dma_start3A_144 = arith.constant 3 : i32
    %dma_start3A_145 = arith.constant 3 : i32
    %dma_start3A_146 = arith.constant 0 : i32
    %dma_start3A_147 = arith.constant 0 : i32
    %dma_start3A_148 = tpu.memref_slice %arg13[%dma_start3A_145, %dma_start3A_146, %dma_start3A_147] : memref<4x128x64xbf16, #tpu.memory_space<vmem>> -> memref<1x128x64xbf16, #tpu.memory_space<vmem>>
    %dma_start3A_149 = tpu.memref_squeeze %dma_start3A_148 : memref<1x128x64xbf16, #tpu.memory_space<vmem>> -> memref<128x64xbf16, #tpu.memory_space<vmem>>
    %dma_start3A_150 = arith.constant 0 : i32
    %dma_start3A_151 = tpu.memref_slice %arg10[%dma_start3A_144, %dma_start3A_150] : memref<4x128xi32, #tpu.memory_space<vmem>> -> memref<1x128xi32, #tpu.memory_space<vmem>>
    %dma_start3A_152 = tpu.memref_squeeze %dma_start3A_151 : memref<1x128xi32, #tpu.memory_space<vmem>> -> memref<128xi32, #tpu.memory_space<vmem>>
    %dma_start3A_153 = arith.constant 0 : i32
    %dma_start3A_154 = arith.constant 0 : i32
    %dma_start3A_155 = tpu.memref_slice %arg6[%dma_start3A_153, %dma_start3A_154] : memref<1000000x64xbf16, #tpu.memory_space<hbm>> -> memref<1000000x64xbf16, #tpu.memory_space<hbm>>
    tpu.enqueue_indirect_dma source(%dma_start3A_155 : memref<1000000x64xbf16, #tpu.memory_space<hbm>>) target(%dma_start3A_149 : memref<128x64xbf16, #tpu.memory_space<vmem>>) offsets(%dma_start3A_152 : memref<128xi32, #tpu.memory_space<vmem>>) semaphore(%arg20 : memref<!tpu.dma_semaphore, #tpu.memory_space<semaphore_mem>>)
    %dma_start3A_156 = arith.constant 3 : i32
    %dma_start3A_157 = arith.constant 3 : i32
    %dma_start3A_158 = arith.constant 0 : i32
    %dma_start3A_159 = arith.constant 0 : i32
    %dma_start3A_160 = tpu.memref_slice %arg14[%dma_start3A_157, %dma_start3A_158, %dma_start3A_159] : memref<4x128x64xbf16, #tpu.memory_space<vmem>> -> memref<1x128x64xbf16, #tpu.memory_space<vmem>>
    %dma_start3A_161 = tpu.memref_squeeze %dma_start3A_160 : memref<1x128x64xbf16, #tpu.memory_space<vmem>> -> memref<128x64xbf16, #tpu.memory_space<vmem>>
    %dma_start3A_162 = arith.constant 0 : i32
    %dma_start3A_163 = tpu.memref_slice %arg11[%dma_start3A_156, %dma_start3A_162] : memref<4x128xi32, #tpu.memory_space<vmem>> -> memref<1x128xi32, #tpu.memory_space<vmem>>
    %dma_start3A_164 = tpu.memref_squeeze %dma_start3A_163 : memref<1x128xi32, #tpu.memory_space<vmem>> -> memref<128xi32, #tpu.memory_space<vmem>>
    %dma_start3A_165 = arith.constant 0 : i32
    %dma_start3A_166 = arith.constant 0 : i32
    %dma_start3A_167 = tpu.memref_slice %arg6[%dma_start3A_165, %dma_start3A_166] : memref<1000000x64xbf16, #tpu.memory_space<hbm>> -> memref<1000000x64xbf16, #tpu.memory_space<hbm>>
    tpu.enqueue_indirect_dma source(%dma_start3A_167 : memref<1000000x64xbf16, #tpu.memory_space<hbm>>) target(%dma_start3A_161 : memref<128x64xbf16, #tpu.memory_space<vmem>>) offsets(%dma_start3A_164 : memref<128xi32, #tpu.memory_space<vmem>>) semaphore(%arg20 : memref<!tpu.dma_semaphore, #tpu.memory_space<semaphore_mem>>)
    %scan3A = arith.constant 0 : i32
    %scan3A_168 = arith.constant 0 : i32
    %scan3A_169 = arith.constant 50 : i32
    %scan3A_170 = arith.addi %scan3A_168, %scan3A_169 : i32
    %scan3A_171 = arith.constant 1 : i32
    scf.for %scan3A_260 = %scan3A_168 to %scan3A_170 step %scan3A_171  : i32 {
      %mul3A_261 = arith.constant 4 : i32
      %mul3A_262 = arith.muli %scan3A_260, %mul3A_261 : i32
      %add3A_263 = arith.constant 0 : i32
      %add3A_264 = arith.addi %mul3A_262, %add3A_263 : i32
      %dma_wait3A_265 = arith.constant 0 : i32
      %dma_wait3A_266 = arith.constant 0 : i32
      %dma_wait3A_267 = arith.constant 0 : i32
      %dma_wait3A_268 = arith.constant 0 : i32
      %dma_wait3A_269 = tpu.memref_slice %arg12[%dma_wait3A_266, %dma_wait3A_267, %dma_wait3A_268] : memref<4x128x64xbf16, #tpu.memory_space<vmem>> -> memref<1x128x64xbf16, #tpu.memory_space<vmem>>
      %dma_wait3A_270 = tpu.memref_squeeze %dma_wait3A_269 : memref<1x128x64xbf16, #tpu.memory_space<vmem>> -> memref<128x64xbf16, #tpu.memory_space<vmem>>
      %dma_wait3A_271 = arith.constant 0 : i32
      %dma_wait3A_272 = tpu.memref_slice %arg9[%dma_wait3A_265, %dma_wait3A_271] : memref<4x128xi32, #tpu.memory_space<vmem>> -> memref<1x128xi32, #tpu.memory_space<vmem>>
      %dma_wait3A_273 = tpu.memref_squeeze %dma_wait3A_272 : memref<1x128xi32, #tpu.memory_space<vmem>> -> memref<128xi32, #tpu.memory_space<vmem>>
      %dma_wait3A_274 = arith.constant 0 : i32
      %dma_wait3A_275 = arith.constant 0 : i32
      %dma_wait3A_276 = tpu.memref_slice %arg5[%dma_wait3A_274, %dma_wait3A_275] : memref<1000000x64xbf16, #tpu.memory_space<hbm>> -> memref<1000000x64xbf16, #tpu.memory_space<hbm>>
      tpu.wait_indirect_dma semaphore(%arg17 : memref<!tpu.dma_semaphore, #tpu.memory_space<semaphore_mem>>) src(%dma_wait3A_276 : memref<1000000x64xbf16, #tpu.memory_space<hbm>>) dst(%dma_wait3A_270 : memref<128x64xbf16, #tpu.memory_space<vmem>>)
      %dma_wait3A_277 = arith.constant 0 : i32
      %dma_wait3A_278 = arith.constant 0 : i32
      %dma_wait3A_279 = arith.constant 0 : i32
      %dma_wait3A_280 = arith.constant 0 : i32
      %dma_wait3A_281 = tpu.memref_slice %arg13[%dma_wait3A_278, %dma_wait3A_279, %dma_wait3A_280] : memref<4x128x64xbf16, #tpu.memory_space<vmem>> -> memref<1x128x64xbf16, #tpu.memory_space<vmem>>
      %dma_wait3A_282 = tpu.memref_squeeze %dma_wait3A_281 : memref<1x128x64xbf16, #tpu.memory_space<vmem>> -> memref<128x64xbf16, #tpu.memory_space<vmem>>
      %dma_wait3A_283 = arith.constant 0 : i32
      %dma_wait3A_284 = tpu.memref_slice %arg10[%dma_wait3A_277, %dma_wait3A_283] : memref<4x128xi32, #tpu.memory_space<vmem>> -> memref<1x128xi32, #tpu.memory_space<vmem>>
      %dma_wait3A_285 = tpu.memref_squeeze %dma_wait3A_284 : memref<1x128xi32, #tpu.memory_space<vmem>> -> memref<128xi32, #tpu.memory_space<vmem>>
      %dma_wait3A_286 = arith.constant 0 : i32
      %dma_wait3A_287 = arith.constant 0 : i32
      %dma_wait3A_288 = tpu.memref_slice %arg6[%dma_wait3A_286, %dma_wait3A_287] : memref<1000000x64xbf16, #tpu.memory_space<hbm>> -> memref<1000000x64xbf16, #tpu.memory_space<hbm>>
      tpu.wait_indirect_dma semaphore(%arg17 : memref<!tpu.dma_semaphore, #tpu.memory_space<semaphore_mem>>) src(%dma_wait3A_288 : memref<1000000x64xbf16, #tpu.memory_space<hbm>>) dst(%dma_wait3A_282 : memref<128x64xbf16, #tpu.memory_space<vmem>>)
      %dma_wait3A_289 = arith.constant 0 : i32
      %dma_wait3A_290 = arith.constant 0 : i32
      %dma_wait3A_291 = arith.constant 0 : i32
      %dma_wait3A_292 = arith.constant 0 : i32
      %dma_wait3A_293 = tpu.memref_slice %arg14[%dma_wait3A_290, %dma_wait3A_291, %dma_wait3A_292] : memref<4x128x64xbf16, #tpu.memory_space<vmem>> -> memref<1x128x64xbf16, #tpu.memory_space<vmem>>
      %dma_wait3A_294 = tpu.memref_squeeze %dma_wait3A_293 : memref<1x128x64xbf16, #tpu.memory_space<vmem>> -> memref<128x64xbf16, #tpu.memory_space<vmem>>
      %dma_wait3A_295 = arith.constant 0 : i32
      %dma_wait3A_296 = tpu.memref_slice %arg11[%dma_wait3A_289, %dma_wait3A_295] : memref<4x128xi32, #tpu.memory_space<vmem>> -> memref<1x128xi32, #tpu.memory_space<vmem>>
      %dma_wait3A_297 = tpu.memref_squeeze %dma_wait3A_296 : memref<1x128xi32, #tpu.memory_space<vmem>> -> memref<128xi32, #tpu.memory_space<vmem>>
      %dma_wait3A_298 = arith.constant 0 : i32
      %dma_wait3A_299 = arith.constant 0 : i32
      %dma_wait3A_300 = tpu.memref_slice %arg6[%dma_wait3A_298, %dma_wait3A_299] : memref<1000000x64xbf16, #tpu.memory_space<hbm>> -> memref<1000000x64xbf16, #tpu.memory_space<hbm>>
      tpu.wait_indirect_dma semaphore(%arg17 : memref<!tpu.dma_semaphore, #tpu.memory_space<semaphore_mem>>) src(%dma_wait3A_300 : memref<1000000x64xbf16, #tpu.memory_space<hbm>>) dst(%dma_wait3A_294 : memref<128x64xbf16, #tpu.memory_space<vmem>>)
      %lt3A = arith.constant 196 : i32
      %lt3A_301 = arith.cmpi slt, %add3A_264, %lt3A : i32
      %convert_element_type3A = arith.extui %lt3A_301 : i1 to i32
      %cond3A = arith.constant 0 : i32
      %cond3A_302 = arith.cmpi ne, %convert_element_type3A, %cond3A : i32
      scf.if %cond3A_302 {
        %add3A_603 = arith.constant 4 : i32
        %add3A_604 = arith.addi %add3A_264, %add3A_603 : i32
        %mul3A_605 = arith.constant 128 : i32
        %mul3A_606 = arith.muli %add3A_604, %mul3A_605 : i32
        %add3A_607 = arith.addi %mul3A_2, %mul3A_606 : i32
        %multiple_of3A_608 = tpu.assume_multiple %add3A_607, 128 : i32
        %dma_start3A_609 = arith.constant 0 : i32
        %dma_start3A_610 = arith.constant 0 : i32
        %dma_start3A_611 = tpu.memref_slice %arg9[%dma_start3A_609, %dma_start3A_610] : memref<4x128xi32, #tpu.memory_space<vmem>> -> memref<1x128xi32, #tpu.memory_space<vmem>>
        %dma_start3A_612 = tpu.memref_squeeze %dma_start3A_611 : memref<1x128xi32, #tpu.memory_space<vmem>> -> memref<128xi32, #tpu.memory_space<vmem>>
        %dma_start3A_613 = tpu.memref_slice %arg2[%multiple_of3A_608] : memref<819200xi32, #tpu.memory_space<hbm>> -> memref<128xi32, #tpu.memory_space<hbm>>
        %dma_start3A_614 = arith.constant 0 : i32
        %dma_start3A_615 = tpu.memref_slice %arg9[%dma_start3A_609, %dma_start3A_614] : memref<4x128xi32, #tpu.memory_space<vmem>> -> memref<1x128xi32, #tpu.memory_space<vmem>>
        %dma_start3A_616 = tpu.memref_squeeze %dma_start3A_615 : memref<1x128xi32, #tpu.memory_space<vmem>> -> memref<128xi32, #tpu.memory_space<vmem>>
        %dma_start3A_617 = tpu.memref_slice %arg2[%multiple_of3A_608] : memref<819200xi32, #tpu.memory_space<hbm>> -> memref<128xi32, #tpu.memory_space<hbm>>
        tpu.enqueue_dma source(%dma_start3A_617 : memref<128xi32, #tpu.memory_space<hbm>>) target(%dma_start3A_616 : memref<128xi32, #tpu.memory_space<vmem>>) target_semaphore(%arg21 : memref<!tpu.dma_semaphore, #tpu.memory_space<semaphore_mem>>)
        %dma_start3A_618 = arith.constant 0 : i32
        %dma_start3A_619 = arith.constant 0 : i32
        %dma_start3A_620 = tpu.memref_slice %arg10[%dma_start3A_618, %dma_start3A_619] : memref<4x128xi32, #tpu.memory_space<vmem>> -> memref<1x128xi32, #tpu.memory_space<vmem>>
        %dma_start3A_621 = tpu.memref_squeeze %dma_start3A_620 : memref<1x128xi32, #tpu.memory_space<vmem>> -> memref<128xi32, #tpu.memory_space<vmem>>
        %dma_start3A_622 = tpu.memref_slice %arg3[%multiple_of3A_608] : memref<819200xi32, #tpu.memory_space<hbm>> -> memref<128xi32, #tpu.memory_space<hbm>>
        %dma_start3A_623 = arith.constant 0 : i32
        %dma_start3A_624 = tpu.memref_slice %arg10[%dma_start3A_618, %dma_start3A_623] : memref<4x128xi32, #tpu.memory_space<vmem>> -> memref<1x128xi32, #tpu.memory_space<vmem>>
        %dma_start3A_625 = tpu.memref_squeeze %dma_start3A_624 : memref<1x128xi32, #tpu.memory_space<vmem>> -> memref<128xi32, #tpu.memory_space<vmem>>
        %dma_start3A_626 = tpu.memref_slice %arg3[%multiple_of3A_608] : memref<819200xi32, #tpu.memory_space<hbm>> -> memref<128xi32, #tpu.memory_space<hbm>>
        tpu.enqueue_dma source(%dma_start3A_626 : memref<128xi32, #tpu.memory_space<hbm>>) target(%dma_start3A_625 : memref<128xi32, #tpu.memory_space<vmem>>) target_semaphore(%arg21 : memref<!tpu.dma_semaphore, #tpu.memory_space<semaphore_mem>>)
        %dma_start3A_627 = arith.constant 0 : i32
        %dma_start3A_628 = arith.constant 0 : i32
        %dma_start3A_629 = tpu.memref_slice %arg11[%dma_start3A_627, %dma_start3A_628] : memref<4x128xi32, #tpu.memory_space<vmem>> -> memref<1x128xi32, #tpu.memory_space<vmem>>
        %dma_start3A_630 = tpu.memref_squeeze %dma_start3A_629 : memref<1x128xi32, #tpu.memory_space<vmem>> -> memref<128xi32, #tpu.memory_space<vmem>>
        %dma_start3A_631 = tpu.memref_slice %arg4[%multiple_of3A_608] : memref<819200xi32, #tpu.memory_space<hbm>> -> memref<128xi32, #tpu.memory_space<hbm>>
        %dma_start3A_632 = arith.constant 0 : i32
        %dma_start3A_633 = tpu.memref_slice %arg11[%dma_start3A_627, %dma_start3A_632] : memref<4x128xi32, #tpu.memory_space<vmem>> -> memref<1x128xi32, #tpu.memory_space<vmem>>
        %dma_start3A_634 = tpu.memref_squeeze %dma_start3A_633 : memref<1x128xi32, #tpu.memory_space<vmem>> -> memref<128xi32, #tpu.memory_space<vmem>>
        %dma_start3A_635 = tpu.memref_slice %arg4[%multiple_of3A_608] : memref<819200xi32, #tpu.memory_space<hbm>> -> memref<128xi32, #tpu.memory_space<hbm>>
        tpu.enqueue_dma source(%dma_start3A_635 : memref<128xi32, #tpu.memory_space<hbm>>) target(%dma_start3A_634 : memref<128xi32, #tpu.memory_space<vmem>>) target_semaphore(%arg21 : memref<!tpu.dma_semaphore, #tpu.memory_space<semaphore_mem>>)
      } else {
      }
      %ge3A = arith.constant 4 : i32
      %ge3A_303 = arith.cmpi sge, %add3A_264, %ge3A : i32
      %convert_element_type3A_304 = arith.extui %ge3A_303 : i1 to i32
      %cond3A_305 = arith.constant 0 : i32
      %cond3A_306 = arith.cmpi ne, %convert_element_type3A_304, %cond3A_305 : i32
      scf.if %cond3A_306 {
        %dma_wait3A_603 = arith.constant 0 : i32
        %dma_wait3A_604 = arith.constant 0 : i32
        %dma_wait3A_605 = tpu.memref_slice %arg15[%dma_wait3A_603, %dma_wait3A_604] : memref<4x128xf32, #tpu.memory_space<vmem>> -> memref<1x128xf32, #tpu.memory_space<vmem>>
        %dma_wait3A_606 = tpu.memref_squeeze %dma_wait3A_605 : memref<1x128xf32, #tpu.memory_space<vmem>> -> memref<128xf32, #tpu.memory_space<vmem>>
        %dma_wait3A_607 = arith.constant 0 : i32
        %dma_wait3A_608 = tpu.memref_slice %arg7[%dma_wait3A_607] : memref<819200xf32, #tpu.memory_space<hbm>> -> memref<128xf32, #tpu.memory_space<hbm>>
        %dma_wait3A_609 = arith.constant 0 : i32
        %dma_wait3A_610 = tpu.memref_slice %arg7[%dma_wait3A_609] : memref<819200xf32, #tpu.memory_space<hbm>> -> memref<128xf32, #tpu.memory_space<hbm>>
        %dma_wait3A_611 = arith.constant 0 : i32
        %dma_wait3A_612 = tpu.memref_slice %arg15[%dma_wait3A_603, %dma_wait3A_611] : memref<4x128xf32, #tpu.memory_space<vmem>> -> memref<1x128xf32, #tpu.memory_space<vmem>>
        %dma_wait3A_613 = tpu.memref_squeeze %dma_wait3A_612 : memref<1x128xf32, #tpu.memory_space<vmem>> -> memref<128xf32, #tpu.memory_space<vmem>>
        tpu.wait_dma2 semaphore(%arg25 : memref<!tpu.dma_semaphore, #tpu.memory_space<semaphore_mem>>) src(%dma_wait3A_613 : memref<128xf32, #tpu.memory_space<vmem>>) dst(%dma_wait3A_610 : memref<128xf32, #tpu.memory_space<hbm>>)
        %dma_wait3A_614 = arith.constant 0 : i32
        %dma_wait3A_615 = arith.constant 0 : i32
        %dma_wait3A_616 = tpu.memref_slice %arg16[%dma_wait3A_614, %dma_wait3A_615] : memref<4x128xf32, #tpu.memory_space<vmem>> -> memref<1x128xf32, #tpu.memory_space<vmem>>
        %dma_wait3A_617 = tpu.memref_squeeze %dma_wait3A_616 : memref<1x128xf32, #tpu.memory_space<vmem>> -> memref<128xf32, #tpu.memory_space<vmem>>
        %dma_wait3A_618 = arith.constant 0 : i32
        %dma_wait3A_619 = tpu.memref_slice %arg8[%dma_wait3A_618] : memref<819200xf32, #tpu.memory_space<hbm>> -> memref<128xf32, #tpu.memory_space<hbm>>
        %dma_wait3A_620 = arith.constant 0 : i32
        %dma_wait3A_621 = tpu.memref_slice %arg8[%dma_wait3A_620] : memref<819200xf32, #tpu.memory_space<hbm>> -> memref<128xf32, #tpu.memory_space<hbm>>
        %dma_wait3A_622 = arith.constant 0 : i32
        %dma_wait3A_623 = tpu.memref_slice %arg16[%dma_wait3A_614, %dma_wait3A_622] : memref<4x128xf32, #tpu.memory_space<vmem>> -> memref<1x128xf32, #tpu.memory_space<vmem>>
        %dma_wait3A_624 = tpu.memref_squeeze %dma_wait3A_623 : memref<1x128xf32, #tpu.memory_space<vmem>> -> memref<128xf32, #tpu.memory_space<vmem>>
        tpu.wait_dma2 semaphore(%arg25 : memref<!tpu.dma_semaphore, #tpu.memory_space<semaphore_mem>>) src(%dma_wait3A_624 : memref<128xf32, #tpu.memory_space<vmem>>) dst(%dma_wait3A_621 : memref<128xf32, #tpu.memory_space<hbm>>)
      } else {
      }
      %iota3A = tpu.iota {dimensions = array<i32: 0>} : vector<16xi32>
      %eq3A = arith.constant 15 : i32
      %eq3A_307 = vector.broadcast %eq3A : i32 to vector<16xi32>
      %eq3A_308 = arith.cmpi eq, %iota3A, %eq3A_307 : vector<16xi32>
      %scan3A_309 = arith.constant 0 : i32
      %scan3A_310 = arith.constant 0 : i32
      %scan3A_311 = arith.constant 128 : i32
      %scan3A_312 = arith.addi %scan3A_310, %scan3A_311 : i32
      %scan3A_313 = arith.constant 4 : i32
      scf.for %scan3A_603 = %scan3A_310 to %scan3A_312 step %scan3A_313  : i32 {
        %get3A = arith.constant 0 : i32
        %get3A_604 = arith.index_cast %get3A : i32 to index
        %get3A_605 = arith.index_cast %scan3A_603 : i32 to index
        %get3A_606 = arith.constant 0 : index
        %get3A_607 = tpu.vector_load %arg12[%get3A_604, %get3A_605, %get3A_606] {strides = array<i32>} : memref<4x128x64xbf16, #tpu.memory_space<vmem>>, vector<32xbf16>,
        %unpack3A = tpu.unpack_subelements %get3A_607, 0 {pack_format = #tpu.pack_format<interleaved>} : vector<32xbf16> -> vector<16xf32>
        %unpack3A_608 = tpu.unpack_subelements %get3A_607, 1 {pack_format = #tpu.pack_format<interleaved>} : vector<32xbf16> -> vector<16xf32>
        %get3A_609 = arith.constant 0 : i32
        %get3A_610 = arith.index_cast %get3A_609 : i32 to index
        %get3A_611 = arith.index_cast %scan3A_603 : i32 to index
        %get3A_612 = arith.constant 0 : index
        %get3A_613 = tpu.vector_load %arg13[%get3A_610, %get3A_611, %get3A_612] {strides = array<i32>} : memref<4x128x64xbf16, #tpu.memory_space<vmem>>, vector<32xbf16>,
        %unpack3A_614 = tpu.unpack_subelements %get3A_613, 0 {pack_format = #tpu.pack_format<interleaved>} : vector<32xbf16> -> vector<16xf32>
        %unpack3A_615 = tpu.unpack_subelements %get3A_613, 1 {pack_format = #tpu.pack_format<interleaved>} : vector<32xbf16> -> vector<16xf32>
        %get3A_616 = arith.constant 0 : i32
        %get3A_617 = arith.index_cast %get3A_616 : i32 to index
        %get3A_618 = arith.index_cast %scan3A_603 : i32 to index
        %get3A_619 = arith.constant 0 : index
        %get3A_620 = tpu.vector_load %arg14[%get3A_617, %get3A_618, %get3A_619] {strides = array<i32>} : memref<4x128x64xbf16, #tpu.memory_space<vmem>>, vector<32xbf16>,
        %unpack3A_621 = tpu.unpack_subelements %get3A_620, 0 {pack_format = #tpu.pack_format<interleaved>} : vector<32xbf16> -> vector<16xf32>
        %unpack3A_622 = tpu.unpack_subelements %get3A_620, 1 {pack_format = #tpu.pack_format<interleaved>} : vector<32xbf16> -> vector<16xf32>
        %mul3A_623 = arith.mulf %unpack3A, %unpack3A_614 : vector<16xf32>
        %mul3A_624 = arith.mulf %unpack3A, %unpack3A_621 : vector<16xf32>
        %mul3A_625 = arith.mulf %unpack3A_608, %unpack3A_615 : vector<16xf32>
        %add3A_626 = arith.addf %mul3A_623, %mul3A_625 : vector<16xf32>
        %mul3A_627 = arith.mulf %unpack3A_608, %unpack3A_622 : vector<16xf32>
        %add3A_628 = arith.addf %mul3A_624, %mul3A_627 : vector<16xf32>
        %get3A_629 = arith.constant 0 : i32
        %get3A_630 = arith.index_cast %get3A_629 : i32 to index
        %get3A_631 = arith.index_cast %scan3A_603 : i32 to index
        %get3A_632 = arith.constant 32 : index
        %get3A_633 = tpu.vector_load %arg12[%get3A_630, %get3A_631, %get3A_632] {strides = array<i32>} : memref<4x128x64xbf16, #tpu.memory_space<vmem>>, vector<32xbf16>,
        %unpack3A_634 = tpu.unpack_subelements %get3A_633, 0 {pack_format = #tpu.pack_format<interleaved>} : vector<32xbf16> -> vector<16xf32>
        %unpack3A_635 = tpu.unpack_subelements %get3A_633, 1 {pack_format = #tpu.pack_format<interleaved>} : vector<32xbf16> -> vector<16xf32>
        %get3A_636 = arith.constant 0 : i32
        %get3A_637 = arith.index_cast %get3A_636 : i32 to index
        %get3A_638 = arith.index_cast %scan3A_603 : i32 to index
        %get3A_639 = arith.constant 32 : index
        %get3A_640 = tpu.vector_load %arg13[%get3A_637, %get3A_638, %get3A_639] {strides = array<i32>} : memref<4x128x64xbf16, #tpu.memory_space<vmem>>, vector<32xbf16>,
        %unpack3A_641 = tpu.unpack_subelements %get3A_640, 0 {pack_format = #tpu.pack_format<interleaved>} : vector<32xbf16> -> vector<16xf32>
        %unpack3A_642 = tpu.unpack_subelements %get3A_640, 1 {pack_format = #tpu.pack_format<interleaved>} : vector<32xbf16> -> vector<16xf32>
        %get3A_643 = arith.constant 0 : i32
        %get3A_644 = arith.index_cast %get3A_643 : i32 to index
        %get3A_645 = arith.index_cast %scan3A_603 : i32 to index
        %get3A_646 = arith.constant 32 : index
        %get3A_647 = tpu.vector_load %arg14[%get3A_644, %get3A_645, %get3A_646] {strides = array<i32>} : memref<4x128x64xbf16, #tpu.memory_space<vmem>>, vector<32xbf16>,
        %unpack3A_648 = tpu.unpack_subelements %get3A_647, 0 {pack_format = #tpu.pack_format<interleaved>} : vector<32xbf16> -> vector<16xf32>
        %unpack3A_649 = tpu.unpack_subelements %get3A_647, 1 {pack_format = #tpu.pack_format<interleaved>} : vector<32xbf16> -> vector<16xf32>
        %mul3A_650 = arith.mulf %unpack3A_634, %unpack3A_641 : vector<16xf32>
        %add3A_651 = arith.addf %add3A_626, %mul3A_650 : vector<16xf32>
        %mul3A_652 = arith.mulf %unpack3A_634, %unpack3A_648 : vector<16xf32>
        %add3A_653 = arith.addf %add3A_628, %mul3A_652 : vector<16xf32>
        %mul3A_654 = arith.mulf %unpack3A_635, %unpack3A_642 : vector<16xf32>
        %add3A_655 = arith.addf %add3A_651, %mul3A_654 : vector<16xf32>
        %mul3A_656 = arith.mulf %unpack3A_635, %unpack3A_649 : vector<16xf32>
        %add3A_657 = arith.addf %add3A_653, %mul3A_656 : vector<16xf32>
        %broadcast_in_dim3A = arith.constant 0 : i32
        %broadcast_in_dim3A_658 = vector.broadcast %broadcast_in_dim3A : i32 to vector<16xi32>
        %add3A_659 = vector.broadcast %scan3A_603 : i32 to vector<16xi32>
        %add3A_660 = arith.addi %broadcast_in_dim3A_658, %add3A_659 : vector<16xi32>
        %broadcast_in_dim3A_661 = arith.constant true
        %broadcast_in_dim3A_662 = vector.broadcast %broadcast_in_dim3A_661 : i1 to vector<16xi1>
        %masked_cumsum3A = tpu.scan <sum>, %add3A_655 masked %broadcast_in_dim3A_662 : vector<16xf32>, vector<16xi1> -> vector<16xf32>
        %scatter3A = arith.constant 0 : i32
        %scatter3A_663 = arith.constant 0 : i32
        %scatter3A_664 = tpu.memref_slice %arg15[%scatter3A, %scatter3A_663] : memref<4x128xf32, #tpu.memory_space<vmem>> -> memref<1x128xf32, #tpu.memory_space<vmem>>
        %scatter3A_665 = tpu.memref_squeeze %scatter3A_664 : memref<1x128xf32, #tpu.memory_space<vmem>> -> memref<128xf32, #tpu.memory_space<vmem>>
        tpu.vector_store_idx %scatter3A_665[%add3A_660], %masked_cumsum3A masked %eq3A_308 : memref<128xf32, #tpu.memory_space<vmem>>[vector<16xi32>], vector<16xf32>, vector<16xi1>
        %broadcast_in_dim3A_666 = arith.constant true
        %broadcast_in_dim3A_667 = vector.broadcast %broadcast_in_dim3A_666 : i1 to vector<16xi1>
        %masked_cumsum3A_668 = tpu.scan <sum>, %add3A_657 masked %broadcast_in_dim3A_667 : vector<16xf32>, vector<16xi1> -> vector<16xf32>
        %scatter3A_669 = arith.constant 0 : i32
        %scatter3A_670 = arith.constant 0 : i32
        %scatter3A_671 = tpu.memref_slice %arg16[%scatter3A_669, %scatter3A_670] : memref<4x128xf32, #tpu.memory_space<vmem>> -> memref<1x128xf32, #tpu.memory_space<vmem>>
        %scatter3A_672 = tpu.memref_squeeze %scatter3A_671 : memref<1x128xf32, #tpu.memory_space<vmem>> -> memref<128xf32, #tpu.memory_space<vmem>>
        tpu.vector_store_idx %scatter3A_672[%add3A_660], %masked_cumsum3A_668 masked %eq3A_308 : memref<128xf32, #tpu.memory_space<vmem>>[vector<16xi32>], vector<16xf32>, vector<16xi1>
        %scan3A_673 = arith.constant 1 : i32
        %scan3A_674 = arith.addi %scan3A_603, %scan3A_673 : i32
        %get3A_675 = arith.constant 0 : i32
        %get3A_676 = arith.index_cast %get3A_675 : i32 to index
        %get3A_677 = arith.index_cast %scan3A_674 : i32 to index
        %get3A_678 = arith.constant 0 : index
        %get3A_679 = tpu.vector_load %arg12[%get3A_676, %get3A_677, %get3A_678] {strides = array<i32>} : memref<4x128x64xbf16, #tpu.memory_space<vmem>>, vector<32xbf16>,
        %unpack3A_680 = tpu.unpack_subelements %get3A_679, 0 {pack_format = #tpu.pack_format<interleaved>} : vector<32xbf16> -> vector<16xf32>
        %unpack3A_681 = tpu.unpack_subelements %get3A_679, 1 {pack_format = #tpu.pack_format<interleaved>} : vector<32xbf16> -> vector<16xf32>
        %get3A_682 = arith.constant 0 : i32
        %get3A_683 = arith.index_cast %get3A_682 : i32 to index
        %get3A_684 = arith.index_cast %scan3A_674 : i32 to index
        %get3A_685 = arith.constant 0 : index
        %get3A_686 = tpu.vector_load %arg13[%get3A_683, %get3A_684, %get3A_685] {strides = array<i32>} : memref<4x128x64xbf16, #tpu.memory_space<vmem>>, vector<32xbf16>,
        %unpack3A_687 = tpu.unpack_subelements %get3A_686, 0 {pack_format = #tpu.pack_format<interleaved>} : vector<32xbf16> -> vector<16xf32>
        %unpack3A_688 = tpu.unpack_subelements %get3A_686, 1 {pack_format = #tpu.pack_format<interleaved>} : vector<32xbf16> -> vector<16xf32>
        %get3A_689 = arith.constant 0 : i32
        %get3A_690 = arith.index_cast %get3A_689 : i32 to index
        %get3A_691 = arith.index_cast %scan3A_674 : i32 to index
        %get3A_692 = arith.constant 0 : index
        %get3A_693 = tpu.vector_load %arg14[%get3A_690, %get3A_691, %get3A_692] {strides = array<i32>} : memref<4x128x64xbf16, #tpu.memory_space<vmem>>, vector<32xbf16>,
        %unpack3A_694 = tpu.unpack_subelements %get3A_693, 0 {pack_format = #tpu.pack_format<interleaved>} : vector<32xbf16> -> vector<16xf32>
        %unpack3A_695 = tpu.unpack_subelements %get3A_693, 1 {pack_format = #tpu.pack_format<interleaved>} : vector<32xbf16> -> vector<16xf32>
        %mul3A_696 = arith.mulf %unpack3A_680, %unpack3A_687 : vector<16xf32>
        %mul3A_697 = arith.mulf %unpack3A_680, %unpack3A_694 : vector<16xf32>
        %mul3A_698 = arith.mulf %unpack3A_681, %unpack3A_688 : vector<16xf32>
        %add3A_699 = arith.addf %mul3A_696, %mul3A_698 : vector<16xf32>
        %mul3A_700 = arith.mulf %unpack3A_681, %unpack3A_695 : vector<16xf32>
        %add3A_701 = arith.addf %mul3A_697, %mul3A_700 : vector<16xf32>
        %get3A_702 = arith.constant 0 : i32
        %get3A_703 = arith.index_cast %get3A_702 : i32 to index
        %get3A_704 = arith.index_cast %scan3A_674 : i32 to index
        %get3A_705 = arith.constant 32 : index
        %get3A_706 = tpu.vector_load %arg12[%get3A_703, %get3A_704, %get3A_705] {strides = array<i32>} : memref<4x128x64xbf16, #tpu.memory_space<vmem>>, vector<32xbf16>,
        %unpack3A_707 = tpu.unpack_subelements %get3A_706, 0 {pack_format = #tpu.pack_format<interleaved>} : vector<32xbf16> -> vector<16xf32>
        %unpack3A_708 = tpu.unpack_subelements %get3A_706, 1 {pack_format = #tpu.pack_format<interleaved>} : vector<32xbf16> -> vector<16xf32>
        %get3A_709 = arith.constant 0 : i32
        %get3A_710 = arith.index_cast %get3A_709 : i32 to index
        %get3A_711 = arith.index_cast %scan3A_674 : i32 to index
        %get3A_712 = arith.constant 32 : index
        %get3A_713 = tpu.vector_load %arg13[%get3A_710, %get3A_711, %get3A_712] {strides = array<i32>} : memref<4x128x64xbf16, #tpu.memory_space<vmem>>, vector<32xbf16>,
        %unpack3A_714 = tpu.unpack_subelements %get3A_713, 0 {pack_format = #tpu.pack_format<interleaved>} : vector<32xbf16> -> vector<16xf32>
        %unpack3A_715 = tpu.unpack_subelements %get3A_713, 1 {pack_format = #tpu.pack_format<interleaved>} : vector<32xbf16> -> vector<16xf32>
        %get3A_716 = arith.constant 0 : i32
        %get3A_717 = arith.index_cast %get3A_716 : i32 to index
        %get3A_718 = arith.index_cast %scan3A_674 : i32 to index
        %get3A_719 = arith.constant 32 : index
        %get3A_720 = tpu.vector_load %arg14[%get3A_717, %get3A_718, %get3A_719] {strides = array<i32>} : memref<4x128x64xbf16, #tpu.memory_space<vmem>>, vector<32xbf16>,
        %unpack3A_721 = tpu.unpack_subelements %get3A_720, 0 {pack_format = #tpu.pack_format<interleaved>} : vector<32xbf16> -> vector<16xf32>
        %unpack3A_722 = tpu.unpack_subelements %get3A_720, 1 {pack_format = #tpu.pack_format<interleaved>} : vector<32xbf16> -> vector<16xf32>
        %mul3A_723 = arith.mulf %unpack3A_707, %unpack3A_714 : vector<16xf32>
        %add3A_724 = arith.addf %add3A_699, %mul3A_723 : vector<16xf32>
        %mul3A_725 = arith.mulf %unpack3A_707, %unpack3A_721 : vector<16xf32>
        %add3A_726 = arith.addf %add3A_701, %mul3A_725 : vector<16xf32>
        %mul3A_727 = arith.mulf %unpack3A_708, %unpack3A_715 : vector<16xf32>
        %add3A_728 = arith.addf %add3A_724, %mul3A_727 : vector<16xf32>
        %mul3A_729 = arith.mulf %unpack3A_708, %unpack3A_722 : vector<16xf32>
        %add3A_730 = arith.addf %add3A_726, %mul3A_729 : vector<16xf32>
        %broadcast_in_dim3A_731 = arith.constant 0 : i32
        %broadcast_in_dim3A_732 = vector.broadcast %broadcast_in_dim3A_731 : i32 to vector<16xi32>
        %add3A_733 = vector.broadcast %scan3A_674 : i32 to vector<16xi32>
        %add3A_734 = arith.addi %broadcast_in_dim3A_732, %add3A_733 : vector<16xi32>
        %broadcast_in_dim3A_735 = arith.constant true
        %broadcast_in_dim3A_736 = vector.broadcast %broadcast_in_dim3A_735 : i1 to vector<16xi1>
        %masked_cumsum3A_737 = tpu.scan <sum>, %add3A_728 masked %broadcast_in_dim3A_736 : vector<16xf32>, vector<16xi1> -> vector<16xf32>
        %scatter3A_738 = arith.constant 0 : i32
        %scatter3A_739 = arith.constant 0 : i32
        %scatter3A_740 = tpu.memref_slice %arg15[%scatter3A_738, %scatter3A_739] : memref<4x128xf32, #tpu.memory_space<vmem>> -> memref<1x128xf32, #tpu.memory_space<vmem>>
        %scatter3A_741 = tpu.memref_squeeze %scatter3A_740 : memref<1x128xf32, #tpu.memory_space<vmem>> -> memref<128xf32, #tpu.memory_space<vmem>>
        tpu.vector_store_idx %scatter3A_741[%add3A_734], %masked_cumsum3A_737 masked %eq3A_308 : memref<128xf32, #tpu.memory_space<vmem>>[vector<16xi32>], vector<16xf32>, vector<16xi1>
        %broadcast_in_dim3A_742 = arith.constant true
        %broadcast_in_dim3A_743 = vector.broadcast %broadcast_in_dim3A_742 : i1 to vector<16xi1>
        %masked_cumsum3A_744 = tpu.scan <sum>, %add3A_730 masked %broadcast_in_dim3A_743 : vector<16xf32>, vector<16xi1> -> vector<16xf32>
        %scatter3A_745 = arith.constant 0 : i32
        %scatter3A_746 = arith.constant 0 : i32
        %scatter3A_747 = tpu.memref_slice %arg16[%scatter3A_745, %scatter3A_746] : memref<4x128xf32, #tpu.memory_space<vmem>> -> memref<1x128xf32, #tpu.memory_space<vmem>>
        %scatter3A_748 = tpu.memref_squeeze %scatter3A_747 : memref<1x128xf32, #tpu.memory_space<vmem>> -> memref<128xf32, #tpu.memory_space<vmem>>
        tpu.vector_store_idx %scatter3A_748[%add3A_734], %masked_cumsum3A_744 masked %eq3A_308 : memref<128xf32, #tpu.memory_space<vmem>>[vector<16xi32>], vector<16xf32>, vector<16xi1>
        %scan3A_749 = arith.constant 2 : i32
        %scan3A_750 = arith.addi %scan3A_603, %scan3A_749 : i32
        %get3A_751 = arith.constant 0 : i32
        %get3A_752 = arith.index_cast %get3A_751 : i32 to index
        %get3A_753 = arith.index_cast %scan3A_750 : i32 to index
        %get3A_754 = arith.constant 0 : index
        %get3A_755 = tpu.vector_load %arg12[%get3A_752, %get3A_753, %get3A_754] {strides = array<i32>} : memref<4x128x64xbf16, #tpu.memory_space<vmem>>, vector<32xbf16>,
        %unpack3A_756 = tpu.unpack_subelements %get3A_755, 0 {pack_format = #tpu.pack_format<interleaved>} : vector<32xbf16> -> vector<16xf32>
        %unpack3A_757 = tpu.unpack_subelements %get3A_755, 1 {pack_format = #tpu.pack_format<interleaved>} : vector<32xbf16> -> vector<16xf32>
        %get3A_758 = arith.constant 0 : i32
        %get3A_759 = arith.index_cast %get3A_758 : i32 to index
        %get3A_760 = arith.index_cast %scan3A_750 : i32 to index
        %get3A_761 = arith.constant 0 : index
        %get3A_762 = tpu.vector_load %arg13[%get3A_759, %get3A_760, %get3A_761] {strides = array<i32>} : memref<4x128x64xbf16, #tpu.memory_space<vmem>>, vector<32xbf16>,
        %unpack3A_763 = tpu.unpack_subelements %get3A_762, 0 {pack_format = #tpu.pack_format<interleaved>} : vector<32xbf16> -> vector<16xf32>
        %unpack3A_764 = tpu.unpack_subelements %get3A_762, 1 {pack_format = #tpu.pack_format<interleaved>} : vector<32xbf16> -> vector<16xf32>
        %get3A_765 = arith.constant 0 : i32
        %get3A_766 = arith.index_cast %get3A_765 : i32 to index
        %get3A_767 = arith.index_cast %scan3A_750 : i32 to index
        %get3A_768 = arith.constant 0 : index
        %get3A_769 = tpu.vector_load %arg14[%get3A_766, %get3A_767, %get3A_768] {strides = array<i32>} : memref<4x128x64xbf16, #tpu.memory_space<vmem>>, vector<32xbf16>,
        %unpack3A_770 = tpu.unpack_subelements %get3A_769, 0 {pack_format = #tpu.pack_format<interleaved>} : vector<32xbf16> -> vector<16xf32>
        %unpack3A_771 = tpu.unpack_subelements %get3A_769, 1 {pack_format = #tpu.pack_format<interleaved>} : vector<32xbf16> -> vector<16xf32>
        %mul3A_772 = arith.mulf %unpack3A_756, %unpack3A_763 : vector<16xf32>
        %mul3A_773 = arith.mulf %unpack3A_756, %unpack3A_770 : vector<16xf32>
        %mul3A_774 = arith.mulf %unpack3A_757, %unpack3A_764 : vector<16xf32>
        %add3A_775 = arith.addf %mul3A_772, %mul3A_774 : vector<16xf32>
        %mul3A_776 = arith.mulf %unpack3A_757, %unpack3A_771 : vector<16xf32>
        %add3A_777 = arith.addf %mul3A_773, %mul3A_776 : vector<16xf32>
        %get3A_778 = arith.constant 0 : i32
        %get3A_779 = arith.index_cast %get3A_778 : i32 to index
        %get3A_780 = arith.index_cast %scan3A_750 : i32 to index
        %get3A_781 = arith.constant 32 : index
        %get3A_782 = tpu.vector_load %arg12[%get3A_779, %get3A_780, %get3A_781] {strides = array<i32>} : memref<4x128x64xbf16, #tpu.memory_space<vmem>>, vector<32xbf16>,
        %unpack3A_783 = tpu.unpack_subelements %get3A_782, 0 {pack_format = #tpu.pack_format<interleaved>} : vector<32xbf16> -> vector<16xf32>
        %unpack3A_784 = tpu.unpack_subelements %get3A_782, 1 {pack_format = #tpu.pack_format<interleaved>} : vector<32xbf16> -> vector<16xf32>
        %get3A_785 = arith.constant 0 : i32
        %get3A_786 = arith.index_cast %get3A_785 : i32 to index
        %get3A_787 = arith.index_cast %scan3A_750 : i32 to index
        %get3A_788 = arith.constant 32 : index
        %get3A_789 = tpu.vector_load %arg13[%get3A_786, %get3A_787, %get3A_788] {strides = array<i32>} : memref<4x128x64xbf16, #tpu.memory_space<vmem>>, vector<32xbf16>,
        %unpack3A_790 = tpu.unpack_subelements %get3A_789, 0 {pack_format = #tpu.pack_format<interleaved>} : vector<32xbf16> -> vector<16xf32>
        %unpack3A_791 = tpu.unpack_subelements %get3A_789, 1 {pack_format = #tpu.pack_format<interleaved>} : vector<32xbf16> -> vector<16xf32>
        %get3A_792 = arith.constant 0 : i32
        %get3A_793 = arith.index_cast %get3A_792 : i32 to index
        %get3A_794 = arith.index_cast %scan3A_750 : i32 to index
        %get3A_795 = arith.constant 32 : index
        %get3A_796 = tpu.vector_load %arg14[%get3A_793, %get3A_794, %get3A_795] {strides = array<i32>} : memref<4x128x64xbf16, #tpu.memory_space<vmem>>, vector<32xbf16>,
        %unpack3A_797 = tpu.unpack_subelements %get3A_796, 0 {pack_format = #tpu.pack_format<interleaved>} : vector<32xbf16> -> vector<16xf32>
        %unpack3A_798 = tpu.unpack_subelements %get3A_796, 1 {pack_format = #tpu.pack_format<interleaved>} : vector<32xbf16> -> vector<16xf32>
        %mul3A_799 = arith.mulf %unpack3A_783, %unpack3A_790 : vector<16xf32>
        %add3A_800 = arith.addf %add3A_775, %mul3A_799 : vector<16xf32>
        %mul3A_801 = arith.mulf %unpack3A_783, %unpack3A_797 : vector<16xf32>
        %add3A_802 = arith.addf %add3A_777, %mul3A_801 : vector<16xf32>
        %mul3A_803 = arith.mulf %unpack3A_784, %unpack3A_791 : vector<16xf32>
        %add3A_804 = arith.addf %add3A_800, %mul3A_803 : vector<16xf32>
        %mul3A_805 = arith.mulf %unpack3A_784, %unpack3A_798 : vector<16xf32>
        %add3A_806 = arith.addf %add3A_802, %mul3A_805 : vector<16xf32>
        %broadcast_in_dim3A_807 = arith.constant 0 : i32
        %broadcast_in_dim3A_808 = vector.broadcast %broadcast_in_dim3A_807 : i32 to vector<16xi32>
        %add3A_809 = vector.broadcast %scan3A_750 : i32 to vector<16xi32>
        %add3A_810 = arith.addi %broadcast_in_dim3A_808, %add3A_809 : vector<16xi32>
        %broadcast_in_dim3A_811 = arith.constant true
        %broadcast_in_dim3A_812 = vector.broadcast %broadcast_in_dim3A_811 : i1 to vector<16xi1>
        %masked_cumsum3A_813 = tpu.scan <sum>, %add3A_804 masked %broadcast_in_dim3A_812 : vector<16xf32>, vector<16xi1> -> vector<16xf32>
        %scatter3A_814 = arith.constant 0 : i32
        %scatter3A_815 = arith.constant 0 : i32
        %scatter3A_816 = tpu.memref_slice %arg15[%scatter3A_814, %scatter3A_815] : memref<4x128xf32, #tpu.memory_space<vmem>> -> memref<1x128xf32, #tpu.memory_space<vmem>>
        %scatter3A_817 = tpu.memref_squeeze %scatter3A_816 : memref<1x128xf32, #tpu.memory_space<vmem>> -> memref<128xf32, #tpu.memory_space<vmem>>
        tpu.vector_store_idx %scatter3A_817[%add3A_810], %masked_cumsum3A_813 masked %eq3A_308 : memref<128xf32, #tpu.memory_space<vmem>>[vector<16xi32>], vector<16xf32>, vector<16xi1>
        %broadcast_in_dim3A_818 = arith.constant true
        %broadcast_in_dim3A_819 = vector.broadcast %broadcast_in_dim3A_818 : i1 to vector<16xi1>
        %masked_cumsum3A_820 = tpu.scan <sum>, %add3A_806 masked %broadcast_in_dim3A_819 : vector<16xf32>, vector<16xi1> -> vector<16xf32>
        %scatter3A_821 = arith.constant 0 : i32
        %scatter3A_822 = arith.constant 0 : i32
        %scatter3A_823 = tpu.memref_slice %arg16[%scatter3A_821, %scatter3A_822] : memref<4x128xf32, #tpu.memory_space<vmem>> -> memref<1x128xf32, #tpu.memory_space<vmem>>
        %scatter3A_824 = tpu.memref_squeeze %scatter3A_823 : memref<1x128xf32, #tpu.memory_space<vmem>> -> memref<128xf32, #tpu.memory_space<vmem>>
        tpu.vector_store_idx %scatter3A_824[%add3A_810], %masked_cumsum3A_820 masked %eq3A_308 : memref<128xf32, #tpu.memory_space<vmem>>[vector<16xi32>], vector<16xf32>, vector<16xi1>
        %scan3A_825 = arith.constant 3 : i32
        %scan3A_826 = arith.addi %scan3A_603, %scan3A_825 : i32
        %get3A_827 = arith.constant 0 : i32
        %get3A_828 = arith.index_cast %get3A_827 : i32 to index
        %get3A_829 = arith.index_cast %scan3A_826 : i32 to index
        %get3A_830 = arith.constant 0 : index
        %get3A_831 = tpu.vector_load %arg12[%get3A_828, %get3A_829, %get3A_830] {strides = array<i32>} : memref<4x128x64xbf16, #tpu.memory_space<vmem>>, vector<32xbf16>,
        %unpack3A_832 = tpu.unpack_subelements %get3A_831, 0 {pack_format = #tpu.pack_format<interleaved>} : vector<32xbf16> -> vector<16xf32>
        %unpack3A_833 = tpu.unpack_subelements %get3A_831, 1 {pack_format = #tpu.pack_format<interleaved>} : vector<32xbf16> -> vector<16xf32>
        %get3A_834 = arith.constant 0 : i32
        %get3A_835 = arith.index_cast %get3A_834 : i32 to index
        %get3A_836 = arith.index_cast %scan3A_826 : i32 to index
        %get3A_837 = arith.constant 0 : index
        %get3A_838 = tpu.vector_load %arg13[%get3A_835, %get3A_836, %get3A_837] {strides = array<i32>} : memref<4x128x64xbf16, #tpu.memory_space<vmem>>, vector<32xbf16>,
        %unpack3A_839 = tpu.unpack_subelements %get3A_838, 0 {pack_format = #tpu.pack_format<interleaved>} : vector<32xbf16> -> vector<16xf32>
        %unpack3A_840 = tpu.unpack_subelements %get3A_838, 1 {pack_format = #tpu.pack_format<interleaved>} : vector<32xbf16> -> vector<16xf32>
        %get3A_841 = arith.constant 0 : i32
        %get3A_842 = arith.index_cast %get3A_841 : i32 to index
        %get3A_843 = arith.index_cast %scan3A_826 : i32 to index
        %get3A_844 = arith.constant 0 : index
        %get3A_845 = tpu.vector_load %arg14[%get3A_842, %get3A_843, %get3A_844] {strides = array<i32>} : memref<4x128x64xbf16, #tpu.memory_space<vmem>>, vector<32xbf16>,
        %unpack3A_846 = tpu.unpack_subelements %get3A_845, 0 {pack_format = #tpu.pack_format<interleaved>} : vector<32xbf16> -> vector<16xf32>
        %unpack3A_847 = tpu.unpack_subelements %get3A_845, 1 {pack_format = #tpu.pack_format<interleaved>} : vector<32xbf16> -> vector<16xf32>
        %mul3A_848 = arith.mulf %unpack3A_832, %unpack3A_839 : vector<16xf32>
        %mul3A_849 = arith.mulf %unpack3A_832, %unpack3A_846 : vector<16xf32>
        %mul3A_850 = arith.mulf %unpack3A_833, %unpack3A_840 : vector<16xf32>
        %add3A_851 = arith.addf %mul3A_848, %mul3A_850 : vector<16xf32>
        %mul3A_852 = arith.mulf %unpack3A_833, %unpack3A_847 : vector<16xf32>
        %add3A_853 = arith.addf %mul3A_849, %mul3A_852 : vector<16xf32>
        %get3A_854 = arith.constant 0 : i32
        %get3A_855 = arith.index_cast %get3A_854 : i32 to index
        %get3A_856 = arith.index_cast %scan3A_826 : i32 to index
        %get3A_857 = arith.constant 32 : index
        %get3A_858 = tpu.vector_load %arg12[%get3A_855, %get3A_856, %get3A_857] {strides = array<i32>} : memref<4x128x64xbf16, #tpu.memory_space<vmem>>, vector<32xbf16>,
        %unpack3A_859 = tpu.unpack_subelements %get3A_858, 0 {pack_format = #tpu.pack_format<interleaved>} : vector<32xbf16> -> vector<16xf32>
        %unpack3A_860 = tpu.unpack_subelements %get3A_858, 1 {pack_format = #tpu.pack_format<interleaved>} : vector<32xbf16> -> vector<16xf32>
        %get3A_861 = arith.constant 0 : i32
        %get3A_862 = arith.index_cast %get3A_861 : i32 to index
        %get3A_863 = arith.index_cast %scan3A_826 : i32 to index
        %get3A_864 = arith.constant 32 : index
        %get3A_865 = tpu.vector_load %arg13[%get3A_862, %get3A_863, %get3A_864] {strides = array<i32>} : memref<4x128x64xbf16, #tpu.memory_space<vmem>>, vector<32xbf16>,
        %unpack3A_866 = tpu.unpack_subelements %get3A_865, 0 {pack_format = #tpu.pack_format<interleaved>} : vector<32xbf16> -> vector<16xf32>
        %unpack3A_867 = tpu.unpack_subelements %get3A_865, 1 {pack_format = #tpu.pack_format<interleaved>} : vector<32xbf16> -> vector<16xf32>
        %get3A_868 = arith.constant 0 : i32
        %get3A_869 = arith.index_cast %get3A_868 : i32 to index
        %get3A_870 = arith.index_cast %scan3A_826 : i32 to index
        %get3A_871 = arith.constant 32 : index
        %get3A_872 = tpu.vector_load %arg14[%get3A_869, %get3A_870, %get3A_871] {strides = array<i32>} : memref<4x128x64xbf16, #tpu.memory_space<vmem>>, vector<32xbf16>,
        %unpack3A_873 = tpu.unpack_subelements %get3A_872, 0 {pack_format = #tpu.pack_format<interleaved>} : vector<32xbf16> -> vector<16xf32>
        %unpack3A_874 = tpu.unpack_subelements %get3A_872, 1 {pack_format = #tpu.pack_format<interleaved>} : vector<32xbf16> -> vector<16xf32>
        %mul3A_875 = arith.mulf %unpack3A_859, %unpack3A_866 : vector<16xf32>
        %add3A_876 = arith.addf %add3A_851, %mul3A_875 : vector<16xf32>
        %mul3A_877 = arith.mulf %unpack3A_859, %unpack3A_873 : vector<16xf32>
        %add3A_878 = arith.addf %add3A_853, %mul3A_877 : vector<16xf32>
        %mul3A_879 = arith.mulf %unpack3A_860, %unpack3A_867 : vector<16xf32>
        %add3A_880 = arith.addf %add3A_876, %mul3A_879 : vector<16xf32>
        %mul3A_881 = arith.mulf %unpack3A_860, %unpack3A_874 : vector<16xf32>
        %add3A_882 = arith.addf %add3A_878, %mul3A_881 : vector<16xf32>
        %broadcast_in_dim3A_883 = arith.constant 0 : i32
        %broadcast_in_dim3A_884 = vector.broadcast %broadcast_in_dim3A_883 : i32 to vector<16xi32>
        %add3A_885 = vector.broadcast %scan3A_826 : i32 to vector<16xi32>
        %add3A_886 = arith.addi %broadcast_in_dim3A_884, %add3A_885 : vector<16xi32>
        %broadcast_in_dim3A_887 = arith.constant true
        %broadcast_in_dim3A_888 = vector.broadcast %broadcast_in_dim3A_887 : i1 to vector<16xi1>
        %masked_cumsum3A_889 = tpu.scan <sum>, %add3A_880 masked %broadcast_in_dim3A_888 : vector<16xf32>, vector<16xi1> -> vector<16xf32>
        %scatter3A_890 = arith.constant 0 : i32
        %scatter3A_891 = arith.constant 0 : i32
        %scatter3A_892 = tpu.memref_slice %arg15[%scatter3A_890, %scatter3A_891] : memref<4x128xf32, #tpu.memory_space<vmem>> -> memref<1x128xf32, #tpu.memory_space<vmem>>
        %scatter3A_893 = tpu.memref_squeeze %scatter3A_892 : memref<1x128xf32, #tpu.memory_space<vmem>> -> memref<128xf32, #tpu.memory_space<vmem>>
        tpu.vector_store_idx %scatter3A_893[%add3A_886], %masked_cumsum3A_889 masked %eq3A_308 : memref<128xf32, #tpu.memory_space<vmem>>[vector<16xi32>], vector<16xf32>, vector<16xi1>
        %broadcast_in_dim3A_894 = arith.constant true
        %broadcast_in_dim3A_895 = vector.broadcast %broadcast_in_dim3A_894 : i1 to vector<16xi1>
        %masked_cumsum3A_896 = tpu.scan <sum>, %add3A_882 masked %broadcast_in_dim3A_895 : vector<16xf32>, vector<16xi1> -> vector<16xf32>
        %scatter3A_897 = arith.constant 0 : i32
        %scatter3A_898 = arith.constant 0 : i32
        %scatter3A_899 = tpu.memref_slice %arg16[%scatter3A_897, %scatter3A_898] : memref<4x128xf32, #tpu.memory_space<vmem>> -> memref<1x128xf32, #tpu.memory_space<vmem>>
        %scatter3A_900 = tpu.memref_squeeze %scatter3A_899 : memref<1x128xf32, #tpu.memory_space<vmem>> -> memref<128xf32, #tpu.memory_space<vmem>>
        tpu.vector_store_idx %scatter3A_900[%add3A_886], %masked_cumsum3A_896 masked %eq3A_308 : memref<128xf32, #tpu.memory_space<vmem>>[vector<16xi32>], vector<16xf32>, vector<16xi1>
      }
      %scan3A_314 = arith.constant 128 : i32
      %mul3A_315 = arith.constant 128 : i32
      %mul3A_316 = arith.muli %add3A_264, %mul3A_315 : i32
      %add3A_317 = arith.addi %mul3A_2, %mul3A_316 : i32
      %multiple_of3A_318 = tpu.assume_multiple %add3A_317, 128 : i32
      %dma_start3A_319 = arith.constant 0 : i32
      %dma_start3A_320 = arith.constant 0 : i32
      %dma_start3A_321 = tpu.memref_slice %arg15[%dma_start3A_319, %dma_start3A_320] : memref<4x128xf32, #tpu.memory_space<vmem>> -> memref<1x128xf32, #tpu.memory_space<vmem>>
      %dma_start3A_322 = tpu.memref_squeeze %dma_start3A_321 : memref<1x128xf32, #tpu.memory_space<vmem>> -> memref<128xf32, #tpu.memory_space<vmem>>
      %dma_start3A_323 = tpu.memref_slice %arg7[%multiple_of3A_318] : memref<819200xf32, #tpu.memory_space<hbm>> -> memref<128xf32, #tpu.memory_space<hbm>>
      %dma_start3A_324 = tpu.memref_slice %arg7[%multiple_of3A_318] : memref<819200xf32, #tpu.memory_space<hbm>> -> memref<128xf32, #tpu.memory_space<hbm>>
      %dma_start3A_325 = arith.constant 0 : i32
      %dma_start3A_326 = tpu.memref_slice %arg15[%dma_start3A_319, %dma_start3A_325] : memref<4x128xf32, #tpu.memory_space<vmem>> -> memref<1x128xf32, #tpu.memory_space<vmem>>
      %dma_start3A_327 = tpu.memref_squeeze %dma_start3A_326 : memref<1x128xf32, #tpu.memory_space<vmem>> -> memref<128xf32, #tpu.memory_space<vmem>>
      tpu.enqueue_dma source(%dma_start3A_327 : memref<128xf32, #tpu.memory_space<vmem>>) target(%dma_start3A_324 : memref<128xf32, #tpu.memory_space<hbm>>) target_semaphore(%arg25 : memref<!tpu.dma_semaphore, #tpu.memory_space<semaphore_mem>>)
      %dma_start3A_328 = arith.constant 0 : i32
      %dma_start3A_329 = arith.constant 0 : i32
      %dma_start3A_330 = tpu.memref_slice %arg16[%dma_start3A_328, %dma_start3A_329] : memref<4x128xf32, #tpu.memory_space<vmem>> -> memref<1x128xf32, #tpu.memory_space<vmem>>
      %dma_start3A_331 = tpu.memref_squeeze %dma_start3A_330 : memref<1x128xf32, #tpu.memory_space<vmem>> -> memref<128xf32, #tpu.memory_space<vmem>>
      %dma_start3A_332 = tpu.memref_slice %arg8[%multiple_of3A_318] : memref<819200xf32, #tpu.memory_space<hbm>> -> memref<128xf32, #tpu.memory_space<hbm>>
      %dma_start3A_333 = tpu.memref_slice %arg8[%multiple_of3A_318] : memref<819200xf32, #tpu.memory_space<hbm>> -> memref<128xf32, #tpu.memory_space<hbm>>
      %dma_start3A_334 = arith.constant 0 : i32
      %dma_start3A_335 = tpu.memref_slice %arg16[%dma_start3A_328, %dma_start3A_334] : memref<4x128xf32, #tpu.memory_space<vmem>> -> memref<1x128xf32, #tpu.memory_space<vmem>>
      %dma_start3A_336 = tpu.memref_squeeze %dma_start3A_335 : memref<1x128xf32, #tpu.memory_space<vmem>> -> memref<128xf32, #tpu.memory_space<vmem>>
      tpu.enqueue_dma source(%dma_start3A_336 : memref<128xf32, #tpu.memory_space<vmem>>) target(%dma_start3A_333 : memref<128xf32, #tpu.memory_space<hbm>>) target_semaphore(%arg25 : memref<!tpu.dma_semaphore, #tpu.memory_space<semaphore_mem>>)
      %lt3A_337 = arith.constant 196 : i32
      %lt3A_338 = arith.cmpi slt, %add3A_264, %lt3A_337 : i32
      %convert_element_type3A_339 = arith.extui %lt3A_338 : i1 to i32
      %cond3A_340 = arith.constant 0 : i32
      %cond3A_341 = arith.cmpi ne, %convert_element_type3A_339, %cond3A_340 : i32
      scf.if %cond3A_341 {
        %dma_wait3A_603 = arith.constant 0 : i32
        %dma_wait3A_604 = arith.constant 0 : i32
        %dma_wait3A_605 = tpu.memref_slice %arg9[%dma_wait3A_603, %dma_wait3A_604] : memref<4x128xi32, #tpu.memory_space<vmem>> -> memref<1x128xi32, #tpu.memory_space<vmem>>
        %dma_wait3A_606 = tpu.memref_squeeze %dma_wait3A_605 : memref<1x128xi32, #tpu.memory_space<vmem>> -> memref<128xi32, #tpu.memory_space<vmem>>
        %dma_wait3A_607 = arith.constant 0 : i32
        %dma_wait3A_608 = tpu.memref_slice %arg2[%dma_wait3A_607] : memref<819200xi32, #tpu.memory_space<hbm>> -> memref<128xi32, #tpu.memory_space<hbm>>
        %dma_wait3A_609 = arith.constant 0 : i32
        %dma_wait3A_610 = tpu.memref_slice %arg9[%dma_wait3A_603, %dma_wait3A_609] : memref<4x128xi32, #tpu.memory_space<vmem>> -> memref<1x128xi32, #tpu.memory_space<vmem>>
        %dma_wait3A_611 = tpu.memref_squeeze %dma_wait3A_610 : memref<1x128xi32, #tpu.memory_space<vmem>> -> memref<128xi32, #tpu.memory_space<vmem>>
        %dma_wait3A_612 = arith.constant 0 : i32
        %dma_wait3A_613 = tpu.memref_slice %arg2[%dma_wait3A_612] : memref<819200xi32, #tpu.memory_space<hbm>> -> memref<128xi32, #tpu.memory_space<hbm>>
        tpu.wait_dma2 semaphore(%arg21 : memref<!tpu.dma_semaphore, #tpu.memory_space<semaphore_mem>>) src(%dma_wait3A_613 : memref<128xi32, #tpu.memory_space<hbm>>) dst(%dma_wait3A_611 : memref<128xi32, #tpu.memory_space<vmem>>)
        %dma_wait3A_614 = arith.constant 0 : i32
        %dma_wait3A_615 = arith.constant 0 : i32
        %dma_wait3A_616 = tpu.memref_slice %arg10[%dma_wait3A_614, %dma_wait3A_615] : memref<4x128xi32, #tpu.memory_space<vmem>> -> memref<1x128xi32, #tpu.memory_space<vmem>>
        %dma_wait3A_617 = tpu.memref_squeeze %dma_wait3A_616 : memref<1x128xi32, #tpu.memory_space<vmem>> -> memref<128xi32, #tpu.memory_space<vmem>>
        %dma_wait3A_618 = arith.constant 0 : i32
        %dma_wait3A_619 = tpu.memref_slice %arg3[%dma_wait3A_618] : memref<819200xi32, #tpu.memory_space<hbm>> -> memref<128xi32, #tpu.memory_space<hbm>>
        %dma_wait3A_620 = arith.constant 0 : i32
        %dma_wait3A_621 = tpu.memref_slice %arg10[%dma_wait3A_614, %dma_wait3A_620] : memref<4x128xi32, #tpu.memory_space<vmem>> -> memref<1x128xi32, #tpu.memory_space<vmem>>
        %dma_wait3A_622 = tpu.memref_squeeze %dma_wait3A_621 : memref<1x128xi32, #tpu.memory_space<vmem>> -> memref<128xi32, #tpu.memory_space<vmem>>
        %dma_wait3A_623 = arith.constant 0 : i32
        %dma_wait3A_624 = tpu.memref_slice %arg3[%dma_wait3A_623] : memref<819200xi32, #tpu.memory_space<hbm>> -> memref<128xi32, #tpu.memory_space<hbm>>
        tpu.wait_dma2 semaphore(%arg21 : memref<!tpu.dma_semaphore, #tpu.memory_space<semaphore_mem>>) src(%dma_wait3A_624 : memref<128xi32, #tpu.memory_space<hbm>>) dst(%dma_wait3A_622 : memref<128xi32, #tpu.memory_space<vmem>>)
        %dma_wait3A_625 = arith.constant 0 : i32
        %dma_wait3A_626 = arith.constant 0 : i32
        %dma_wait3A_627 = tpu.memref_slice %arg11[%dma_wait3A_625, %dma_wait3A_626] : memref<4x128xi32, #tpu.memory_space<vmem>> -> memref<1x128xi32, #tpu.memory_space<vmem>>
        %dma_wait3A_628 = tpu.memref_squeeze %dma_wait3A_627 : memref<1x128xi32, #tpu.memory_space<vmem>> -> memref<128xi32, #tpu.memory_space<vmem>>
        %dma_wait3A_629 = arith.constant 0 : i32
        %dma_wait3A_630 = tpu.memref_slice %arg4[%dma_wait3A_629] : memref<819200xi32, #tpu.memory_space<hbm>> -> memref<128xi32, #tpu.memory_space<hbm>>
        %dma_wait3A_631 = arith.constant 0 : i32
        %dma_wait3A_632 = tpu.memref_slice %arg11[%dma_wait3A_625, %dma_wait3A_631] : memref<4x128xi32, #tpu.memory_space<vmem>> -> memref<1x128xi32, #tpu.memory_space<vmem>>
        %dma_wait3A_633 = tpu.memref_squeeze %dma_wait3A_632 : memref<1x128xi32, #tpu.memory_space<vmem>> -> memref<128xi32, #tpu.memory_space<vmem>>
        %dma_wait3A_634 = arith.constant 0 : i32
        %dma_wait3A_635 = tpu.memref_slice %arg4[%dma_wait3A_634] : memref<819200xi32, #tpu.memory_space<hbm>> -> memref<128xi32, #tpu.memory_space<hbm>>
        tpu.wait_dma2 semaphore(%arg21 : memref<!tpu.dma_semaphore, #tpu.memory_space<semaphore_mem>>) src(%dma_wait3A_635 : memref<128xi32, #tpu.memory_space<hbm>>) dst(%dma_wait3A_633 : memref<128xi32, #tpu.memory_space<vmem>>)
        %dma_start3A_636 = arith.constant 0 : i32
        %dma_start3A_637 = arith.constant 0 : i32
        %dma_start3A_638 = arith.constant 0 : i32
        %dma_start3A_639 = arith.constant 0 : i32
        %dma_start3A_640 = tpu.memref_slice %arg12[%dma_start3A_637, %dma_start3A_638, %dma_start3A_639] : memref<4x128x64xbf16, #tpu.memory_space<vmem>> -> memref<1x128x64xbf16, #tpu.memory_space<vmem>>
        %dma_start3A_641 = tpu.memref_squeeze %dma_start3A_640 : memref<1x128x64xbf16, #tpu.memory_space<vmem>> -> memref<128x64xbf16, #tpu.memory_space<vmem>>
        %dma_start3A_642 = arith.constant 0 : i32
        %dma_start3A_643 = tpu.memref_slice %arg9[%dma_start3A_636, %dma_start3A_642] : memref<4x128xi32, #tpu.memory_space<vmem>> -> memref<1x128xi32, #tpu.memory_space<vmem>>
        %dma_start3A_644 = tpu.memref_squeeze %dma_start3A_643 : memref<1x128xi32, #tpu.memory_space<vmem>> -> memref<128xi32, #tpu.memory_space<vmem>>
        %dma_start3A_645 = arith.constant 0 : i32
        %dma_start3A_646 = arith.constant 0 : i32
        %dma_start3A_647 = tpu.memref_slice %arg5[%dma_start3A_645, %dma_start3A_646] : memref<1000000x64xbf16, #tpu.memory_space<hbm>> -> memref<1000000x64xbf16, #tpu.memory_space<hbm>>
        tpu.enqueue_indirect_dma source(%dma_start3A_647 : memref<1000000x64xbf16, #tpu.memory_space<hbm>>) target(%dma_start3A_641 : memref<128x64xbf16, #tpu.memory_space<vmem>>) offsets(%dma_start3A_644 : memref<128xi32, #tpu.memory_space<vmem>>) semaphore(%arg17 : memref<!tpu.dma_semaphore, #tpu.memory_space<semaphore_mem>>)
        %dma_start3A_648 = arith.constant 0 : i32
        %dma_start3A_649 = arith.constant 0 : i32
        %dma_start3A_650 = arith.constant 0 : i32
        %dma_start3A_651 = arith.constant 0 : i32
        %dma_start3A_652 = tpu.memref_slice %arg13[%dma_start3A_649, %dma_start3A_650, %dma_start3A_651] : memref<4x128x64xbf16, #tpu.memory_space<vmem>> -> memref<1x128x64xbf16, #tpu.memory_space<vmem>>
        %dma_start3A_653 = tpu.memref_squeeze %dma_start3A_652 : memref<1x128x64xbf16, #tpu.memory_space<vmem>> -> memref<128x64xbf16, #tpu.memory_space<vmem>>
        %dma_start3A_654 = arith.constant 0 : i32
        %dma_start3A_655 = tpu.memref_slice %arg10[%dma_start3A_648, %dma_start3A_654] : memref<4x128xi32, #tpu.memory_space<vmem>> -> memref<1x128xi32, #tpu.memory_space<vmem>>
        %dma_start3A_656 = tpu.memref_squeeze %dma_start3A_655 : memref<1x128xi32, #tpu.memory_space<vmem>> -> memref<128xi32, #tpu.memory_space<vmem>>
        %dma_start3A_657 = arith.constant 0 : i32
        %dma_start3A_658 = arith.constant 0 : i32
        %dma_start3A_659 = tpu.memref_slice %arg6[%dma_start3A_657, %dma_start3A_658] : memref<1000000x64xbf16, #tpu.memory_space<hbm>> -> memref<1000000x64xbf16, #tpu.memory_space<hbm>>
        tpu.enqueue_indirect_dma source(%dma_start3A_659 : memref<1000000x64xbf16, #tpu.memory_space<hbm>>) target(%dma_start3A_653 : memref<128x64xbf16, #tpu.memory_space<vmem>>) offsets(%dma_start3A_656 : memref<128xi32, #tpu.memory_space<vmem>>) semaphore(%arg17 : memref<!tpu.dma_semaphore, #tpu.memory_space<semaphore_mem>>)
        %dma_start3A_660 = arith.constant 0 : i32
        %dma_start3A_661 = arith.constant 0 : i32
        %dma_start3A_662 = arith.constant 0 : i32
        %dma_start3A_663 = arith.constant 0 : i32
        %dma_start3A_664 = tpu.memref_slice %arg14[%dma_start3A_661, %dma_start3A_662, %dma_start3A_663] : memref<4x128x64xbf16, #tpu.memory_space<vmem>> -> memref<1x128x64xbf16, #tpu.memory_space<vmem>>
        %dma_start3A_665 = tpu.memref_squeeze %dma_start3A_664 : memref<1x128x64xbf16, #tpu.memory_space<vmem>> -> memref<128x64xbf16, #tpu.memory_space<vmem>>
        %dma_start3A_666 = arith.constant 0 : i32
        %dma_start3A_667 = tpu.memref_slice %arg11[%dma_start3A_660, %dma_start3A_666] : memref<4x128xi32, #tpu.memory_space<vmem>> -> memref<1x128xi32, #tpu.memory_space<vmem>>
        %dma_start3A_668 = tpu.memref_squeeze %dma_start3A_667 : memref<1x128xi32, #tpu.memory_space<vmem>> -> memref<128xi32, #tpu.memory_space<vmem>>
        %dma_start3A_669 = arith.constant 0 : i32
        %dma_start3A_670 = arith.constant 0 : i32
        %dma_start3A_671 = tpu.memref_slice %arg6[%dma_start3A_669, %dma_start3A_670] : memref<1000000x64xbf16, #tpu.memory_space<hbm>> -> memref<1000000x64xbf16, #tpu.memory_space<hbm>>
        tpu.enqueue_indirect_dma source(%dma_start3A_671 : memref<1000000x64xbf16, #tpu.memory_space<hbm>>) target(%dma_start3A_665 : memref<128x64xbf16, #tpu.memory_space<vmem>>) offsets(%dma_start3A_668 : memref<128xi32, #tpu.memory_space<vmem>>) semaphore(%arg17 : memref<!tpu.dma_semaphore, #tpu.memory_space<semaphore_mem>>)
      } else {
      }
      %mul3A_342 = arith.constant 4 : i32
      %mul3A_343 = arith.muli %scan3A_260, %mul3A_342 : i32
      %add3A_344 = arith.constant 1 : i32
      %add3A_345 = arith.addi %mul3A_343, %add3A_344 : i32
      %dma_wait3A_346 = arith.constant 1 : i32
      %dma_wait3A_347 = arith.constant 1 : i32
      %dma_wait3A_348 = arith.constant 0 : i32
      %dma_wait3A_349 = arith.constant 0 : i32
      %dma_wait3A_350 = tpu.memref_slice %arg12[%dma_wait3A_347, %dma_wait3A_348, %dma_wait3A_349] : memref<4x128x64xbf16, #tpu.memory_space<vmem>> -> memref<1x128x64xbf16, #tpu.memory_space<vmem>>
      %dma_wait3A_351 = tpu.memref_squeeze %dma_wait3A_350 : memref<1x128x64xbf16, #tpu.memory_space<vmem>> -> memref<128x64xbf16, #tpu.memory_space<vmem>>
      %dma_wait3A_352 = arith.constant 0 : i32
      %dma_wait3A_353 = tpu.memref_slice %arg9[%dma_wait3A_346, %dma_wait3A_352] : memref<4x128xi32, #tpu.memory_space<vmem>> -> memref<1x128xi32, #tpu.memory_space<vmem>>
      %dma_wait3A_354 = tpu.memref_squeeze %dma_wait3A_353 : memref<1x128xi32, #tpu.memory_space<vmem>> -> memref<128xi32, #tpu.memory_space<vmem>>
      %dma_wait3A_355 = arith.constant 0 : i32
      %dma_wait3A_356 = arith.constant 0 : i32
      %dma_wait3A_357 = tpu.memref_slice %arg5[%dma_wait3A_355, %dma_wait3A_356] : memref<1000000x64xbf16, #tpu.memory_space<hbm>> -> memref<1000000x64xbf16, #tpu.memory_space<hbm>>
      tpu.wait_indirect_dma semaphore(%arg18 : memref<!tpu.dma_semaphore, #tpu.memory_space<semaphore_mem>>) src(%dma_wait3A_357 : memref<1000000x64xbf16, #tpu.memory_space<hbm>>) dst(%dma_wait3A_351 : memref<128x64xbf16, #tpu.memory_space<vmem>>)
      %dma_wait3A_358 = arith.constant 1 : i32
      %dma_wait3A_359 = arith.constant 1 : i32
      %dma_wait3A_360 = arith.constant 0 : i32
      %dma_wait3A_361 = arith.constant 0 : i32
      %dma_wait3A_362 = tpu.memref_slice %arg13[%dma_wait3A_359, %dma_wait3A_360, %dma_wait3A_361] : memref<4x128x64xbf16, #tpu.memory_space<vmem>> -> memref<1x128x64xbf16, #tpu.memory_space<vmem>>
      %dma_wait3A_363 = tpu.memref_squeeze %dma_wait3A_362 : memref<1x128x64xbf16, #tpu.memory_space<vmem>> -> memref<128x64xbf16, #tpu.memory_space<vmem>>
      %dma_wait3A_364 = arith.constant 0 : i32
      %dma_wait3A_365 = tpu.memref_slice %arg10[%dma_wait3A_358, %dma_wait3A_364] : memref<4x128xi32, #tpu.memory_space<vmem>> -> memref<1x128xi32, #tpu.memory_space<vmem>>
      %dma_wait3A_366 = tpu.memref_squeeze %dma_wait3A_365 : memref<1x128xi32, #tpu.memory_space<vmem>> -> memref<128xi32, #tpu.memory_space<vmem>>
      %dma_wait3A_367 = arith.constant 0 : i32
      %dma_wait3A_368 = arith.constant 0 : i32
      %dma_wait3A_369 = tpu.memref_slice %arg6[%dma_wait3A_367, %dma_wait3A_368] : memref<1000000x64xbf16, #tpu.memory_space<hbm>> -> memref<1000000x64xbf16, #tpu.memory_space<hbm>>
      tpu.wait_indirect_dma semaphore(%arg18 : memref<!tpu.dma_semaphore, #tpu.memory_space<semaphore_mem>>) src(%dma_wait3A_369 : memref<1000000x64xbf16, #tpu.memory_space<hbm>>) dst(%dma_wait3A_363 : memref<128x64xbf16, #tpu.memory_space<vmem>>)
      %dma_wait3A_370 = arith.constant 1 : i32
      %dma_wait3A_371 = arith.constant 1 : i32
      %dma_wait3A_372 = arith.constant 0 : i32
      %dma_wait3A_373 = arith.constant 0 : i32
      %dma_wait3A_374 = tpu.memref_slice %arg14[%dma_wait3A_371, %dma_wait3A_372, %dma_wait3A_373] : memref<4x128x64xbf16, #tpu.memory_space<vmem>> -> memref<1x128x64xbf16, #tpu.memory_space<vmem>>
      %dma_wait3A_375 = tpu.memref_squeeze %dma_wait3A_374 : memref<1x128x64xbf16, #tpu.memory_space<vmem>> -> memref<128x64xbf16, #tpu.memory_space<vmem>>
      %dma_wait3A_376 = arith.constant 0 : i32
      %dma_wait3A_377 = tpu.memref_slice %arg11[%dma_wait3A_370, %dma_wait3A_376] : memref<4x128xi32, #tpu.memory_space<vmem>> -> memref<1x128xi32, #tpu.memory_space<vmem>>
      %dma_wait3A_378 = tpu.memref_squeeze %dma_wait3A_377 : memref<1x128xi32, #tpu.memory_space<vmem>> -> memref<128xi32, #tpu.memory_space<vmem>>
      %dma_wait3A_379 = arith.constant 0 : i32
      %dma_wait3A_380 = arith.constant 0 : i32
      %dma_wait3A_381 = tpu.memref_slice %arg6[%dma_wait3A_379, %dma_wait3A_380] : memref<1000000x64xbf16, #tpu.memory_space<hbm>> -> memref<1000000x64xbf16, #tpu.memory_space<hbm>>
      tpu.wait_indirect_dma semaphore(%arg18 : memref<!tpu.dma_semaphore, #tpu.memory_space<semaphore_mem>>) src(%dma_wait3A_381 : memref<1000000x64xbf16, #tpu.memory_space<hbm>>) dst(%dma_wait3A_375 : memref<128x64xbf16, #tpu.memory_space<vmem>>)
      %lt3A_382 = arith.constant 196 : i32
      %lt3A_383 = arith.cmpi slt, %add3A_345, %lt3A_382 : i32
      %convert_element_type3A_384 = arith.extui %lt3A_383 : i1 to i32
      %cond3A_385 = arith.constant 0 : i32
      %cond3A_386 = arith.cmpi ne, %convert_element_type3A_384, %cond3A_385 : i32
      scf.if %cond3A_386 {
        %add3A_603 = arith.constant 4 : i32
        %add3A_604 = arith.addi %add3A_345, %add3A_603 : i32
        %mul3A_605 = arith.constant 128 : i32
        %mul3A_606 = arith.muli %add3A_604, %mul3A_605 : i32
        %add3A_607 = arith.addi %mul3A_2, %mul3A_606 : i32
        %multiple_of3A_608 = tpu.assume_multiple %add3A_607, 128 : i32
        %dma_start3A_609 = arith.constant 1 : i32
        %dma_start3A_610 = arith.constant 0 : i32
        %dma_start3A_611 = tpu.memref_slice %arg9[%dma_start3A_609, %dma_start3A_610] : memref<4x128xi32, #tpu.memory_space<vmem>> -> memref<1x128xi32, #tpu.memory_space<vmem>>
        %dma_start3A_612 = tpu.memref_squeeze %dma_start3A_611 : memref<1x128xi32, #tpu.memory_space<vmem>> -> memref<128xi32, #tpu.memory_space<vmem>>
        %dma_start3A_613 = tpu.memref_slice %arg2[%multiple_of3A_608] : memref<819200xi32, #tpu.memory_space<hbm>> -> memref<128xi32, #tpu.memory_space<hbm>>
        %dma_start3A_614 = arith.constant 0 : i32
        %dma_start3A_615 = tpu.memref_slice %arg9[%dma_start3A_609, %dma_start3A_614] : memref<4x128xi32, #tpu.memory_space<vmem>> -> memref<1x128xi32, #tpu.memory_space<vmem>>
        %dma_start3A_616 = tpu.memref_squeeze %dma_start3A_615 : memref<1x128xi32, #tpu.memory_space<vmem>> -> memref<128xi32, #tpu.memory_space<vmem>>
        %dma_start3A_617 = tpu.memref_slice %arg2[%multiple_of3A_608] : memref<819200xi32, #tpu.memory_space<hbm>> -> memref<128xi32, #tpu.memory_space<hbm>>
        tpu.enqueue_dma source(%dma_start3A_617 : memref<128xi32, #tpu.memory_space<hbm>>) target(%dma_start3A_616 : memref<128xi32, #tpu.memory_space<vmem>>) target_semaphore(%arg22 : memref<!tpu.dma_semaphore, #tpu.memory_space<semaphore_mem>>)
        %dma_start3A_618 = arith.constant 1 : i32
        %dma_start3A_619 = arith.constant 0 : i32
        %dma_start3A_620 = tpu.memref_slice %arg10[%dma_start3A_618, %dma_start3A_619] : memref<4x128xi32, #tpu.memory_space<vmem>> -> memref<1x128xi32, #tpu.memory_space<vmem>>
        %dma_start3A_621 = tpu.memref_squeeze %dma_start3A_620 : memref<1x128xi32, #tpu.memory_space<vmem>> -> memref<128xi32, #tpu.memory_space<vmem>>
        %dma_start3A_622 = tpu.memref_slice %arg3[%multiple_of3A_608] : memref<819200xi32, #tpu.memory_space<hbm>> -> memref<128xi32, #tpu.memory_space<hbm>>
        %dma_start3A_623 = arith.constant 0 : i32
        %dma_start3A_624 = tpu.memref_slice %arg10[%dma_start3A_618, %dma_start3A_623] : memref<4x128xi32, #tpu.memory_space<vmem>> -> memref<1x128xi32, #tpu.memory_space<vmem>>
        %dma_start3A_625 = tpu.memref_squeeze %dma_start3A_624 : memref<1x128xi32, #tpu.memory_space<vmem>> -> memref<128xi32, #tpu.memory_space<vmem>>
        %dma_start3A_626 = tpu.memref_slice %arg3[%multiple_of3A_608] : memref<819200xi32, #tpu.memory_space<hbm>> -> memref<128xi32, #tpu.memory_space<hbm>>
        tpu.enqueue_dma source(%dma_start3A_626 : memref<128xi32, #tpu.memory_space<hbm>>) target(%dma_start3A_625 : memref<128xi32, #tpu.memory_space<vmem>>) target_semaphore(%arg22 : memref<!tpu.dma_semaphore, #tpu.memory_space<semaphore_mem>>)
        %dma_start3A_627 = arith.constant 1 : i32
        %dma_start3A_628 = arith.constant 0 : i32
        %dma_start3A_629 = tpu.memref_slice %arg11[%dma_start3A_627, %dma_start3A_628] : memref<4x128xi32, #tpu.memory_space<vmem>> -> memref<1x128xi32, #tpu.memory_space<vmem>>
        %dma_start3A_630 = tpu.memref_squeeze %dma_start3A_629 : memref<1x128xi32, #tpu.memory_space<vmem>> -> memref<128xi32, #tpu.memory_space<vmem>>
        %dma_start3A_631 = tpu.memref_slice %arg4[%multiple_of3A_608] : memref<819200xi32, #tpu.memory_space<hbm>> -> memref<128xi32, #tpu.memory_space<hbm>>
        %dma_start3A_632 = arith.constant 0 : i32
        %dma_start3A_633 = tpu.memref_slice %arg11[%dma_start3A_627, %dma_start3A_632] : memref<4x128xi32, #tpu.memory_space<vmem>> -> memref<1x128xi32, #tpu.memory_space<vmem>>
        %dma_start3A_634 = tpu.memref_squeeze %dma_start3A_633 : memref<1x128xi32, #tpu.memory_space<vmem>> -> memref<128xi32, #tpu.memory_space<vmem>>
        %dma_start3A_635 = tpu.memref_slice %arg4[%multiple_of3A_608] : memref<819200xi32, #tpu.memory_space<hbm>> -> memref<128xi32, #tpu.memory_space<hbm>>
        tpu.enqueue_dma source(%dma_start3A_635 : memref<128xi32, #tpu.memory_space<hbm>>) target(%dma_start3A_634 : memref<128xi32, #tpu.memory_space<vmem>>) target_semaphore(%arg22 : memref<!tpu.dma_semaphore, #tpu.memory_space<semaphore_mem>>)
      } else {
      }
      %ge3A_387 = arith.constant 4 : i32
      %ge3A_388 = arith.cmpi sge, %add3A_345, %ge3A_387 : i32
      %convert_element_type3A_389 = arith.extui %ge3A_388 : i1 to i32
      %cond3A_390 = arith.constant 0 : i32
      %cond3A_391 = arith.cmpi ne, %convert_element_type3A_389, %cond3A_390 : i32
      scf.if %cond3A_391 {
        %dma_wait3A_603 = arith.constant 1 : i32
        %dma_wait3A_604 = arith.constant 0 : i32
        %dma_wait3A_605 = tpu.memref_slice %arg15[%dma_wait3A_603, %dma_wait3A_604] : memref<4x128xf32, #tpu.memory_space<vmem>> -> memref<1x128xf32, #tpu.memory_space<vmem>>
        %dma_wait3A_606 = tpu.memref_squeeze %dma_wait3A_605 : memref<1x128xf32, #tpu.memory_space<vmem>> -> memref<128xf32, #tpu.memory_space<vmem>>
        %dma_wait3A_607 = arith.constant 0 : i32
        %dma_wait3A_608 = tpu.memref_slice %arg7[%dma_wait3A_607] : memref<819200xf32, #tpu.memory_space<hbm>> -> memref<128xf32, #tpu.memory_space<hbm>>
        %dma_wait3A_609 = arith.constant 0 : i32
        %dma_wait3A_610 = tpu.memref_slice %arg7[%dma_wait3A_609] : memref<819200xf32, #tpu.memory_space<hbm>> -> memref<128xf32, #tpu.memory_space<hbm>>
        %dma_wait3A_611 = arith.constant 0 : i32
        %dma_wait3A_612 = tpu.memref_slice %arg15[%dma_wait3A_603, %dma_wait3A_611] : memref<4x128xf32, #tpu.memory_space<vmem>> -> memref<1x128xf32, #tpu.memory_space<vmem>>
        %dma_wait3A_613 = tpu.memref_squeeze %dma_wait3A_612 : memref<1x128xf32, #tpu.memory_space<vmem>> -> memref<128xf32, #tpu.memory_space<vmem>>
        tpu.wait_dma2 semaphore(%arg26 : memref<!tpu.dma_semaphore, #tpu.memory_space<semaphore_mem>>) src(%dma_wait3A_613 : memref<128xf32, #tpu.memory_space<vmem>>) dst(%dma_wait3A_610 : memref<128xf32, #tpu.memory_space<hbm>>)
        %dma_wait3A_614 = arith.constant 1 : i32
        %dma_wait3A_615 = arith.constant 0 : i32
        %dma_wait3A_616 = tpu.memref_slice %arg16[%dma_wait3A_614, %dma_wait3A_615] : memref<4x128xf32, #tpu.memory_space<vmem>> -> memref<1x128xf32, #tpu.memory_space<vmem>>
        %dma_wait3A_617 = tpu.memref_squeeze %dma_wait3A_616 : memref<1x128xf32, #tpu.memory_space<vmem>> -> memref<128xf32, #tpu.memory_space<vmem>>
        %dma_wait3A_618 = arith.constant 0 : i32
        %dma_wait3A_619 = tpu.memref_slice %arg8[%dma_wait3A_618] : memref<819200xf32, #tpu.memory_space<hbm>> -> memref<128xf32, #tpu.memory_space<hbm>>
        %dma_wait3A_620 = arith.constant 0 : i32
        %dma_wait3A_621 = tpu.memref_slice %arg8[%dma_wait3A_620] : memref<819200xf32, #tpu.memory_space<hbm>> -> memref<128xf32, #tpu.memory_space<hbm>>
        %dma_wait3A_622 = arith.constant 0 : i32
        %dma_wait3A_623 = tpu.memref_slice %arg16[%dma_wait3A_614, %dma_wait3A_622] : memref<4x128xf32, #tpu.memory_space<vmem>> -> memref<1x128xf32, #tpu.memory_space<vmem>>
        %dma_wait3A_624 = tpu.memref_squeeze %dma_wait3A_623 : memref<1x128xf32, #tpu.memory_space<vmem>> -> memref<128xf32, #tpu.memory_space<vmem>>
        tpu.wait_dma2 semaphore(%arg26 : memref<!tpu.dma_semaphore, #tpu.memory_space<semaphore_mem>>) src(%dma_wait3A_624 : memref<128xf32, #tpu.memory_space<vmem>>) dst(%dma_wait3A_621 : memref<128xf32, #tpu.memory_space<hbm>>)
      } else {
      }
      %iota3A_392 = tpu.iota {dimensions = array<i32: 0>} : vector<16xi32>
      %eq3A_393 = arith.constant 15 : i32
      %eq3A_394 = vector.broadcast %eq3A_393 : i32 to vector<16xi32>
      %eq3A_395 = arith.cmpi eq, %iota3A_392, %eq3A_394 : vector<16xi32>
      %scan3A_396 = arith.constant 0 : i32
      %scan3A_397 = arith.constant 0 : i32
      %scan3A_398 = arith.constant 128 : i32
      %scan3A_399 = arith.addi %scan3A_397, %scan3A_398 : i32
      %scan3A_400 = arith.constant 4 : i32
      scf.for %scan3A_603 = %scan3A_397 to %scan3A_399 step %scan3A_400  : i32 {
        %get3A = arith.constant 1 : i32
        %get3A_604 = arith.index_cast %get3A : i32 to index
        %get3A_605 = arith.index_cast %scan3A_603 : i32 to index
        %get3A_606 = arith.constant 0 : index
        %get3A_607 = tpu.vector_load %arg12[%get3A_604, %get3A_605, %get3A_606] {strides = array<i32>} : memref<4x128x64xbf16, #tpu.memory_space<vmem>>, vector<32xbf16>,
        %unpack3A = tpu.unpack_subelements %get3A_607, 0 {pack_format = #tpu.pack_format<interleaved>} : vector<32xbf16> -> vector<16xf32>
        %unpack3A_608 = tpu.unpack_subelements %get3A_607, 1 {pack_format = #tpu.pack_format<interleaved>} : vector<32xbf16> -> vector<16xf32>
        %get3A_609 = arith.constant 1 : i32
        %get3A_610 = arith.index_cast %get3A_609 : i32 to index
        %get3A_611 = arith.index_cast %scan3A_603 : i32 to index
        %get3A_612 = arith.constant 0 : index
        %get3A_613 = tpu.vector_load %arg13[%get3A_610, %get3A_611, %get3A_612] {strides = array<i32>} : memref<4x128x64xbf16, #tpu.memory_space<vmem>>, vector<32xbf16>,
        %unpack3A_614 = tpu.unpack_subelements %get3A_613, 0 {pack_format = #tpu.pack_format<interleaved>} : vector<32xbf16> -> vector<16xf32>
        %unpack3A_615 = tpu.unpack_subelements %get3A_613, 1 {pack_format = #tpu.pack_format<interleaved>} : vector<32xbf16> -> vector<16xf32>
        %get3A_616 = arith.constant 1 : i32
        %get3A_617 = arith.index_cast %get3A_616 : i32 to index
        %get3A_618 = arith.index_cast %scan3A_603 : i32 to index
        %get3A_619 = arith.constant 0 : index
        %get3A_620 = tpu.vector_load %arg14[%get3A_617, %get3A_618, %get3A_619] {strides = array<i32>} : memref<4x128x64xbf16, #tpu.memory_space<vmem>>, vector<32xbf16>,
        %unpack3A_621 = tpu.unpack_subelements %get3A_620, 0 {pack_format = #tpu.pack_format<interleaved>} : vector<32xbf16> -> vector<16xf32>
        %unpack3A_622 = tpu.unpack_subelements %get3A_620, 1 {pack_format = #tpu.pack_format<interleaved>} : vector<32xbf16> -> vector<16xf32>
        %mul3A_623 = arith.mulf %unpack3A, %unpack3A_614 : vector<16xf32>
        %mul3A_624 = arith.mulf %unpack3A, %unpack3A_621 : vector<16xf32>
        %mul3A_625 = arith.mulf %unpack3A_608, %unpack3A_615 : vector<16xf32>
        %add3A_626 = arith.addf %mul3A_623, %mul3A_625 : vector<16xf32>
        %mul3A_627 = arith.mulf %unpack3A_608, %unpack3A_622 : vector<16xf32>
        %add3A_628 = arith.addf %mul3A_624, %mul3A_627 : vector<16xf32>
        %get3A_629 = arith.constant 1 : i32
        %get3A_630 = arith.index_cast %get3A_629 : i32 to index
        %get3A_631 = arith.index_cast %scan3A_603 : i32 to index
        %get3A_632 = arith.constant 32 : index
        %get3A_633 = tpu.vector_load %arg12[%get3A_630, %get3A_631, %get3A_632] {strides = array<i32>} : memref<4x128x64xbf16, #tpu.memory_space<vmem>>, vector<32xbf16>,
        %unpack3A_634 = tpu.unpack_subelements %get3A_633, 0 {pack_format = #tpu.pack_format<interleaved>} : vector<32xbf16> -> vector<16xf32>
        %unpack3A_635 = tpu.unpack_subelements %get3A_633, 1 {pack_format = #tpu.pack_format<interleaved>} : vector<32xbf16> -> vector<16xf32>
        %get3A_636 = arith.constant 1 : i32
        %get3A_637 = arith.index_cast %get3A_636 : i32 to index
        %get3A_638 = arith.index_cast %scan3A_603 : i32 to index
        %get3A_639 = arith.constant 32 : index
        %get3A_640 = tpu.vector_load %arg13[%get3A_637, %get3A_638, %get3A_639] {strides = array<i32>} : memref<4x128x64xbf16, #tpu.memory_space<vmem>>, vector<32xbf16>,
        %unpack3A_641 = tpu.unpack_subelements %get3A_640, 0 {pack_format = #tpu.pack_format<interleaved>} : vector<32xbf16> -> vector<16xf32>
        %unpack3A_642 = tpu.unpack_subelements %get3A_640, 1 {pack_format = #tpu.pack_format<interleaved>} : vector<32xbf16> -> vector<16xf32>
        %get3A_643 = arith.constant 1 : i32
        %get3A_644 = arith.index_cast %get3A_643 : i32 to index
        %get3A_645 = arith.index_cast %scan3A_603 : i32 to index
        %get3A_646 = arith.constant 32 : index
        %get3A_647 = tpu.vector_load %arg14[%get3A_644, %get3A_645, %get3A_646] {strides = array<i32>} : memref<4x128x64xbf16, #tpu.memory_space<vmem>>, vector<32xbf16>,
        %unpack3A_648 = tpu.unpack_subelements %get3A_647, 0 {pack_format = #tpu.pack_format<interleaved>} : vector<32xbf16> -> vector<16xf32>
        %unpack3A_649 = tpu.unpack_subelements %get3A_647, 1 {pack_format = #tpu.pack_format<interleaved>} : vector<32xbf16> -> vector<16xf32>
        %mul3A_650 = arith.mulf %unpack3A_634, %unpack3A_641 : vector<16xf32>
        %add3A_651 = arith.addf %add3A_626, %mul3A_650 : vector<16xf32>
        %mul3A_652 = arith.mulf %unpack3A_634, %unpack3A_648 : vector<16xf32>
        %add3A_653 = arith.addf %add3A_628, %mul3A_652 : vector<16xf32>
        %mul3A_654 = arith.mulf %unpack3A_635, %unpack3A_642 : vector<16xf32>
        %add3A_655 = arith.addf %add3A_651, %mul3A_654 : vector<16xf32>
        %mul3A_656 = arith.mulf %unpack3A_635, %unpack3A_649 : vector<16xf32>
        %add3A_657 = arith.addf %add3A_653, %mul3A_656 : vector<16xf32>
        %broadcast_in_dim3A = arith.constant 0 : i32
        %broadcast_in_dim3A_658 = vector.broadcast %broadcast_in_dim3A : i32 to vector<16xi32>
        %add3A_659 = vector.broadcast %scan3A_603 : i32 to vector<16xi32>
        %add3A_660 = arith.addi %broadcast_in_dim3A_658, %add3A_659 : vector<16xi32>
        %broadcast_in_dim3A_661 = arith.constant true
        %broadcast_in_dim3A_662 = vector.broadcast %broadcast_in_dim3A_661 : i1 to vector<16xi1>
        %masked_cumsum3A = tpu.scan <sum>, %add3A_655 masked %broadcast_in_dim3A_662 : vector<16xf32>, vector<16xi1> -> vector<16xf32>
        %scatter3A = arith.constant 1 : i32
        %scatter3A_663 = arith.constant 0 : i32
        %scatter3A_664 = tpu.memref_slice %arg15[%scatter3A, %scatter3A_663] : memref<4x128xf32, #tpu.memory_space<vmem>> -> memref<1x128xf32, #tpu.memory_space<vmem>>
        %scatter3A_665 = tpu.memref_squeeze %scatter3A_664 : memref<1x128xf32, #tpu.memory_space<vmem>> -> memref<128xf32, #tpu.memory_space<vmem>>
        tpu.vector_store_idx %scatter3A_665[%add3A_660], %masked_cumsum3A masked %eq3A_395 : memref<128xf32, #tpu.memory_space<vmem>>[vector<16xi32>], vector<16xf32>, vector<16xi1>
        %broadcast_in_dim3A_666 = arith.constant true
        %broadcast_in_dim3A_667 = vector.broadcast %broadcast_in_dim3A_666 : i1 to vector<16xi1>
        %masked_cumsum3A_668 = tpu.scan <sum>, %add3A_657 masked %broadcast_in_dim3A_667 : vector<16xf32>, vector<16xi1> -> vector<16xf32>
        %scatter3A_669 = arith.constant 1 : i32
        %scatter3A_670 = arith.constant 0 : i32
        %scatter3A_671 = tpu.memref_slice %arg16[%scatter3A_669, %scatter3A_670] : memref<4x128xf32, #tpu.memory_space<vmem>> -> memref<1x128xf32, #tpu.memory_space<vmem>>
        %scatter3A_672 = tpu.memref_squeeze %scatter3A_671 : memref<1x128xf32, #tpu.memory_space<vmem>> -> memref<128xf32, #tpu.memory_space<vmem>>
        tpu.vector_store_idx %scatter3A_672[%add3A_660], %masked_cumsum3A_668 masked %eq3A_395 : memref<128xf32, #tpu.memory_space<vmem>>[vector<16xi32>], vector<16xf32>, vector<16xi1>
        %scan3A_673 = arith.constant 1 : i32
        %scan3A_674 = arith.addi %scan3A_603, %scan3A_673 : i32
        %get3A_675 = arith.constant 1 : i32
        %get3A_676 = arith.index_cast %get3A_675 : i32 to index
        %get3A_677 = arith.index_cast %scan3A_674 : i32 to index
        %get3A_678 = arith.constant 0 : index
        %get3A_679 = tpu.vector_load %arg12[%get3A_676, %get3A_677, %get3A_678] {strides = array<i32>} : memref<4x128x64xbf16, #tpu.memory_space<vmem>>, vector<32xbf16>,
        %unpack3A_680 = tpu.unpack_subelements %get3A_679, 0 {pack_format = #tpu.pack_format<interleaved>} : vector<32xbf16> -> vector<16xf32>
        %unpack3A_681 = tpu.unpack_subelements %get3A_679, 1 {pack_format = #tpu.pack_format<interleaved>} : vector<32xbf16> -> vector<16xf32>
        %get3A_682 = arith.constant 1 : i32
        %get3A_683 = arith.index_cast %get3A_682 : i32 to index
        %get3A_684 = arith.index_cast %scan3A_674 : i32 to index
        %get3A_685 = arith.constant 0 : index
        %get3A_686 = tpu.vector_load %arg13[%get3A_683, %get3A_684, %get3A_685] {strides = array<i32>} : memref<4x128x64xbf16, #tpu.memory_space<vmem>>, vector<32xbf16>,
        %unpack3A_687 = tpu.unpack_subelements %get3A_686, 0 {pack_format = #tpu.pack_format<interleaved>} : vector<32xbf16> -> vector<16xf32>
        %unpack3A_688 = tpu.unpack_subelements %get3A_686, 1 {pack_format = #tpu.pack_format<interleaved>} : vector<32xbf16> -> vector<16xf32>
        %get3A_689 = arith.constant 1 : i32
        %get3A_690 = arith.index_cast %get3A_689 : i32 to index
        %get3A_691 = arith.index_cast %scan3A_674 : i32 to index
        %get3A_692 = arith.constant 0 : index
        %get3A_693 = tpu.vector_load %arg14[%get3A_690, %get3A_691, %get3A_692] {strides = array<i32>} : memref<4x128x64xbf16, #tpu.memory_space<vmem>>, vector<32xbf16>,
        %unpack3A_694 = tpu.unpack_subelements %get3A_693, 0 {pack_format = #tpu.pack_format<interleaved>} : vector<32xbf16> -> vector<16xf32>
        %unpack3A_695 = tpu.unpack_subelements %get3A_693, 1 {pack_format = #tpu.pack_format<interleaved>} : vector<32xbf16> -> vector<16xf32>
        %mul3A_696 = arith.mulf %unpack3A_680, %unpack3A_687 : vector<16xf32>
        %mul3A_697 = arith.mulf %unpack3A_680, %unpack3A_694 : vector<16xf32>
        %mul3A_698 = arith.mulf %unpack3A_681, %unpack3A_688 : vector<16xf32>
        %add3A_699 = arith.addf %mul3A_696, %mul3A_698 : vector<16xf32>
        %mul3A_700 = arith.mulf %unpack3A_681, %unpack3A_695 : vector<16xf32>
        %add3A_701 = arith.addf %mul3A_697, %mul3A_700 : vector<16xf32>
        %get3A_702 = arith.constant 1 : i32
        %get3A_703 = arith.index_cast %get3A_702 : i32 to index
        %get3A_704 = arith.index_cast %scan3A_674 : i32 to index
        %get3A_705 = arith.constant 32 : index
        %get3A_706 = tpu.vector_load %arg12[%get3A_703, %get3A_704, %get3A_705] {strides = array<i32>} : memref<4x128x64xbf16, #tpu.memory_space<vmem>>, vector<32xbf16>,
        %unpack3A_707 = tpu.unpack_subelements %get3A_706, 0 {pack_format = #tpu.pack_format<interleaved>} : vector<32xbf16> -> vector<16xf32>
        %unpack3A_708 = tpu.unpack_subelements %get3A_706, 1 {pack_format = #tpu.pack_format<interleaved>} : vector<32xbf16> -> vector<16xf32>
        %get3A_709 = arith.constant 1 : i32
        %get3A_710 = arith.index_cast %get3A_709 : i32 to index
        %get3A_711 = arith.index_cast %scan3A_674 : i32 to index
        %get3A_712 = arith.constant 32 : index
        %get3A_713 = tpu.vector_load %arg13[%get3A_710, %get3A_711, %get3A_712] {strides = array<i32>} : memref<4x128x64xbf16, #tpu.memory_space<vmem>>, vector<32xbf16>,
        %unpack3A_714 = tpu.unpack_subelements %get3A_713, 0 {pack_format = #tpu.pack_format<interleaved>} : vector<32xbf16> -> vector<16xf32>
        %unpack3A_715 = tpu.unpack_subelements %get3A_713, 1 {pack_format = #tpu.pack_format<interleaved>} : vector<32xbf16> -> vector<16xf32>
        %get3A_716 = arith.constant 1 : i32
        %get3A_717 = arith.index_cast %get3A_716 : i32 to index
        %get3A_718 = arith.index_cast %scan3A_674 : i32 to index
        %get3A_719 = arith.constant 32 : index
        %get3A_720 = tpu.vector_load %arg14[%get3A_717, %get3A_718, %get3A_719] {strides = array<i32>} : memref<4x128x64xbf16, #tpu.memory_space<vmem>>, vector<32xbf16>,
        %unpack3A_721 = tpu.unpack_subelements %get3A_720, 0 {pack_format = #tpu.pack_format<interleaved>} : vector<32xbf16> -> vector<16xf32>
        %unpack3A_722 = tpu.unpack_subelements %get3A_720, 1 {pack_format = #tpu.pack_format<interleaved>} : vector<32xbf16> -> vector<16xf32>
        %mul3A_723 = arith.mulf %unpack3A_707, %unpack3A_714 : vector<16xf32>
        %add3A_724 = arith.addf %add3A_699, %mul3A_723 : vector<16xf32>
        %mul3A_725 = arith.mulf %unpack3A_707, %unpack3A_721 : vector<16xf32>
        %add3A_726 = arith.addf %add3A_701, %mul3A_725 : vector<16xf32>
        %mul3A_727 = arith.mulf %unpack3A_708, %unpack3A_715 : vector<16xf32>
        %add3A_728 = arith.addf %add3A_724, %mul3A_727 : vector<16xf32>
        %mul3A_729 = arith.mulf %unpack3A_708, %unpack3A_722 : vector<16xf32>
        %add3A_730 = arith.addf %add3A_726, %mul3A_729 : vector<16xf32>
        %broadcast_in_dim3A_731 = arith.constant 0 : i32
        %broadcast_in_dim3A_732 = vector.broadcast %broadcast_in_dim3A_731 : i32 to vector<16xi32>
        %add3A_733 = vector.broadcast %scan3A_674 : i32 to vector<16xi32>
        %add3A_734 = arith.addi %broadcast_in_dim3A_732, %add3A_733 : vector<16xi32>
        %broadcast_in_dim3A_735 = arith.constant true
        %broadcast_in_dim3A_736 = vector.broadcast %broadcast_in_dim3A_735 : i1 to vector<16xi1>
        %masked_cumsum3A_737 = tpu.scan <sum>, %add3A_728 masked %broadcast_in_dim3A_736 : vector<16xf32>, vector<16xi1> -> vector<16xf32>
        %scatter3A_738 = arith.constant 1 : i32
        %scatter3A_739 = arith.constant 0 : i32
        %scatter3A_740 = tpu.memref_slice %arg15[%scatter3A_738, %scatter3A_739] : memref<4x128xf32, #tpu.memory_space<vmem>> -> memref<1x128xf32, #tpu.memory_space<vmem>>
        %scatter3A_741 = tpu.memref_squeeze %scatter3A_740 : memref<1x128xf32, #tpu.memory_space<vmem>> -> memref<128xf32, #tpu.memory_space<vmem>>
        tpu.vector_store_idx %scatter3A_741[%add3A_734], %masked_cumsum3A_737 masked %eq3A_395 : memref<128xf32, #tpu.memory_space<vmem>>[vector<16xi32>], vector<16xf32>, vector<16xi1>
        %broadcast_in_dim3A_742 = arith.constant true
        %broadcast_in_dim3A_743 = vector.broadcast %broadcast_in_dim3A_742 : i1 to vector<16xi1>
        %masked_cumsum3A_744 = tpu.scan <sum>, %add3A_730 masked %broadcast_in_dim3A_743 : vector<16xf32>, vector<16xi1> -> vector<16xf32>
        %scatter3A_745 = arith.constant 1 : i32
        %scatter3A_746 = arith.constant 0 : i32
        %scatter3A_747 = tpu.memref_slice %arg16[%scatter3A_745, %scatter3A_746] : memref<4x128xf32, #tpu.memory_space<vmem>> -> memref<1x128xf32, #tpu.memory_space<vmem>>
        %scatter3A_748 = tpu.memref_squeeze %scatter3A_747 : memref<1x128xf32, #tpu.memory_space<vmem>> -> memref<128xf32, #tpu.memory_space<vmem>>
        tpu.vector_store_idx %scatter3A_748[%add3A_734], %masked_cumsum3A_744 masked %eq3A_395 : memref<128xf32, #tpu.memory_space<vmem>>[vector<16xi32>], vector<16xf32>, vector<16xi1>
        %scan3A_749 = arith.constant 2 : i32
        %scan3A_750 = arith.addi %scan3A_603, %scan3A_749 : i32
        %get3A_751 = arith.constant 1 : i32
        %get3A_752 = arith.index_cast %get3A_751 : i32 to index
        %get3A_753 = arith.index_cast %scan3A_750 : i32 to index
        %get3A_754 = arith.constant 0 : index
        %get3A_755 = tpu.vector_load %arg12[%get3A_752, %get3A_753, %get3A_754] {strides = array<i32>} : memref<4x128x64xbf16, #tpu.memory_space<vmem>>, vector<32xbf16>,
        %unpack3A_756 = tpu.unpack_subelements %get3A_755, 0 {pack_format = #tpu.pack_format<interleaved>} : vector<32xbf16> -> vector<16xf32>
        %unpack3A_757 = tpu.unpack_subelements %get3A_755, 1 {pack_format = #tpu.pack_format<interleaved>} : vector<32xbf16> -> vector<16xf32>
        %get3A_758 = arith.constant 1 : i32
        %get3A_759 = arith.index_cast %get3A_758 : i32 to index
        %get3A_760 = arith.index_cast %scan3A_750 : i32 to index
        %get3A_761 = arith.constant 0 : index
        %get3A_762 = tpu.vector_load %arg13[%get3A_759, %get3A_760, %get3A_761] {strides = array<i32>} : memref<4x128x64xbf16, #tpu.memory_space<vmem>>, vector<32xbf16>,
        %unpack3A_763 = tpu.unpack_subelements %get3A_762, 0 {pack_format = #tpu.pack_format<interleaved>} : vector<32xbf16> -> vector<16xf32>
        %unpack3A_764 = tpu.unpack_subelements %get3A_762, 1 {pack_format = #tpu.pack_format<interleaved>} : vector<32xbf16> -> vector<16xf32>
        %get3A_765 = arith.constant 1 : i32
        %get3A_766 = arith.index_cast %get3A_765 : i32 to index
        %get3A_767 = arith.index_cast %scan3A_750 : i32 to index
        %get3A_768 = arith.constant 0 : index
        %get3A_769 = tpu.vector_load %arg14[%get3A_766, %get3A_767, %get3A_768] {strides = array<i32>} : memref<4x128x64xbf16, #tpu.memory_space<vmem>>, vector<32xbf16>,
        %unpack3A_770 = tpu.unpack_subelements %get3A_769, 0 {pack_format = #tpu.pack_format<interleaved>} : vector<32xbf16> -> vector<16xf32>
        %unpack3A_771 = tpu.unpack_subelements %get3A_769, 1 {pack_format = #tpu.pack_format<interleaved>} : vector<32xbf16> -> vector<16xf32>
        %mul3A_772 = arith.mulf %unpack3A_756, %unpack3A_763 : vector<16xf32>
        %mul3A_773 = arith.mulf %unpack3A_756, %unpack3A_770 : vector<16xf32>
        %mul3A_774 = arith.mulf %unpack3A_757, %unpack3A_764 : vector<16xf32>
        %add3A_775 = arith.addf %mul3A_772, %mul3A_774 : vector<16xf32>
        %mul3A_776 = arith.mulf %unpack3A_757, %unpack3A_771 : vector<16xf32>
        %add3A_777 = arith.addf %mul3A_773, %mul3A_776 : vector<16xf32>
        %get3A_778 = arith.constant 1 : i32
        %get3A_779 = arith.index_cast %get3A_778 : i32 to index
        %get3A_780 = arith.index_cast %scan3A_750 : i32 to index
        %get3A_781 = arith.constant 32 : index
        %get3A_782 = tpu.vector_load %arg12[%get3A_779, %get3A_780, %get3A_781] {strides = array<i32>} : memref<4x128x64xbf16, #tpu.memory_space<vmem>>, vector<32xbf16>,
        %unpack3A_783 = tpu.unpack_subelements %get3A_782, 0 {pack_format = #tpu.pack_format<interleaved>} : vector<32xbf16> -> vector<16xf32>
        %unpack3A_784 = tpu.unpack_subelements %get3A_782, 1 {pack_format = #tpu.pack_format<interleaved>} : vector<32xbf16> -> vector<16xf32>
        %get3A_785 = arith.constant 1 : i32
        %get3A_786 = arith.index_cast %get3A_785 : i32 to index
        %get3A_787 = arith.index_cast %scan3A_750 : i32 to index
        %get3A_788 = arith.constant 32 : index
        %get3A_789 = tpu.vector_load %arg13[%get3A_786, %get3A_787, %get3A_788] {strides = array<i32>} : memref<4x128x64xbf16, #tpu.memory_space<vmem>>, vector<32xbf16>,
        %unpack3A_790 = tpu.unpack_subelements %get3A_789, 0 {pack_format = #tpu.pack_format<interleaved>} : vector<32xbf16> -> vector<16xf32>
        %unpack3A_791 = tpu.unpack_subelements %get3A_789, 1 {pack_format = #tpu.pack_format<interleaved>} : vector<32xbf16> -> vector<16xf32>
        %get3A_792 = arith.constant 1 : i32
        %get3A_793 = arith.index_cast %get3A_792 : i32 to index
        %get3A_794 = arith.index_cast %scan3A_750 : i32 to index
        %get3A_795 = arith.constant 32 : index
        %get3A_796 = tpu.vector_load %arg14[%get3A_793, %get3A_794, %get3A_795] {strides = array<i32>} : memref<4x128x64xbf16, #tpu.memory_space<vmem>>, vector<32xbf16>,
        %unpack3A_797 = tpu.unpack_subelements %get3A_796, 0 {pack_format = #tpu.pack_format<interleaved>} : vector<32xbf16> -> vector<16xf32>
        %unpack3A_798 = tpu.unpack_subelements %get3A_796, 1 {pack_format = #tpu.pack_format<interleaved>} : vector<32xbf16> -> vector<16xf32>
        %mul3A_799 = arith.mulf %unpack3A_783, %unpack3A_790 : vector<16xf32>
        %add3A_800 = arith.addf %add3A_775, %mul3A_799 : vector<16xf32>
        %mul3A_801 = arith.mulf %unpack3A_783, %unpack3A_797 : vector<16xf32>
        %add3A_802 = arith.addf %add3A_777, %mul3A_801 : vector<16xf32>
        %mul3A_803 = arith.mulf %unpack3A_784, %unpack3A_791 : vector<16xf32>
        %add3A_804 = arith.addf %add3A_800, %mul3A_803 : vector<16xf32>
        %mul3A_805 = arith.mulf %unpack3A_784, %unpack3A_798 : vector<16xf32>
        %add3A_806 = arith.addf %add3A_802, %mul3A_805 : vector<16xf32>
        %broadcast_in_dim3A_807 = arith.constant 0 : i32
        %broadcast_in_dim3A_808 = vector.broadcast %broadcast_in_dim3A_807 : i32 to vector<16xi32>
        %add3A_809 = vector.broadcast %scan3A_750 : i32 to vector<16xi32>
        %add3A_810 = arith.addi %broadcast_in_dim3A_808, %add3A_809 : vector<16xi32>
        %broadcast_in_dim3A_811 = arith.constant true
        %broadcast_in_dim3A_812 = vector.broadcast %broadcast_in_dim3A_811 : i1 to vector<16xi1>
        %masked_cumsum3A_813 = tpu.scan <sum>, %add3A_804 masked %broadcast_in_dim3A_812 : vector<16xf32>, vector<16xi1> -> vector<16xf32>
        %scatter3A_814 = arith.constant 1 : i32
        %scatter3A_815 = arith.constant 0 : i32
        %scatter3A_816 = tpu.memref_slice %arg15[%scatter3A_814, %scatter3A_815] : memref<4x128xf32, #tpu.memory_space<vmem>> -> memref<1x128xf32, #tpu.memory_space<vmem>>
        %scatter3A_817 = tpu.memref_squeeze %scatter3A_816 : memref<1x128xf32, #tpu.memory_space<vmem>> -> memref<128xf32, #tpu.memory_space<vmem>>
        tpu.vector_store_idx %scatter3A_817[%add3A_810], %masked_cumsum3A_813 masked %eq3A_395 : memref<128xf32, #tpu.memory_space<vmem>>[vector<16xi32>], vector<16xf32>, vector<16xi1>
        %broadcast_in_dim3A_818 = arith.constant true
        %broadcast_in_dim3A_819 = vector.broadcast %broadcast_in_dim3A_818 : i1 to vector<16xi1>
        %masked_cumsum3A_820 = tpu.scan <sum>, %add3A_806 masked %broadcast_in_dim3A_819 : vector<16xf32>, vector<16xi1> -> vector<16xf32>
        %scatter3A_821 = arith.constant 1 : i32
        %scatter3A_822 = arith.constant 0 : i32
        %scatter3A_823 = tpu.memref_slice %arg16[%scatter3A_821, %scatter3A_822] : memref<4x128xf32, #tpu.memory_space<vmem>> -> memref<1x128xf32, #tpu.memory_space<vmem>>
        %scatter3A_824 = tpu.memref_squeeze %scatter3A_823 : memref<1x128xf32, #tpu.memory_space<vmem>> -> memref<128xf32, #tpu.memory_space<vmem>>
        tpu.vector_store_idx %scatter3A_824[%add3A_810], %masked_cumsum3A_820 masked %eq3A_395 : memref<128xf32, #tpu.memory_space<vmem>>[vector<16xi32>], vector<16xf32>, vector<16xi1>
        %scan3A_825 = arith.constant 3 : i32
        %scan3A_826 = arith.addi %scan3A_603, %scan3A_825 : i32
        %get3A_827 = arith.constant 1 : i32
        %get3A_828 = arith.index_cast %get3A_827 : i32 to index
        %get3A_829 = arith.index_cast %scan3A_826 : i32 to index
        %get3A_830 = arith.constant 0 : index
        %get3A_831 = tpu.vector_load %arg12[%get3A_828, %get3A_829, %get3A_830] {strides = array<i32>} : memref<4x128x64xbf16, #tpu.memory_space<vmem>>, vector<32xbf16>,
        %unpack3A_832 = tpu.unpack_subelements %get3A_831, 0 {pack_format = #tpu.pack_format<interleaved>} : vector<32xbf16> -> vector<16xf32>
        %unpack3A_833 = tpu.unpack_subelements %get3A_831, 1 {pack_format = #tpu.pack_format<interleaved>} : vector<32xbf16> -> vector<16xf32>
        %get3A_834 = arith.constant 1 : i32
        %get3A_835 = arith.index_cast %get3A_834 : i32 to index
        %get3A_836 = arith.index_cast %scan3A_826 : i32 to index
        %get3A_837 = arith.constant 0 : index
        %get3A_838 = tpu.vector_load %arg13[%get3A_835, %get3A_836, %get3A_837] {strides = array<i32>} : memref<4x128x64xbf16, #tpu.memory_space<vmem>>, vector<32xbf16>,
        %unpack3A_839 = tpu.unpack_subelements %get3A_838, 0 {pack_format = #tpu.pack_format<interleaved>} : vector<32xbf16> -> vector<16xf32>
        %unpack3A_840 = tpu.unpack_subelements %get3A_838, 1 {pack_format = #tpu.pack_format<interleaved>} : vector<32xbf16> -> vector<16xf32>
        %get3A_841 = arith.constant 1 : i32
        %get3A_842 = arith.index_cast %get3A_841 : i32 to index
        %get3A_843 = arith.index_cast %scan3A_826 : i32 to index
        %get3A_844 = arith.constant 0 : index
        %get3A_845 = tpu.vector_load %arg14[%get3A_842, %get3A_843, %get3A_844] {strides = array<i32>} : memref<4x128x64xbf16, #tpu.memory_space<vmem>>, vector<32xbf16>,
        %unpack3A_846 = tpu.unpack_subelements %get3A_845, 0 {pack_format = #tpu.pack_format<interleaved>} : vector<32xbf16> -> vector<16xf32>
        %unpack3A_847 = tpu.unpack_subelements %get3A_845, 1 {pack_format = #tpu.pack_format<interleaved>} : vector<32xbf16> -> vector<16xf32>
        %mul3A_848 = arith.mulf %unpack3A_832, %unpack3A_839 : vector<16xf32>
        %mul3A_849 = arith.mulf %unpack3A_832, %unpack3A_846 : vector<16xf32>
        %mul3A_850 = arith.mulf %unpack3A_833, %unpack3A_840 : vector<16xf32>
        %add3A_851 = arith.addf %mul3A_848, %mul3A_850 : vector<16xf32>
        %mul3A_852 = arith.mulf %unpack3A_833, %unpack3A_847 : vector<16xf32>
        %add3A_853 = arith.addf %mul3A_849, %mul3A_852 : vector<16xf32>
        %get3A_854 = arith.constant 1 : i32
        %get3A_855 = arith.index_cast %get3A_854 : i32 to index
        %get3A_856 = arith.index_cast %scan3A_826 : i32 to index
        %get3A_857 = arith.constant 32 : index
        %get3A_858 = tpu.vector_load %arg12[%get3A_855, %get3A_856, %get3A_857] {strides = array<i32>} : memref<4x128x64xbf16, #tpu.memory_space<vmem>>, vector<32xbf16>,
        %unpack3A_859 = tpu.unpack_subelements %get3A_858, 0 {pack_format = #tpu.pack_format<interleaved>} : vector<32xbf16> -> vector<16xf32>
        %unpack3A_860 = tpu.unpack_subelements %get3A_858, 1 {pack_format = #tpu.pack_format<interleaved>} : vector<32xbf16> -> vector<16xf32>
        %get3A_861 = arith.constant 1 : i32
        %get3A_862 = arith.index_cast %get3A_861 : i32 to index
        %get3A_863 = arith.index_cast %scan3A_826 : i32 to index
        %get3A_864 = arith.constant 32 : index
        %get3A_865 = tpu.vector_load %arg13[%get3A_862, %get3A_863, %get3A_864] {strides = array<i32>} : memref<4x128x64xbf16, #tpu.memory_space<vmem>>, vector<32xbf16>,
        %unpack3A_866 = tpu.unpack_subelements %get3A_865, 0 {pack_format = #tpu.pack_format<interleaved>} : vector<32xbf16> -> vector<16xf32>
        %unpack3A_867 = tpu.unpack_subelements %get3A_865, 1 {pack_format = #tpu.pack_format<interleaved>} : vector<32xbf16> -> vector<16xf32>
        %get3A_868 = arith.constant 1 : i32
        %get3A_869 = arith.index_cast %get3A_868 : i32 to index
        %get3A_870 = arith.index_cast %scan3A_826 : i32 to index
        %get3A_871 = arith.constant 32 : index
        %get3A_872 = tpu.vector_load %arg14[%get3A_869, %get3A_870, %get3A_871] {strides = array<i32>} : memref<4x128x64xbf16, #tpu.memory_space<vmem>>, vector<32xbf16>,
        %unpack3A_873 = tpu.unpack_subelements %get3A_872, 0 {pack_format = #tpu.pack_format<interleaved>} : vector<32xbf16> -> vector<16xf32>
        %unpack3A_874 = tpu.unpack_subelements %get3A_872, 1 {pack_format = #tpu.pack_format<interleaved>} : vector<32xbf16> -> vector<16xf32>
        %mul3A_875 = arith.mulf %unpack3A_859, %unpack3A_866 : vector<16xf32>
        %add3A_876 = arith.addf %add3A_851, %mul3A_875 : vector<16xf32>
        %mul3A_877 = arith.mulf %unpack3A_859, %unpack3A_873 : vector<16xf32>
        %add3A_878 = arith.addf %add3A_853, %mul3A_877 : vector<16xf32>
        %mul3A_879 = arith.mulf %unpack3A_860, %unpack3A_867 : vector<16xf32>
        %add3A_880 = arith.addf %add3A_876, %mul3A_879 : vector<16xf32>
        %mul3A_881 = arith.mulf %unpack3A_860, %unpack3A_874 : vector<16xf32>
        %add3A_882 = arith.addf %add3A_878, %mul3A_881 : vector<16xf32>
        %broadcast_in_dim3A_883 = arith.constant 0 : i32
        %broadcast_in_dim3A_884 = vector.broadcast %broadcast_in_dim3A_883 : i32 to vector<16xi32>
        %add3A_885 = vector.broadcast %scan3A_826 : i32 to vector<16xi32>
        %add3A_886 = arith.addi %broadcast_in_dim3A_884, %add3A_885 : vector<16xi32>
        %broadcast_in_dim3A_887 = arith.constant true
        %broadcast_in_dim3A_888 = vector.broadcast %broadcast_in_dim3A_887 : i1 to vector<16xi1>
        %masked_cumsum3A_889 = tpu.scan <sum>, %add3A_880 masked %broadcast_in_dim3A_888 : vector<16xf32>, vector<16xi1> -> vector<16xf32>
        %scatter3A_890 = arith.constant 1 : i32
        %scatter3A_891 = arith.constant 0 : i32
        %scatter3A_892 = tpu.memref_slice %arg15[%scatter3A_890, %scatter3A_891] : memref<4x128xf32, #tpu.memory_space<vmem>> -> memref<1x128xf32, #tpu.memory_space<vmem>>
        %scatter3A_893 = tpu.memref_squeeze %scatter3A_892 : memref<1x128xf32, #tpu.memory_space<vmem>> -> memref<128xf32, #tpu.memory_space<vmem>>
        tpu.vector_store_idx %scatter3A_893[%add3A_886], %masked_cumsum3A_889 masked %eq3A_395 : memref<128xf32, #tpu.memory_space<vmem>>[vector<16xi32>], vector<16xf32>, vector<16xi1>
        %broadcast_in_dim3A_894 = arith.constant true
        %broadcast_in_dim3A_895 = vector.broadcast %broadcast_in_dim3A_894 : i1 to vector<16xi1>
        %masked_cumsum3A_896 = tpu.scan <sum>, %add3A_882 masked %broadcast_in_dim3A_895 : vector<16xf32>, vector<16xi1> -> vector<16xf32>
        %scatter3A_897 = arith.constant 1 : i32
        %scatter3A_898 = arith.constant 0 : i32
        %scatter3A_899 = tpu.memref_slice %arg16[%scatter3A_897, %scatter3A_898] : memref<4x128xf32, #tpu.memory_space<vmem>> -> memref<1x128xf32, #tpu.memory_space<vmem>>
        %scatter3A_900 = tpu.memref_squeeze %scatter3A_899 : memref<1x128xf32, #tpu.memory_space<vmem>> -> memref<128xf32, #tpu.memory_space<vmem>>
        tpu.vector_store_idx %scatter3A_900[%add3A_886], %masked_cumsum3A_896 masked %eq3A_395 : memref<128xf32, #tpu.memory_space<vmem>>[vector<16xi32>], vector<16xf32>, vector<16xi1>
      }
      %scan3A_401 = arith.constant 128 : i32
      %mul3A_402 = arith.constant 128 : i32
      %mul3A_403 = arith.muli %add3A_345, %mul3A_402 : i32
      %add3A_404 = arith.addi %mul3A_2, %mul3A_403 : i32
      %multiple_of3A_405 = tpu.assume_multiple %add3A_404, 128 : i32
      %dma_start3A_406 = arith.constant 1 : i32
      %dma_start3A_407 = arith.constant 0 : i32
      %dma_start3A_408 = tpu.memref_slice %arg15[%dma_start3A_406, %dma_start3A_407] : memref<4x128xf32, #tpu.memory_space<vmem>> -> memref<1x128xf32, #tpu.memory_space<vmem>>
      %dma_start3A_409 = tpu.memref_squeeze %dma_start3A_408 : memref<1x128xf32, #tpu.memory_space<vmem>> -> memref<128xf32, #tpu.memory_space<vmem>>
      %dma_start3A_410 = tpu.memref_slice %arg7[%multiple_of3A_405] : memref<819200xf32, #tpu.memory_space<hbm>> -> memref<128xf32, #tpu.memory_space<hbm>>
      %dma_start3A_411 = tpu.memref_slice %arg7[%multiple_of3A_405] : memref<819200xf32, #tpu.memory_space<hbm>> -> memref<128xf32, #tpu.memory_space<hbm>>
      %dma_start3A_412 = arith.constant 0 : i32
      %dma_start3A_413 = tpu.memref_slice %arg15[%dma_start3A_406, %dma_start3A_412] : memref<4x128xf32, #tpu.memory_space<vmem>> -> memref<1x128xf32, #tpu.memory_space<vmem>>
      %dma_start3A_414 = tpu.memref_squeeze %dma_start3A_413 : memref<1x128xf32, #tpu.memory_space<vmem>> -> memref<128xf32, #tpu.memory_space<vmem>>
      tpu.enqueue_dma source(%dma_start3A_414 : memref<128xf32, #tpu.memory_space<vmem>>) target(%dma_start3A_411 : memref<128xf32, #tpu.memory_space<hbm>>) target_semaphore(%arg26 : memref<!tpu.dma_semaphore, #tpu.memory_space<semaphore_mem>>)
      %dma_start3A_415 = arith.constant 1 : i32
      %dma_start3A_416 = arith.constant 0 : i32
      %dma_start3A_417 = tpu.memref_slice %arg16[%dma_start3A_415, %dma_start3A_416] : memref<4x128xf32, #tpu.memory_space<vmem>> -> memref<1x128xf32, #tpu.memory_space<vmem>>
      %dma_start3A_418 = tpu.memref_squeeze %dma_start3A_417 : memref<1x128xf32, #tpu.memory_space<vmem>> -> memref<128xf32, #tpu.memory_space<vmem>>
      %dma_start3A_419 = tpu.memref_slice %arg8[%multiple_of3A_405] : memref<819200xf32, #tpu.memory_space<hbm>> -> memref<128xf32, #tpu.memory_space<hbm>>
      %dma_start3A_420 = tpu.memref_slice %arg8[%multiple_of3A_405] : memref<819200xf32, #tpu.memory_space<hbm>> -> memref<128xf32, #tpu.memory_space<hbm>>
      %dma_start3A_421 = arith.constant 0 : i32
      %dma_start3A_422 = tpu.memref_slice %arg16[%dma_start3A_415, %dma_start3A_421] : memref<4x128xf32, #tpu.memory_space<vmem>> -> memref<1x128xf32, #tpu.memory_space<vmem>>
      %dma_start3A_423 = tpu.memref_squeeze %dma_start3A_422 : memref<1x128xf32, #tpu.memory_space<vmem>> -> memref<128xf32, #tpu.memory_space<vmem>>
      tpu.enqueue_dma source(%dma_start3A_423 : memref<128xf32, #tpu.memory_space<vmem>>) target(%dma_start3A_420 : memref<128xf32, #tpu.memory_space<hbm>>) target_semaphore(%arg26 : memref<!tpu.dma_semaphore, #tpu.memory_space<semaphore_mem>>)
      %lt3A_424 = arith.constant 196 : i32
      %lt3A_425 = arith.cmpi slt, %add3A_345, %lt3A_424 : i32
      %convert_element_type3A_426 = arith.extui %lt3A_425 : i1 to i32
      %cond3A_427 = arith.constant 0 : i32
      %cond3A_428 = arith.cmpi ne, %convert_element_type3A_426, %cond3A_427 : i32
      scf.if %cond3A_428 {
        %dma_wait3A_603 = arith.constant 1 : i32
        %dma_wait3A_604 = arith.constant 0 : i32
        %dma_wait3A_605 = tpu.memref_slice %arg9[%dma_wait3A_603, %dma_wait3A_604] : memref<4x128xi32, #tpu.memory_space<vmem>> -> memref<1x128xi32, #tpu.memory_space<vmem>>
        %dma_wait3A_606 = tpu.memref_squeeze %dma_wait3A_605 : memref<1x128xi32, #tpu.memory_space<vmem>> -> memref<128xi32, #tpu.memory_space<vmem>>
        %dma_wait3A_607 = arith.constant 0 : i32
        %dma_wait3A_608 = tpu.memref_slice %arg2[%dma_wait3A_607] : memref<819200xi32, #tpu.memory_space<hbm>> -> memref<128xi32, #tpu.memory_space<hbm>>
        %dma_wait3A_609 = arith.constant 0 : i32
        %dma_wait3A_610 = tpu.memref_slice %arg9[%dma_wait3A_603, %dma_wait3A_609] : memref<4x128xi32, #tpu.memory_space<vmem>> -> memref<1x128xi32, #tpu.memory_space<vmem>>
        %dma_wait3A_611 = tpu.memref_squeeze %dma_wait3A_610 : memref<1x128xi32, #tpu.memory_space<vmem>> -> memref<128xi32, #tpu.memory_space<vmem>>
        %dma_wait3A_612 = arith.constant 0 : i32
        %dma_wait3A_613 = tpu.memref_slice %arg2[%dma_wait3A_612] : memref<819200xi32, #tpu.memory_space<hbm>> -> memref<128xi32, #tpu.memory_space<hbm>>
        tpu.wait_dma2 semaphore(%arg22 : memref<!tpu.dma_semaphore, #tpu.memory_space<semaphore_mem>>) src(%dma_wait3A_613 : memref<128xi32, #tpu.memory_space<hbm>>) dst(%dma_wait3A_611 : memref<128xi32, #tpu.memory_space<vmem>>)
        %dma_wait3A_614 = arith.constant 1 : i32
        %dma_wait3A_615 = arith.constant 0 : i32
        %dma_wait3A_616 = tpu.memref_slice %arg10[%dma_wait3A_614, %dma_wait3A_615] : memref<4x128xi32, #tpu.memory_space<vmem>> -> memref<1x128xi32, #tpu.memory_space<vmem>>
        %dma_wait3A_617 = tpu.memref_squeeze %dma_wait3A_616 : memref<1x128xi32, #tpu.memory_space<vmem>> -> memref<128xi32, #tpu.memory_space<vmem>>
        %dma_wait3A_618 = arith.constant 0 : i32
        %dma_wait3A_619 = tpu.memref_slice %arg3[%dma_wait3A_618] : memref<819200xi32, #tpu.memory_space<hbm>> -> memref<128xi32, #tpu.memory_space<hbm>>
        %dma_wait3A_620 = arith.constant 0 : i32
        %dma_wait3A_621 = tpu.memref_slice %arg10[%dma_wait3A_614, %dma_wait3A_620] : memref<4x128xi32, #tpu.memory_space<vmem>> -> memref<1x128xi32, #tpu.memory_space<vmem>>
        %dma_wait3A_622 = tpu.memref_squeeze %dma_wait3A_621 : memref<1x128xi32, #tpu.memory_space<vmem>> -> memref<128xi32, #tpu.memory_space<vmem>>
        %dma_wait3A_623 = arith.constant 0 : i32
        %dma_wait3A_624 = tpu.memref_slice %arg3[%dma_wait3A_623] : memref<819200xi32, #tpu.memory_space<hbm>> -> memref<128xi32, #tpu.memory_space<hbm>>
        tpu.wait_dma2 semaphore(%arg22 : memref<!tpu.dma_semaphore, #tpu.memory_space<semaphore_mem>>) src(%dma_wait3A_624 : memref<128xi32, #tpu.memory_space<hbm>>) dst(%dma_wait3A_622 : memref<128xi32, #tpu.memory_space<vmem>>)
        %dma_wait3A_625 = arith.constant 1 : i32
        %dma_wait3A_626 = arith.constant 0 : i32
        %dma_wait3A_627 = tpu.memref_slice %arg11[%dma_wait3A_625, %dma_wait3A_626] : memref<4x128xi32, #tpu.memory_space<vmem>> -> memref<1x128xi32, #tpu.memory_space<vmem>>
        %dma_wait3A_628 = tpu.memref_squeeze %dma_wait3A_627 : memref<1x128xi32, #tpu.memory_space<vmem>> -> memref<128xi32, #tpu.memory_space<vmem>>
        %dma_wait3A_629 = arith.constant 0 : i32
        %dma_wait3A_630 = tpu.memref_slice %arg4[%dma_wait3A_629] : memref<819200xi32, #tpu.memory_space<hbm>> -> memref<128xi32, #tpu.memory_space<hbm>>
        %dma_wait3A_631 = arith.constant 0 : i32
        %dma_wait3A_632 = tpu.memref_slice %arg11[%dma_wait3A_625, %dma_wait3A_631] : memref<4x128xi32, #tpu.memory_space<vmem>> -> memref<1x128xi32, #tpu.memory_space<vmem>>
        %dma_wait3A_633 = tpu.memref_squeeze %dma_wait3A_632 : memref<1x128xi32, #tpu.memory_space<vmem>> -> memref<128xi32, #tpu.memory_space<vmem>>
        %dma_wait3A_634 = arith.constant 0 : i32
        %dma_wait3A_635 = tpu.memref_slice %arg4[%dma_wait3A_634] : memref<819200xi32, #tpu.memory_space<hbm>> -> memref<128xi32, #tpu.memory_space<hbm>>
        tpu.wait_dma2 semaphore(%arg22 : memref<!tpu.dma_semaphore, #tpu.memory_space<semaphore_mem>>) src(%dma_wait3A_635 : memref<128xi32, #tpu.memory_space<hbm>>) dst(%dma_wait3A_633 : memref<128xi32, #tpu.memory_space<vmem>>)
        %dma_start3A_636 = arith.constant 1 : i32
        %dma_start3A_637 = arith.constant 1 : i32
        %dma_start3A_638 = arith.constant 0 : i32
        %dma_start3A_639 = arith.constant 0 : i32
        %dma_start3A_640 = tpu.memref_slice %arg12[%dma_start3A_637, %dma_start3A_638, %dma_start3A_639] : memref<4x128x64xbf16, #tpu.memory_space<vmem>> -> memref<1x128x64xbf16, #tpu.memory_space<vmem>>
        %dma_start3A_641 = tpu.memref_squeeze %dma_start3A_640 : memref<1x128x64xbf16, #tpu.memory_space<vmem>> -> memref<128x64xbf16, #tpu.memory_space<vmem>>
        %dma_start3A_642 = arith.constant 0 : i32
        %dma_start3A_643 = tpu.memref_slice %arg9[%dma_start3A_636, %dma_start3A_642] : memref<4x128xi32, #tpu.memory_space<vmem>> -> memref<1x128xi32, #tpu.memory_space<vmem>>
        %dma_start3A_644 = tpu.memref_squeeze %dma_start3A_643 : memref<1x128xi32, #tpu.memory_space<vmem>> -> memref<128xi32, #tpu.memory_space<vmem>>
        %dma_start3A_645 = arith.constant 0 : i32
        %dma_start3A_646 = arith.constant 0 : i32
        %dma_start3A_647 = tpu.memref_slice %arg5[%dma_start3A_645, %dma_start3A_646] : memref<1000000x64xbf16, #tpu.memory_space<hbm>> -> memref<1000000x64xbf16, #tpu.memory_space<hbm>>
        tpu.enqueue_indirect_dma source(%dma_start3A_647 : memref<1000000x64xbf16, #tpu.memory_space<hbm>>) target(%dma_start3A_641 : memref<128x64xbf16, #tpu.memory_space<vmem>>) offsets(%dma_start3A_644 : memref<128xi32, #tpu.memory_space<vmem>>) semaphore(%arg18 : memref<!tpu.dma_semaphore, #tpu.memory_space<semaphore_mem>>)
        %dma_start3A_648 = arith.constant 1 : i32
        %dma_start3A_649 = arith.constant 1 : i32
        %dma_start3A_650 = arith.constant 0 : i32
        %dma_start3A_651 = arith.constant 0 : i32
        %dma_start3A_652 = tpu.memref_slice %arg13[%dma_start3A_649, %dma_start3A_650, %dma_start3A_651] : memref<4x128x64xbf16, #tpu.memory_space<vmem>> -> memref<1x128x64xbf16, #tpu.memory_space<vmem>>
        %dma_start3A_653 = tpu.memref_squeeze %dma_start3A_652 : memref<1x128x64xbf16, #tpu.memory_space<vmem>> -> memref<128x64xbf16, #tpu.memory_space<vmem>>
        %dma_start3A_654 = arith.constant 0 : i32
        %dma_start3A_655 = tpu.memref_slice %arg10[%dma_start3A_648, %dma_start3A_654] : memref<4x128xi32, #tpu.memory_space<vmem>> -> memref<1x128xi32, #tpu.memory_space<vmem>>
        %dma_start3A_656 = tpu.memref_squeeze %dma_start3A_655 : memref<1x128xi32, #tpu.memory_space<vmem>> -> memref<128xi32, #tpu.memory_space<vmem>>
        %dma_start3A_657 = arith.constant 0 : i32
        %dma_start3A_658 = arith.constant 0 : i32
        %dma_start3A_659 = tpu.memref_slice %arg6[%dma_start3A_657, %dma_start3A_658] : memref<1000000x64xbf16, #tpu.memory_space<hbm>> -> memref<1000000x64xbf16, #tpu.memory_space<hbm>>
        tpu.enqueue_indirect_dma source(%dma_start3A_659 : memref<1000000x64xbf16, #tpu.memory_space<hbm>>) target(%dma_start3A_653 : memref<128x64xbf16, #tpu.memory_space<vmem>>) offsets(%dma_start3A_656 : memref<128xi32, #tpu.memory_space<vmem>>) semaphore(%arg18 : memref<!tpu.dma_semaphore, #tpu.memory_space<semaphore_mem>>)
        %dma_start3A_660 = arith.constant 1 : i32
        %dma_start3A_661 = arith.constant 1 : i32
        %dma_start3A_662 = arith.constant 0 : i32
        %dma_start3A_663 = arith.constant 0 : i32
        %dma_start3A_664 = tpu.memref_slice %arg14[%dma_start3A_661, %dma_start3A_662, %dma_start3A_663] : memref<4x128x64xbf16, #tpu.memory_space<vmem>> -> memref<1x128x64xbf16, #tpu.memory_space<vmem>>
        %dma_start3A_665 = tpu.memref_squeeze %dma_start3A_664 : memref<1x128x64xbf16, #tpu.memory_space<vmem>> -> memref<128x64xbf16, #tpu.memory_space<vmem>>
        %dma_start3A_666 = arith.constant 0 : i32
        %dma_start3A_667 = tpu.memref_slice %arg11[%dma_start3A_660, %dma_start3A_666] : memref<4x128xi32, #tpu.memory_space<vmem>> -> memref<1x128xi32, #tpu.memory_space<vmem>>
        %dma_start3A_668 = tpu.memref_squeeze %dma_start3A_667 : memref<1x128xi32, #tpu.memory_space<vmem>> -> memref<128xi32, #tpu.memory_space<vmem>>
        %dma_start3A_669 = arith.constant 0 : i32
        %dma_start3A_670 = arith.constant 0 : i32
        %dma_start3A_671 = tpu.memref_slice %arg6[%dma_start3A_669, %dma_start3A_670] : memref<1000000x64xbf16, #tpu.memory_space<hbm>> -> memref<1000000x64xbf16, #tpu.memory_space<hbm>>
        tpu.enqueue_indirect_dma source(%dma_start3A_671 : memref<1000000x64xbf16, #tpu.memory_space<hbm>>) target(%dma_start3A_665 : memref<128x64xbf16, #tpu.memory_space<vmem>>) offsets(%dma_start3A_668 : memref<128xi32, #tpu.memory_space<vmem>>) semaphore(%arg18 : memref<!tpu.dma_semaphore, #tpu.memory_space<semaphore_mem>>)
      } else {
      }
      %mul3A_429 = arith.constant 4 : i32
      %mul3A_430 = arith.muli %scan3A_260, %mul3A_429 : i32
      %add3A_431 = arith.constant 2 : i32
      %add3A_432 = arith.addi %mul3A_430, %add3A_431 : i32
      %dma_wait3A_433 = arith.constant 2 : i32
      %dma_wait3A_434 = arith.constant 2 : i32
      %dma_wait3A_435 = arith.constant 0 : i32
      %dma_wait3A_436 = arith.constant 0 : i32
      %dma_wait3A_437 = tpu.memref_slice %arg12[%dma_wait3A_434, %dma_wait3A_435, %dma_wait3A_436] : memref<4x128x64xbf16, #tpu.memory_space<vmem>> -> memref<1x128x64xbf16, #tpu.memory_space<vmem>>
      %dma_wait3A_438 = tpu.memref_squeeze %dma_wait3A_437 : memref<1x128x64xbf16, #tpu.memory_space<vmem>> -> memref<128x64xbf16, #tpu.memory_space<vmem>>
      %dma_wait3A_439 = arith.constant 0 : i32
      %dma_wait3A_440 = tpu.memref_slice %arg9[%dma_wait3A_433, %dma_wait3A_439] : memref<4x128xi32, #tpu.memory_space<vmem>> -> memref<1x128xi32, #tpu.memory_space<vmem>>
      %dma_wait3A_441 = tpu.memref_squeeze %dma_wait3A_440 : memref<1x128xi32, #tpu.memory_space<vmem>> -> memref<128xi32, #tpu.memory_space<vmem>>
      %dma_wait3A_442 = arith.constant 0 : i32
      %dma_wait3A_443 = arith.constant 0 : i32
      %dma_wait3A_444 = tpu.memref_slice %arg5[%dma_wait3A_442, %dma_wait3A_443] : memref<1000000x64xbf16, #tpu.memory_space<hbm>> -> memref<1000000x64xbf16, #tpu.memory_space<hbm>>
      tpu.wait_indirect_dma semaphore(%arg19 : memref<!tpu.dma_semaphore, #tpu.memory_space<semaphore_mem>>) src(%dma_wait3A_444 : memref<1000000x64xbf16, #tpu.memory_space<hbm>>) dst(%dma_wait3A_438 : memref<128x64xbf16, #tpu.memory_space<vmem>>)
      %dma_wait3A_445 = arith.constant 2 : i32
      %dma_wait3A_446 = arith.constant 2 : i32
      %dma_wait3A_447 = arith.constant 0 : i32
      %dma_wait3A_448 = arith.constant 0 : i32
      %dma_wait3A_449 = tpu.memref_slice %arg13[%dma_wait3A_446, %dma_wait3A_447, %dma_wait3A_448] : memref<4x128x64xbf16, #tpu.memory_space<vmem>> -> memref<1x128x64xbf16, #tpu.memory_space<vmem>>
      %dma_wait3A_450 = tpu.memref_squeeze %dma_wait3A_449 : memref<1x128x64xbf16, #tpu.memory_space<vmem>> -> memref<128x64xbf16, #tpu.memory_space<vmem>>
      %dma_wait3A_451 = arith.constant 0 : i32
      %dma_wait3A_452 = tpu.memref_slice %arg10[%dma_wait3A_445, %dma_wait3A_451] : memref<4x128xi32, #tpu.memory_space<vmem>> -> memref<1x128xi32, #tpu.memory_space<vmem>>
      %dma_wait3A_453 = tpu.memref_squeeze %dma_wait3A_452 : memref<1x128xi32, #tpu.memory_space<vmem>> -> memref<128xi32, #tpu.memory_space<vmem>>
      %dma_wait3A_454 = arith.constant 0 : i32
      %dma_wait3A_455 = arith.constant 0 : i32
      %dma_wait3A_456 = tpu.memref_slice %arg6[%dma_wait3A_454, %dma_wait3A_455] : memref<1000000x64xbf16, #tpu.memory_space<hbm>> -> memref<1000000x64xbf16, #tpu.memory_space<hbm>>
      tpu.wait_indirect_dma semaphore(%arg19 : memref<!tpu.dma_semaphore, #tpu.memory_space<semaphore_mem>>) src(%dma_wait3A_456 : memref<1000000x64xbf16, #tpu.memory_space<hbm>>) dst(%dma_wait3A_450 : memref<128x64xbf16, #tpu.memory_space<vmem>>)
      %dma_wait3A_457 = arith.constant 2 : i32
      %dma_wait3A_458 = arith.constant 2 : i32
      %dma_wait3A_459 = arith.constant 0 : i32
      %dma_wait3A_460 = arith.constant 0 : i32
      %dma_wait3A_461 = tpu.memref_slice %arg14[%dma_wait3A_458, %dma_wait3A_459, %dma_wait3A_460] : memref<4x128x64xbf16, #tpu.memory_space<vmem>> -> memref<1x128x64xbf16, #tpu.memory_space<vmem>>
      %dma_wait3A_462 = tpu.memref_squeeze %dma_wait3A_461 : memref<1x128x64xbf16, #tpu.memory_space<vmem>> -> memref<128x64xbf16, #tpu.memory_space<vmem>>
      %dma_wait3A_463 = arith.constant 0 : i32
      %dma_wait3A_464 = tpu.memref_slice %arg11[%dma_wait3A_457, %dma_wait3A_463] : memref<4x128xi32, #tpu.memory_space<vmem>> -> memref<1x128xi32, #tpu.memory_space<vmem>>
      %dma_wait3A_465 = tpu.memref_squeeze %dma_wait3A_464 : memref<1x128xi32, #tpu.memory_space<vmem>> -> memref<128xi32, #tpu.memory_space<vmem>>
      %dma_wait3A_466 = arith.constant 0 : i32
      %dma_wait3A_467 = arith.constant 0 : i32
      %dma_wait3A_468 = tpu.memref_slice %arg6[%dma_wait3A_466, %dma_wait3A_467] : memref<1000000x64xbf16, #tpu.memory_space<hbm>> -> memref<1000000x64xbf16, #tpu.memory_space<hbm>>
      tpu.wait_indirect_dma semaphore(%arg19 : memref<!tpu.dma_semaphore, #tpu.memory_space<semaphore_mem>>) src(%dma_wait3A_468 : memref<1000000x64xbf16, #tpu.memory_space<hbm>>) dst(%dma_wait3A_462 : memref<128x64xbf16, #tpu.memory_space<vmem>>)
      %lt3A_469 = arith.constant 196 : i32
      %lt3A_470 = arith.cmpi slt, %add3A_432, %lt3A_469 : i32
      %convert_element_type3A_471 = arith.extui %lt3A_470 : i1 to i32
      %cond3A_472 = arith.constant 0 : i32
      %cond3A_473 = arith.cmpi ne, %convert_element_type3A_471, %cond3A_472 : i32
      scf.if %cond3A_473 {
        %add3A_603 = arith.constant 4 : i32
        %add3A_604 = arith.addi %add3A_432, %add3A_603 : i32
        %mul3A_605 = arith.constant 128 : i32
        %mul3A_606 = arith.muli %add3A_604, %mul3A_605 : i32
        %add3A_607 = arith.addi %mul3A_2, %mul3A_606 : i32
        %multiple_of3A_608 = tpu.assume_multiple %add3A_607, 128 : i32
        %dma_start3A_609 = arith.constant 2 : i32
        %dma_start3A_610 = arith.constant 0 : i32
        %dma_start3A_611 = tpu.memref_slice %arg9[%dma_start3A_609, %dma_start3A_610] : memref<4x128xi32, #tpu.memory_space<vmem>> -> memref<1x128xi32, #tpu.memory_space<vmem>>
        %dma_start3A_612 = tpu.memref_squeeze %dma_start3A_611 : memref<1x128xi32, #tpu.memory_space<vmem>> -> memref<128xi32, #tpu.memory_space<vmem>>
        %dma_start3A_613 = tpu.memref_slice %arg2[%multiple_of3A_608] : memref<819200xi32, #tpu.memory_space<hbm>> -> memref<128xi32, #tpu.memory_space<hbm>>
        %dma_start3A_614 = arith.constant 0 : i32
        %dma_start3A_615 = tpu.memref_slice %arg9[%dma_start3A_609, %dma_start3A_614] : memref<4x128xi32, #tpu.memory_space<vmem>> -> memref<1x128xi32, #tpu.memory_space<vmem>>
        %dma_start3A_616 = tpu.memref_squeeze %dma_start3A_615 : memref<1x128xi32, #tpu.memory_space<vmem>> -> memref<128xi32, #tpu.memory_space<vmem>>
        %dma_start3A_617 = tpu.memref_slice %arg2[%multiple_of3A_608] : memref<819200xi32, #tpu.memory_space<hbm>> -> memref<128xi32, #tpu.memory_space<hbm>>
        tpu.enqueue_dma source(%dma_start3A_617 : memref<128xi32, #tpu.memory_space<hbm>>) target(%dma_start3A_616 : memref<128xi32, #tpu.memory_space<vmem>>) target_semaphore(%arg23 : memref<!tpu.dma_semaphore, #tpu.memory_space<semaphore_mem>>)
        %dma_start3A_618 = arith.constant 2 : i32
        %dma_start3A_619 = arith.constant 0 : i32
        %dma_start3A_620 = tpu.memref_slice %arg10[%dma_start3A_618, %dma_start3A_619] : memref<4x128xi32, #tpu.memory_space<vmem>> -> memref<1x128xi32, #tpu.memory_space<vmem>>
        %dma_start3A_621 = tpu.memref_squeeze %dma_start3A_620 : memref<1x128xi32, #tpu.memory_space<vmem>> -> memref<128xi32, #tpu.memory_space<vmem>>
        %dma_start3A_622 = tpu.memref_slice %arg3[%multiple_of3A_608] : memref<819200xi32, #tpu.memory_space<hbm>> -> memref<128xi32, #tpu.memory_space<hbm>>
        %dma_start3A_623 = arith.constant 0 : i32
        %dma_start3A_624 = tpu.memref_slice %arg10[%dma_start3A_618, %dma_start3A_623] : memref<4x128xi32, #tpu.memory_space<vmem>> -> memref<1x128xi32, #tpu.memory_space<vmem>>
        %dma_start3A_625 = tpu.memref_squeeze %dma_start3A_624 : memref<1x128xi32, #tpu.memory_space<vmem>> -> memref<128xi32, #tpu.memory_space<vmem>>
        %dma_start3A_626 = tpu.memref_slice %arg3[%multiple_of3A_608] : memref<819200xi32, #tpu.memory_space<hbm>> -> memref<128xi32, #tpu.memory_space<hbm>>
        tpu.enqueue_dma source(%dma_start3A_626 : memref<128xi32, #tpu.memory_space<hbm>>) target(%dma_start3A_625 : memref<128xi32, #tpu.memory_space<vmem>>) target_semaphore(%arg23 : memref<!tpu.dma_semaphore, #tpu.memory_space<semaphore_mem>>)
        %dma_start3A_627 = arith.constant 2 : i32
        %dma_start3A_628 = arith.constant 0 : i32
        %dma_start3A_629 = tpu.memref_slice %arg11[%dma_start3A_627, %dma_start3A_628] : memref<4x128xi32, #tpu.memory_space<vmem>> -> memref<1x128xi32, #tpu.memory_space<vmem>>
        %dma_start3A_630 = tpu.memref_squeeze %dma_start3A_629 : memref<1x128xi32, #tpu.memory_space<vmem>> -> memref<128xi32, #tpu.memory_space<vmem>>
        %dma_start3A_631 = tpu.memref_slice %arg4[%multiple_of3A_608] : memref<819200xi32, #tpu.memory_space<hbm>> -> memref<128xi32, #tpu.memory_space<hbm>>
        %dma_start3A_632 = arith.constant 0 : i32
        %dma_start3A_633 = tpu.memref_slice %arg11[%dma_start3A_627, %dma_start3A_632] : memref<4x128xi32, #tpu.memory_space<vmem>> -> memref<1x128xi32, #tpu.memory_space<vmem>>
        %dma_start3A_634 = tpu.memref_squeeze %dma_start3A_633 : memref<1x128xi32, #tpu.memory_space<vmem>> -> memref<128xi32, #tpu.memory_space<vmem>>
        %dma_start3A_635 = tpu.memref_slice %arg4[%multiple_of3A_608] : memref<819200xi32, #tpu.memory_space<hbm>> -> memref<128xi32, #tpu.memory_space<hbm>>
        tpu.enqueue_dma source(%dma_start3A_635 : memref<128xi32, #tpu.memory_space<hbm>>) target(%dma_start3A_634 : memref<128xi32, #tpu.memory_space<vmem>>) target_semaphore(%arg23 : memref<!tpu.dma_semaphore, #tpu.memory_space<semaphore_mem>>)
      } else {
      }
      %ge3A_474 = arith.constant 4 : i32
      %ge3A_475 = arith.cmpi sge, %add3A_432, %ge3A_474 : i32
      %convert_element_type3A_476 = arith.extui %ge3A_475 : i1 to i32
      %cond3A_477 = arith.constant 0 : i32
      %cond3A_478 = arith.cmpi ne, %convert_element_type3A_476, %cond3A_477 : i32
      scf.if %cond3A_478 {
        %dma_wait3A_603 = arith.constant 2 : i32
        %dma_wait3A_604 = arith.constant 0 : i32
        %dma_wait3A_605 = tpu.memref_slice %arg15[%dma_wait3A_603, %dma_wait3A_604] : memref<4x128xf32, #tpu.memory_space<vmem>> -> memref<1x128xf32, #tpu.memory_space<vmem>>
        %dma_wait3A_606 = tpu.memref_squeeze %dma_wait3A_605 : memref<1x128xf32, #tpu.memory_space<vmem>> -> memref<128xf32, #tpu.memory_space<vmem>>
        %dma_wait3A_607 = arith.constant 0 : i32
        %dma_wait3A_608 = tpu.memref_slice %arg7[%dma_wait3A_607] : memref<819200xf32, #tpu.memory_space<hbm>> -> memref<128xf32, #tpu.memory_space<hbm>>
        %dma_wait3A_609 = arith.constant 0 : i32
        %dma_wait3A_610 = tpu.memref_slice %arg7[%dma_wait3A_609] : memref<819200xf32, #tpu.memory_space<hbm>> -> memref<128xf32, #tpu.memory_space<hbm>>
        %dma_wait3A_611 = arith.constant 0 : i32
        %dma_wait3A_612 = tpu.memref_slice %arg15[%dma_wait3A_603, %dma_wait3A_611] : memref<4x128xf32, #tpu.memory_space<vmem>> -> memref<1x128xf32, #tpu.memory_space<vmem>>
        %dma_wait3A_613 = tpu.memref_squeeze %dma_wait3A_612 : memref<1x128xf32, #tpu.memory_space<vmem>> -> memref<128xf32, #tpu.memory_space<vmem>>
        tpu.wait_dma2 semaphore(%arg27 : memref<!tpu.dma_semaphore, #tpu.memory_space<semaphore_mem>>) src(%dma_wait3A_613 : memref<128xf32, #tpu.memory_space<vmem>>) dst(%dma_wait3A_610 : memref<128xf32, #tpu.memory_space<hbm>>)
        %dma_wait3A_614 = arith.constant 2 : i32
        %dma_wait3A_615 = arith.constant 0 : i32
        %dma_wait3A_616 = tpu.memref_slice %arg16[%dma_wait3A_614, %dma_wait3A_615] : memref<4x128xf32, #tpu.memory_space<vmem>> -> memref<1x128xf32, #tpu.memory_space<vmem>>
        %dma_wait3A_617 = tpu.memref_squeeze %dma_wait3A_616 : memref<1x128xf32, #tpu.memory_space<vmem>> -> memref<128xf32, #tpu.memory_space<vmem>>
        %dma_wait3A_618 = arith.constant 0 : i32
        %dma_wait3A_619 = tpu.memref_slice %arg8[%dma_wait3A_618] : memref<819200xf32, #tpu.memory_space<hbm>> -> memref<128xf32, #tpu.memory_space<hbm>>
        %dma_wait3A_620 = arith.constant 0 : i32
        %dma_wait3A_621 = tpu.memref_slice %arg8[%dma_wait3A_620] : memref<819200xf32, #tpu.memory_space<hbm>> -> memref<128xf32, #tpu.memory_space<hbm>>
        %dma_wait3A_622 = arith.constant 0 : i32
        %dma_wait3A_623 = tpu.memref_slice %arg16[%dma_wait3A_614, %dma_wait3A_622] : memref<4x128xf32, #tpu.memory_space<vmem>> -> memref<1x128xf32, #tpu.memory_space<vmem>>
        %dma_wait3A_624 = tpu.memref_squeeze %dma_wait3A_623 : memref<1x128xf32, #tpu.memory_space<vmem>> -> memref<128xf32, #tpu.memory_space<vmem>>
        tpu.wait_dma2 semaphore(%arg27 : memref<!tpu.dma_semaphore, #tpu.memory_space<semaphore_mem>>) src(%dma_wait3A_624 : memref<128xf32, #tpu.memory_space<vmem>>) dst(%dma_wait3A_621 : memref<128xf32, #tpu.memory_space<hbm>>)
      } else {
      }
      %iota3A_479 = tpu.iota {dimensions = array<i32: 0>} : vector<16xi32>
      %eq3A_480 = arith.constant 15 : i32
      %eq3A_481 = vector.broadcast %eq3A_480 : i32 to vector<16xi32>
      %eq3A_482 = arith.cmpi eq, %iota3A_479, %eq3A_481 : vector<16xi32>
      %scan3A_483 = arith.constant 0 : i32
      %scan3A_484 = arith.constant 0 : i32
      %scan3A_485 = arith.constant 128 : i32
      %scan3A_486 = arith.addi %scan3A_484, %scan3A_485 : i32
      %scan3A_487 = arith.constant 4 : i32
      scf.for %scan3A_603 = %scan3A_484 to %scan3A_486 step %scan3A_487  : i32 {
        %get3A = arith.constant 2 : i32
        %get3A_604 = arith.index_cast %get3A : i32 to index
        %get3A_605 = arith.index_cast %scan3A_603 : i32 to index
        %get3A_606 = arith.constant 0 : index
        %get3A_607 = tpu.vector_load %arg12[%get3A_604, %get3A_605, %get3A_606] {strides = array<i32>} : memref<4x128x64xbf16, #tpu.memory_space<vmem>>, vector<32xbf16>,
        %unpack3A = tpu.unpack_subelements %get3A_607, 0 {pack_format = #tpu.pack_format<interleaved>} : vector<32xbf16> -> vector<16xf32>
        %unpack3A_608 = tpu.unpack_subelements %get3A_607, 1 {pack_format = #tpu.pack_format<interleaved>} : vector<32xbf16> -> vector<16xf32>
        %get3A_609 = arith.constant 2 : i32
        %get3A_610 = arith.index_cast %get3A_609 : i32 to index
        %get3A_611 = arith.index_cast %scan3A_603 : i32 to index
        %get3A_612 = arith.constant 0 : index
        %get3A_613 = tpu.vector_load %arg13[%get3A_610, %get3A_611, %get3A_612] {strides = array<i32>} : memref<4x128x64xbf16, #tpu.memory_space<vmem>>, vector<32xbf16>,
        %unpack3A_614 = tpu.unpack_subelements %get3A_613, 0 {pack_format = #tpu.pack_format<interleaved>} : vector<32xbf16> -> vector<16xf32>
        %unpack3A_615 = tpu.unpack_subelements %get3A_613, 1 {pack_format = #tpu.pack_format<interleaved>} : vector<32xbf16> -> vector<16xf32>
        %get3A_616 = arith.constant 2 : i32
        %get3A_617 = arith.index_cast %get3A_616 : i32 to index
        %get3A_618 = arith.index_cast %scan3A_603 : i32 to index
        %get3A_619 = arith.constant 0 : index
        %get3A_620 = tpu.vector_load %arg14[%get3A_617, %get3A_618, %get3A_619] {strides = array<i32>} : memref<4x128x64xbf16, #tpu.memory_space<vmem>>, vector<32xbf16>,
        %unpack3A_621 = tpu.unpack_subelements %get3A_620, 0 {pack_format = #tpu.pack_format<interleaved>} : vector<32xbf16> -> vector<16xf32>
        %unpack3A_622 = tpu.unpack_subelements %get3A_620, 1 {pack_format = #tpu.pack_format<interleaved>} : vector<32xbf16> -> vector<16xf32>
        %mul3A_623 = arith.mulf %unpack3A, %unpack3A_614 : vector<16xf32>
        %mul3A_624 = arith.mulf %unpack3A, %unpack3A_621 : vector<16xf32>
        %mul3A_625 = arith.mulf %unpack3A_608, %unpack3A_615 : vector<16xf32>
        %add3A_626 = arith.addf %mul3A_623, %mul3A_625 : vector<16xf32>
        %mul3A_627 = arith.mulf %unpack3A_608, %unpack3A_622 : vector<16xf32>
        %add3A_628 = arith.addf %mul3A_624, %mul3A_627 : vector<16xf32>
        %get3A_629 = arith.constant 2 : i32
        %get3A_630 = arith.index_cast %get3A_629 : i32 to index
        %get3A_631 = arith.index_cast %scan3A_603 : i32 to index
        %get3A_632 = arith.constant 32 : index
        %get3A_633 = tpu.vector_load %arg12[%get3A_630, %get3A_631, %get3A_632] {strides = array<i32>} : memref<4x128x64xbf16, #tpu.memory_space<vmem>>, vector<32xbf16>,
        %unpack3A_634 = tpu.unpack_subelements %get3A_633, 0 {pack_format = #tpu.pack_format<interleaved>} : vector<32xbf16> -> vector<16xf32>
        %unpack3A_635 = tpu.unpack_subelements %get3A_633, 1 {pack_format = #tpu.pack_format<interleaved>} : vector<32xbf16> -> vector<16xf32>
        %get3A_636 = arith.constant 2 : i32
        %get3A_637 = arith.index_cast %get3A_636 : i32 to index
        %get3A_638 = arith.index_cast %scan3A_603 : i32 to index
        %get3A_639 = arith.constant 32 : index
        %get3A_640 = tpu.vector_load %arg13[%get3A_637, %get3A_638, %get3A_639] {strides = array<i32>} : memref<4x128x64xbf16, #tpu.memory_space<vmem>>, vector<32xbf16>,
        %unpack3A_641 = tpu.unpack_subelements %get3A_640, 0 {pack_format = #tpu.pack_format<interleaved>} : vector<32xbf16> -> vector<16xf32>
        %unpack3A_642 = tpu.unpack_subelements %get3A_640, 1 {pack_format = #tpu.pack_format<interleaved>} : vector<32xbf16> -> vector<16xf32>
        %get3A_643 = arith.constant 2 : i32
        %get3A_644 = arith.index_cast %get3A_643 : i32 to index
        %get3A_645 = arith.index_cast %scan3A_603 : i32 to index
        %get3A_646 = arith.constant 32 : index
        %get3A_647 = tpu.vector_load %arg14[%get3A_644, %get3A_645, %get3A_646] {strides = array<i32>} : memref<4x128x64xbf16, #tpu.memory_space<vmem>>, vector<32xbf16>,
        %unpack3A_648 = tpu.unpack_subelements %get3A_647, 0 {pack_format = #tpu.pack_format<interleaved>} : vector<32xbf16> -> vector<16xf32>
        %unpack3A_649 = tpu.unpack_subelements %get3A_647, 1 {pack_format = #tpu.pack_format<interleaved>} : vector<32xbf16> -> vector<16xf32>
        %mul3A_650 = arith.mulf %unpack3A_634, %unpack3A_641 : vector<16xf32>
        %add3A_651 = arith.addf %add3A_626, %mul3A_650 : vector<16xf32>
        %mul3A_652 = arith.mulf %unpack3A_634, %unpack3A_648 : vector<16xf32>
        %add3A_653 = arith.addf %add3A_628, %mul3A_652 : vector<16xf32>
        %mul3A_654 = arith.mulf %unpack3A_635, %unpack3A_642 : vector<16xf32>
        %add3A_655 = arith.addf %add3A_651, %mul3A_654 : vector<16xf32>
        %mul3A_656 = arith.mulf %unpack3A_635, %unpack3A_649 : vector<16xf32>
        %add3A_657 = arith.addf %add3A_653, %mul3A_656 : vector<16xf32>
        %broadcast_in_dim3A = arith.constant 0 : i32
        %broadcast_in_dim3A_658 = vector.broadcast %broadcast_in_dim3A : i32 to vector<16xi32>
        %add3A_659 = vector.broadcast %scan3A_603 : i32 to vector<16xi32>
        %add3A_660 = arith.addi %broadcast_in_dim3A_658, %add3A_659 : vector<16xi32>
        %broadcast_in_dim3A_661 = arith.constant true
        %broadcast_in_dim3A_662 = vector.broadcast %broadcast_in_dim3A_661 : i1 to vector<16xi1>
        %masked_cumsum3A = tpu.scan <sum>, %add3A_655 masked %broadcast_in_dim3A_662 : vector<16xf32>, vector<16xi1> -> vector<16xf32>
        %scatter3A = arith.constant 2 : i32
        %scatter3A_663 = arith.constant 0 : i32
        %scatter3A_664 = tpu.memref_slice %arg15[%scatter3A, %scatter3A_663] : memref<4x128xf32, #tpu.memory_space<vmem>> -> memref<1x128xf32, #tpu.memory_space<vmem>>
        %scatter3A_665 = tpu.memref_squeeze %scatter3A_664 : memref<1x128xf32, #tpu.memory_space<vmem>> -> memref<128xf32, #tpu.memory_space<vmem>>
        tpu.vector_store_idx %scatter3A_665[%add3A_660], %masked_cumsum3A masked %eq3A_482 : memref<128xf32, #tpu.memory_space<vmem>>[vector<16xi32>], vector<16xf32>, vector<16xi1>
        %broadcast_in_dim3A_666 = arith.constant true
        %broadcast_in_dim3A_667 = vector.broadcast %broadcast_in_dim3A_666 : i1 to vector<16xi1>
        %masked_cumsum3A_668 = tpu.scan <sum>, %add3A_657 masked %broadcast_in_dim3A_667 : vector<16xf32>, vector<16xi1> -> vector<16xf32>
        %scatter3A_669 = arith.constant 2 : i32
        %scatter3A_670 = arith.constant 0 : i32
        %scatter3A_671 = tpu.memref_slice %arg16[%scatter3A_669, %scatter3A_670] : memref<4x128xf32, #tpu.memory_space<vmem>> -> memref<1x128xf32, #tpu.memory_space<vmem>>
        %scatter3A_672 = tpu.memref_squeeze %scatter3A_671 : memref<1x128xf32, #tpu.memory_space<vmem>> -> memref<128xf32, #tpu.memory_space<vmem>>
        tpu.vector_store_idx %scatter3A_672[%add3A_660], %masked_cumsum3A_668 masked %eq3A_482 : memref<128xf32, #tpu.memory_space<vmem>>[vector<16xi32>], vector<16xf32>, vector<16xi1>
        %scan3A_673 = arith.constant 1 : i32
        %scan3A_674 = arith.addi %scan3A_603, %scan3A_673 : i32
        %get3A_675 = arith.constant 2 : i32
        %get3A_676 = arith.index_cast %get3A_675 : i32 to index
        %get3A_677 = arith.index_cast %scan3A_674 : i32 to index
        %get3A_678 = arith.constant 0 : index
        %get3A_679 = tpu.vector_load %arg12[%get3A_676, %get3A_677, %get3A_678] {strides = array<i32>} : memref<4x128x64xbf16, #tpu.memory_space<vmem>>, vector<32xbf16>,
        %unpack3A_680 = tpu.unpack_subelements %get3A_679, 0 {pack_format = #tpu.pack_format<interleaved>} : vector<32xbf16> -> vector<16xf32>
        %unpack3A_681 = tpu.unpack_subelements %get3A_679, 1 {pack_format = #tpu.pack_format<interleaved>} : vector<32xbf16> -> vector<16xf32>
        %get3A_682 = arith.constant 2 : i32
        %get3A_683 = arith.index_cast %get3A_682 : i32 to index
        %get3A_684 = arith.index_cast %scan3A_674 : i32 to index
        %get3A_685 = arith.constant 0 : index
        %get3A_686 = tpu.vector_load %arg13[%get3A_683, %get3A_684, %get3A_685] {strides = array<i32>} : memref<4x128x64xbf16, #tpu.memory_space<vmem>>, vector<32xbf16>,
        %unpack3A_687 = tpu.unpack_subelements %get3A_686, 0 {pack_format = #tpu.pack_format<interleaved>} : vector<32xbf16> -> vector<16xf32>
        %unpack3A_688 = tpu.unpack_subelements %get3A_686, 1 {pack_format = #tpu.pack_format<interleaved>} : vector<32xbf16> -> vector<16xf32>
        %get3A_689 = arith.constant 2 : i32
        %get3A_690 = arith.index_cast %get3A_689 : i32 to index
        %get3A_691 = arith.index_cast %scan3A_674 : i32 to index
        %get3A_692 = arith.constant 0 : index
        %get3A_693 = tpu.vector_load %arg14[%get3A_690, %get3A_691, %get3A_692] {strides = array<i32>} : memref<4x128x64xbf16, #tpu.memory_space<vmem>>, vector<32xbf16>,
        %unpack3A_694 = tpu.unpack_subelements %get3A_693, 0 {pack_format = #tpu.pack_format<interleaved>} : vector<32xbf16> -> vector<16xf32>
        %unpack3A_695 = tpu.unpack_subelements %get3A_693, 1 {pack_format = #tpu.pack_format<interleaved>} : vector<32xbf16> -> vector<16xf32>
        %mul3A_696 = arith.mulf %unpack3A_680, %unpack3A_687 : vector<16xf32>
        %mul3A_697 = arith.mulf %unpack3A_680, %unpack3A_694 : vector<16xf32>
        %mul3A_698 = arith.mulf %unpack3A_681, %unpack3A_688 : vector<16xf32>
        %add3A_699 = arith.addf %mul3A_696, %mul3A_698 : vector<16xf32>
        %mul3A_700 = arith.mulf %unpack3A_681, %unpack3A_695 : vector<16xf32>
        %add3A_701 = arith.addf %mul3A_697, %mul3A_700 : vector<16xf32>
        %get3A_702 = arith.constant 2 : i32
        %get3A_703 = arith.index_cast %get3A_702 : i32 to index
        %get3A_704 = arith.index_cast %scan3A_674 : i32 to index
        %get3A_705 = arith.constant 32 : index
        %get3A_706 = tpu.vector_load %arg12[%get3A_703, %get3A_704, %get3A_705] {strides = array<i32>} : memref<4x128x64xbf16, #tpu.memory_space<vmem>>, vector<32xbf16>,
        %unpack3A_707 = tpu.unpack_subelements %get3A_706, 0 {pack_format = #tpu.pack_format<interleaved>} : vector<32xbf16> -> vector<16xf32>
        %unpack3A_708 = tpu.unpack_subelements %get3A_706, 1 {pack_format = #tpu.pack_format<interleaved>} : vector<32xbf16> -> vector<16xf32>
        %get3A_709 = arith.constant 2 : i32
        %get3A_710 = arith.index_cast %get3A_709 : i32 to index
        %get3A_711 = arith.index_cast %scan3A_674 : i32 to index
        %get3A_712 = arith.constant 32 : index
        %get3A_713 = tpu.vector_load %arg13[%get3A_710, %get3A_711, %get3A_712] {strides = array<i32>} : memref<4x128x64xbf16, #tpu.memory_space<vmem>>, vector<32xbf16>,
        %unpack3A_714 = tpu.unpack_subelements %get3A_713, 0 {pack_format = #tpu.pack_format<interleaved>} : vector<32xbf16> -> vector<16xf32>
        %unpack3A_715 = tpu.unpack_subelements %get3A_713, 1 {pack_format = #tpu.pack_format<interleaved>} : vector<32xbf16> -> vector<16xf32>
        %get3A_716 = arith.constant 2 : i32
        %get3A_717 = arith.index_cast %get3A_716 : i32 to index
        %get3A_718 = arith.index_cast %scan3A_674 : i32 to index
        %get3A_719 = arith.constant 32 : index
        %get3A_720 = tpu.vector_load %arg14[%get3A_717, %get3A_718, %get3A_719] {strides = array<i32>} : memref<4x128x64xbf16, #tpu.memory_space<vmem>>, vector<32xbf16>,
        %unpack3A_721 = tpu.unpack_subelements %get3A_720, 0 {pack_format = #tpu.pack_format<interleaved>} : vector<32xbf16> -> vector<16xf32>
        %unpack3A_722 = tpu.unpack_subelements %get3A_720, 1 {pack_format = #tpu.pack_format<interleaved>} : vector<32xbf16> -> vector<16xf32>
        %mul3A_723 = arith.mulf %unpack3A_707, %unpack3A_714 : vector<16xf32>
        %add3A_724 = arith.addf %add3A_699, %mul3A_723 : vector<16xf32>
        %mul3A_725 = arith.mulf %unpack3A_707, %unpack3A_721 : vector<16xf32>
        %add3A_726 = arith.addf %add3A_701, %mul3A_725 : vector<16xf32>
        %mul3A_727 = arith.mulf %unpack3A_708, %unpack3A_715 : vector<16xf32>
        %add3A_728 = arith.addf %add3A_724, %mul3A_727 : vector<16xf32>
        %mul3A_729 = arith.mulf %unpack3A_708, %unpack3A_722 : vector<16xf32>
        %add3A_730 = arith.addf %add3A_726, %mul3A_729 : vector<16xf32>
        %broadcast_in_dim3A_731 = arith.constant 0 : i32
        %broadcast_in_dim3A_732 = vector.broadcast %broadcast_in_dim3A_731 : i32 to vector<16xi32>
        %add3A_733 = vector.broadcast %scan3A_674 : i32 to vector<16xi32>
        %add3A_734 = arith.addi %broadcast_in_dim3A_732, %add3A_733 : vector<16xi32>
        %broadcast_in_dim3A_735 = arith.constant true
        %broadcast_in_dim3A_736 = vector.broadcast %broadcast_in_dim3A_735 : i1 to vector<16xi1>
        %masked_cumsum3A_737 = tpu.scan <sum>, %add3A_728 masked %broadcast_in_dim3A_736 : vector<16xf32>, vector<16xi1> -> vector<16xf32>
        %scatter3A_738 = arith.constant 2 : i32
        %scatter3A_739 = arith.constant 0 : i32
        %scatter3A_740 = tpu.memref_slice %arg15[%scatter3A_738, %scatter3A_739] : memref<4x128xf32, #tpu.memory_space<vmem>> -> memref<1x128xf32, #tpu.memory_space<vmem>>
        %scatter3A_741 = tpu.memref_squeeze %scatter3A_740 : memref<1x128xf32, #tpu.memory_space<vmem>> -> memref<128xf32, #tpu.memory_space<vmem>>
        tpu.vector_store_idx %scatter3A_741[%add3A_734], %masked_cumsum3A_737 masked %eq3A_482 : memref<128xf32, #tpu.memory_space<vmem>>[vector<16xi32>], vector<16xf32>, vector<16xi1>
        %broadcast_in_dim3A_742 = arith.constant true
        %broadcast_in_dim3A_743 = vector.broadcast %broadcast_in_dim3A_742 : i1 to vector<16xi1>
        %masked_cumsum3A_744 = tpu.scan <sum>, %add3A_730 masked %broadcast_in_dim3A_743 : vector<16xf32>, vector<16xi1> -> vector<16xf32>
        %scatter3A_745 = arith.constant 2 : i32
        %scatter3A_746 = arith.constant 0 : i32
        %scatter3A_747 = tpu.memref_slice %arg16[%scatter3A_745, %scatter3A_746] : memref<4x128xf32, #tpu.memory_space<vmem>> -> memref<1x128xf32, #tpu.memory_space<vmem>>
        %scatter3A_748 = tpu.memref_squeeze %scatter3A_747 : memref<1x128xf32, #tpu.memory_space<vmem>> -> memref<128xf32, #tpu.memory_space<vmem>>
        tpu.vector_store_idx %scatter3A_748[%add3A_734], %masked_cumsum3A_744 masked %eq3A_482 : memref<128xf32, #tpu.memory_space<vmem>>[vector<16xi32>], vector<16xf32>, vector<16xi1>
        %scan3A_749 = arith.constant 2 : i32
        %scan3A_750 = arith.addi %scan3A_603, %scan3A_749 : i32
        %get3A_751 = arith.constant 2 : i32
        %get3A_752 = arith.index_cast %get3A_751 : i32 to index
        %get3A_753 = arith.index_cast %scan3A_750 : i32 to index
        %get3A_754 = arith.constant 0 : index
        %get3A_755 = tpu.vector_load %arg12[%get3A_752, %get3A_753, %get3A_754] {strides = array<i32>} : memref<4x128x64xbf16, #tpu.memory_space<vmem>>, vector<32xbf16>,
        %unpack3A_756 = tpu.unpack_subelements %get3A_755, 0 {pack_format = #tpu.pack_format<interleaved>} : vector<32xbf16> -> vector<16xf32>
        %unpack3A_757 = tpu.unpack_subelements %get3A_755, 1 {pack_format = #tpu.pack_format<interleaved>} : vector<32xbf16> -> vector<16xf32>
        %get3A_758 = arith.constant 2 : i32
        %get3A_759 = arith.index_cast %get3A_758 : i32 to index
        %get3A_760 = arith.index_cast %scan3A_750 : i32 to index
        %get3A_761 = arith.constant 0 : index
        %get3A_762 = tpu.vector_load %arg13[%get3A_759, %get3A_760, %get3A_761] {strides = array<i32>} : memref<4x128x64xbf16, #tpu.memory_space<vmem>>, vector<32xbf16>,
        %unpack3A_763 = tpu.unpack_subelements %get3A_762, 0 {pack_format = #tpu.pack_format<interleaved>} : vector<32xbf16> -> vector<16xf32>
        %unpack3A_764 = tpu.unpack_subelements %get3A_762, 1 {pack_format = #tpu.pack_format<interleaved>} : vector<32xbf16> -> vector<16xf32>
        %get3A_765 = arith.constant 2 : i32
        %get3A_766 = arith.index_cast %get3A_765 : i32 to index
        %get3A_767 = arith.index_cast %scan3A_750 : i32 to index
        %get3A_768 = arith.constant 0 : index
        %get3A_769 = tpu.vector_load %arg14[%get3A_766, %get3A_767, %get3A_768] {strides = array<i32>} : memref<4x128x64xbf16, #tpu.memory_space<vmem>>, vector<32xbf16>,
        %unpack3A_770 = tpu.unpack_subelements %get3A_769, 0 {pack_format = #tpu.pack_format<interleaved>} : vector<32xbf16> -> vector<16xf32>
        %unpack3A_771 = tpu.unpack_subelements %get3A_769, 1 {pack_format = #tpu.pack_format<interleaved>} : vector<32xbf16> -> vector<16xf32>
        %mul3A_772 = arith.mulf %unpack3A_756, %unpack3A_763 : vector<16xf32>
        %mul3A_773 = arith.mulf %unpack3A_756, %unpack3A_770 : vector<16xf32>
        %mul3A_774 = arith.mulf %unpack3A_757, %unpack3A_764 : vector<16xf32>
        %add3A_775 = arith.addf %mul3A_772, %mul3A_774 : vector<16xf32>
        %mul3A_776 = arith.mulf %unpack3A_757, %unpack3A_771 : vector<16xf32>
        %add3A_777 = arith.addf %mul3A_773, %mul3A_776 : vector<16xf32>
        %get3A_778 = arith.constant 2 : i32
        %get3A_779 = arith.index_cast %get3A_778 : i32 to index
        %get3A_780 = arith.index_cast %scan3A_750 : i32 to index
        %get3A_781 = arith.constant 32 : index
        %get3A_782 = tpu.vector_load %arg12[%get3A_779, %get3A_780, %get3A_781] {strides = array<i32>} : memref<4x128x64xbf16, #tpu.memory_space<vmem>>, vector<32xbf16>,
        %unpack3A_783 = tpu.unpack_subelements %get3A_782, 0 {pack_format = #tpu.pack_format<interleaved>} : vector<32xbf16> -> vector<16xf32>
        %unpack3A_784 = tpu.unpack_subelements %get3A_782, 1 {pack_format = #tpu.pack_format<interleaved>} : vector<32xbf16> -> vector<16xf32>
        %get3A_785 = arith.constant 2 : i32
        %get3A_786 = arith.index_cast %get3A_785 : i32 to index
        %get3A_787 = arith.index_cast %scan3A_750 : i32 to index
        %get3A_788 = arith.constant 32 : index
        %get3A_789 = tpu.vector_load %arg13[%get3A_786, %get3A_787, %get3A_788] {strides = array<i32>} : memref<4x128x64xbf16, #tpu.memory_space<vmem>>, vector<32xbf16>,
        %unpack3A_790 = tpu.unpack_subelements %get3A_789, 0 {pack_format = #tpu.pack_format<interleaved>} : vector<32xbf16> -> vector<16xf32>
        %unpack3A_791 = tpu.unpack_subelements %get3A_789, 1 {pack_format = #tpu.pack_format<interleaved>} : vector<32xbf16> -> vector<16xf32>
        %get3A_792 = arith.constant 2 : i32
        %get3A_793 = arith.index_cast %get3A_792 : i32 to index
        %get3A_794 = arith.index_cast %scan3A_750 : i32 to index
        %get3A_795 = arith.constant 32 : index
        %get3A_796 = tpu.vector_load %arg14[%get3A_793, %get3A_794, %get3A_795] {strides = array<i32>} : memref<4x128x64xbf16, #tpu.memory_space<vmem>>, vector<32xbf16>,
        %unpack3A_797 = tpu.unpack_subelements %get3A_796, 0 {pack_format = #tpu.pack_format<interleaved>} : vector<32xbf16> -> vector<16xf32>
        %unpack3A_798 = tpu.unpack_subelements %get3A_796, 1 {pack_format = #tpu.pack_format<interleaved>} : vector<32xbf16> -> vector<16xf32>
        %mul3A_799 = arith.mulf %unpack3A_783, %unpack3A_790 : vector<16xf32>
        %add3A_800 = arith.addf %add3A_775, %mul3A_799 : vector<16xf32>
        %mul3A_801 = arith.mulf %unpack3A_783, %unpack3A_797 : vector<16xf32>
        %add3A_802 = arith.addf %add3A_777, %mul3A_801 : vector<16xf32>
        %mul3A_803 = arith.mulf %unpack3A_784, %unpack3A_791 : vector<16xf32>
        %add3A_804 = arith.addf %add3A_800, %mul3A_803 : vector<16xf32>
        %mul3A_805 = arith.mulf %unpack3A_784, %unpack3A_798 : vector<16xf32>
        %add3A_806 = arith.addf %add3A_802, %mul3A_805 : vector<16xf32>
        %broadcast_in_dim3A_807 = arith.constant 0 : i32
        %broadcast_in_dim3A_808 = vector.broadcast %broadcast_in_dim3A_807 : i32 to vector<16xi32>
        %add3A_809 = vector.broadcast %scan3A_750 : i32 to vector<16xi32>
        %add3A_810 = arith.addi %broadcast_in_dim3A_808, %add3A_809 : vector<16xi32>
        %broadcast_in_dim3A_811 = arith.constant true
        %broadcast_in_dim3A_812 = vector.broadcast %broadcast_in_dim3A_811 : i1 to vector<16xi1>
        %masked_cumsum3A_813 = tpu.scan <sum>, %add3A_804 masked %broadcast_in_dim3A_812 : vector<16xf32>, vector<16xi1> -> vector<16xf32>
        %scatter3A_814 = arith.constant 2 : i32
        %scatter3A_815 = arith.constant 0 : i32
        %scatter3A_816 = tpu.memref_slice %arg15[%scatter3A_814, %scatter3A_815] : memref<4x128xf32, #tpu.memory_space<vmem>> -> memref<1x128xf32, #tpu.memory_space<vmem>>
        %scatter3A_817 = tpu.memref_squeeze %scatter3A_816 : memref<1x128xf32, #tpu.memory_space<vmem>> -> memref<128xf32, #tpu.memory_space<vmem>>
        tpu.vector_store_idx %scatter3A_817[%add3A_810], %masked_cumsum3A_813 masked %eq3A_482 : memref<128xf32, #tpu.memory_space<vmem>>[vector<16xi32>], vector<16xf32>, vector<16xi1>
        %broadcast_in_dim3A_818 = arith.constant true
        %broadcast_in_dim3A_819 = vector.broadcast %broadcast_in_dim3A_818 : i1 to vector<16xi1>
        %masked_cumsum3A_820 = tpu.scan <sum>, %add3A_806 masked %broadcast_in_dim3A_819 : vector<16xf32>, vector<16xi1> -> vector<16xf32>
        %scatter3A_821 = arith.constant 2 : i32
        %scatter3A_822 = arith.constant 0 : i32
        %scatter3A_823 = tpu.memref_slice %arg16[%scatter3A_821, %scatter3A_822] : memref<4x128xf32, #tpu.memory_space<vmem>> -> memref<1x128xf32, #tpu.memory_space<vmem>>
        %scatter3A_824 = tpu.memref_squeeze %scatter3A_823 : memref<1x128xf32, #tpu.memory_space<vmem>> -> memref<128xf32, #tpu.memory_space<vmem>>
        tpu.vector_store_idx %scatter3A_824[%add3A_810], %masked_cumsum3A_820 masked %eq3A_482 : memref<128xf32, #tpu.memory_space<vmem>>[vector<16xi32>], vector<16xf32>, vector<16xi1>
        %scan3A_825 = arith.constant 3 : i32
        %scan3A_826 = arith.addi %scan3A_603, %scan3A_825 : i32
        %get3A_827 = arith.constant 2 : i32
        %get3A_828 = arith.index_cast %get3A_827 : i32 to index
        %get3A_829 = arith.index_cast %scan3A_826 : i32 to index
        %get3A_830 = arith.constant 0 : index
        %get3A_831 = tpu.vector_load %arg12[%get3A_828, %get3A_829, %get3A_830] {strides = array<i32>} : memref<4x128x64xbf16, #tpu.memory_space<vmem>>, vector<32xbf16>,
        %unpack3A_832 = tpu.unpack_subelements %get3A_831, 0 {pack_format = #tpu.pack_format<interleaved>} : vector<32xbf16> -> vector<16xf32>
        %unpack3A_833 = tpu.unpack_subelements %get3A_831, 1 {pack_format = #tpu.pack_format<interleaved>} : vector<32xbf16> -> vector<16xf32>
        %get3A_834 = arith.constant 2 : i32
        %get3A_835 = arith.index_cast %get3A_834 : i32 to index
        %get3A_836 = arith.index_cast %scan3A_826 : i32 to index
        %get3A_837 = arith.constant 0 : index
        %get3A_838 = tpu.vector_load %arg13[%get3A_835, %get3A_836, %get3A_837] {strides = array<i32>} : memref<4x128x64xbf16, #tpu.memory_space<vmem>>, vector<32xbf16>,
        %unpack3A_839 = tpu.unpack_subelements %get3A_838, 0 {pack_format = #tpu.pack_format<interleaved>} : vector<32xbf16> -> vector<16xf32>
        %unpack3A_840 = tpu.unpack_subelements %get3A_838, 1 {pack_format = #tpu.pack_format<interleaved>} : vector<32xbf16> -> vector<16xf32>
        %get3A_841 = arith.constant 2 : i32
        %get3A_842 = arith.index_cast %get3A_841 : i32 to index
        %get3A_843 = arith.index_cast %scan3A_826 : i32 to index
        %get3A_844 = arith.constant 0 : index
        %get3A_845 = tpu.vector_load %arg14[%get3A_842, %get3A_843, %get3A_844] {strides = array<i32>} : memref<4x128x64xbf16, #tpu.memory_space<vmem>>, vector<32xbf16>,
        %unpack3A_846 = tpu.unpack_subelements %get3A_845, 0 {pack_format = #tpu.pack_format<interleaved>} : vector<32xbf16> -> vector<16xf32>
        %unpack3A_847 = tpu.unpack_subelements %get3A_845, 1 {pack_format = #tpu.pack_format<interleaved>} : vector<32xbf16> -> vector<16xf32>
        %mul3A_848 = arith.mulf %unpack3A_832, %unpack3A_839 : vector<16xf32>
        %mul3A_849 = arith.mulf %unpack3A_832, %unpack3A_846 : vector<16xf32>
        %mul3A_850 = arith.mulf %unpack3A_833, %unpack3A_840 : vector<16xf32>
        %add3A_851 = arith.addf %mul3A_848, %mul3A_850 : vector<16xf32>
        %mul3A_852 = arith.mulf %unpack3A_833, %unpack3A_847 : vector<16xf32>
        %add3A_853 = arith.addf %mul3A_849, %mul3A_852 : vector<16xf32>
        %get3A_854 = arith.constant 2 : i32
        %get3A_855 = arith.index_cast %get3A_854 : i32 to index
        %get3A_856 = arith.index_cast %scan3A_826 : i32 to index
        %get3A_857 = arith.constant 32 : index
        %get3A_858 = tpu.vector_load %arg12[%get3A_855, %get3A_856, %get3A_857] {strides = array<i32>} : memref<4x128x64xbf16, #tpu.memory_space<vmem>>, vector<32xbf16>,
        %unpack3A_859 = tpu.unpack_subelements %get3A_858, 0 {pack_format = #tpu.pack_format<interleaved>} : vector<32xbf16> -> vector<16xf32>
        %unpack3A_860 = tpu.unpack_subelements %get3A_858, 1 {pack_format = #tpu.pack_format<interleaved>} : vector<32xbf16> -> vector<16xf32>
        %get3A_861 = arith.constant 2 : i32
        %get3A_862 = arith.index_cast %get3A_861 : i32 to index
        %get3A_863 = arith.index_cast %scan3A_826 : i32 to index
        %get3A_864 = arith.constant 32 : index
        %get3A_865 = tpu.vector_load %arg13[%get3A_862, %get3A_863, %get3A_864] {strides = array<i32>} : memref<4x128x64xbf16, #tpu.memory_space<vmem>>, vector<32xbf16>,
        %unpack3A_866 = tpu.unpack_subelements %get3A_865, 0 {pack_format = #tpu.pack_format<interleaved>} : vector<32xbf16> -> vector<16xf32>
        %unpack3A_867 = tpu.unpack_subelements %get3A_865, 1 {pack_format = #tpu.pack_format<interleaved>} : vector<32xbf16> -> vector<16xf32>
        %get3A_868 = arith.constant 2 : i32
        %get3A_869 = arith.index_cast %get3A_868 : i32 to index
        %get3A_870 = arith.index_cast %scan3A_826 : i32 to index
        %get3A_871 = arith.constant 32 : index
        %get3A_872 = tpu.vector_load %arg14[%get3A_869, %get3A_870, %get3A_871] {strides = array<i32>} : memref<4x128x64xbf16, #tpu.memory_space<vmem>>, vector<32xbf16>,
        %unpack3A_873 = tpu.unpack_subelements %get3A_872, 0 {pack_format = #tpu.pack_format<interleaved>} : vector<32xbf16> -> vector<16xf32>
        %unpack3A_874 = tpu.unpack_subelements %get3A_872, 1 {pack_format = #tpu.pack_format<interleaved>} : vector<32xbf16> -> vector<16xf32>
        %mul3A_875 = arith.mulf %unpack3A_859, %unpack3A_866 : vector<16xf32>
        %add3A_876 = arith.addf %add3A_851, %mul3A_875 : vector<16xf32>
        %mul3A_877 = arith.mulf %unpack3A_859, %unpack3A_873 : vector<16xf32>
        %add3A_878 = arith.addf %add3A_853, %mul3A_877 : vector<16xf32>
        %mul3A_879 = arith.mulf %unpack3A_860, %unpack3A_867 : vector<16xf32>
        %add3A_880 = arith.addf %add3A_876, %mul3A_879 : vector<16xf32>
        %mul3A_881 = arith.mulf %unpack3A_860, %unpack3A_874 : vector<16xf32>
        %add3A_882 = arith.addf %add3A_878, %mul3A_881 : vector<16xf32>
        %broadcast_in_dim3A_883 = arith.constant 0 : i32
        %broadcast_in_dim3A_884 = vector.broadcast %broadcast_in_dim3A_883 : i32 to vector<16xi32>
        %add3A_885 = vector.broadcast %scan3A_826 : i32 to vector<16xi32>
        %add3A_886 = arith.addi %broadcast_in_dim3A_884, %add3A_885 : vector<16xi32>
        %broadcast_in_dim3A_887 = arith.constant true
        %broadcast_in_dim3A_888 = vector.broadcast %broadcast_in_dim3A_887 : i1 to vector<16xi1>
        %masked_cumsum3A_889 = tpu.scan <sum>, %add3A_880 masked %broadcast_in_dim3A_888 : vector<16xf32>, vector<16xi1> -> vector<16xf32>
        %scatter3A_890 = arith.constant 2 : i32
        %scatter3A_891 = arith.constant 0 : i32
        %scatter3A_892 = tpu.memref_slice %arg15[%scatter3A_890, %scatter3A_891] : memref<4x128xf32, #tpu.memory_space<vmem>> -> memref<1x128xf32, #tpu.memory_space<vmem>>
        %scatter3A_893 = tpu.memref_squeeze %scatter3A_892 : memref<1x128xf32, #tpu.memory_space<vmem>> -> memref<128xf32, #tpu.memory_space<vmem>>
        tpu.vector_store_idx %scatter3A_893[%add3A_886], %masked_cumsum3A_889 masked %eq3A_482 : memref<128xf32, #tpu.memory_space<vmem>>[vector<16xi32>], vector<16xf32>, vector<16xi1>
        %broadcast_in_dim3A_894 = arith.constant true
        %broadcast_in_dim3A_895 = vector.broadcast %broadcast_in_dim3A_894 : i1 to vector<16xi1>
        %masked_cumsum3A_896 = tpu.scan <sum>, %add3A_882 masked %broadcast_in_dim3A_895 : vector<16xf32>, vector<16xi1> -> vector<16xf32>
        %scatter3A_897 = arith.constant 2 : i32
        %scatter3A_898 = arith.constant 0 : i32
        %scatter3A_899 = tpu.memref_slice %arg16[%scatter3A_897, %scatter3A_898] : memref<4x128xf32, #tpu.memory_space<vmem>> -> memref<1x128xf32, #tpu.memory_space<vmem>>
        %scatter3A_900 = tpu.memref_squeeze %scatter3A_899 : memref<1x128xf32, #tpu.memory_space<vmem>> -> memref<128xf32, #tpu.memory_space<vmem>>
        tpu.vector_store_idx %scatter3A_900[%add3A_886], %masked_cumsum3A_896 masked %eq3A_482 : memref<128xf32, #tpu.memory_space<vmem>>[vector<16xi32>], vector<16xf32>, vector<16xi1>
      }
      %scan3A_488 = arith.constant 128 : i32
      %mul3A_489 = arith.constant 128 : i32
      %mul3A_490 = arith.muli %add3A_432, %mul3A_489 : i32
      %add3A_491 = arith.addi %mul3A_2, %mul3A_490 : i32
      %multiple_of3A_492 = tpu.assume_multiple %add3A_491, 128 : i32
      %dma_start3A_493 = arith.constant 2 : i32
      %dma_start3A_494 = arith.constant 0 : i32
      %dma_start3A_495 = tpu.memref_slice %arg15[%dma_start3A_493, %dma_start3A_494] : memref<4x128xf32, #tpu.memory_space<vmem>> -> memref<1x128xf32, #tpu.memory_space<vmem>>
      %dma_start3A_496 = tpu.memref_squeeze %dma_start3A_495 : memref<1x128xf32, #tpu.memory_space<vmem>> -> memref<128xf32, #tpu.memory_space<vmem>>
      %dma_start3A_497 = tpu.memref_slice %arg7[%multiple_of3A_492] : memref<819200xf32, #tpu.memory_space<hbm>> -> memref<128xf32, #tpu.memory_space<hbm>>
      %dma_start3A_498 = tpu.memref_slice %arg7[%multiple_of3A_492] : memref<819200xf32, #tpu.memory_space<hbm>> -> memref<128xf32, #tpu.memory_space<hbm>>
      %dma_start3A_499 = arith.constant 0 : i32
      %dma_start3A_500 = tpu.memref_slice %arg15[%dma_start3A_493, %dma_start3A_499] : memref<4x128xf32, #tpu.memory_space<vmem>> -> memref<1x128xf32, #tpu.memory_space<vmem>>
      %dma_start3A_501 = tpu.memref_squeeze %dma_start3A_500 : memref<1x128xf32, #tpu.memory_space<vmem>> -> memref<128xf32, #tpu.memory_space<vmem>>
      tpu.enqueue_dma source(%dma_start3A_501 : memref<128xf32, #tpu.memory_space<vmem>>) target(%dma_start3A_498 : memref<128xf32, #tpu.memory_space<hbm>>) target_semaphore(%arg27 : memref<!tpu.dma_semaphore, #tpu.memory_space<semaphore_mem>>)
      %dma_start3A_502 = arith.constant 2 : i32
      %dma_start3A_503 = arith.constant 0 : i32
      %dma_start3A_504 = tpu.memref_slice %arg16[%dma_start3A_502, %dma_start3A_503] : memref<4x128xf32, #tpu.memory_space<vmem>> -> memref<1x128xf32, #tpu.memory_space<vmem>>
      %dma_start3A_505 = tpu.memref_squeeze %dma_start3A_504 : memref<1x128xf32, #tpu.memory_space<vmem>> -> memref<128xf32, #tpu.memory_space<vmem>>
      %dma_start3A_506 = tpu.memref_slice %arg8[%multiple_of3A_492] : memref<819200xf32, #tpu.memory_space<hbm>> -> memref<128xf32, #tpu.memory_space<hbm>>
      %dma_start3A_507 = tpu.memref_slice %arg8[%multiple_of3A_492] : memref<819200xf32, #tpu.memory_space<hbm>> -> memref<128xf32, #tpu.memory_space<hbm>>
      %dma_start3A_508 = arith.constant 0 : i32
      %dma_start3A_509 = tpu.memref_slice %arg16[%dma_start3A_502, %dma_start3A_508] : memref<4x128xf32, #tpu.memory_space<vmem>> -> memref<1x128xf32, #tpu.memory_space<vmem>>
      %dma_start3A_510 = tpu.memref_squeeze %dma_start3A_509 : memref<1x128xf32, #tpu.memory_space<vmem>> -> memref<128xf32, #tpu.memory_space<vmem>>
      tpu.enqueue_dma source(%dma_start3A_510 : memref<128xf32, #tpu.memory_space<vmem>>) target(%dma_start3A_507 : memref<128xf32, #tpu.memory_space<hbm>>) target_semaphore(%arg27 : memref<!tpu.dma_semaphore, #tpu.memory_space<semaphore_mem>>)
      %lt3A_511 = arith.constant 196 : i32
      %lt3A_512 = arith.cmpi slt, %add3A_432, %lt3A_511 : i32
      %convert_element_type3A_513 = arith.extui %lt3A_512 : i1 to i32
      %cond3A_514 = arith.constant 0 : i32
      %cond3A_515 = arith.cmpi ne, %convert_element_type3A_513, %cond3A_514 : i32
      scf.if %cond3A_515 {
        %dma_wait3A_603 = arith.constant 2 : i32
        %dma_wait3A_604 = arith.constant 0 : i32
        %dma_wait3A_605 = tpu.memref_slice %arg9[%dma_wait3A_603, %dma_wait3A_604] : memref<4x128xi32, #tpu.memory_space<vmem>> -> memref<1x128xi32, #tpu.memory_space<vmem>>
        %dma_wait3A_606 = tpu.memref_squeeze %dma_wait3A_605 : memref<1x128xi32, #tpu.memory_space<vmem>> -> memref<128xi32, #tpu.memory_space<vmem>>
        %dma_wait3A_607 = arith.constant 0 : i32
        %dma_wait3A_608 = tpu.memref_slice %arg2[%dma_wait3A_607] : memref<819200xi32, #tpu.memory_space<hbm>> -> memref<128xi32, #tpu.memory_space<hbm>>
        %dma_wait3A_609 = arith.constant 0 : i32
        %dma_wait3A_610 = tpu.memref_slice %arg9[%dma_wait3A_603, %dma_wait3A_609] : memref<4x128xi32, #tpu.memory_space<vmem>> -> memref<1x128xi32, #tpu.memory_space<vmem>>
        %dma_wait3A_611 = tpu.memref_squeeze %dma_wait3A_610 : memref<1x128xi32, #tpu.memory_space<vmem>> -> memref<128xi32, #tpu.memory_space<vmem>>
        %dma_wait3A_612 = arith.constant 0 : i32
        %dma_wait3A_613 = tpu.memref_slice %arg2[%dma_wait3A_612] : memref<819200xi32, #tpu.memory_space<hbm>> -> memref<128xi32, #tpu.memory_space<hbm>>
        tpu.wait_dma2 semaphore(%arg23 : memref<!tpu.dma_semaphore, #tpu.memory_space<semaphore_mem>>) src(%dma_wait3A_613 : memref<128xi32, #tpu.memory_space<hbm>>) dst(%dma_wait3A_611 : memref<128xi32, #tpu.memory_space<vmem>>)
        %dma_wait3A_614 = arith.constant 2 : i32
        %dma_wait3A_615 = arith.constant 0 : i32
        %dma_wait3A_616 = tpu.memref_slice %arg10[%dma_wait3A_614, %dma_wait3A_615] : memref<4x128xi32, #tpu.memory_space<vmem>> -> memref<1x128xi32, #tpu.memory_space<vmem>>
        %dma_wait3A_617 = tpu.memref_squeeze %dma_wait3A_616 : memref<1x128xi32, #tpu.memory_space<vmem>> -> memref<128xi32, #tpu.memory_space<vmem>>
        %dma_wait3A_618 = arith.constant 0 : i32
        %dma_wait3A_619 = tpu.memref_slice %arg3[%dma_wait3A_618] : memref<819200xi32, #tpu.memory_space<hbm>> -> memref<128xi32, #tpu.memory_space<hbm>>
        %dma_wait3A_620 = arith.constant 0 : i32
        %dma_wait3A_621 = tpu.memref_slice %arg10[%dma_wait3A_614, %dma_wait3A_620] : memref<4x128xi32, #tpu.memory_space<vmem>> -> memref<1x128xi32, #tpu.memory_space<vmem>>
        %dma_wait3A_622 = tpu.memref_squeeze %dma_wait3A_621 : memref<1x128xi32, #tpu.memory_space<vmem>> -> memref<128xi32, #tpu.memory_space<vmem>>
        %dma_wait3A_623 = arith.constant 0 : i32
        %dma_wait3A_624 = tpu.memref_slice %arg3[%dma_wait3A_623] : memref<819200xi32, #tpu.memory_space<hbm>> -> memref<128xi32, #tpu.memory_space<hbm>>
        tpu.wait_dma2 semaphore(%arg23 : memref<!tpu.dma_semaphore, #tpu.memory_space<semaphore_mem>>) src(%dma_wait3A_624 : memref<128xi32, #tpu.memory_space<hbm>>) dst(%dma_wait3A_622 : memref<128xi32, #tpu.memory_space<vmem>>)
        %dma_wait3A_625 = arith.constant 2 : i32
        %dma_wait3A_626 = arith.constant 0 : i32
        %dma_wait3A_627 = tpu.memref_slice %arg11[%dma_wait3A_625, %dma_wait3A_626] : memref<4x128xi32, #tpu.memory_space<vmem>> -> memref<1x128xi32, #tpu.memory_space<vmem>>
        %dma_wait3A_628 = tpu.memref_squeeze %dma_wait3A_627 : memref<1x128xi32, #tpu.memory_space<vmem>> -> memref<128xi32, #tpu.memory_space<vmem>>
        %dma_wait3A_629 = arith.constant 0 : i32
        %dma_wait3A_630 = tpu.memref_slice %arg4[%dma_wait3A_629] : memref<819200xi32, #tpu.memory_space<hbm>> -> memref<128xi32, #tpu.memory_space<hbm>>
        %dma_wait3A_631 = arith.constant 0 : i32
        %dma_wait3A_632 = tpu.memref_slice %arg11[%dma_wait3A_625, %dma_wait3A_631] : memref<4x128xi32, #tpu.memory_space<vmem>> -> memref<1x128xi32, #tpu.memory_space<vmem>>
        %dma_wait3A_633 = tpu.memref_squeeze %dma_wait3A_632 : memref<1x128xi32, #tpu.memory_space<vmem>> -> memref<128xi32, #tpu.memory_space<vmem>>
        %dma_wait3A_634 = arith.constant 0 : i32
        %dma_wait3A_635 = tpu.memref_slice %arg4[%dma_wait3A_634] : memref<819200xi32, #tpu.memory_space<hbm>> -> memref<128xi32, #tpu.memory_space<hbm>>
        tpu.wait_dma2 semaphore(%arg23 : memref<!tpu.dma_semaphore, #tpu.memory_space<semaphore_mem>>) src(%dma_wait3A_635 : memref<128xi32, #tpu.memory_space<hbm>>) dst(%dma_wait3A_633 : memref<128xi32, #tpu.memory_space<vmem>>)
        %dma_start3A_636 = arith.constant 2 : i32
        %dma_start3A_637 = arith.constant 2 : i32
        %dma_start3A_638 = arith.constant 0 : i32
        %dma_start3A_639 = arith.constant 0 : i32
        %dma_start3A_640 = tpu.memref_slice %arg12[%dma_start3A_637, %dma_start3A_638, %dma_start3A_639] : memref<4x128x64xbf16, #tpu.memory_space<vmem>> -> memref<1x128x64xbf16, #tpu.memory_space<vmem>>
        %dma_start3A_641 = tpu.memref_squeeze %dma_start3A_640 : memref<1x128x64xbf16, #tpu.memory_space<vmem>> -> memref<128x64xbf16, #tpu.memory_space<vmem>>
        %dma_start3A_642 = arith.constant 0 : i32
        %dma_start3A_643 = tpu.memref_slice %arg9[%dma_start3A_636, %dma_start3A_642] : memref<4x128xi32, #tpu.memory_space<vmem>> -> memref<1x128xi32, #tpu.memory_space<vmem>>
        %dma_start3A_644 = tpu.memref_squeeze %dma_start3A_643 : memref<1x128xi32, #tpu.memory_space<vmem>> -> memref<128xi32, #tpu.memory_space<vmem>>
        %dma_start3A_645 = arith.constant 0 : i32
        %dma_start3A_646 = arith.constant 0 : i32
        %dma_start3A_647 = tpu.memref_slice %arg5[%dma_start3A_645, %dma_start3A_646] : memref<1000000x64xbf16, #tpu.memory_space<hbm>> -> memref<1000000x64xbf16, #tpu.memory_space<hbm>>
        tpu.enqueue_indirect_dma source(%dma_start3A_647 : memref<1000000x64xbf16, #tpu.memory_space<hbm>>) target(%dma_start3A_641 : memref<128x64xbf16, #tpu.memory_space<vmem>>) offsets(%dma_start3A_644 : memref<128xi32, #tpu.memory_space<vmem>>) semaphore(%arg19 : memref<!tpu.dma_semaphore, #tpu.memory_space<semaphore_mem>>)
        %dma_start3A_648 = arith.constant 2 : i32
        %dma_start3A_649 = arith.constant 2 : i32
        %dma_start3A_650 = arith.constant 0 : i32
        %dma_start3A_651 = arith.constant 0 : i32
        %dma_start3A_652 = tpu.memref_slice %arg13[%dma_start3A_649, %dma_start3A_650, %dma_start3A_651] : memref<4x128x64xbf16, #tpu.memory_space<vmem>> -> memref<1x128x64xbf16, #tpu.memory_space<vmem>>
        %dma_start3A_653 = tpu.memref_squeeze %dma_start3A_652 : memref<1x128x64xbf16, #tpu.memory_space<vmem>> -> memref<128x64xbf16, #tpu.memory_space<vmem>>
        %dma_start3A_654 = arith.constant 0 : i32
        %dma_start3A_655 = tpu.memref_slice %arg10[%dma_start3A_648, %dma_start3A_654] : memref<4x128xi32, #tpu.memory_space<vmem>> -> memref<1x128xi32, #tpu.memory_space<vmem>>
        %dma_start3A_656 = tpu.memref_squeeze %dma_start3A_655 : memref<1x128xi32, #tpu.memory_space<vmem>> -> memref<128xi32, #tpu.memory_space<vmem>>
        %dma_start3A_657 = arith.constant 0 : i32
        %dma_start3A_658 = arith.constant 0 : i32
        %dma_start3A_659 = tpu.memref_slice %arg6[%dma_start3A_657, %dma_start3A_658] : memref<1000000x64xbf16, #tpu.memory_space<hbm>> -> memref<1000000x64xbf16, #tpu.memory_space<hbm>>
        tpu.enqueue_indirect_dma source(%dma_start3A_659 : memref<1000000x64xbf16, #tpu.memory_space<hbm>>) target(%dma_start3A_653 : memref<128x64xbf16, #tpu.memory_space<vmem>>) offsets(%dma_start3A_656 : memref<128xi32, #tpu.memory_space<vmem>>) semaphore(%arg19 : memref<!tpu.dma_semaphore, #tpu.memory_space<semaphore_mem>>)
        %dma_start3A_660 = arith.constant 2 : i32
        %dma_start3A_661 = arith.constant 2 : i32
        %dma_start3A_662 = arith.constant 0 : i32
        %dma_start3A_663 = arith.constant 0 : i32
        %dma_start3A_664 = tpu.memref_slice %arg14[%dma_start3A_661, %dma_start3A_662, %dma_start3A_663] : memref<4x128x64xbf16, #tpu.memory_space<vmem>> -> memref<1x128x64xbf16, #tpu.memory_space<vmem>>
        %dma_start3A_665 = tpu.memref_squeeze %dma_start3A_664 : memref<1x128x64xbf16, #tpu.memory_space<vmem>> -> memref<128x64xbf16, #tpu.memory_space<vmem>>
        %dma_start3A_666 = arith.constant 0 : i32
        %dma_start3A_667 = tpu.memref_slice %arg11[%dma_start3A_660, %dma_start3A_666] : memref<4x128xi32, #tpu.memory_space<vmem>> -> memref<1x128xi32, #tpu.memory_space<vmem>>
        %dma_start3A_668 = tpu.memref_squeeze %dma_start3A_667 : memref<1x128xi32, #tpu.memory_space<vmem>> -> memref<128xi32, #tpu.memory_space<vmem>>
        %dma_start3A_669 = arith.constant 0 : i32
        %dma_start3A_670 = arith.constant 0 : i32
        %dma_start3A_671 = tpu.memref_slice %arg6[%dma_start3A_669, %dma_start3A_670] : memref<1000000x64xbf16, #tpu.memory_space<hbm>> -> memref<1000000x64xbf16, #tpu.memory_space<hbm>>
        tpu.enqueue_indirect_dma source(%dma_start3A_671 : memref<1000000x64xbf16, #tpu.memory_space<hbm>>) target(%dma_start3A_665 : memref<128x64xbf16, #tpu.memory_space<vmem>>) offsets(%dma_start3A_668 : memref<128xi32, #tpu.memory_space<vmem>>) semaphore(%arg19 : memref<!tpu.dma_semaphore, #tpu.memory_space<semaphore_mem>>)
      } else {
      }
      %mul3A_516 = arith.constant 4 : i32
      %mul3A_517 = arith.muli %scan3A_260, %mul3A_516 : i32
      %add3A_518 = arith.constant 3 : i32
      %add3A_519 = arith.addi %mul3A_517, %add3A_518 : i32
      %dma_wait3A_520 = arith.constant 3 : i32
      %dma_wait3A_521 = arith.constant 3 : i32
      %dma_wait3A_522 = arith.constant 0 : i32
      %dma_wait3A_523 = arith.constant 0 : i32
      %dma_wait3A_524 = tpu.memref_slice %arg12[%dma_wait3A_521, %dma_wait3A_522, %dma_wait3A_523] : memref<4x128x64xbf16, #tpu.memory_space<vmem>> -> memref<1x128x64xbf16, #tpu.memory_space<vmem>>
      %dma_wait3A_525 = tpu.memref_squeeze %dma_wait3A_524 : memref<1x128x64xbf16, #tpu.memory_space<vmem>> -> memref<128x64xbf16, #tpu.memory_space<vmem>>
      %dma_wait3A_526 = arith.constant 0 : i32
      %dma_wait3A_527 = tpu.memref_slice %arg9[%dma_wait3A_520, %dma_wait3A_526] : memref<4x128xi32, #tpu.memory_space<vmem>> -> memref<1x128xi32, #tpu.memory_space<vmem>>
      %dma_wait3A_528 = tpu.memref_squeeze %dma_wait3A_527 : memref<1x128xi32, #tpu.memory_space<vmem>> -> memref<128xi32, #tpu.memory_space<vmem>>
      %dma_wait3A_529 = arith.constant 0 : i32
      %dma_wait3A_530 = arith.constant 0 : i32
      %dma_wait3A_531 = tpu.memref_slice %arg5[%dma_wait3A_529, %dma_wait3A_530] : memref<1000000x64xbf16, #tpu.memory_space<hbm>> -> memref<1000000x64xbf16, #tpu.memory_space<hbm>>
      tpu.wait_indirect_dma semaphore(%arg20 : memref<!tpu.dma_semaphore, #tpu.memory_space<semaphore_mem>>) src(%dma_wait3A_531 : memref<1000000x64xbf16, #tpu.memory_space<hbm>>) dst(%dma_wait3A_525 : memref<128x64xbf16, #tpu.memory_space<vmem>>)
      %dma_wait3A_532 = arith.constant 3 : i32
      %dma_wait3A_533 = arith.constant 3 : i32
      %dma_wait3A_534 = arith.constant 0 : i32
      %dma_wait3A_535 = arith.constant 0 : i32
      %dma_wait3A_536 = tpu.memref_slice %arg13[%dma_wait3A_533, %dma_wait3A_534, %dma_wait3A_535] : memref<4x128x64xbf16, #tpu.memory_space<vmem>> -> memref<1x128x64xbf16, #tpu.memory_space<vmem>>
      %dma_wait3A_537 = tpu.memref_squeeze %dma_wait3A_536 : memref<1x128x64xbf16, #tpu.memory_space<vmem>> -> memref<128x64xbf16, #tpu.memory_space<vmem>>
      %dma_wait3A_538 = arith.constant 0 : i32
      %dma_wait3A_539 = tpu.memref_slice %arg10[%dma_wait3A_532, %dma_wait3A_538] : memref<4x128xi32, #tpu.memory_space<vmem>> -> memref<1x128xi32, #tpu.memory_space<vmem>>
      %dma_wait3A_540 = tpu.memref_squeeze %dma_wait3A_539 : memref<1x128xi32, #tpu.memory_space<vmem>> -> memref<128xi32, #tpu.memory_space<vmem>>
      %dma_wait3A_541 = arith.constant 0 : i32
      %dma_wait3A_542 = arith.constant 0 : i32
      %dma_wait3A_543 = tpu.memref_slice %arg6[%dma_wait3A_541, %dma_wait3A_542] : memref<1000000x64xbf16, #tpu.memory_space<hbm>> -> memref<1000000x64xbf16, #tpu.memory_space<hbm>>
      tpu.wait_indirect_dma semaphore(%arg20 : memref<!tpu.dma_semaphore, #tpu.memory_space<semaphore_mem>>) src(%dma_wait3A_543 : memref<1000000x64xbf16, #tpu.memory_space<hbm>>) dst(%dma_wait3A_537 : memref<128x64xbf16, #tpu.memory_space<vmem>>)
      %dma_wait3A_544 = arith.constant 3 : i32
      %dma_wait3A_545 = arith.constant 3 : i32
      %dma_wait3A_546 = arith.constant 0 : i32
      %dma_wait3A_547 = arith.constant 0 : i32
      %dma_wait3A_548 = tpu.memref_slice %arg14[%dma_wait3A_545, %dma_wait3A_546, %dma_wait3A_547] : memref<4x128x64xbf16, #tpu.memory_space<vmem>> -> memref<1x128x64xbf16, #tpu.memory_space<vmem>>
      %dma_wait3A_549 = tpu.memref_squeeze %dma_wait3A_548 : memref<1x128x64xbf16, #tpu.memory_space<vmem>> -> memref<128x64xbf16, #tpu.memory_space<vmem>>
      %dma_wait3A_550 = arith.constant 0 : i32
      %dma_wait3A_551 = tpu.memref_slice %arg11[%dma_wait3A_544, %dma_wait3A_550] : memref<4x128xi32, #tpu.memory_space<vmem>> -> memref<1x128xi32, #tpu.memory_space<vmem>>
      %dma_wait3A_552 = tpu.memref_squeeze %dma_wait3A_551 : memref<1x128xi32, #tpu.memory_space<vmem>> -> memref<128xi32, #tpu.memory_space<vmem>>
      %dma_wait3A_553 = arith.constant 0 : i32
      %dma_wait3A_554 = arith.constant 0 : i32
      %dma_wait3A_555 = tpu.memref_slice %arg6[%dma_wait3A_553, %dma_wait3A_554] : memref<1000000x64xbf16, #tpu.memory_space<hbm>> -> memref<1000000x64xbf16, #tpu.memory_space<hbm>>
      tpu.wait_indirect_dma semaphore(%arg20 : memref<!tpu.dma_semaphore, #tpu.memory_space<semaphore_mem>>) src(%dma_wait3A_555 : memref<1000000x64xbf16, #tpu.memory_space<hbm>>) dst(%dma_wait3A_549 : memref<128x64xbf16, #tpu.memory_space<vmem>>)
      %lt3A_556 = arith.constant 196 : i32
      %lt3A_557 = arith.cmpi slt, %add3A_519, %lt3A_556 : i32
      %convert_element_type3A_558 = arith.extui %lt3A_557 : i1 to i32
      %cond3A_559 = arith.constant 0 : i32
      %cond3A_560 = arith.cmpi ne, %convert_element_type3A_558, %cond3A_559 : i32
      scf.if %cond3A_560 {
        %add3A_603 = arith.constant 4 : i32
        %add3A_604 = arith.addi %add3A_519, %add3A_603 : i32
        %mul3A_605 = arith.constant 128 : i32
        %mul3A_606 = arith.muli %add3A_604, %mul3A_605 : i32
        %add3A_607 = arith.addi %mul3A_2, %mul3A_606 : i32
        %multiple_of3A_608 = tpu.assume_multiple %add3A_607, 128 : i32
        %dma_start3A_609 = arith.constant 3 : i32
        %dma_start3A_610 = arith.constant 0 : i32
        %dma_start3A_611 = tpu.memref_slice %arg9[%dma_start3A_609, %dma_start3A_610] : memref<4x128xi32, #tpu.memory_space<vmem>> -> memref<1x128xi32, #tpu.memory_space<vmem>>
        %dma_start3A_612 = tpu.memref_squeeze %dma_start3A_611 : memref<1x128xi32, #tpu.memory_space<vmem>> -> memref<128xi32, #tpu.memory_space<vmem>>
        %dma_start3A_613 = tpu.memref_slice %arg2[%multiple_of3A_608] : memref<819200xi32, #tpu.memory_space<hbm>> -> memref<128xi32, #tpu.memory_space<hbm>>
        %dma_start3A_614 = arith.constant 0 : i32
        %dma_start3A_615 = tpu.memref_slice %arg9[%dma_start3A_609, %dma_start3A_614] : memref<4x128xi32, #tpu.memory_space<vmem>> -> memref<1x128xi32, #tpu.memory_space<vmem>>
        %dma_start3A_616 = tpu.memref_squeeze %dma_start3A_615 : memref<1x128xi32, #tpu.memory_space<vmem>> -> memref<128xi32, #tpu.memory_space<vmem>>
        %dma_start3A_617 = tpu.memref_slice %arg2[%multiple_of3A_608] : memref<819200xi32, #tpu.memory_space<hbm>> -> memref<128xi32, #tpu.memory_space<hbm>>
        tpu.enqueue_dma source(%dma_start3A_617 : memref<128xi32, #tpu.memory_space<hbm>>) target(%dma_start3A_616 : memref<128xi32, #tpu.memory_space<vmem>>) target_semaphore(%arg24 : memref<!tpu.dma_semaphore, #tpu.memory_space<semaphore_mem>>)
        %dma_start3A_618 = arith.constant 3 : i32
        %dma_start3A_619 = arith.constant 0 : i32
        %dma_start3A_620 = tpu.memref_slice %arg10[%dma_start3A_618, %dma_start3A_619] : memref<4x128xi32, #tpu.memory_space<vmem>> -> memref<1x128xi32, #tpu.memory_space<vmem>>
        %dma_start3A_621 = tpu.memref_squeeze %dma_start3A_620 : memref<1x128xi32, #tpu.memory_space<vmem>> -> memref<128xi32, #tpu.memory_space<vmem>>
        %dma_start3A_622 = tpu.memref_slice %arg3[%multiple_of3A_608] : memref<819200xi32, #tpu.memory_space<hbm>> -> memref<128xi32, #tpu.memory_space<hbm>>
        %dma_start3A_623 = arith.constant 0 : i32
        %dma_start3A_624 = tpu.memref_slice %arg10[%dma_start3A_618, %dma_start3A_623] : memref<4x128xi32, #tpu.memory_space<vmem>> -> memref<1x128xi32, #tpu.memory_space<vmem>>
        %dma_start3A_625 = tpu.memref_squeeze %dma_start3A_624 : memref<1x128xi32, #tpu.memory_space<vmem>> -> memref<128xi32, #tpu.memory_space<vmem>>
        %dma_start3A_626 = tpu.memref_slice %arg3[%multiple_of3A_608] : memref<819200xi32, #tpu.memory_space<hbm>> -> memref<128xi32, #tpu.memory_space<hbm>>
        tpu.enqueue_dma source(%dma_start3A_626 : memref<128xi32, #tpu.memory_space<hbm>>) target(%dma_start3A_625 : memref<128xi32, #tpu.memory_space<vmem>>) target_semaphore(%arg24 : memref<!tpu.dma_semaphore, #tpu.memory_space<semaphore_mem>>)
        %dma_start3A_627 = arith.constant 3 : i32
        %dma_start3A_628 = arith.constant 0 : i32
        %dma_start3A_629 = tpu.memref_slice %arg11[%dma_start3A_627, %dma_start3A_628] : memref<4x128xi32, #tpu.memory_space<vmem>> -> memref<1x128xi32, #tpu.memory_space<vmem>>
        %dma_start3A_630 = tpu.memref_squeeze %dma_start3A_629 : memref<1x128xi32, #tpu.memory_space<vmem>> -> memref<128xi32, #tpu.memory_space<vmem>>
        %dma_start3A_631 = tpu.memref_slice %arg4[%multiple_of3A_608] : memref<819200xi32, #tpu.memory_space<hbm>> -> memref<128xi32, #tpu.memory_space<hbm>>
        %dma_start3A_632 = arith.constant 0 : i32
        %dma_start3A_633 = tpu.memref_slice %arg11[%dma_start3A_627, %dma_start3A_632] : memref<4x128xi32, #tpu.memory_space<vmem>> -> memref<1x128xi32, #tpu.memory_space<vmem>>
        %dma_start3A_634 = tpu.memref_squeeze %dma_start3A_633 : memref<1x128xi32, #tpu.memory_space<vmem>> -> memref<128xi32, #tpu.memory_space<vmem>>
        %dma_start3A_635 = tpu.memref_slice %arg4[%multiple_of3A_608] : memref<819200xi32, #tpu.memory_space<hbm>> -> memref<128xi32, #tpu.memory_space<hbm>>
        tpu.enqueue_dma source(%dma_start3A_635 : memref<128xi32, #tpu.memory_space<hbm>>) target(%dma_start3A_634 : memref<128xi32, #tpu.memory_space<vmem>>) target_semaphore(%arg24 : memref<!tpu.dma_semaphore, #tpu.memory_space<semaphore_mem>>)
      } else {
      }
      %ge3A_561 = arith.constant 4 : i32
      %ge3A_562 = arith.cmpi sge, %add3A_519, %ge3A_561 : i32
      %convert_element_type3A_563 = arith.extui %ge3A_562 : i1 to i32
      %cond3A_564 = arith.constant 0 : i32
      %cond3A_565 = arith.cmpi ne, %convert_element_type3A_563, %cond3A_564 : i32
      scf.if %cond3A_565 {
        %dma_wait3A_603 = arith.constant 3 : i32
        %dma_wait3A_604 = arith.constant 0 : i32
        %dma_wait3A_605 = tpu.memref_slice %arg15[%dma_wait3A_603, %dma_wait3A_604] : memref<4x128xf32, #tpu.memory_space<vmem>> -> memref<1x128xf32, #tpu.memory_space<vmem>>
        %dma_wait3A_606 = tpu.memref_squeeze %dma_wait3A_605 : memref<1x128xf32, #tpu.memory_space<vmem>> -> memref<128xf32, #tpu.memory_space<vmem>>
        %dma_wait3A_607 = arith.constant 0 : i32
        %dma_wait3A_608 = tpu.memref_slice %arg7[%dma_wait3A_607] : memref<819200xf32, #tpu.memory_space<hbm>> -> memref<128xf32, #tpu.memory_space<hbm>>
        %dma_wait3A_609 = arith.constant 0 : i32
        %dma_wait3A_610 = tpu.memref_slice %arg7[%dma_wait3A_609] : memref<819200xf32, #tpu.memory_space<hbm>> -> memref<128xf32, #tpu.memory_space<hbm>>
        %dma_wait3A_611 = arith.constant 0 : i32
        %dma_wait3A_612 = tpu.memref_slice %arg15[%dma_wait3A_603, %dma_wait3A_611] : memref<4x128xf32, #tpu.memory_space<vmem>> -> memref<1x128xf32, #tpu.memory_space<vmem>>
        %dma_wait3A_613 = tpu.memref_squeeze %dma_wait3A_612 : memref<1x128xf32, #tpu.memory_space<vmem>> -> memref<128xf32, #tpu.memory_space<vmem>>
        tpu.wait_dma2 semaphore(%arg28 : memref<!tpu.dma_semaphore, #tpu.memory_space<semaphore_mem>>) src(%dma_wait3A_613 : memref<128xf32, #tpu.memory_space<vmem>>) dst(%dma_wait3A_610 : memref<128xf32, #tpu.memory_space<hbm>>)
        %dma_wait3A_614 = arith.constant 3 : i32
        %dma_wait3A_615 = arith.constant 0 : i32
        %dma_wait3A_616 = tpu.memref_slice %arg16[%dma_wait3A_614, %dma_wait3A_615] : memref<4x128xf32, #tpu.memory_space<vmem>> -> memref<1x128xf32, #tpu.memory_space<vmem>>
        %dma_wait3A_617 = tpu.memref_squeeze %dma_wait3A_616 : memref<1x128xf32, #tpu.memory_space<vmem>> -> memref<128xf32, #tpu.memory_space<vmem>>
        %dma_wait3A_618 = arith.constant 0 : i32
        %dma_wait3A_619 = tpu.memref_slice %arg8[%dma_wait3A_618] : memref<819200xf32, #tpu.memory_space<hbm>> -> memref<128xf32, #tpu.memory_space<hbm>>
        %dma_wait3A_620 = arith.constant 0 : i32
        %dma_wait3A_621 = tpu.memref_slice %arg8[%dma_wait3A_620] : memref<819200xf32, #tpu.memory_space<hbm>> -> memref<128xf32, #tpu.memory_space<hbm>>
        %dma_wait3A_622 = arith.constant 0 : i32
        %dma_wait3A_623 = tpu.memref_slice %arg16[%dma_wait3A_614, %dma_wait3A_622] : memref<4x128xf32, #tpu.memory_space<vmem>> -> memref<1x128xf32, #tpu.memory_space<vmem>>
        %dma_wait3A_624 = tpu.memref_squeeze %dma_wait3A_623 : memref<1x128xf32, #tpu.memory_space<vmem>> -> memref<128xf32, #tpu.memory_space<vmem>>
        tpu.wait_dma2 semaphore(%arg28 : memref<!tpu.dma_semaphore, #tpu.memory_space<semaphore_mem>>) src(%dma_wait3A_624 : memref<128xf32, #tpu.memory_space<vmem>>) dst(%dma_wait3A_621 : memref<128xf32, #tpu.memory_space<hbm>>)
      } else {
      }
      %iota3A_566 = tpu.iota {dimensions = array<i32: 0>} : vector<16xi32>
      %eq3A_567 = arith.constant 15 : i32
      %eq3A_568 = vector.broadcast %eq3A_567 : i32 to vector<16xi32>
      %eq3A_569 = arith.cmpi eq, %iota3A_566, %eq3A_568 : vector<16xi32>
      %scan3A_570 = arith.constant 0 : i32
      %scan3A_571 = arith.constant 0 : i32
      %scan3A_572 = arith.constant 128 : i32
      %scan3A_573 = arith.addi %scan3A_571, %scan3A_572 : i32
      %scan3A_574 = arith.constant 4 : i32
      scf.for %scan3A_603 = %scan3A_571 to %scan3A_573 step %scan3A_574  : i32 {
        %get3A = arith.constant 3 : i32
        %get3A_604 = arith.index_cast %get3A : i32 to index
        %get3A_605 = arith.index_cast %scan3A_603 : i32 to index
        %get3A_606 = arith.constant 0 : index
        %get3A_607 = tpu.vector_load %arg12[%get3A_604, %get3A_605, %get3A_606] {strides = array<i32>} : memref<4x128x64xbf16, #tpu.memory_space<vmem>>, vector<32xbf16>,
        %unpack3A = tpu.unpack_subelements %get3A_607, 0 {pack_format = #tpu.pack_format<interleaved>} : vector<32xbf16> -> vector<16xf32>
        %unpack3A_608 = tpu.unpack_subelements %get3A_607, 1 {pack_format = #tpu.pack_format<interleaved>} : vector<32xbf16> -> vector<16xf32>
        %get3A_609 = arith.constant 3 : i32
        %get3A_610 = arith.index_cast %get3A_609 : i32 to index
        %get3A_611 = arith.index_cast %scan3A_603 : i32 to index
        %get3A_612 = arith.constant 0 : index
        %get3A_613 = tpu.vector_load %arg13[%get3A_610, %get3A_611, %get3A_612] {strides = array<i32>} : memref<4x128x64xbf16, #tpu.memory_space<vmem>>, vector<32xbf16>,
        %unpack3A_614 = tpu.unpack_subelements %get3A_613, 0 {pack_format = #tpu.pack_format<interleaved>} : vector<32xbf16> -> vector<16xf32>
        %unpack3A_615 = tpu.unpack_subelements %get3A_613, 1 {pack_format = #tpu.pack_format<interleaved>} : vector<32xbf16> -> vector<16xf32>
        %get3A_616 = arith.constant 3 : i32
        %get3A_617 = arith.index_cast %get3A_616 : i32 to index
        %get3A_618 = arith.index_cast %scan3A_603 : i32 to index
        %get3A_619 = arith.constant 0 : index
        %get3A_620 = tpu.vector_load %arg14[%get3A_617, %get3A_618, %get3A_619] {strides = array<i32>} : memref<4x128x64xbf16, #tpu.memory_space<vmem>>, vector<32xbf16>,
        %unpack3A_621 = tpu.unpack_subelements %get3A_620, 0 {pack_format = #tpu.pack_format<interleaved>} : vector<32xbf16> -> vector<16xf32>
        %unpack3A_622 = tpu.unpack_subelements %get3A_620, 1 {pack_format = #tpu.pack_format<interleaved>} : vector<32xbf16> -> vector<16xf32>
        %mul3A_623 = arith.mulf %unpack3A, %unpack3A_614 : vector<16xf32>
        %mul3A_624 = arith.mulf %unpack3A, %unpack3A_621 : vector<16xf32>
        %mul3A_625 = arith.mulf %unpack3A_608, %unpack3A_615 : vector<16xf32>
        %add3A_626 = arith.addf %mul3A_623, %mul3A_625 : vector<16xf32>
        %mul3A_627 = arith.mulf %unpack3A_608, %unpack3A_622 : vector<16xf32>
        %add3A_628 = arith.addf %mul3A_624, %mul3A_627 : vector<16xf32>
        %get3A_629 = arith.constant 3 : i32
        %get3A_630 = arith.index_cast %get3A_629 : i32 to index
        %get3A_631 = arith.index_cast %scan3A_603 : i32 to index
        %get3A_632 = arith.constant 32 : index
        %get3A_633 = tpu.vector_load %arg12[%get3A_630, %get3A_631, %get3A_632] {strides = array<i32>} : memref<4x128x64xbf16, #tpu.memory_space<vmem>>, vector<32xbf16>,
        %unpack3A_634 = tpu.unpack_subelements %get3A_633, 0 {pack_format = #tpu.pack_format<interleaved>} : vector<32xbf16> -> vector<16xf32>
        %unpack3A_635 = tpu.unpack_subelements %get3A_633, 1 {pack_format = #tpu.pack_format<interleaved>} : vector<32xbf16> -> vector<16xf32>
        %get3A_636 = arith.constant 3 : i32
        %get3A_637 = arith.index_cast %get3A_636 : i32 to index
        %get3A_638 = arith.index_cast %scan3A_603 : i32 to index
        %get3A_639 = arith.constant 32 : index
        %get3A_640 = tpu.vector_load %arg13[%get3A_637, %get3A_638, %get3A_639] {strides = array<i32>} : memref<4x128x64xbf16, #tpu.memory_space<vmem>>, vector<32xbf16>,
        %unpack3A_641 = tpu.unpack_subelements %get3A_640, 0 {pack_format = #tpu.pack_format<interleaved>} : vector<32xbf16> -> vector<16xf32>
        %unpack3A_642 = tpu.unpack_subelements %get3A_640, 1 {pack_format = #tpu.pack_format<interleaved>} : vector<32xbf16> -> vector<16xf32>
        %get3A_643 = arith.constant 3 : i32
        %get3A_644 = arith.index_cast %get3A_643 : i32 to index
        %get3A_645 = arith.index_cast %scan3A_603 : i32 to index
        %get3A_646 = arith.constant 32 : index
        %get3A_647 = tpu.vector_load %arg14[%get3A_644, %get3A_645, %get3A_646] {strides = array<i32>} : memref<4x128x64xbf16, #tpu.memory_space<vmem>>, vector<32xbf16>,
        %unpack3A_648 = tpu.unpack_subelements %get3A_647, 0 {pack_format = #tpu.pack_format<interleaved>} : vector<32xbf16> -> vector<16xf32>
        %unpack3A_649 = tpu.unpack_subelements %get3A_647, 1 {pack_format = #tpu.pack_format<interleaved>} : vector<32xbf16> -> vector<16xf32>
        %mul3A_650 = arith.mulf %unpack3A_634, %unpack3A_641 : vector<16xf32>
        %add3A_651 = arith.addf %add3A_626, %mul3A_650 : vector<16xf32>
        %mul3A_652 = arith.mulf %unpack3A_634, %unpack3A_648 : vector<16xf32>
        %add3A_653 = arith.addf %add3A_628, %mul3A_652 : vector<16xf32>
        %mul3A_654 = arith.mulf %unpack3A_635, %unpack3A_642 : vector<16xf32>
        %add3A_655 = arith.addf %add3A_651, %mul3A_654 : vector<16xf32>
        %mul3A_656 = arith.mulf %unpack3A_635, %unpack3A_649 : vector<16xf32>
        %add3A_657 = arith.addf %add3A_653, %mul3A_656 : vector<16xf32>
        %broadcast_in_dim3A = arith.constant 0 : i32
        %broadcast_in_dim3A_658 = vector.broadcast %broadcast_in_dim3A : i32 to vector<16xi32>
        %add3A_659 = vector.broadcast %scan3A_603 : i32 to vector<16xi32>
        %add3A_660 = arith.addi %broadcast_in_dim3A_658, %add3A_659 : vector<16xi32>
        %broadcast_in_dim3A_661 = arith.constant true
        %broadcast_in_dim3A_662 = vector.broadcast %broadcast_in_dim3A_661 : i1 to vector<16xi1>
        %masked_cumsum3A = tpu.scan <sum>, %add3A_655 masked %broadcast_in_dim3A_662 : vector<16xf32>, vector<16xi1> -> vector<16xf32>
        %scatter3A = arith.constant 3 : i32
        %scatter3A_663 = arith.constant 0 : i32
        %scatter3A_664 = tpu.memref_slice %arg15[%scatter3A, %scatter3A_663] : memref<4x128xf32, #tpu.memory_space<vmem>> -> memref<1x128xf32, #tpu.memory_space<vmem>>
        %scatter3A_665 = tpu.memref_squeeze %scatter3A_664 : memref<1x128xf32, #tpu.memory_space<vmem>> -> memref<128xf32, #tpu.memory_space<vmem>>
        tpu.vector_store_idx %scatter3A_665[%add3A_660], %masked_cumsum3A masked %eq3A_569 : memref<128xf32, #tpu.memory_space<vmem>>[vector<16xi32>], vector<16xf32>, vector<16xi1>
        %broadcast_in_dim3A_666 = arith.constant true
        %broadcast_in_dim3A_667 = vector.broadcast %broadcast_in_dim3A_666 : i1 to vector<16xi1>
        %masked_cumsum3A_668 = tpu.scan <sum>, %add3A_657 masked %broadcast_in_dim3A_667 : vector<16xf32>, vector<16xi1> -> vector<16xf32>
        %scatter3A_669 = arith.constant 3 : i32
        %scatter3A_670 = arith.constant 0 : i32
        %scatter3A_671 = tpu.memref_slice %arg16[%scatter3A_669, %scatter3A_670] : memref<4x128xf32, #tpu.memory_space<vmem>> -> memref<1x128xf32, #tpu.memory_space<vmem>>
        %scatter3A_672 = tpu.memref_squeeze %scatter3A_671 : memref<1x128xf32, #tpu.memory_space<vmem>> -> memref<128xf32, #tpu.memory_space<vmem>>
        tpu.vector_store_idx %scatter3A_672[%add3A_660], %masked_cumsum3A_668 masked %eq3A_569 : memref<128xf32, #tpu.memory_space<vmem>>[vector<16xi32>], vector<16xf32>, vector<16xi1>
        %scan3A_673 = arith.constant 1 : i32
        %scan3A_674 = arith.addi %scan3A_603, %scan3A_673 : i32
        %get3A_675 = arith.constant 3 : i32
        %get3A_676 = arith.index_cast %get3A_675 : i32 to index
        %get3A_677 = arith.index_cast %scan3A_674 : i32 to index
        %get3A_678 = arith.constant 0 : index
        %get3A_679 = tpu.vector_load %arg12[%get3A_676, %get3A_677, %get3A_678] {strides = array<i32>} : memref<4x128x64xbf16, #tpu.memory_space<vmem>>, vector<32xbf16>,
        %unpack3A_680 = tpu.unpack_subelements %get3A_679, 0 {pack_format = #tpu.pack_format<interleaved>} : vector<32xbf16> -> vector<16xf32>
        %unpack3A_681 = tpu.unpack_subelements %get3A_679, 1 {pack_format = #tpu.pack_format<interleaved>} : vector<32xbf16> -> vector<16xf32>
        %get3A_682 = arith.constant 3 : i32
        %get3A_683 = arith.index_cast %get3A_682 : i32 to index
        %get3A_684 = arith.index_cast %scan3A_674 : i32 to index
        %get3A_685 = arith.constant 0 : index
        %get3A_686 = tpu.vector_load %arg13[%get3A_683, %get3A_684, %get3A_685] {strides = array<i32>} : memref<4x128x64xbf16, #tpu.memory_space<vmem>>, vector<32xbf16>,
        %unpack3A_687 = tpu.unpack_subelements %get3A_686, 0 {pack_format = #tpu.pack_format<interleaved>} : vector<32xbf16> -> vector<16xf32>
        %unpack3A_688 = tpu.unpack_subelements %get3A_686, 1 {pack_format = #tpu.pack_format<interleaved>} : vector<32xbf16> -> vector<16xf32>
        %get3A_689 = arith.constant 3 : i32
        %get3A_690 = arith.index_cast %get3A_689 : i32 to index
        %get3A_691 = arith.index_cast %scan3A_674 : i32 to index
        %get3A_692 = arith.constant 0 : index
        %get3A_693 = tpu.vector_load %arg14[%get3A_690, %get3A_691, %get3A_692] {strides = array<i32>} : memref<4x128x64xbf16, #tpu.memory_space<vmem>>, vector<32xbf16>,
        %unpack3A_694 = tpu.unpack_subelements %get3A_693, 0 {pack_format = #tpu.pack_format<interleaved>} : vector<32xbf16> -> vector<16xf32>
        %unpack3A_695 = tpu.unpack_subelements %get3A_693, 1 {pack_format = #tpu.pack_format<interleaved>} : vector<32xbf16> -> vector<16xf32>
        %mul3A_696 = arith.mulf %unpack3A_680, %unpack3A_687 : vector<16xf32>
        %mul3A_697 = arith.mulf %unpack3A_680, %unpack3A_694 : vector<16xf32>
        %mul3A_698 = arith.mulf %unpack3A_681, %unpack3A_688 : vector<16xf32>
        %add3A_699 = arith.addf %mul3A_696, %mul3A_698 : vector<16xf32>
        %mul3A_700 = arith.mulf %unpack3A_681, %unpack3A_695 : vector<16xf32>
        %add3A_701 = arith.addf %mul3A_697, %mul3A_700 : vector<16xf32>
        %get3A_702 = arith.constant 3 : i32
        %get3A_703 = arith.index_cast %get3A_702 : i32 to index
        %get3A_704 = arith.index_cast %scan3A_674 : i32 to index
        %get3A_705 = arith.constant 32 : index
        %get3A_706 = tpu.vector_load %arg12[%get3A_703, %get3A_704, %get3A_705] {strides = array<i32>} : memref<4x128x64xbf16, #tpu.memory_space<vmem>>, vector<32xbf16>,
        %unpack3A_707 = tpu.unpack_subelements %get3A_706, 0 {pack_format = #tpu.pack_format<interleaved>} : vector<32xbf16> -> vector<16xf32>
        %unpack3A_708 = tpu.unpack_subelements %get3A_706, 1 {pack_format = #tpu.pack_format<interleaved>} : vector<32xbf16> -> vector<16xf32>
        %get3A_709 = arith.constant 3 : i32
        %get3A_710 = arith.index_cast %get3A_709 : i32 to index
        %get3A_711 = arith.index_cast %scan3A_674 : i32 to index
        %get3A_712 = arith.constant 32 : index
        %get3A_713 = tpu.vector_load %arg13[%get3A_710, %get3A_711, %get3A_712] {strides = array<i32>} : memref<4x128x64xbf16, #tpu.memory_space<vmem>>, vector<32xbf16>,
        %unpack3A_714 = tpu.unpack_subelements %get3A_713, 0 {pack_format = #tpu.pack_format<interleaved>} : vector<32xbf16> -> vector<16xf32>
        %unpack3A_715 = tpu.unpack_subelements %get3A_713, 1 {pack_format = #tpu.pack_format<interleaved>} : vector<32xbf16> -> vector<16xf32>
        %get3A_716 = arith.constant 3 : i32
        %get3A_717 = arith.index_cast %get3A_716 : i32 to index
        %get3A_718 = arith.index_cast %scan3A_674 : i32 to index
        %get3A_719 = arith.constant 32 : index
        %get3A_720 = tpu.vector_load %arg14[%get3A_717, %get3A_718, %get3A_719] {strides = array<i32>} : memref<4x128x64xbf16, #tpu.memory_space<vmem>>, vector<32xbf16>,
        %unpack3A_721 = tpu.unpack_subelements %get3A_720, 0 {pack_format = #tpu.pack_format<interleaved>} : vector<32xbf16> -> vector<16xf32>
        %unpack3A_722 = tpu.unpack_subelements %get3A_720, 1 {pack_format = #tpu.pack_format<interleaved>} : vector<32xbf16> -> vector<16xf32>
        %mul3A_723 = arith.mulf %unpack3A_707, %unpack3A_714 : vector<16xf32>
        %add3A_724 = arith.addf %add3A_699, %mul3A_723 : vector<16xf32>
        %mul3A_725 = arith.mulf %unpack3A_707, %unpack3A_721 : vector<16xf32>
        %add3A_726 = arith.addf %add3A_701, %mul3A_725 : vector<16xf32>
        %mul3A_727 = arith.mulf %unpack3A_708, %unpack3A_715 : vector<16xf32>
        %add3A_728 = arith.addf %add3A_724, %mul3A_727 : vector<16xf32>
        %mul3A_729 = arith.mulf %unpack3A_708, %unpack3A_722 : vector<16xf32>
        %add3A_730 = arith.addf %add3A_726, %mul3A_729 : vector<16xf32>
        %broadcast_in_dim3A_731 = arith.constant 0 : i32
        %broadcast_in_dim3A_732 = vector.broadcast %broadcast_in_dim3A_731 : i32 to vector<16xi32>
        %add3A_733 = vector.broadcast %scan3A_674 : i32 to vector<16xi32>
        %add3A_734 = arith.addi %broadcast_in_dim3A_732, %add3A_733 : vector<16xi32>
        %broadcast_in_dim3A_735 = arith.constant true
        %broadcast_in_dim3A_736 = vector.broadcast %broadcast_in_dim3A_735 : i1 to vector<16xi1>
        %masked_cumsum3A_737 = tpu.scan <sum>, %add3A_728 masked %broadcast_in_dim3A_736 : vector<16xf32>, vector<16xi1> -> vector<16xf32>
        %scatter3A_738 = arith.constant 3 : i32
        %scatter3A_739 = arith.constant 0 : i32
        %scatter3A_740 = tpu.memref_slice %arg15[%scatter3A_738, %scatter3A_739] : memref<4x128xf32, #tpu.memory_space<vmem>> -> memref<1x128xf32, #tpu.memory_space<vmem>>
        %scatter3A_741 = tpu.memref_squeeze %scatter3A_740 : memref<1x128xf32, #tpu.memory_space<vmem>> -> memref<128xf32, #tpu.memory_space<vmem>>
        tpu.vector_store_idx %scatter3A_741[%add3A_734], %masked_cumsum3A_737 masked %eq3A_569 : memref<128xf32, #tpu.memory_space<vmem>>[vector<16xi32>], vector<16xf32>, vector<16xi1>
        %broadcast_in_dim3A_742 = arith.constant true
        %broadcast_in_dim3A_743 = vector.broadcast %broadcast_in_dim3A_742 : i1 to vector<16xi1>
        %masked_cumsum3A_744 = tpu.scan <sum>, %add3A_730 masked %broadcast_in_dim3A_743 : vector<16xf32>, vector<16xi1> -> vector<16xf32>
        %scatter3A_745 = arith.constant 3 : i32
        %scatter3A_746 = arith.constant 0 : i32
        %scatter3A_747 = tpu.memref_slice %arg16[%scatter3A_745, %scatter3A_746] : memref<4x128xf32, #tpu.memory_space<vmem>> -> memref<1x128xf32, #tpu.memory_space<vmem>>
        %scatter3A_748 = tpu.memref_squeeze %scatter3A_747 : memref<1x128xf32, #tpu.memory_space<vmem>> -> memref<128xf32, #tpu.memory_space<vmem>>
        tpu.vector_store_idx %scatter3A_748[%add3A_734], %masked_cumsum3A_744 masked %eq3A_569 : memref<128xf32, #tpu.memory_space<vmem>>[vector<16xi32>], vector<16xf32>, vector<16xi1>
        %scan3A_749 = arith.constant 2 : i32
        %scan3A_750 = arith.addi %scan3A_603, %scan3A_749 : i32
        %get3A_751 = arith.constant 3 : i32
        %get3A_752 = arith.index_cast %get3A_751 : i32 to index
        %get3A_753 = arith.index_cast %scan3A_750 : i32 to index
        %get3A_754 = arith.constant 0 : index
        %get3A_755 = tpu.vector_load %arg12[%get3A_752, %get3A_753, %get3A_754] {strides = array<i32>} : memref<4x128x64xbf16, #tpu.memory_space<vmem>>, vector<32xbf16>,
        %unpack3A_756 = tpu.unpack_subelements %get3A_755, 0 {pack_format = #tpu.pack_format<interleaved>} : vector<32xbf16> -> vector<16xf32>
        %unpack3A_757 = tpu.unpack_subelements %get3A_755, 1 {pack_format = #tpu.pack_format<interleaved>} : vector<32xbf16> -> vector<16xf32>
        %get3A_758 = arith.constant 3 : i32
        %get3A_759 = arith.index_cast %get3A_758 : i32 to index
        %get3A_760 = arith.index_cast %scan3A_750 : i32 to index
        %get3A_761 = arith.constant 0 : index
        %get3A_762 = tpu.vector_load %arg13[%get3A_759, %get3A_760, %get3A_761] {strides = array<i32>} : memref<4x128x64xbf16, #tpu.memory_space<vmem>>, vector<32xbf16>,
        %unpack3A_763 = tpu.unpack_subelements %get3A_762, 0 {pack_format = #tpu.pack_format<interleaved>} : vector<32xbf16> -> vector<16xf32>
        %unpack3A_764 = tpu.unpack_subelements %get3A_762, 1 {pack_format = #tpu.pack_format<interleaved>} : vector<32xbf16> -> vector<16xf32>
        %get3A_765 = arith.constant 3 : i32
        %get3A_766 = arith.index_cast %get3A_765 : i32 to index
        %get3A_767 = arith.index_cast %scan3A_750 : i32 to index
        %get3A_768 = arith.constant 0 : index
        %get3A_769 = tpu.vector_load %arg14[%get3A_766, %get3A_767, %get3A_768] {strides = array<i32>} : memref<4x128x64xbf16, #tpu.memory_space<vmem>>, vector<32xbf16>,
        %unpack3A_770 = tpu.unpack_subelements %get3A_769, 0 {pack_format = #tpu.pack_format<interleaved>} : vector<32xbf16> -> vector<16xf32>
        %unpack3A_771 = tpu.unpack_subelements %get3A_769, 1 {pack_format = #tpu.pack_format<interleaved>} : vector<32xbf16> -> vector<16xf32>
        %mul3A_772 = arith.mulf %unpack3A_756, %unpack3A_763 : vector<16xf32>
        %mul3A_773 = arith.mulf %unpack3A_756, %unpack3A_770 : vector<16xf32>
        %mul3A_774 = arith.mulf %unpack3A_757, %unpack3A_764 : vector<16xf32>
        %add3A_775 = arith.addf %mul3A_772, %mul3A_774 : vector<16xf32>
        %mul3A_776 = arith.mulf %unpack3A_757, %unpack3A_771 : vector<16xf32>
        %add3A_777 = arith.addf %mul3A_773, %mul3A_776 : vector<16xf32>
        %get3A_778 = arith.constant 3 : i32
        %get3A_779 = arith.index_cast %get3A_778 : i32 to index
        %get3A_780 = arith.index_cast %scan3A_750 : i32 to index
        %get3A_781 = arith.constant 32 : index
        %get3A_782 = tpu.vector_load %arg12[%get3A_779, %get3A_780, %get3A_781] {strides = array<i32>} : memref<4x128x64xbf16, #tpu.memory_space<vmem>>, vector<32xbf16>,
        %unpack3A_783 = tpu.unpack_subelements %get3A_782, 0 {pack_format = #tpu.pack_format<interleaved>} : vector<32xbf16> -> vector<16xf32>
        %unpack3A_784 = tpu.unpack_subelements %get3A_782, 1 {pack_format = #tpu.pack_format<interleaved>} : vector<32xbf16> -> vector<16xf32>
        %get3A_785 = arith.constant 3 : i32
        %get3A_786 = arith.index_cast %get3A_785 : i32 to index
        %get3A_787 = arith.index_cast %scan3A_750 : i32 to index
        %get3A_788 = arith.constant 32 : index
        %get3A_789 = tpu.vector_load %arg13[%get3A_786, %get3A_787, %get3A_788] {strides = array<i32>} : memref<4x128x64xbf16, #tpu.memory_space<vmem>>, vector<32xbf16>,
        %unpack3A_790 = tpu.unpack_subelements %get3A_789, 0 {pack_format = #tpu.pack_format<interleaved>} : vector<32xbf16> -> vector<16xf32>
        %unpack3A_791 = tpu.unpack_subelements %get3A_789, 1 {pack_format = #tpu.pack_format<interleaved>} : vector<32xbf16> -> vector<16xf32>
        %get3A_792 = arith.constant 3 : i32
        %get3A_793 = arith.index_cast %get3A_792 : i32 to index
        %get3A_794 = arith.index_cast %scan3A_750 : i32 to index
        %get3A_795 = arith.constant 32 : index
        %get3A_796 = tpu.vector_load %arg14[%get3A_793, %get3A_794, %get3A_795] {strides = array<i32>} : memref<4x128x64xbf16, #tpu.memory_space<vmem>>, vector<32xbf16>,
        %unpack3A_797 = tpu.unpack_subelements %get3A_796, 0 {pack_format = #tpu.pack_format<interleaved>} : vector<32xbf16> -> vector<16xf32>
        %unpack3A_798 = tpu.unpack_subelements %get3A_796, 1 {pack_format = #tpu.pack_format<interleaved>} : vector<32xbf16> -> vector<16xf32>
        %mul3A_799 = arith.mulf %unpack3A_783, %unpack3A_790 : vector<16xf32>
        %add3A_800 = arith.addf %add3A_775, %mul3A_799 : vector<16xf32>
        %mul3A_801 = arith.mulf %unpack3A_783, %unpack3A_797 : vector<16xf32>
        %add3A_802 = arith.addf %add3A_777, %mul3A_801 : vector<16xf32>
        %mul3A_803 = arith.mulf %unpack3A_784, %unpack3A_791 : vector<16xf32>
        %add3A_804 = arith.addf %add3A_800, %mul3A_803 : vector<16xf32>
        %mul3A_805 = arith.mulf %unpack3A_784, %unpack3A_798 : vector<16xf32>
        %add3A_806 = arith.addf %add3A_802, %mul3A_805 : vector<16xf32>
        %broadcast_in_dim3A_807 = arith.constant 0 : i32
        %broadcast_in_dim3A_808 = vector.broadcast %broadcast_in_dim3A_807 : i32 to vector<16xi32>
        %add3A_809 = vector.broadcast %scan3A_750 : i32 to vector<16xi32>
        %add3A_810 = arith.addi %broadcast_in_dim3A_808, %add3A_809 : vector<16xi32>
        %broadcast_in_dim3A_811 = arith.constant true
        %broadcast_in_dim3A_812 = vector.broadcast %broadcast_in_dim3A_811 : i1 to vector<16xi1>
        %masked_cumsum3A_813 = tpu.scan <sum>, %add3A_804 masked %broadcast_in_dim3A_812 : vector<16xf32>, vector<16xi1> -> vector<16xf32>
        %scatter3A_814 = arith.constant 3 : i32
        %scatter3A_815 = arith.constant 0 : i32
        %scatter3A_816 = tpu.memref_slice %arg15[%scatter3A_814, %scatter3A_815] : memref<4x128xf32, #tpu.memory_space<vmem>> -> memref<1x128xf32, #tpu.memory_space<vmem>>
        %scatter3A_817 = tpu.memref_squeeze %scatter3A_816 : memref<1x128xf32, #tpu.memory_space<vmem>> -> memref<128xf32, #tpu.memory_space<vmem>>
        tpu.vector_store_idx %scatter3A_817[%add3A_810], %masked_cumsum3A_813 masked %eq3A_569 : memref<128xf32, #tpu.memory_space<vmem>>[vector<16xi32>], vector<16xf32>, vector<16xi1>
        %broadcast_in_dim3A_818 = arith.constant true
        %broadcast_in_dim3A_819 = vector.broadcast %broadcast_in_dim3A_818 : i1 to vector<16xi1>
        %masked_cumsum3A_820 = tpu.scan <sum>, %add3A_806 masked %broadcast_in_dim3A_819 : vector<16xf32>, vector<16xi1> -> vector<16xf32>
        %scatter3A_821 = arith.constant 3 : i32
        %scatter3A_822 = arith.constant 0 : i32
        %scatter3A_823 = tpu.memref_slice %arg16[%scatter3A_821, %scatter3A_822] : memref<4x128xf32, #tpu.memory_space<vmem>> -> memref<1x128xf32, #tpu.memory_space<vmem>>
        %scatter3A_824 = tpu.memref_squeeze %scatter3A_823 : memref<1x128xf32, #tpu.memory_space<vmem>> -> memref<128xf32, #tpu.memory_space<vmem>>
        tpu.vector_store_idx %scatter3A_824[%add3A_810], %masked_cumsum3A_820 masked %eq3A_569 : memref<128xf32, #tpu.memory_space<vmem>>[vector<16xi32>], vector<16xf32>, vector<16xi1>
        %scan3A_825 = arith.constant 3 : i32
        %scan3A_826 = arith.addi %scan3A_603, %scan3A_825 : i32
        %get3A_827 = arith.constant 3 : i32
        %get3A_828 = arith.index_cast %get3A_827 : i32 to index
        %get3A_829 = arith.index_cast %scan3A_826 : i32 to index
        %get3A_830 = arith.constant 0 : index
        %get3A_831 = tpu.vector_load %arg12[%get3A_828, %get3A_829, %get3A_830] {strides = array<i32>} : memref<4x128x64xbf16, #tpu.memory_space<vmem>>, vector<32xbf16>,
        %unpack3A_832 = tpu.unpack_subelements %get3A_831, 0 {pack_format = #tpu.pack_format<interleaved>} : vector<32xbf16> -> vector<16xf32>
        %unpack3A_833 = tpu.unpack_subelements %get3A_831, 1 {pack_format = #tpu.pack_format<interleaved>} : vector<32xbf16> -> vector<16xf32>
        %get3A_834 = arith.constant 3 : i32
        %get3A_835 = arith.index_cast %get3A_834 : i32 to index
        %get3A_836 = arith.index_cast %scan3A_826 : i32 to index
        %get3A_837 = arith.constant 0 : index
        %get3A_838 = tpu.vector_load %arg13[%get3A_835, %get3A_836, %get3A_837] {strides = array<i32>} : memref<4x128x64xbf16, #tpu.memory_space<vmem>>, vector<32xbf16>,
        %unpack3A_839 = tpu.unpack_subelements %get3A_838, 0 {pack_format = #tpu.pack_format<interleaved>} : vector<32xbf16> -> vector<16xf32>
        %unpack3A_840 = tpu.unpack_subelements %get3A_838, 1 {pack_format = #tpu.pack_format<interleaved>} : vector<32xbf16> -> vector<16xf32>
        %get3A_841 = arith.constant 3 : i32
        %get3A_842 = arith.index_cast %get3A_841 : i32 to index
        %get3A_843 = arith.index_cast %scan3A_826 : i32 to index
        %get3A_844 = arith.constant 0 : index
        %get3A_845 = tpu.vector_load %arg14[%get3A_842, %get3A_843, %get3A_844] {strides = array<i32>} : memref<4x128x64xbf16, #tpu.memory_space<vmem>>, vector<32xbf16>,
        %unpack3A_846 = tpu.unpack_subelements %get3A_845, 0 {pack_format = #tpu.pack_format<interleaved>} : vector<32xbf16> -> vector<16xf32>
        %unpack3A_847 = tpu.unpack_subelements %get3A_845, 1 {pack_format = #tpu.pack_format<interleaved>} : vector<32xbf16> -> vector<16xf32>
        %mul3A_848 = arith.mulf %unpack3A_832, %unpack3A_839 : vector<16xf32>
        %mul3A_849 = arith.mulf %unpack3A_832, %unpack3A_846 : vector<16xf32>
        %mul3A_850 = arith.mulf %unpack3A_833, %unpack3A_840 : vector<16xf32>
        %add3A_851 = arith.addf %mul3A_848, %mul3A_850 : vector<16xf32>
        %mul3A_852 = arith.mulf %unpack3A_833, %unpack3A_847 : vector<16xf32>
        %add3A_853 = arith.addf %mul3A_849, %mul3A_852 : vector<16xf32>
        %get3A_854 = arith.constant 3 : i32
        %get3A_855 = arith.index_cast %get3A_854 : i32 to index
        %get3A_856 = arith.index_cast %scan3A_826 : i32 to index
        %get3A_857 = arith.constant 32 : index
        %get3A_858 = tpu.vector_load %arg12[%get3A_855, %get3A_856, %get3A_857] {strides = array<i32>} : memref<4x128x64xbf16, #tpu.memory_space<vmem>>, vector<32xbf16>,
        %unpack3A_859 = tpu.unpack_subelements %get3A_858, 0 {pack_format = #tpu.pack_format<interleaved>} : vector<32xbf16> -> vector<16xf32>
        %unpack3A_860 = tpu.unpack_subelements %get3A_858, 1 {pack_format = #tpu.pack_format<interleaved>} : vector<32xbf16> -> vector<16xf32>
        %get3A_861 = arith.constant 3 : i32
        %get3A_862 = arith.index_cast %get3A_861 : i32 to index
        %get3A_863 = arith.index_cast %scan3A_826 : i32 to index
        %get3A_864 = arith.constant 32 : index
        %get3A_865 = tpu.vector_load %arg13[%get3A_862, %get3A_863, %get3A_864] {strides = array<i32>} : memref<4x128x64xbf16, #tpu.memory_space<vmem>>, vector<32xbf16>,
        %unpack3A_866 = tpu.unpack_subelements %get3A_865, 0 {pack_format = #tpu.pack_format<interleaved>} : vector<32xbf16> -> vector<16xf32>
        %unpack3A_867 = tpu.unpack_subelements %get3A_865, 1 {pack_format = #tpu.pack_format<interleaved>} : vector<32xbf16> -> vector<16xf32>
        %get3A_868 = arith.constant 3 : i32
        %get3A_869 = arith.index_cast %get3A_868 : i32 to index
        %get3A_870 = arith.index_cast %scan3A_826 : i32 to index
        %get3A_871 = arith.constant 32 : index
        %get3A_872 = tpu.vector_load %arg14[%get3A_869, %get3A_870, %get3A_871] {strides = array<i32>} : memref<4x128x64xbf16, #tpu.memory_space<vmem>>, vector<32xbf16>,
        %unpack3A_873 = tpu.unpack_subelements %get3A_872, 0 {pack_format = #tpu.pack_format<interleaved>} : vector<32xbf16> -> vector<16xf32>
        %unpack3A_874 = tpu.unpack_subelements %get3A_872, 1 {pack_format = #tpu.pack_format<interleaved>} : vector<32xbf16> -> vector<16xf32>
        %mul3A_875 = arith.mulf %unpack3A_859, %unpack3A_866 : vector<16xf32>
        %add3A_876 = arith.addf %add3A_851, %mul3A_875 : vector<16xf32>
        %mul3A_877 = arith.mulf %unpack3A_859, %unpack3A_873 : vector<16xf32>
        %add3A_878 = arith.addf %add3A_853, %mul3A_877 : vector<16xf32>
        %mul3A_879 = arith.mulf %unpack3A_860, %unpack3A_867 : vector<16xf32>
        %add3A_880 = arith.addf %add3A_876, %mul3A_879 : vector<16xf32>
        %mul3A_881 = arith.mulf %unpack3A_860, %unpack3A_874 : vector<16xf32>
        %add3A_882 = arith.addf %add3A_878, %mul3A_881 : vector<16xf32>
        %broadcast_in_dim3A_883 = arith.constant 0 : i32
        %broadcast_in_dim3A_884 = vector.broadcast %broadcast_in_dim3A_883 : i32 to vector<16xi32>
        %add3A_885 = vector.broadcast %scan3A_826 : i32 to vector<16xi32>
        %add3A_886 = arith.addi %broadcast_in_dim3A_884, %add3A_885 : vector<16xi32>
        %broadcast_in_dim3A_887 = arith.constant true
        %broadcast_in_dim3A_888 = vector.broadcast %broadcast_in_dim3A_887 : i1 to vector<16xi1>
        %masked_cumsum3A_889 = tpu.scan <sum>, %add3A_880 masked %broadcast_in_dim3A_888 : vector<16xf32>, vector<16xi1> -> vector<16xf32>
        %scatter3A_890 = arith.constant 3 : i32
        %scatter3A_891 = arith.constant 0 : i32
        %scatter3A_892 = tpu.memref_slice %arg15[%scatter3A_890, %scatter3A_891] : memref<4x128xf32, #tpu.memory_space<vmem>> -> memref<1x128xf32, #tpu.memory_space<vmem>>
        %scatter3A_893 = tpu.memref_squeeze %scatter3A_892 : memref<1x128xf32, #tpu.memory_space<vmem>> -> memref<128xf32, #tpu.memory_space<vmem>>
        tpu.vector_store_idx %scatter3A_893[%add3A_886], %masked_cumsum3A_889 masked %eq3A_569 : memref<128xf32, #tpu.memory_space<vmem>>[vector<16xi32>], vector<16xf32>, vector<16xi1>
        %broadcast_in_dim3A_894 = arith.constant true
        %broadcast_in_dim3A_895 = vector.broadcast %broadcast_in_dim3A_894 : i1 to vector<16xi1>
        %masked_cumsum3A_896 = tpu.scan <sum>, %add3A_882 masked %broadcast_in_dim3A_895 : vector<16xf32>, vector<16xi1> -> vector<16xf32>
        %scatter3A_897 = arith.constant 3 : i32
        %scatter3A_898 = arith.constant 0 : i32
        %scatter3A_899 = tpu.memref_slice %arg16[%scatter3A_897, %scatter3A_898] : memref<4x128xf32, #tpu.memory_space<vmem>> -> memref<1x128xf32, #tpu.memory_space<vmem>>
        %scatter3A_900 = tpu.memref_squeeze %scatter3A_899 : memref<1x128xf32, #tpu.memory_space<vmem>> -> memref<128xf32, #tpu.memory_space<vmem>>
        tpu.vector_store_idx %scatter3A_900[%add3A_886], %masked_cumsum3A_896 masked %eq3A_569 : memref<128xf32, #tpu.memory_space<vmem>>[vector<16xi32>], vector<16xf32>, vector<16xi1>
      }
      %scan3A_575 = arith.constant 128 : i32
      %mul3A_576 = arith.constant 128 : i32
      %mul3A_577 = arith.muli %add3A_519, %mul3A_576 : i32
      %add3A_578 = arith.addi %mul3A_2, %mul3A_577 : i32
      %multiple_of3A_579 = tpu.assume_multiple %add3A_578, 128 : i32
      %dma_start3A_580 = arith.constant 3 : i32
      %dma_start3A_581 = arith.constant 0 : i32
      %dma_start3A_582 = tpu.memref_slice %arg15[%dma_start3A_580, %dma_start3A_581] : memref<4x128xf32, #tpu.memory_space<vmem>> -> memref<1x128xf32, #tpu.memory_space<vmem>>
      %dma_start3A_583 = tpu.memref_squeeze %dma_start3A_582 : memref<1x128xf32, #tpu.memory_space<vmem>> -> memref<128xf32, #tpu.memory_space<vmem>>
      %dma_start3A_584 = tpu.memref_slice %arg7[%multiple_of3A_579] : memref<819200xf32, #tpu.memory_space<hbm>> -> memref<128xf32, #tpu.memory_space<hbm>>
      %dma_start3A_585 = tpu.memref_slice %arg7[%multiple_of3A_579] : memref<819200xf32, #tpu.memory_space<hbm>> -> memref<128xf32, #tpu.memory_space<hbm>>
      %dma_start3A_586 = arith.constant 0 : i32
      %dma_start3A_587 = tpu.memref_slice %arg15[%dma_start3A_580, %dma_start3A_586] : memref<4x128xf32, #tpu.memory_space<vmem>> -> memref<1x128xf32, #tpu.memory_space<vmem>>
      %dma_start3A_588 = tpu.memref_squeeze %dma_start3A_587 : memref<1x128xf32, #tpu.memory_space<vmem>> -> memref<128xf32, #tpu.memory_space<vmem>>
      tpu.enqueue_dma source(%dma_start3A_588 : memref<128xf32, #tpu.memory_space<vmem>>) target(%dma_start3A_585 : memref<128xf32, #tpu.memory_space<hbm>>) target_semaphore(%arg28 : memref<!tpu.dma_semaphore, #tpu.memory_space<semaphore_mem>>)
      %dma_start3A_589 = arith.constant 3 : i32
      %dma_start3A_590 = arith.constant 0 : i32
      %dma_start3A_591 = tpu.memref_slice %arg16[%dma_start3A_589, %dma_start3A_590] : memref<4x128xf32, #tpu.memory_space<vmem>> -> memref<1x128xf32, #tpu.memory_space<vmem>>
      %dma_start3A_592 = tpu.memref_squeeze %dma_start3A_591 : memref<1x128xf32, #tpu.memory_space<vmem>> -> memref<128xf32, #tpu.memory_space<vmem>>
      %dma_start3A_593 = tpu.memref_slice %arg8[%multiple_of3A_579] : memref<819200xf32, #tpu.memory_space<hbm>> -> memref<128xf32, #tpu.memory_space<hbm>>
      %dma_start3A_594 = tpu.memref_slice %arg8[%multiple_of3A_579] : memref<819200xf32, #tpu.memory_space<hbm>> -> memref<128xf32, #tpu.memory_space<hbm>>
      %dma_start3A_595 = arith.constant 0 : i32
      %dma_start3A_596 = tpu.memref_slice %arg16[%dma_start3A_589, %dma_start3A_595] : memref<4x128xf32, #tpu.memory_space<vmem>> -> memref<1x128xf32, #tpu.memory_space<vmem>>
      %dma_start3A_597 = tpu.memref_squeeze %dma_start3A_596 : memref<1x128xf32, #tpu.memory_space<vmem>> -> memref<128xf32, #tpu.memory_space<vmem>>
      tpu.enqueue_dma source(%dma_start3A_597 : memref<128xf32, #tpu.memory_space<vmem>>) target(%dma_start3A_594 : memref<128xf32, #tpu.memory_space<hbm>>) target_semaphore(%arg28 : memref<!tpu.dma_semaphore, #tpu.memory_space<semaphore_mem>>)
      %lt3A_598 = arith.constant 196 : i32
      %lt3A_599 = arith.cmpi slt, %add3A_519, %lt3A_598 : i32
      %convert_element_type3A_600 = arith.extui %lt3A_599 : i1 to i32
      %cond3A_601 = arith.constant 0 : i32
      %cond3A_602 = arith.cmpi ne, %convert_element_type3A_600, %cond3A_601 : i32
      scf.if %cond3A_602 {
        %dma_wait3A_603 = arith.constant 3 : i32
        %dma_wait3A_604 = arith.constant 0 : i32
        %dma_wait3A_605 = tpu.memref_slice %arg9[%dma_wait3A_603, %dma_wait3A_604] : memref<4x128xi32, #tpu.memory_space<vmem>> -> memref<1x128xi32, #tpu.memory_space<vmem>>
        %dma_wait3A_606 = tpu.memref_squeeze %dma_wait3A_605 : memref<1x128xi32, #tpu.memory_space<vmem>> -> memref<128xi32, #tpu.memory_space<vmem>>
        %dma_wait3A_607 = arith.constant 0 : i32
        %dma_wait3A_608 = tpu.memref_slice %arg2[%dma_wait3A_607] : memref<819200xi32, #tpu.memory_space<hbm>> -> memref<128xi32, #tpu.memory_space<hbm>>
        %dma_wait3A_609 = arith.constant 0 : i32
        %dma_wait3A_610 = tpu.memref_slice %arg9[%dma_wait3A_603, %dma_wait3A_609] : memref<4x128xi32, #tpu.memory_space<vmem>> -> memref<1x128xi32, #tpu.memory_space<vmem>>
        %dma_wait3A_611 = tpu.memref_squeeze %dma_wait3A_610 : memref<1x128xi32, #tpu.memory_space<vmem>> -> memref<128xi32, #tpu.memory_space<vmem>>
        %dma_wait3A_612 = arith.constant 0 : i32
        %dma_wait3A_613 = tpu.memref_slice %arg2[%dma_wait3A_612] : memref<819200xi32, #tpu.memory_space<hbm>> -> memref<128xi32, #tpu.memory_space<hbm>>
        tpu.wait_dma2 semaphore(%arg24 : memref<!tpu.dma_semaphore, #tpu.memory_space<semaphore_mem>>) src(%dma_wait3A_613 : memref<128xi32, #tpu.memory_space<hbm>>) dst(%dma_wait3A_611 : memref<128xi32, #tpu.memory_space<vmem>>)
        %dma_wait3A_614 = arith.constant 3 : i32
        %dma_wait3A_615 = arith.constant 0 : i32
        %dma_wait3A_616 = tpu.memref_slice %arg10[%dma_wait3A_614, %dma_wait3A_615] : memref<4x128xi32, #tpu.memory_space<vmem>> -> memref<1x128xi32, #tpu.memory_space<vmem>>
        %dma_wait3A_617 = tpu.memref_squeeze %dma_wait3A_616 : memref<1x128xi32, #tpu.memory_space<vmem>> -> memref<128xi32, #tpu.memory_space<vmem>>
        %dma_wait3A_618 = arith.constant 0 : i32
        %dma_wait3A_619 = tpu.memref_slice %arg3[%dma_wait3A_618] : memref<819200xi32, #tpu.memory_space<hbm>> -> memref<128xi32, #tpu.memory_space<hbm>>
        %dma_wait3A_620 = arith.constant 0 : i32
        %dma_wait3A_621 = tpu.memref_slice %arg10[%dma_wait3A_614, %dma_wait3A_620] : memref<4x128xi32, #tpu.memory_space<vmem>> -> memref<1x128xi32, #tpu.memory_space<vmem>>
        %dma_wait3A_622 = tpu.memref_squeeze %dma_wait3A_621 : memref<1x128xi32, #tpu.memory_space<vmem>> -> memref<128xi32, #tpu.memory_space<vmem>>
        %dma_wait3A_623 = arith.constant 0 : i32
        %dma_wait3A_624 = tpu.memref_slice %arg3[%dma_wait3A_623] : memref<819200xi32, #tpu.memory_space<hbm>> -> memref<128xi32, #tpu.memory_space<hbm>>
        tpu.wait_dma2 semaphore(%arg24 : memref<!tpu.dma_semaphore, #tpu.memory_space<semaphore_mem>>) src(%dma_wait3A_624 : memref<128xi32, #tpu.memory_space<hbm>>) dst(%dma_wait3A_622 : memref<128xi32, #tpu.memory_space<vmem>>)
        %dma_wait3A_625 = arith.constant 3 : i32
        %dma_wait3A_626 = arith.constant 0 : i32
        %dma_wait3A_627 = tpu.memref_slice %arg11[%dma_wait3A_625, %dma_wait3A_626] : memref<4x128xi32, #tpu.memory_space<vmem>> -> memref<1x128xi32, #tpu.memory_space<vmem>>
        %dma_wait3A_628 = tpu.memref_squeeze %dma_wait3A_627 : memref<1x128xi32, #tpu.memory_space<vmem>> -> memref<128xi32, #tpu.memory_space<vmem>>
        %dma_wait3A_629 = arith.constant 0 : i32
        %dma_wait3A_630 = tpu.memref_slice %arg4[%dma_wait3A_629] : memref<819200xi32, #tpu.memory_space<hbm>> -> memref<128xi32, #tpu.memory_space<hbm>>
        %dma_wait3A_631 = arith.constant 0 : i32
        %dma_wait3A_632 = tpu.memref_slice %arg11[%dma_wait3A_625, %dma_wait3A_631] : memref<4x128xi32, #tpu.memory_space<vmem>> -> memref<1x128xi32, #tpu.memory_space<vmem>>
        %dma_wait3A_633 = tpu.memref_squeeze %dma_wait3A_632 : memref<1x128xi32, #tpu.memory_space<vmem>> -> memref<128xi32, #tpu.memory_space<vmem>>
        %dma_wait3A_634 = arith.constant 0 : i32
        %dma_wait3A_635 = tpu.memref_slice %arg4[%dma_wait3A_634] : memref<819200xi32, #tpu.memory_space<hbm>> -> memref<128xi32, #tpu.memory_space<hbm>>
        tpu.wait_dma2 semaphore(%arg24 : memref<!tpu.dma_semaphore, #tpu.memory_space<semaphore_mem>>) src(%dma_wait3A_635 : memref<128xi32, #tpu.memory_space<hbm>>) dst(%dma_wait3A_633 : memref<128xi32, #tpu.memory_space<vmem>>)
        %dma_start3A_636 = arith.constant 3 : i32
        %dma_start3A_637 = arith.constant 3 : i32
        %dma_start3A_638 = arith.constant 0 : i32
        %dma_start3A_639 = arith.constant 0 : i32
        %dma_start3A_640 = tpu.memref_slice %arg12[%dma_start3A_637, %dma_start3A_638, %dma_start3A_639] : memref<4x128x64xbf16, #tpu.memory_space<vmem>> -> memref<1x128x64xbf16, #tpu.memory_space<vmem>>
        %dma_start3A_641 = tpu.memref_squeeze %dma_start3A_640 : memref<1x128x64xbf16, #tpu.memory_space<vmem>> -> memref<128x64xbf16, #tpu.memory_space<vmem>>
        %dma_start3A_642 = arith.constant 0 : i32
        %dma_start3A_643 = tpu.memref_slice %arg9[%dma_start3A_636, %dma_start3A_642] : memref<4x128xi32, #tpu.memory_space<vmem>> -> memref<1x128xi32, #tpu.memory_space<vmem>>
        %dma_start3A_644 = tpu.memref_squeeze %dma_start3A_643 : memref<1x128xi32, #tpu.memory_space<vmem>> -> memref<128xi32, #tpu.memory_space<vmem>>
        %dma_start3A_645 = arith.constant 0 : i32
        %dma_start3A_646 = arith.constant 0 : i32
        %dma_start3A_647 = tpu.memref_slice %arg5[%dma_start3A_645, %dma_start3A_646] : memref<1000000x64xbf16, #tpu.memory_space<hbm>> -> memref<1000000x64xbf16, #tpu.memory_space<hbm>>
        tpu.enqueue_indirect_dma source(%dma_start3A_647 : memref<1000000x64xbf16, #tpu.memory_space<hbm>>) target(%dma_start3A_641 : memref<128x64xbf16, #tpu.memory_space<vmem>>) offsets(%dma_start3A_644 : memref<128xi32, #tpu.memory_space<vmem>>) semaphore(%arg20 : memref<!tpu.dma_semaphore, #tpu.memory_space<semaphore_mem>>)
        %dma_start3A_648 = arith.constant 3 : i32
        %dma_start3A_649 = arith.constant 3 : i32
        %dma_start3A_650 = arith.constant 0 : i32
        %dma_start3A_651 = arith.constant 0 : i32
        %dma_start3A_652 = tpu.memref_slice %arg13[%dma_start3A_649, %dma_start3A_650, %dma_start3A_651] : memref<4x128x64xbf16, #tpu.memory_space<vmem>> -> memref<1x128x64xbf16, #tpu.memory_space<vmem>>
        %dma_start3A_653 = tpu.memref_squeeze %dma_start3A_652 : memref<1x128x64xbf16, #tpu.memory_space<vmem>> -> memref<128x64xbf16, #tpu.memory_space<vmem>>
        %dma_start3A_654 = arith.constant 0 : i32
        %dma_start3A_655 = tpu.memref_slice %arg10[%dma_start3A_648, %dma_start3A_654] : memref<4x128xi32, #tpu.memory_space<vmem>> -> memref<1x128xi32, #tpu.memory_space<vmem>>
        %dma_start3A_656 = tpu.memref_squeeze %dma_start3A_655 : memref<1x128xi32, #tpu.memory_space<vmem>> -> memref<128xi32, #tpu.memory_space<vmem>>
        %dma_start3A_657 = arith.constant 0 : i32
        %dma_start3A_658 = arith.constant 0 : i32
        %dma_start3A_659 = tpu.memref_slice %arg6[%dma_start3A_657, %dma_start3A_658] : memref<1000000x64xbf16, #tpu.memory_space<hbm>> -> memref<1000000x64xbf16, #tpu.memory_space<hbm>>
        tpu.enqueue_indirect_dma source(%dma_start3A_659 : memref<1000000x64xbf16, #tpu.memory_space<hbm>>) target(%dma_start3A_653 : memref<128x64xbf16, #tpu.memory_space<vmem>>) offsets(%dma_start3A_656 : memref<128xi32, #tpu.memory_space<vmem>>) semaphore(%arg20 : memref<!tpu.dma_semaphore, #tpu.memory_space<semaphore_mem>>)
        %dma_start3A_660 = arith.constant 3 : i32
        %dma_start3A_661 = arith.constant 3 : i32
        %dma_start3A_662 = arith.constant 0 : i32
        %dma_start3A_663 = arith.constant 0 : i32
        %dma_start3A_664 = tpu.memref_slice %arg14[%dma_start3A_661, %dma_start3A_662, %dma_start3A_663] : memref<4x128x64xbf16, #tpu.memory_space<vmem>> -> memref<1x128x64xbf16, #tpu.memory_space<vmem>>
        %dma_start3A_665 = tpu.memref_squeeze %dma_start3A_664 : memref<1x128x64xbf16, #tpu.memory_space<vmem>> -> memref<128x64xbf16, #tpu.memory_space<vmem>>
        %dma_start3A_666 = arith.constant 0 : i32
        %dma_start3A_667 = tpu.memref_slice %arg11[%dma_start3A_660, %dma_start3A_666] : memref<4x128xi32, #tpu.memory_space<vmem>> -> memref<1x128xi32, #tpu.memory_space<vmem>>
        %dma_start3A_668 = tpu.memref_squeeze %dma_start3A_667 : memref<1x128xi32, #tpu.memory_space<vmem>> -> memref<128xi32, #tpu.memory_space<vmem>>
        %dma_start3A_669 = arith.constant 0 : i32
        %dma_start3A_670 = arith.constant 0 : i32
        %dma_start3A_671 = tpu.memref_slice %arg6[%dma_start3A_669, %dma_start3A_670] : memref<1000000x64xbf16, #tpu.memory_space<hbm>> -> memref<1000000x64xbf16, #tpu.memory_space<hbm>>
        tpu.enqueue_indirect_dma source(%dma_start3A_671 : memref<1000000x64xbf16, #tpu.memory_space<hbm>>) target(%dma_start3A_665 : memref<128x64xbf16, #tpu.memory_space<vmem>>) offsets(%dma_start3A_668 : memref<128xi32, #tpu.memory_space<vmem>>) semaphore(%arg20 : memref<!tpu.dma_semaphore, #tpu.memory_space<semaphore_mem>>)
      } else {
      }
    }
    %scan3A_172 = arith.constant 50 : i32
    %dma_wait3A = arith.constant 0 : i32
    %dma_wait3A_173 = arith.constant 0 : i32
    %dma_wait3A_174 = tpu.memref_slice %arg15[%dma_wait3A, %dma_wait3A_173] : memref<4x128xf32, #tpu.memory_space<vmem>> -> memref<1x128xf32, #tpu.memory_space<vmem>>
    %dma_wait3A_175 = tpu.memref_squeeze %dma_wait3A_174 : memref<1x128xf32, #tpu.memory_space<vmem>> -> memref<128xf32, #tpu.memory_space<vmem>>
    %dma_wait3A_176 = arith.constant 0 : i32
    %dma_wait3A_177 = tpu.memref_slice %arg7[%dma_wait3A_176] : memref<819200xf32, #tpu.memory_space<hbm>> -> memref<128xf32, #tpu.memory_space<hbm>>
    %dma_wait3A_178 = arith.constant 0 : i32
    %dma_wait3A_179 = tpu.memref_slice %arg7[%dma_wait3A_178] : memref<819200xf32, #tpu.memory_space<hbm>> -> memref<128xf32, #tpu.memory_space<hbm>>
    %dma_wait3A_180 = arith.constant 0 : i32
    %dma_wait3A_181 = tpu.memref_slice %arg15[%dma_wait3A, %dma_wait3A_180] : memref<4x128xf32, #tpu.memory_space<vmem>> -> memref<1x128xf32, #tpu.memory_space<vmem>>
    %dma_wait3A_182 = tpu.memref_squeeze %dma_wait3A_181 : memref<1x128xf32, #tpu.memory_space<vmem>> -> memref<128xf32, #tpu.memory_space<vmem>>
    tpu.wait_dma2 semaphore(%arg25 : memref<!tpu.dma_semaphore, #tpu.memory_space<semaphore_mem>>) src(%dma_wait3A_182 : memref<128xf32, #tpu.memory_space<vmem>>) dst(%dma_wait3A_179 : memref<128xf32, #tpu.memory_space<hbm>>)
    %dma_wait3A_183 = arith.constant 0 : i32
    %dma_wait3A_184 = arith.constant 0 : i32
    %dma_wait3A_185 = tpu.memref_slice %arg16[%dma_wait3A_183, %dma_wait3A_184] : memref<4x128xf32, #tpu.memory_space<vmem>> -> memref<1x128xf32, #tpu.memory_space<vmem>>
    %dma_wait3A_186 = tpu.memref_squeeze %dma_wait3A_185 : memref<1x128xf32, #tpu.memory_space<vmem>> -> memref<128xf32, #tpu.memory_space<vmem>>
    %dma_wait3A_187 = arith.constant 0 : i32
    %dma_wait3A_188 = tpu.memref_slice %arg8[%dma_wait3A_187] : memref<819200xf32, #tpu.memory_space<hbm>> -> memref<128xf32, #tpu.memory_space<hbm>>
    %dma_wait3A_189 = arith.constant 0 : i32
    %dma_wait3A_190 = tpu.memref_slice %arg8[%dma_wait3A_189] : memref<819200xf32, #tpu.memory_space<hbm>> -> memref<128xf32, #tpu.memory_space<hbm>>
    %dma_wait3A_191 = arith.constant 0 : i32
    %dma_wait3A_192 = tpu.memref_slice %arg16[%dma_wait3A_183, %dma_wait3A_191] : memref<4x128xf32, #tpu.memory_space<vmem>> -> memref<1x128xf32, #tpu.memory_space<vmem>>
    %dma_wait3A_193 = tpu.memref_squeeze %dma_wait3A_192 : memref<1x128xf32, #tpu.memory_space<vmem>> -> memref<128xf32, #tpu.memory_space<vmem>>
    tpu.wait_dma2 semaphore(%arg25 : memref<!tpu.dma_semaphore, #tpu.memory_space<semaphore_mem>>) src(%dma_wait3A_193 : memref<128xf32, #tpu.memory_space<vmem>>) dst(%dma_wait3A_190 : memref<128xf32, #tpu.memory_space<hbm>>)
    %dma_wait3A_194 = arith.constant 1 : i32
    %dma_wait3A_195 = arith.constant 0 : i32
    %dma_wait3A_196 = tpu.memref_slice %arg15[%dma_wait3A_194, %dma_wait3A_195] : memref<4x128xf32, #tpu.memory_space<vmem>> -> memref<1x128xf32, #tpu.memory_space<vmem>>
    %dma_wait3A_197 = tpu.memref_squeeze %dma_wait3A_196 : memref<1x128xf32, #tpu.memory_space<vmem>> -> memref<128xf32, #tpu.memory_space<vmem>>
    %dma_wait3A_198 = arith.constant 0 : i32
    %dma_wait3A_199 = tpu.memref_slice %arg7[%dma_wait3A_198] : memref<819200xf32, #tpu.memory_space<hbm>> -> memref<128xf32, #tpu.memory_space<hbm>>
    %dma_wait3A_200 = arith.constant 0 : i32
    %dma_wait3A_201 = tpu.memref_slice %arg7[%dma_wait3A_200] : memref<819200xf32, #tpu.memory_space<hbm>> -> memref<128xf32, #tpu.memory_space<hbm>>
    %dma_wait3A_202 = arith.constant 0 : i32
    %dma_wait3A_203 = tpu.memref_slice %arg15[%dma_wait3A_194, %dma_wait3A_202] : memref<4x128xf32, #tpu.memory_space<vmem>> -> memref<1x128xf32, #tpu.memory_space<vmem>>
    %dma_wait3A_204 = tpu.memref_squeeze %dma_wait3A_203 : memref<1x128xf32, #tpu.memory_space<vmem>> -> memref<128xf32, #tpu.memory_space<vmem>>
    tpu.wait_dma2 semaphore(%arg26 : memref<!tpu.dma_semaphore, #tpu.memory_space<semaphore_mem>>) src(%dma_wait3A_204 : memref<128xf32, #tpu.memory_space<vmem>>) dst(%dma_wait3A_201 : memref<128xf32, #tpu.memory_space<hbm>>)
    %dma_wait3A_205 = arith.constant 1 : i32
    %dma_wait3A_206 = arith.constant 0 : i32
    %dma_wait3A_207 = tpu.memref_slice %arg16[%dma_wait3A_205, %dma_wait3A_206] : memref<4x128xf32, #tpu.memory_space<vmem>> -> memref<1x128xf32, #tpu.memory_space<vmem>>
    %dma_wait3A_208 = tpu.memref_squeeze %dma_wait3A_207 : memref<1x128xf32, #tpu.memory_space<vmem>> -> memref<128xf32, #tpu.memory_space<vmem>>
    %dma_wait3A_209 = arith.constant 0 : i32
    %dma_wait3A_210 = tpu.memref_slice %arg8[%dma_wait3A_209] : memref<819200xf32, #tpu.memory_space<hbm>> -> memref<128xf32, #tpu.memory_space<hbm>>
    %dma_wait3A_211 = arith.constant 0 : i32
    %dma_wait3A_212 = tpu.memref_slice %arg8[%dma_wait3A_211] : memref<819200xf32, #tpu.memory_space<hbm>> -> memref<128xf32, #tpu.memory_space<hbm>>
    %dma_wait3A_213 = arith.constant 0 : i32
    %dma_wait3A_214 = tpu.memref_slice %arg16[%dma_wait3A_205, %dma_wait3A_213] : memref<4x128xf32, #tpu.memory_space<vmem>> -> memref<1x128xf32, #tpu.memory_space<vmem>>
    %dma_wait3A_215 = tpu.memref_squeeze %dma_wait3A_214 : memref<1x128xf32, #tpu.memory_space<vmem>> -> memref<128xf32, #tpu.memory_space<vmem>>
    tpu.wait_dma2 semaphore(%arg26 : memref<!tpu.dma_semaphore, #tpu.memory_space<semaphore_mem>>) src(%dma_wait3A_215 : memref<128xf32, #tpu.memory_space<vmem>>) dst(%dma_wait3A_212 : memref<128xf32, #tpu.memory_space<hbm>>)
    %dma_wait3A_216 = arith.constant 2 : i32
    %dma_wait3A_217 = arith.constant 0 : i32
    %dma_wait3A_218 = tpu.memref_slice %arg15[%dma_wait3A_216, %dma_wait3A_217] : memref<4x128xf32, #tpu.memory_space<vmem>> -> memref<1x128xf32, #tpu.memory_space<vmem>>
    %dma_wait3A_219 = tpu.memref_squeeze %dma_wait3A_218 : memref<1x128xf32, #tpu.memory_space<vmem>> -> memref<128xf32, #tpu.memory_space<vmem>>
    %dma_wait3A_220 = arith.constant 0 : i32
    %dma_wait3A_221 = tpu.memref_slice %arg7[%dma_wait3A_220] : memref<819200xf32, #tpu.memory_space<hbm>> -> memref<128xf32, #tpu.memory_space<hbm>>
    %dma_wait3A_222 = arith.constant 0 : i32
    %dma_wait3A_223 = tpu.memref_slice %arg7[%dma_wait3A_222] : memref<819200xf32, #tpu.memory_space<hbm>> -> memref<128xf32, #tpu.memory_space<hbm>>
    %dma_wait3A_224 = arith.constant 0 : i32
    %dma_wait3A_225 = tpu.memref_slice %arg15[%dma_wait3A_216, %dma_wait3A_224] : memref<4x128xf32, #tpu.memory_space<vmem>> -> memref<1x128xf32, #tpu.memory_space<vmem>>
    %dma_wait3A_226 = tpu.memref_squeeze %dma_wait3A_225 : memref<1x128xf32, #tpu.memory_space<vmem>> -> memref<128xf32, #tpu.memory_space<vmem>>
    tpu.wait_dma2 semaphore(%arg27 : memref<!tpu.dma_semaphore, #tpu.memory_space<semaphore_mem>>) src(%dma_wait3A_226 : memref<128xf32, #tpu.memory_space<vmem>>) dst(%dma_wait3A_223 : memref<128xf32, #tpu.memory_space<hbm>>)
    %dma_wait3A_227 = arith.constant 2 : i32
    %dma_wait3A_228 = arith.constant 0 : i32
    %dma_wait3A_229 = tpu.memref_slice %arg16[%dma_wait3A_227, %dma_wait3A_228] : memref<4x128xf32, #tpu.memory_space<vmem>> -> memref<1x128xf32, #tpu.memory_space<vmem>>
    %dma_wait3A_230 = tpu.memref_squeeze %dma_wait3A_229 : memref<1x128xf32, #tpu.memory_space<vmem>> -> memref<128xf32, #tpu.memory_space<vmem>>
    %dma_wait3A_231 = arith.constant 0 : i32
    %dma_wait3A_232 = tpu.memref_slice %arg8[%dma_wait3A_231] : memref<819200xf32, #tpu.memory_space<hbm>> -> memref<128xf32, #tpu.memory_space<hbm>>
    %dma_wait3A_233 = arith.constant 0 : i32
    %dma_wait3A_234 = tpu.memref_slice %arg8[%dma_wait3A_233] : memref<819200xf32, #tpu.memory_space<hbm>> -> memref<128xf32, #tpu.memory_space<hbm>>
    %dma_wait3A_235 = arith.constant 0 : i32
    %dma_wait3A_236 = tpu.memref_slice %arg16[%dma_wait3A_227, %dma_wait3A_235] : memref<4x128xf32, #tpu.memory_space<vmem>> -> memref<1x128xf32, #tpu.memory_space<vmem>>
    %dma_wait3A_237 = tpu.memref_squeeze %dma_wait3A_236 : memref<1x128xf32, #tpu.memory_space<vmem>> -> memref<128xf32, #tpu.memory_space<vmem>>
    tpu.wait_dma2 semaphore(%arg27 : memref<!tpu.dma_semaphore, #tpu.memory_space<semaphore_mem>>) src(%dma_wait3A_237 : memref<128xf32, #tpu.memory_space<vmem>>) dst(%dma_wait3A_234 : memref<128xf32, #tpu.memory_space<hbm>>)
    %dma_wait3A_238 = arith.constant 3 : i32
    %dma_wait3A_239 = arith.constant 0 : i32
    %dma_wait3A_240 = tpu.memref_slice %arg15[%dma_wait3A_238, %dma_wait3A_239] : memref<4x128xf32, #tpu.memory_space<vmem>> -> memref<1x128xf32, #tpu.memory_space<vmem>>
    %dma_wait3A_241 = tpu.memref_squeeze %dma_wait3A_240 : memref<1x128xf32, #tpu.memory_space<vmem>> -> memref<128xf32, #tpu.memory_space<vmem>>
    %dma_wait3A_242 = arith.constant 0 : i32
    %dma_wait3A_243 = tpu.memref_slice %arg7[%dma_wait3A_242] : memref<819200xf32, #tpu.memory_space<hbm>> -> memref<128xf32, #tpu.memory_space<hbm>>
    %dma_wait3A_244 = arith.constant 0 : i32
    %dma_wait3A_245 = tpu.memref_slice %arg7[%dma_wait3A_244] : memref<819200xf32, #tpu.memory_space<hbm>> -> memref<128xf32, #tpu.memory_space<hbm>>
    %dma_wait3A_246 = arith.constant 0 : i32
    %dma_wait3A_247 = tpu.memref_slice %arg15[%dma_wait3A_238, %dma_wait3A_246] : memref<4x128xf32, #tpu.memory_space<vmem>> -> memref<1x128xf32, #tpu.memory_space<vmem>>
    %dma_wait3A_248 = tpu.memref_squeeze %dma_wait3A_247 : memref<1x128xf32, #tpu.memory_space<vmem>> -> memref<128xf32, #tpu.memory_space<vmem>>
    tpu.wait_dma2 semaphore(%arg28 : memref<!tpu.dma_semaphore, #tpu.memory_space<semaphore_mem>>) src(%dma_wait3A_248 : memref<128xf32, #tpu.memory_space<vmem>>) dst(%dma_wait3A_245 : memref<128xf32, #tpu.memory_space<hbm>>)
    %dma_wait3A_249 = arith.constant 3 : i32
    %dma_wait3A_250 = arith.constant 0 : i32
    %dma_wait3A_251 = tpu.memref_slice %arg16[%dma_wait3A_249, %dma_wait3A_250] : memref<4x128xf32, #tpu.memory_space<vmem>> -> memref<1x128xf32, #tpu.memory_space<vmem>>
    %dma_wait3A_252 = tpu.memref_squeeze %dma_wait3A_251 : memref<1x128xf32, #tpu.memory_space<vmem>> -> memref<128xf32, #tpu.memory_space<vmem>>
    %dma_wait3A_253 = arith.constant 0 : i32
    %dma_wait3A_254 = tpu.memref_slice %arg8[%dma_wait3A_253] : memref<819200xf32, #tpu.memory_space<hbm>> -> memref<128xf32, #tpu.memory_space<hbm>>
    %dma_wait3A_255 = arith.constant 0 : i32
    %dma_wait3A_256 = tpu.memref_slice %arg8[%dma_wait3A_255] : memref<819200xf32, #tpu.memory_space<hbm>> -> memref<128xf32, #tpu.memory_space<hbm>>
    %dma_wait3A_257 = arith.constant 0 : i32
    %dma_wait3A_258 = tpu.memref_slice %arg16[%dma_wait3A_249, %dma_wait3A_257] : memref<4x128xf32, #tpu.memory_space<vmem>> -> memref<1x128xf32, #tpu.memory_space<vmem>>
    %dma_wait3A_259 = tpu.memref_squeeze %dma_wait3A_258 : memref<1x128xf32, #tpu.memory_space<vmem>> -> memref<128xf32, #tpu.memory_space<vmem>>
    tpu.wait_dma2 semaphore(%arg28 : memref<!tpu.dma_semaphore, #tpu.memory_space<semaphore_mem>>) src(%dma_wait3A_259 : memref<128xf32, #tpu.memory_space<vmem>>) dst(%dma_wait3A_256 : memref<128xf32, #tpu.memory_space<hbm>>)
    return
  }
}

</mosaic_0001>

<sc_bundles>
// kernel: kernel.3.cloned.1.call-start
scs
__scs_entry_jumppad:
0x0: {  	(pc) =	sbr.rel $0x88, $3  }
0x1: {  	(tag) =	ssettag $0x0;
	lr =	simm.s32 $0x1  }
0x2: {  	[smem:$0x3F9C] =	sst lr;
	_ =	strace $0xD0000000  }
0x3: {  	_ = 	snop  }
0x4: {  	_ = 	snop  }
0x5: {  	_ = 	snop  }
0x6: {  	_ = 	snop  }
0x7: {  	_ = 	snop  }
__scs_overlays_trampoline_lowered:
0x8: {  	[smem:$0x3FAB] =	sst s0  }
0x9: {  	[smem:$0x3FAC] =	sst s1  }
0xa: {  	[smem:$0x3FAD] =	sst s2  }
0xb: {  	[smem:$0x3FAE] =	sst s3  }
0xc: {  	[smem:$0x3FAF] =	sst s4  }
0xd: {  	[smem:$0x3FB0] =	sst s5  }
0xe: {  	[smem:$0x3FB1] =	sst s6  }
0xf: {  	[smem:$0x3FB2] =	sst s7  }
0x10: {  	[smem:$0x3FB3] =	sst s8  }
0x11: {  	[smem:$0x3FB4] =	sst s9;
	s0 =	simm.s32 @!p0 $0x0  }
0x12: {  	s1 =	sld [smem:$0x3F9A];
	s0 =	simm.s32 @p0 $0x1  }
0x13: {  	[smem:$0x3FB5] =	sst s0;
	s0 =	simm.s32 @!p1 $0x0  }
0x14: {  	s2 =	sld [smem:$0x3F99];
	s0 =	simm.s32 @p1 $0x1  }
0x15: {  	[smem:$0x3FB6] =	sst s0;
	s0 =	simm.s32 @!p2 $0x0  }
0x16: {  	s3 =	sld [smem:$0x3FDB];
	s0 =	simm.s32 @p2 $0x1  }
0x17: {  	s4 =	simm.s32 $0x1BF5;
	[smem:$0x3FB8] =	sst s0  }
0x18: {  	s0 =	sld [smem:$0x3F9B];
	_ =	swait.ge [sflag:s4], $0x0  }
0x19: {  	s7 =	sld [smem:$0x3F9C]  }
0x1a: {  	s8 =	sadd.s32 $0xFFFFE003, lr  }
0x1b: {  	s9 =	sadd.s32 $0xFFFFFEF7, lr;
	s5 =	simm.s32 $0xFFFFFFFF;
	p2 =	slt.u32 s8, $0xFFFFF086  }
0x1c: {  	p1 =	slt.u32 s9, $0xF7A;
	s5 =	simm.s32 @!p2 $0x0  }
0x1d: {  	s5 =	simm.s32 @p1 $0x1;
	p0 =	seq.s32 s7, s2  }
0x1e: {  	s7 =	smul.u32 @!p0 $0xF7A, s2;
	p2 =	seq.s32 @!p0 s5, $0x0  }
0x1f: {  	s9 =	smul.u32 $0xF7A, s1;
	s8 =	simm.s32 @!p0 $0x1BF5;
	p2 =	por !p2, p0  }
0x20: {  	[sflag:s8] =	ssyncset.s32 @!p0 $0xFFFFF086;
	s6 =	sadd.s32 @!p0 s3, s7;
	s7 =	simm.s32 @!p0 $0x108  }
0x21: {  	s3 =	sadd.s32 s3, s9;
	s6 =	sadd.s32 @!p0 $0x88, s6;
	s7 =	simm.s32 @p2 $0x1082  }
0x22: {  	[simem:s7], [sflag:s8] =	dma.local @!p0 [hbm:s6], $0xF7A  }
0x23: {  	s9 =	sor.u32 $0xD0000000, s2;
	s6 =	simm.s32 $0x108;
	_ =	swait.ge @!p0 [sflag:s8], $0x0  }
0x24: {  	s3 =	sadd.s32 $0x88, s3;
	s6 =	simm.s32 @!p1 $0x1082;
	[sflag:s4] =	ssyncset.s32 $0xFFFFF086  }
0x25: {  	[simem:s6], [sflag:s4] =	dma.local [hbm:s3], $0xF7A  }
0x26: {  	[smem:$0x3F9C] =	sst s1;
	(tag) =	ssettag s2;
	_ =	strace s9  }
0x27: {  	s1 =	sld [smem:$0x3FAC]  }
0x28: {  	s2 =	sld [smem:$0x3FAD]  }
0x29: {  	s4 =	sld [smem:$0x3FAF]  }
0x2a: {  	p0 =	seq.s32 s5, $0x0;
	s5 =	sld [smem:$0x3FB0]  }
0x2b: {  	s6 =	sld [smem:$0x3FB1]  }
0x2c: {  	s7 =	sld [smem:$0x3FB2]  }
0x2d: {  	s3 =	simm.s32 $0x108;
	s8 =	sld [smem:$0x3FB3]  }
0x2e: {  	s3 =	simm.s32 @!p0 $0x1082;
	s9 =	sld [smem:$0x3FB4]  }
0x2f: {  	lr =	sadd.s32 s0, s3;
	s0 =	sld [smem:$0x3FAB]  }
0x30: {  	s3 =	sld [smem:$0x3FAE]  }
0x31: {  	[smem:$0x3FB7] =	sst s10  }
0x32: {  	s10 =	sld [smem:$0x3FB5];
	_ =	sdelay $0x3  }
0x33: {  	p0 =	seq.s32 s10, $0x1;
	s10 =	sld [smem:$0x3FB7];
	_ =	sdelay $0x3  }
0x34: {  	[smem:$0x3FB7] =	sst s10  }
0x35: {  	s10 =	sld [smem:$0x3FB6];
	_ =	sdelay $0x3  }
0x36: {  	p1 =	seq.s32 s10, $0x1;
	s10 =	sld [smem:$0x3FB7];
	_ =	sdelay $0x3  }
0x37: {  	[smem:$0x3FB7] =	sst s10  }
0x38: {  	s10 =	sld [smem:$0x3FB8]  }
0x39: {  	_ = 	snop;
	(pc) =	sbr.ind lr, $3  }
0x3a: {  	_ = 	snop  }
0x3b: {  	_ = 	snop  }
0x3c: {  	p2 =	seq.s32 s10, $0x1;
	s10 =	sld [smem:$0x3FB7]  }
0x3d: {  	_ =	shalt  }
0x3e: {  	_ =	shalt  }
0x3f: {  	_ =	shalt  }
0x40: {  	_ =	shalt  }
0x41: {  	_ =	shalt  }
0x42: {  	_ =	shalt  }
0x43: {  	_ =	shalt  }
0x44: {  	_ =	shalt  }
0x45: {  	_ =	shalt  }
0x46: {  	_ =	shalt  }
0x47: {  	_ =	shalt  }
0x48: {  	_ =	shalt  }
0x49: {  	_ =	shalt  }
0x4a: {  	_ =	shalt  }
0x4b: {  	_ =	shalt  }
0x4c: {  	_ =	shalt  }
0x4d: {  	_ =	shalt  }
0x4e: {  	_ =	shalt  }
0x4f: {  	_ =	shalt  }
0x50: {  	_ =	shalt  }
0x51: {  	_ =	shalt  }
0x52: {  	_ =	shalt  }
0x53: {  	_ =	shalt  }
0x54: {  	_ =	shalt  }
0x55: {  	_ =	shalt  }
0x56: {  	_ =	shalt  }
0x57: {  	_ =	shalt  }
0x58: {  	_ =	shalt  }
0x59: {  	_ =	shalt  }
0x5a: {  	_ =	shalt  }
0x5b: {  	_ =	shalt  }
0x5c: {  	_ =	shalt  }
0x5d: {  	_ =	shalt  }
0x5e: {  	_ =	shalt  }
0x5f: {  	_ =	shalt  }
0x60: {  	_ =	shalt  }
0x61: {  	_ =	shalt  }
0x62: {  	_ =	shalt  }
0x63: {  	_ =	shalt  }
0x64: {  	_ =	shalt  }
0x65: {  	_ =	shalt  }
0x66: {  	_ =	shalt  }
0x67: {  	_ =	shalt  }
0x68: {  	_ =	shalt  }
0x69: {  	_ =	shalt  }
0x6a: {  	_ =	shalt  }
0x6b: {  	_ =	shalt  }
0x6c: {  	_ =	shalt  }
0x6d: {  	_ =	shalt  }
0x6e: {  	_ =	shalt  }
0x6f: {  	_ =	shalt  }
0x70: {  	_ =	shalt  }
0x71: {  	_ =	shalt  }
0x72: {  	_ =	shalt  }
0x73: {  	_ =	shalt  }
0x74: {  	_ =	shalt  }
0x75: {  	_ =	shalt  }
0x76: {  	_ =	shalt  }
0x77: {  	_ =	shalt  }
0x78: {  	_ =	shalt  }
0x79: {  	_ =	shalt  }
0x7a: {  	_ =	shalt  }
0x7b: {  	_ =	shalt  }
0x7c: {  	_ =	shalt  }
0x7d: {  	_ =	shalt  }
0x7e: {  	_ =	shalt  }
0x7f: {  	_ =	shalt  }
0x80: {  	_ =	shalt  }
0x81: {  	_ =	shalt  }
0x82: {  	_ =	shalt  }
0x83: {  	_ =	shalt  }
0x84: {  	_ =	shalt  }
0x85: {  	_ =	shalt  }
0x86: {  	_ =	shalt  }
0x87: {  	_ =	shalt  }
.Lfunc_end0:
.L_simem_size_0:
called_computation.4_lowered:
.L_overlay_start_0:
0x88: {  	s2 =	sld [smem:$0x3FD9]  }
0x89: {  	s3 =	sld [smem:$0x3FFE];
	_ =	sdelay $0x1  }
0x8a: {  	s1 =	srdreg.scid  }
0x8b: {  	s0 =	sand.u32 $0x1, s1  }
0x8c: {  	s14 =	sshll.u32 s0, $0xA;
	s2 =	sadd.s32 s3, s2  }
0x8d: {  	s2 =	sadd.s32 s2, s14  }
0x8e: {  	[smem:$0x3FC3] =	sst s2  }
0x8f: {  	_ = 	snop  }
0x90: {  	s2 =	sld [smem:$0x3FD0];
	_ =	sdelay $0x2  }
0x91: {  	s15 =	simm.s32 $0xB;
	s4 =	simm.s32 $0x10  }
0x92: {  	[smem:s4], [sflag:s15] =	dma.local [hbm:s2], $0x1  }
0x93: {  	_ =	swait.eq [sflag:s15], $0x1  }
0x94: {  	[sflag:s15] =	ssyncset.done $0x0  }
0x95: {  	s16 =	sld [smem:$0x10];
	[sflag:s15] =	ssyncadd.s32 $0xFFFFFFFF  }
0x96: {  	s17 =	sld [smem:$0x11];
	(tm) =	ssettm $0x1  }
0x97: {  	s18 =	sld [smem:$0x3FFB];
	_ =	sdelay $0x3  }
0x98: {  	_ =	strace s18  }
0x99: {  	s4 =	sld [smem:$0x3FFC];
	_ =	sdelay $0x3  }
0x9a: {  	_ =	strace s4  }
0x9b: {  	s4 =	sld [smem:$0x3FFD];
	_ =	sdelay $0x3  }
0x9c: {  	_ =	strace s4  }
0x9d: {  	_ =	strace $0x8FFFFFFF  }
0x9e: {  	s19 =	sld [smem:$0x3FDB];
	_ =	sdelay $0x1  }
0x9f: {  	s5 =	simm.s32 $_scs_section_size  }
0xa0: {  	s6 =	simm.s32 $_size__tile_overlayer_lowered;
	s7 =	simm.s32 $_tile_overlayer_lowered  }
0xa1: {  	s22 =	simm.s32 $0x1BFF;
	s21 =	sshll.u32 s7, $0x1;
	s4 =	sadd.s32 s5, s19  }
0xa2: {  	s8 =	simm.s32 $0x0;
	s20 =	sshll.u32 s6, $0x1;
	s6 =	sadd.s32 s21, s4  }
0xa3: {  	[timem:s8], [sflag:s22] =	dma.local [hbm:s6], s20  }
0xa4: {  	_ =	swait.ge [sflag:s22], s20  }
0xa5: {  	s5 =	ssub.s32 $0x0, s20;
	[sflag:s22] =	ssyncset.done $0x0  }
0xa6: {  	[sflag:s22] =	ssyncadd.s32 s5;
	_ =	sdelay $0x1  }
0xa7: {  	s23 =	simm.s32 $0x1B8B  }
0xa8: {  	_ =	swait.ge [sflag:s23], $0x1  }
0xa9: {  	[sflag:s23] =	ssyncset.done $0x0  }
0xaa: {  	s25 =	simm.s32 $0x1B8E;
	s24 =	sld [smem:$0x3FFE];
	[sflag:s23] =	ssyncadd.s32 $0xFFFFFFFF  }
0xab: {  	s26 =	simm.s32 $execute0_lowered;
	[smem:$0x3FD2] =	sst s25  }
0xac: {  	s6 =	sshll.u32 s26, $0x1;
	_ =	strace $0x80000052;
	[dreg:$0x1] =	wrdreg $0xFFFFFFFF  }
0xad: {  	s28 =	simm.s32 $_size_execute0_lowered;
	s4 =	sadd.s32 s4, s6;
	[dreg:$0x0] =	wrdreg $0x0  }
0xae: {  	s6 =	sshll.u32 s28, $0x1;
	[dreg:$0x2] =	wrdreg s4  }
0xaf: {  	[dreg:$0x3] =	wrdreg s6  }
0xb0: {  	[dreg:$0x4] =	wrdreg $0xC0  }
0xb1: {  	_ =	task [dreg:s8], $0x5FFFF  }
0xb2: {  	[dreg:$0x1] =	wrdreg $0xFFFFFFFF  }
0xb3: {  	[dreg:$0x0] =	wrdreg $0x60  }
0xb4: {  	[dreg:$0x2] =	wrdreg s17  }
0xb5: {  	[dreg:$0x3] =	wrdreg s16  }
0xb6: {  	[dreg:$0x4] =	wrdreg s24  }
0xb7: {  	[dreg:$0x5] =	wrdreg $0x9  }
0xb8: {  	_ =	task.clear_ibuf [dreg:s8], $0x6FFFF;
	_ =	strace $0x90000052  }
0xb9: {  	s29 =	simm.s32 $0x9;
	_ =	strace $0x80000054  }
0xba: {  	_ =	swait.ge [sflag:s29], $0x1  }
0xbb: {  	[sflag:s29] =	ssyncadd.s32 $0xFFFFFFFF  }
0xbc: {  	_ =	strace $0x90000054  }
0xbd: {  	_ =	sfence  }
0xbe: {  	s30 =	sld [smem:$0x0];
	_ =	sdelay $0x2  }
0xbf: {  	s31 =	sshll.u32 s1, $0xD;
	s1 =	sshrl.u32 s1, $0x2  }
0xc0: {  	s3 =	sand.u32 $0x4000, s31;
	s1 =	sadd.s32 s1, s30  }
0xc1: {  	s0 =	sor.u32 s3, s0;
	s1 =	sshll.u32 s1, $0x11  }
0xc2: {  	s0 =	sor.u32 s1, s0  }
0xc3: {  	s0 =	sadd.s32 $0x8F2B, s0  }
0xc4: {  	[sflag:s0] =	ssyncadd.remote.s32 $0x1  }
0xc5: {  	_ =	sfence.sel $0xFFFF  }
0xc6: {  	[dreg:$0x0] =	wrdreg $0xFFFFFFFF;
	(pc) =	sbr.abs _section_cstart, $3  }
0xc7: {  	[dreg:$0x1] =	wrdreg $0xFFFFFFFF  }
0xc8: {  	_ =	task.clear_ibuf [dreg:s8], $0x2FFFF;
	_ =	strace $0x9FFFFFFF  }
0xc9: {  	(tm) =	ssettm $0x7FFFFFFF  }
tec
execute0_lowered:
.L_overlay_start_1:
0x0: {  	(tag) =	ssettag $0x1  }
0x1: {  	s1 =	rddreg [dreg:$0x0]  }
0x2: {  	s2 =	rddreg [dreg:$0x1]  }
0x3: {  	s0 =	rddreg [dreg:$0x2]  }
0x4: {  	s3 =	srdreg.scid;
	s5 =	stileid.u32  }
0x5: {  	s4 =	simm.s32 $0x0;
	s3 =	sand.u32 $0x1, s3;
	s6 =	sshll.u32 s5, $0x1  }
0x6: {  	[smem:$0x7FF] =	sst s4;
	s5 =	sadd.s32 $0xF44600, s0;
	s7 =	sor.u32 s3, s6  }
0x7: {  	s8 =	sadd.s32 $0x1E00, s0;
	s9 =	sadd.s32 $0x3D2800, s0;
	s11 =	smul.u32 $0x6400, s7  }
0x8: {  	s10 =	sadd.s32 $0x3EB800, s0;
	_ =	strace $0x80000053;
	s3 =	ssub.s32 $0x2, s3  }
0x9: {  	s6 =	sadd.s32 $0x7A3200, s0;
	s26 =	sshrl.u32 s3, $0x1;
	s23 =	sor.u32 $0x200, s11  }
0xa: {  	s0 =	ssub.s32 s3, s26;
	s24 =	sor.u32 $0x280, s11;
	[dreg:$0x10] =	wrdreg s23  }
0xb: {  	s0 =	smax.u32 s0, $0x1;
	[dreg:$0x11] =	wrdreg s24  }
0xc: {  	s7 =	sshrl.u32 s11, $0x3;
	s25 =	sor.u32 $0x80, s11;
	[dreg:$0x12] =	wrdreg s0  }
0xd: {  	s26 =	sor.u32 $0x300, s11;
	s29 =	sor.u32 $0x100, s11;
	[dreg:$0x13] =	wrdreg s25  }
0xe: {  	s30 =	sor.u32 $0x380, s11;
	s12 =	sadd.s32 s1, s7;
	[dreg:$0x14] =	wrdreg s26  }
0xf: {  	s28 =	smov.u32 s11;
	s14 =	sadd.s32 s5, s7;
	[dreg:$0x4] =	wrdreg s12  }
0x10: {  	s13 =	sor.u32 $0x10, s7;
	s12 =	sadd.s32 s2, s7;
	[dreg:$0x6] =	wrdreg s14  }
0x11: {  	s31 =	sor.u32 $0x180, s11;
	s15 =	sadd.s32 s1, s13;
	[dreg:$0x5] =	wrdreg s12  }
0x12: {  	s11 =	simm.s32 $0x8;
	s16 =	sadd.s32 s2, s13;
	[dreg:$0x7] =	wrdreg s15  }
0x13: {  	s17 =	sor.u32 $0x20, s7;
	s3 =	sadd.s32 s5, s13;
	[dreg:$0x8] =	wrdreg s16  }
0x14: {  	s25 =	simm.s32 $0xC680;
	s18 =	sadd.s32 s1, s17;
	[dreg:$0x9] =	wrdreg s3  }
0x15: {  	s19 =	sadd.s32 s2, s17;
	s7 =	sor.u32 $0x30, s7;
	[dreg:$0xa] =	wrdreg s18  }
0x16: {  	s14 =	simm.s32 $0xC600;
	s13 =	simm.s32 $0x9;
	[dreg:$0xb] =	wrdreg s19  }
0x17: {  	s3 =	sadd.s32 s5, s17;
	s20 =	sadd.s32 s1, s7;
	s21 =	sadd.s32 s2, s7  }
.Ltmp0:
0x18: {  	s22 =	sadd.s32 s5, s7;
	[dreg:$0xc] =	wrdreg s3;
	(pc) =	sbr.rel .LBB2_1-.Ltmp0, $4  }
0x19: {  	s12 =	simm.s32 $0x80;
	s15 =	simm.s32 $0xC880;
	[dreg:$0xd] =	wrdreg s20  }
0x1a: {  	s16 =	simm.s32 $0xC700;
	s19 =	simm.s32 $0xC780;
	[dreg:$0xe] =	wrdreg s21  }
0x1b: {  	s17 =	simm.s32 $0x0;
	[dreg:$0xf] =	wrdreg s22;
	s21 =	simm.s32 $0x1  }
0x1c: {  	vm0 =	vcmask $0x3F3C;
	s22 =	simm.s32 $0xC800;
	s3 =	simm.s32 $0xC900;
	s20 =	simm.s32 $0xC980  }
.LBB2_15:
0x1d: {  	_ =	swait.ge [sflag:s13], $0x80  }
0x1e: {  	[sflag:s13] =	ssyncset.done $0x0  }
0x1f: {  	[sflag:s13] =	ssyncadd.s32 $0xFFFFFF80  }
0x20: {  	_ =	swait.ge [sflag:s13], $0x80  }
0x21: {  	[sflag:s13] =	ssyncset.done $0x0  }
0x22: {  	s0 =	simm.s32 $0xA;
	[sflag:s13] =	ssyncadd.s32 $0xFFFFFF80  }
0x23: {  	_ =	swait.ge [sflag:s0], $0x80  }
0x24: {  	[sflag:s0] =	ssyncset.done $0x0  }
0x25: {  	[sflag:s0] =	ssyncadd.s32 $0xFFFFFF80  }
0x26: {  	_ =	swait.ge [sflag:s0], $0x80  }
0x27: {  	[sflag:s0] =	ssyncset.done $0x0  }
0x28: {  	s24 =	simm.s32 $0xB;
	[sflag:s0] =	ssyncadd.s32 $0xFFFFFF80  }
0x29: {  	_ =	swait.ge [sflag:s24], $0x80  }
0x2a: {  	[sflag:s24] =	ssyncset.done $0x0  }
0x2b: {  	[sflag:s24] =	ssyncadd.s32 $0xFFFFFF80  }
0x2c: {  	_ =	swait.ge [sflag:s24], $0x80  }
0x2d: {  	[sflag:s24] =	ssyncset.done $0x0  }
0x2e: {  	s7 =	simm.s32 $0xC;
	[sflag:s24] =	ssyncadd.s32 $0xFFFFFF80  }
0x2f: {  	_ =	swait.ge [sflag:s7], $0x80  }
0x30: {  	[sflag:s7] =	ssyncset.done $0x0  }
0x31: {  	[sflag:s7] =	ssyncadd.s32 $0xFFFFFF80  }
0x32: {  	_ =	swait.ge [sflag:s7], $0x80  }
0x33: {  	s17 =	rddreg [dreg:$0x15]  }
0x34: {  	s26 =	rddreg [dreg:$0x12];
	s17 =	sadd.s32 $0x1, s17  }
0x35: {  	p0 =	sne.s32 s17, s26  }
.Ltmp1:
0x36: {  	_ = 	snop;
	(pc) =	sbr.rel @!p0 .LBB2_16-.Ltmp1, $3  }
0x37: {  	_ =	sdelay $0x1  }
0x38: {  	[sflag:s7] =	ssyncset.done $0x0  }
0x39: {  	[sflag:s7] =	ssyncadd.s32 $0xFFFFFF80  }
.LBB2_1:
0x3a: {  	[dreg:$0x15] =	wrdreg s17  }
0x3b: {  	s0 =	rddreg [dreg:$0x4];
	s7 =	simm.s32 $0xD  }
0x3c: {  	[tilespmem:s4], [sflag:$0xD] =	stream.linear.gather [hbm4b:s0+s4], $0x80, $0x38;
	[tilespmem:$0xCA00] =	vst v63  }
0x3d: {  	_ =	swait.ge [sflag:s7], $0x80  }
0x3e: {  	[sflag:s7] =	ssyncset.done $0x0  }
0x3f: {  	s17 =	simm.s32 $0x200;
	s18 =	rddreg [dreg:$0x5];
	[sflag:s7] =	ssyncadd.s32 $0xFFFFFF80  }
0x40: {  	[tilespmem:s17], [sflag:$0xD] =	stream.linear.gather [hbm4b:s18+s4], $0x80, $0x38;
	[tilespmem:$0xCA00] =	vst v63  }
0x41: {  	_ =	swait.ge [sflag:s7], $0x80  }
0x42: {  	[sflag:s7] =	ssyncset.done $0x0  }
0x43: {  	s18 =	simm.s32 $0x400;
	s23 =	rddreg [dreg:$0x6];
	[sflag:s7] =	ssyncadd.s32 $0xFFFFFF80  }
0x44: {  	[tilespmem:s18], [sflag:$0xD] =	stream.linear.gather [hbm4b:s23+s4], $0x80, $0x38;
	[tilespmem:$0xCA00] =	vst v63  }
0x45: {  	_ =	swait.ge [sflag:s7], $0x80  }
0x46: {  	[sflag:s7] =	ssyncset.done $0x0  }
0x47: {  	s24 =	simm.s32 $0x600;
	[sflag:s7] =	ssyncadd.s32 $0xFFFFFF80  }
0x48: {  	[tilespmem:s24], [sflag:$0x1] =	stream.indirect.gather [hbm4b:s6+s12], $0x20, s4, s12, $0xb8;
	[tilespmem:$0xCA00] =	vst v63  }
0x49: {  	s26 =	simm.s32 $0x4600  }
0x4a: {  	[tilespmem:s26], [sflag:$0x1] =	stream.indirect.gather [hbm4b:s8+s12], $0x20, s17, s12, $0xb8;
	[tilespmem:$0xCA00] =	vst v63  }
0x4b: {  	s23 =	simm.s32 $0x8600  }
0x4c: {  	[tilespmem:s23], [sflag:$0x1] =	stream.indirect.gather [hbm4b:s8+s12], $0x20, s18, s12, $0xb8;
	[tilespmem:$0xCA00] =	vst v63  }
0x4d: {  	s24 =	rddreg [dreg:$0x7]  }
0x4e: {  	[tilespmem:s12], [sflag:$0xD] =	stream.linear.gather [hbm4b:s24+s4], $0x80, $0x38;
	[tilespmem:$0xCA00] =	vst v63  }
0x4f: {  	_ =	swait.ge [sflag:s7], $0x80  }
0x50: {  	[sflag:s7] =	ssyncset.done $0x0  }
0x51: {  	s17 =	simm.s32 $0x280;
	s26 =	rddreg [dreg:$0x8];
	[sflag:s7] =	ssyncadd.s32 $0xFFFFFF80  }
0x52: {  	[tilespmem:s17], [sflag:$0xD] =	stream.linear.gather [hbm4b:s26+s4], $0x80, $0x38;
	[tilespmem:$0xCA00] =	vst v63  }
0x53: {  	_ =	swait.ge [sflag:s7], $0x80  }
0x54: {  	[sflag:s7] =	ssyncset.done $0x0  }
0x55: {  	s23 =	simm.s32 $0x480;
	s18 =	rddreg [dreg:$0x9];
	[sflag:s7] =	ssyncadd.s32 $0xFFFFFF80  }
0x56: {  	[tilespmem:s23], [sflag:$0xD] =	stream.linear.gather [hbm4b:s18+s4], $0x80, $0x38;
	[tilespmem:$0xCA00] =	vst v63  }
0x57: {  	_ =	swait.ge [sflag:s7], $0x80  }
0x58: {  	[sflag:s7] =	ssyncset.done $0x0  }
0x59: {  	s24 =	simm.s32 $0x1600;
	[sflag:s7] =	ssyncadd.s32 $0xFFFFFF80  }
0x5a: {  	[tilespmem:s24], [sflag:$0x2] =	stream.indirect.gather [hbm4b:s6+s12], $0x20, s12, s12, $0xb8;
	[tilespmem:$0xCA00] =	vst v63  }
0x5b: {  	s26 =	simm.s32 $0x5600  }
0x5c: {  	[tilespmem:s26], [sflag:$0x2] =	stream.indirect.gather [hbm4b:s8+s12], $0x20, s17, s12, $0xb8;
	[tilespmem:$0xCA00] =	vst v63  }
0x5d: {  	s17 =	simm.s32 $0x9600  }
0x5e: {  	[tilespmem:s17], [sflag:$0x2] =	stream.indirect.gather [hbm4b:s8+s12], $0x20, s23, s12, $0xb8;
	[tilespmem:$0xCA00] =	vst v63  }
0x5f: {  	s18 =	rddreg [dreg:$0xa];
	s17 =	simm.s32 $0x100  }
0x60: {  	[tilespmem:s17], [sflag:$0xD] =	stream.linear.gather [hbm4b:s18+s4], $0x80, $0x38;
	[tilespmem:$0xCA00] =	vst v63  }
0x61: {  	_ =	swait.ge [sflag:s7], $0x80  }
0x62: {  	[sflag:s7] =	ssyncset.done $0x0  }
0x63: {  	s18 =	simm.s32 $0x300;
	s23 =	rddreg [dreg:$0xb];
	[sflag:s7] =	ssyncadd.s32 $0xFFFFFF80  }
0x64: {  	[tilespmem:s18], [sflag:$0xD] =	stream.linear.gather [hbm4b:s23+s4], $0x80, $0x38;
	[tilespmem:$0xCA00] =	vst v63  }
0x65: {  	_ =	swait.ge [sflag:s7], $0x80  }
0x66: {  	[sflag:s7] =	ssyncset.done $0x0  }
0x67: {  	s23 =	simm.s32 $0x500;
	s24 =	rddreg [dreg:$0xc];
	[sflag:s7] =	ssyncadd.s32 $0xFFFFFF80  }
0x68: {  	[tilespmem:s23], [sflag:$0xD] =	stream.linear.gather [hbm4b:s24+s4], $0x80, $0x38;
	[tilespmem:$0xCA00] =	vst v63  }
0x69: {  	_ =	swait.ge [sflag:s7], $0x80  }
0x6a: {  	[sflag:s7] =	ssyncset.done $0x0  }
0x6b: {  	s26 =	simm.s32 $0x2600;
	[sflag:s7] =	ssyncadd.s32 $0xFFFFFF80  }
0x6c: {  	[tilespmem:s26], [sflag:$0x3] =	stream.indirect.gather [hbm4b:s6+s12], $0x20, s17, s12, $0xb8;
	[tilespmem:$0xCA00] =	vst v63  }
0x6d: {  	s17 =	simm.s32 $0x6600  }
0x6e: {  	[tilespmem:s17], [sflag:$0x3] =	stream.indirect.gather [hbm4b:s8+s12], $0x20, s18, s12, $0xb8;
	[tilespmem:$0xCA00] =	vst v63  }
0x6f: {  	s18 =	simm.s32 $0xA600  }
0x70: {  	[tilespmem:s18], [sflag:$0x3] =	stream.indirect.gather [hbm4b:s8+s12], $0x20, s23, s12, $0xb8;
	[tilespmem:$0xCA00] =	vst v63  }
0x71: {  	s17 =	simm.s32 $0x180;
	s23 =	rddreg [dreg:$0xd]  }
0x72: {  	[tilespmem:s17], [sflag:$0xD] =	stream.linear.gather [hbm4b:s23+s4], $0x80, $0x38;
	[tilespmem:$0xCA00] =	vst v63  }
0x73: {  	_ =	swait.ge [sflag:s7], $0x80  }
0x74: {  	[sflag:s7] =	ssyncset.done $0x0  }
0x75: {  	s18 =	simm.s32 $0x380;
	s24 =	rddreg [dreg:$0xe];
	[sflag:s7] =	ssyncadd.s32 $0xFFFFFF80  }
0x76: {  	[tilespmem:s18], [sflag:$0xD] =	stream.linear.gather [hbm4b:s24+s4], $0x80, $0x38;
	[tilespmem:$0xCA00] =	vst v63  }
0x77: {  	_ =	swait.ge [sflag:s7], $0x80  }
0x78: {  	[sflag:s7] =	ssyncset.done $0x0  }
0x79: {  	s23 =	simm.s32 $0x580;
	s26 =	rddreg [dreg:$0xf];
	[sflag:s7] =	ssyncadd.s32 $0xFFFFFF80  }
0x7a: {  	[tilespmem:s23], [sflag:$0xD] =	stream.linear.gather [hbm4b:s26+s4], $0x80, $0x38;
	[tilespmem:$0xCA00] =	vst v63  }
0x7b: {  	_ =	swait.ge [sflag:s7], $0x80  }
0x7c: {  	[sflag:s7] =	ssyncset.done $0x0  }
0x7d: {  	[sflag:s7] =	ssyncadd.s32 $0xFFFFFF80;
	s7 =	simm.s32 $0x3600  }
0x7e: {  	[tilespmem:s7], [sflag:$0x4] =	stream.indirect.gather [hbm4b:s6+s12], $0x20, s17, s12, $0xb8;
	[tilespmem:$0xCA00] =	vst v63  }
0x7f: {  	s24 =	simm.s32 $0x7600  }
0x80: {  	[tilespmem:s24], [sflag:$0x4] =	stream.indirect.gather [hbm4b:s8+s12], $0x20, s18, s12, $0xb8;
	[tilespmem:$0xCA00] =	vst v63  }
0x81: {  	s26 =	simm.s32 $0xB600;
	s17 =	simm.s32 $0x0  }
0x82: {  	[tilespmem:s26], [sflag:$0x4] =	stream.indirect.gather [hbm4b:s8+s12], $0x20, s23, s12, $0xb8;
	[tilespmem:$0xCA00] =	vst v63  }
.LBB2_2:
0x83: {  	_ =	swait.ge [sflag:s21], $0x1000  }
0x84: {  	[sflag:s21] =	ssyncset.done $0x0  }
0x85: {  	[sflag:s21] =	ssyncadd.s32 $0xFFFFF000  }
0x86: {  	_ =	swait.ge [sflag:s21], $0x1000  }
0x87: {  	[sflag:s21] =	ssyncset.done $0x0  }
0x88: {  	[sflag:s21] =	ssyncadd.s32 $0xFFFFF000  }
0x89: {  	_ =	swait.ge [sflag:s21], $0x1000  }
0x8a: {  	s18 =	sshll.u32 s17, $0x9;
	p0 =	seq.s32 s17, $0x31;
	s0 =	rddreg [dreg:$0x10]  }
0x8b: {  	s23 =	simm.s32 @!p0 $0x0;
	s0 =	sadd.s32 @!p0 s18, s0  }
0x8c: {  	p1 =	seq.s32 @!p0 s17, $0x0;
	[sflag:s21] =	ssyncset.done $0x0;
	s0 =	sshrl.u32 @!p0 s0, $0x3  }
0x8d: {  	p1 =	por p0, !p1;
	[sflag:s21] =	ssyncadd.s32 $0xFFFFF000;
	s7 =	sadd.s32 @!p0 s1, s0  }
0x8e: {  	[tilespmem:s23], [sflag:$0x5] =	stream.linear.gather @!p0 [hbm4b:s7+s23], $0x80, $0x38;
	[tilespmem:$0xCA00] =	vst v63  }
.Ltmp2:
0x8f: {  	_ = 	snop;
	(pc) =	sbr.rel @!p1 .LBB2_3-.Ltmp2, $4  }
0x90: {  	s24 =	simm.s32 @!p0 $0x200;
	s7 =	sadd.s32 @!p0 s2, s0  }
0x91: {  	[tilespmem:s24], [sflag:$0x5] =	stream.linear.gather @!p0 [hbm4b:s7+s23], $0x80, $0x38;
	[tilespmem:$0xCA00] =	vst v63  }
0x92: {  	s0 =	sadd.s32 @!p0 s5, s0;
	s7 =	simm.s32 @!p0 $0x400  }
0x93: {  	[tilespmem:s7], [sflag:$0x5] =	stream.linear.gather @!p0 [hbm4b:s0+s23], $0x80, $0x38;
	[tilespmem:$0xCA00] =	vst v63  }
0x94: {  	_ =	swait.ge [sflag:s13], $0x80  }
.Ltmp3:
0x95: {  	[sflag:s13] =	ssyncset.done $0x0;
	(pc) =	sbr.rel .LBB2_5-.Ltmp3, $4  }
0x96: {  	[sflag:s13] =	ssyncadd.s32 $0xFFFFFF80  }
0x97: {  	_ =	swait.ge [sflag:s13], $0x80  }
0x98: {  	[sflag:s13] =	ssyncset.done $0x0  }
0x99: {  	p1 =	por $0x0, $0x0;
	[sflag:s13] =	ssyncadd.s32 $0xFFFFFF80  }
.LBB2_3:
0x9a: {  	p1 =	por @!p0 $0x1, $0x1  }
.LBB2_5:
0x9b: {  	s0 =	simm.s32 $0x0  }
0x9c: {  	s7 =	simm.s32 $0x4640;
	s23 =	simm.s32 $0x8640;
	s24 =	simm.s32 $0x640  }
.LBB2_6:
0x9d: {  	v0 =	vld [tilespmem:s24+$0xFFFFFFC0]  }
0x9e: {  	v1 =	vld [tilespmem:s7+$0xFFFFFFC0]  }
0x9f: {  	v2 =	vld [tilespmem:s23+$0xFFFFFFC0]  }
0xa0: {  	v3 =	vld [tilespmem:s24+$0xFFFFFFD0]  }
0xa1: {  	v4 =	vld [tilespmem:s7+$0xFFFFFFD0]  }
0xa2: {  	v6 =	vld [tilespmem:s23+$0xFFFFFFD0]  }
0xa3: {  	v5 =	vunpack.i.u.bf16.f32 v0  }
0xa4: {  	v0 =	vunpack.i.l.bf16.f32 v0;
	v7 =	vunpack.i.u.bf16.f32 v1;
	v1 =	vunpack.i.l.bf16.f32 v1  }
0xa5: {  	v8 =	vunpack.i.u.bf16.f32 v2;
	v2 =	vunpack.i.l.bf16.f32 v2;
	v12 =	vunpack.i.l.bf16.f32 v3  }
0xa6: {  	v13 =	vunpack.i.l.bf16.f32 v4;
	v1 =	vmul.f32 v1, v0;
	v7 =	vmul.f32 v7, v5  }
0xa7: {  	v14 =	vunpack.i.l.bf16.f32 v6;
	v0 =	vmul.f32 v2, v0;
	v11 =	vmul.f32 v8, v5  }
0xa8: {  	v3 =	vunpack.i.u.bf16.f32 v3;
	v1 =	vadd.f32 v1, v7;
	v7 =	vmul.f32 v13, v12  }
0xa9: {  	v4 =	vunpack.i.u.bf16.f32 v4;
	v2 =	vmul.f32 v14, v12;
	v0 =	vadd.f32 v0, v11  }
0xaa: {  	v15 =	vunpack.i.u.bf16.f32 v6;
	v4 =	vmul.f32 v4, v3;
	v1 =	vadd.f32 v7, v1  }
0xab: {  	v16 =	vmul.f32 v15, v3;
	v0 =	vadd.f32 v2, v0  }
0xac: {  	v1 =	vadd.f32 v1, v4  }
0xad: {  	v0 =	vadd.f32 v0, v16  }
0xae: {  	(xrf2) =	vadd.scan.msk.f32 $0xffff, v1  }
0xaf: {  	(xrf2) =	vadd.scan.msk.f32 $0xffff, v0;
	_ =	sdelay $0x1  }
0xb0: {  	v17 =	vmov s0  }
0xb1: {  	v0 =	vand.u32 $0xFFFFFFFC, v17  }
0xb2: {  	v0 =	vbroadcast v0, $0x0;
	_ =	sdelay $0x4  }
0xb3: {  	v1, _, _ =	vpop (xrf2)  }
0xb4: {  	[tilespmem:v0+s14+$0x0] =	vst.idx.msk vm0, v1;
	v18, _, _ =	vpop (xrf2)  }
0xb5: {  	[tilespmem:v0+s22+$0x0] =	vst.idx.msk vm0, v18  }
0xb6: {  	v0 =	vld [tilespmem:s24+$0xFFFFFFE0]  }
0xb7: {  	v1 =	vld [tilespmem:s7+$0xFFFFFFE0]  }
0xb8: {  	v19 =	vld [tilespmem:s23+$0xFFFFFFE0]  }
0xb9: {  	v20 =	vld [tilespmem:s24+$0xFFFFFFF0]  }
0xba: {  	v21 =	vld [tilespmem:s7+$0xFFFFFFF0]  }
0xbb: {  	v23 =	vld [tilespmem:s23+$0xFFFFFFF0]  }
0xbc: {  	v22 =	vunpack.i.u.bf16.f32 v0  }
0xbd: {  	v0 =	vunpack.i.l.bf16.f32 v0;
	v24 =	vunpack.i.u.bf16.f32 v1;
	v1 =	vunpack.i.l.bf16.f32 v1  }
0xbe: {  	v25 =	vunpack.i.u.bf16.f32 v19;
	v2 =	vunpack.i.l.bf16.f32 v19;
	v27 =	vunpack.i.l.bf16.f32 v20  }
0xbf: {  	v28 =	vunpack.i.l.bf16.f32 v21;
	v1 =	vmul.f32 v1, v0;
	v7 =	vmul.f32 v24, v22  }
0xc0: {  	v29 =	vunpack.i.l.bf16.f32 v23;
	v0 =	vmul.f32 v2, v0;
	v26 =	vmul.f32 v25, v22  }
0xc1: {  	v3 =	vunpack.i.u.bf16.f32 v20;
	v1 =	vadd.f32 v1, v7;
	v7 =	vmul.f32 v28, v27  }
0xc2: {  	v4 =	vunpack.i.u.bf16.f32 v21;
	v2 =	vmul.f32 v29, v27;
	v0 =	vadd.f32 v0, v26  }
0xc3: {  	v30 =	vunpack.i.u.bf16.f32 v23;
	v4 =	vmul.f32 v4, v3;
	v1 =	vadd.f32 v7, v1  }
0xc4: {  	v31 =	vmul.f32 v30, v3;
	v0 =	vadd.f32 v2, v0  }
0xc5: {  	v1 =	vadd.f32 v1, v4  }
0xc6: {  	v0 =	vadd.f32 v0, v31  }
0xc7: {  	(xrf2) =	vadd.scan.msk.f32 $0xffff, v1  }
0xc8: {  	(xrf2) =	vadd.scan.msk.f32 $0xffff, v0  }
0xc9: {  	s26 =	sadd.s32 $0x1, s0  }
0xca: {  	v32 =	vmov s26  }
0xcb: {  	v0 =	vand.u32 $0xFFFFFFFD, v32  }
0xcc: {  	v0 =	vbroadcast v0, $0x0;
	_ =	sdelay $0x4  }
0xcd: {  	v1, _, _ =	vpop (xrf2)  }
0xce: {  	[tilespmem:v0+s14+$0x0] =	vst.idx.msk vm0, v1;
	v33, _, _ =	vpop (xrf2)  }
0xcf: {  	[tilespmem:v0+s22+$0x0] =	vst.idx.msk vm0, v33  }
0xd0: {  	v0 =	vld [tilespmem:s24+$0x0]  }
0xd1: {  	v1 =	vld [tilespmem:s7+$0x0]  }
0xd2: {  	v34 =	vld [tilespmem:s23+$0x0]  }
0xd3: {  	v35 =	vld [tilespmem:s24+$0x10]  }
0xd4: {  	v36 =	vld [tilespmem:s7+$0x10]  }
0xd5: {  	v38 =	vld [tilespmem:s23+$0x10]  }
0xd6: {  	v37 =	vunpack.i.u.bf16.f32 v0  }
0xd7: {  	v0 =	vunpack.i.l.bf16.f32 v0;
	v39 =	vunpack.i.u.bf16.f32 v1;
	v1 =	vunpack.i.l.bf16.f32 v1  }
0xd8: {  	v40 =	vunpack.i.u.bf16.f32 v34;
	v2 =	vunpack.i.l.bf16.f32 v34;
	v42 =	vunpack.i.l.bf16.f32 v35  }
0xd9: {  	v43 =	vunpack.i.l.bf16.f32 v36;
	v1 =	vmul.f32 v1, v0;
	v7 =	vmul.f32 v39, v37  }
0xda: {  	v44 =	vunpack.i.l.bf16.f32 v38;
	v0 =	vmul.f32 v2, v0;
	v41 =	vmul.f32 v40, v37  }
0xdb: {  	v3 =	vunpack.i.u.bf16.f32 v35;
	v1 =	vadd.f32 v1, v7;
	v7 =	vmul.f32 v43, v42  }
0xdc: {  	v4 =	vunpack.i.u.bf16.f32 v36;
	v2 =	vmul.f32 v44, v42;
	v0 =	vadd.f32 v0, v41  }
0xdd: {  	v45 =	vunpack.i.u.bf16.f32 v38;
	v4 =	vmul.f32 v4, v3;
	v1 =	vadd.f32 v7, v1  }
0xde: {  	v46 =	vmul.f32 v45, v3;
	v0 =	vadd.f32 v2, v0  }
0xdf: {  	v1 =	vadd.f32 v1, v4  }
0xe0: {  	v0 =	vadd.f32 v0, v46  }
0xe1: {  	(xrf2) =	vadd.scan.msk.f32 $0xffff, v1  }
0xe2: {  	(xrf2) =	vadd.scan.msk.f32 $0xffff, v0  }
0xe3: {  	s26 =	sadd.s32 $0x2, s0  }
0xe4: {  	v47 =	vmov s26  }
0xe5: {  	v0 =	vand.u32 $0xFFFFFFFE, v47  }
0xe6: {  	v0 =	vbroadcast v0, $0x0;
	_ =	sdelay $0x4  }
0xe7: {  	v1, _, _ =	vpop (xrf2)  }
0xe8: {  	[tilespmem:v0+s14+$0x0] =	vst.idx.msk vm0, v1;
	v48, _, _ =	vpop (xrf2)  }
0xe9: {  	[tilespmem:v0+s22+$0x0] =	vst.idx.msk vm0, v48  }
0xea: {  	v0 =	vld [tilespmem:s24+$0x20]  }
0xeb: {  	v1 =	vld [tilespmem:s7+$0x20]  }
0xec: {  	v49 =	vld [tilespmem:s23+$0x20]  }
0xed: {  	v50 =	vld [tilespmem:s24+$0x30]  }
0xee: {  	v51 =	vld [tilespmem:s7+$0x30]  }
0xef: {  	v53 =	vld [tilespmem:s23+$0x30]  }
0xf0: {  	v52 =	vunpack.i.u.bf16.f32 v0  }
0xf1: {  	v0 =	vunpack.i.l.bf16.f32 v0;
	v54 =	vunpack.i.u.bf16.f32 v1;
	v1 =	vunpack.i.l.bf16.f32 v1  }
0xf2: {  	v55 =	vunpack.i.u.bf16.f32 v49;
	v2 =	vunpack.i.l.bf16.f32 v49;
	v57 =	vunpack.i.l.bf16.f32 v50  }
0xf3: {  	v58 =	vunpack.i.l.bf16.f32 v51;
	v1 =	vmul.f32 v1, v0;
	v7 =	vmul.f32 v54, v52  }
0xf4: {  	v59 =	vunpack.i.l.bf16.f32 v53;
	v0 =	vmul.f32 v2, v0;
	v56 =	vmul.f32 v55, v52  }
0xf5: {  	v3 =	vunpack.i.u.bf16.f32 v50;
	v1 =	vadd.f32 v1, v7;
	v7 =	vmul.f32 v58, v57  }
0xf6: {  	v4 =	vunpack.i.u.bf16.f32 v51;
	v2 =	vmul.f32 v59, v57;
	v0 =	vadd.f32 v0, v56  }
0xf7: {  	v60 =	vunpack.i.u.bf16.f32 v53;
	v4 =	vmul.f32 v4, v3;
	v1 =	vadd.f32 v7, v1  }
0xf8: {  	v61 =	vmul.f32 v60, v3;
	v0 =	vadd.f32 v2, v0  }
0xf9: {  	v1 =	vadd.f32 v1, v4  }
0xfa: {  	v0 =	vadd.f32 v0, v61  }
0xfb: {  	(xrf2) =	vadd.scan.msk.f32 $0xffff, v1  }
0xfc: {  	(xrf2) =	vadd.scan.msk.f32 $0xffff, v0;
	_ =	sdelay $0x3  }
0xfd: {  	s26 =	sadd.s32 $0x3, s0  }
0xfe: {  	v62 =	vmov s26  }
0xff: {  	p2 =	slt.u32 s0, $0x7C  }
.Ltmp4:
0x100: {  	_ = 	snop;
	(pc) =	sbr.rel @p2 .LBB2_6-.Ltmp4, $4  }
0x101: {  	_ = 	snop  }
0x102: {  	v1, _, _ =	vpop (xrf2)  }
0x103: {  	s0 =	sadd.s32 $0x4, s0;
	[tilespmem:v62+s14+$0x0] =	vst.idx.msk vm0, v1;
	v63, _, _ =	vpop (xrf2)  }
0x104: {  	s7 =	sadd.s32 $0x80, s7;
	s23 =	sadd.s32 $0x80, s23;
	s24 =	sadd.s32 $0x80, s24;
	[tilespmem:v62+s22+$0x0] =	vst.idx.msk vm0, v63  }
0x105: {  	s0 =	sadd.s32 s28, s18  }
0x106: {  	s0 =	sshrl.u32 s0, $0x3  }
0x107: {  	s7 =	sadd.s32 s9, s0  }
0x108: {  	[hbm4b:s7+s4] =	stream.linear.scatter [tilespmem:s14], [sflag:$0x9], $0x80, $0x38;
	[tilespmem:$0xCA00] =	vst v63  }
0x109: {  	s0 =	sadd.s32 s10, s0  }
0x10a: {  	[hbm4b:s0+s4] =	stream.linear.scatter [tilespmem:s22], [sflag:$0x9], $0x80, $0x38;
	[tilespmem:$0xCA00] =	vst v63  }
0x10b: {  	s0 =	simm.s32 @p0 $0x2  }
0x10c: {  	_ =	swait.ge @p0 [sflag:s0], $0x1000  }
0x10d: {  	[sflag:s0] =	ssyncset.done @p0 $0x0  }
0x10e: {  	[sflag:s0] =	ssyncadd.s32 @p0 $0xFFFFF000  }
0x10f: {  	_ =	swait.ge @p0 [sflag:s0], $0x1000  }
0x110: {  	[sflag:s0] =	ssyncset.done @p0 $0x0  }
0x111: {  	[sflag:s0] =	ssyncadd.s32 @p0 $0xFFFFF000  }
0x112: {  	_ =	swait.ge @p0 [sflag:s0], $0x1000  }
0x113: {  	[sflag:s0] =	ssyncset.done @p0 $0x0  }
0x114: {  	[sflag:s0] =	ssyncadd.s32 @p0 $0xFFFFF000;
	s0 =	simm.s32 @!p0 $0x5  }
0x115: {  	_ =	swait.ge @!p0 [sflag:s0], $0x80  }
0x116: {  	[sflag:s0] =	ssyncset.done @!p0 $0x0  }
0x117: {  	[sflag:s0] =	ssyncadd.s32 @!p0 $0xFFFFFF80  }
0x118: {  	_ =	swait.ge @!p0 [sflag:s0], $0x80  }
0x119: {  	[sflag:s0] =	ssyncset.done @!p0 $0x0  }
0x11a: {  	[sflag:s0] =	ssyncadd.s32 @!p0 $0xFFFFFF80  }
0x11b: {  	_ =	swait.ge @!p0 [sflag:s0], $0x80  }
0x11c: {  	s23 =	simm.s32 @!p0 $0x600;
	[sflag:s0] =	ssyncset.done @!p0 $0x0  }
0x11d: {  	s7 =	simm.s32 @!p0 $0x0;
	[sflag:s0] =	ssyncadd.s32 @!p0 $0xFFFFFF80;
	s0 =	simm.s32 @!p0 $0x80  }
0x11e: {  	[tilespmem:s23], [sflag:$0x1] =	stream.indirect.gather @!p0 [hbm4b:s6+s0], $0x20, s7, s0, $0xb8;
	[tilespmem:$0xCA00] =	vst v63  }
0x11f: {  	s24 =	simm.s32 @!p0 $0x4600;
	s23 =	simm.s32 @!p0 $0x200  }
0x120: {  	[tilespmem:s24], [sflag:$0x1] =	stream.indirect.gather @!p0 [hbm4b:s8+s0], $0x20, s23, s0, $0xb8;
	[tilespmem:$0xCA00] =	vst v63  }
0x121: {  	s23 =	simm.s32 @!p0 $0x400;
	s24 =	simm.s32 @!p0 $0x8600  }
0x122: {  	[tilespmem:s24], [sflag:$0x1] =	stream.indirect.gather @!p0 [hbm4b:s8+s0], $0x20, s23, s0, $0xb8;
	[tilespmem:$0xCA00] =	vst v63  }
0x123: {  	s23 =	simm.s32 @!p0 $0x2  }
0x124: {  	_ =	swait.ge @!p0 [sflag:s23], $0x1000  }
0x125: {  	[sflag:s23] =	ssyncset.done @!p0 $0x0  }
0x126: {  	[sflag:s23] =	ssyncadd.s32 @!p0 $0xFFFFF000  }
0x127: {  	_ =	swait.ge @!p0 [sflag:s23], $0x1000  }
0x128: {  	[sflag:s23] =	ssyncset.done @!p0 $0x0  }
0x129: {  	[sflag:s23] =	ssyncadd.s32 @!p0 $0xFFFFF000  }
0x12a: {  	_ =	swait.ge @!p0 [sflag:s23], $0x1000  }
0x12b: {  	s24 =	rddreg [dreg:$0x11]  }
0x12c: {  	s24 =	sadd.s32 @!p0 s18, s24  }
0x12d: {  	[sflag:s23] =	ssyncset.done @!p0 $0x0;
	s24 =	sshrl.u32 @!p0 s24, $0x3  }
0x12e: {  	[sflag:s23] =	ssyncadd.s32 @!p0 $0xFFFFF000;
	s23 =	sadd.s32 @!p0 s1, s24  }
0x12f: {  	[tilespmem:s0], [sflag:$0x6] =	stream.linear.gather @!p0 [hbm4b:s23+s7], $0x80, $0x38;
	[tilespmem:$0xCA00] =	vst v63  }
0x130: {  	s0 =	sadd.s32 @!p0 s2, s24;
	s23 =	simm.s32 @!p0 $0x280  }
0x131: {  	[tilespmem:s23], [sflag:$0x6] =	stream.linear.gather @!p0 [hbm4b:s0+s7], $0x80, $0x38;
	[tilespmem:$0xCA00] =	vst v63  }
0x132: {  	s0 =	sadd.s32 @!p0 s5, s24;
	s23 =	simm.s32 @!p0 $0x480  }
0x133: {  	[tilespmem:s23], [sflag:$0x6] =	stream.linear.gather @!p0 [hbm4b:s0+s7], $0x80, $0x38;
	[tilespmem:$0xCA00] =	vst v63  }
0x134: {  	s0 =	simm.s32 @!p1 $0xA  }
0x135: {  	_ =	swait.ge @!p1 [sflag:s0], $0x80  }
0x136: {  	[sflag:s0] =	ssyncset.done @!p1 $0x0  }
0x137: {  	[sflag:s0] =	ssyncadd.s32 @!p1 $0xFFFFFF80  }
0x138: {  	_ =	swait.ge @!p1 [sflag:s0], $0x80  }
0x139: {  	s24 =	simm.s32 $0x9670;
	s7 =	simm.s32 $0x1670;
	[sflag:s0] =	ssyncset.done @!p1 $0x0  }
0x13a: {  	s23 =	simm.s32 $0x5670;
	[sflag:s0] =	ssyncadd.s32 @!p1 $0xFFFFFF80;
	s0 =	simm.s32 $0x0  }
.LBB2_8:
0x13b: {  	v0 =	vld [tilespmem:s7+$0xFFFFFF90]  }
0x13c: {  	v1 =	vld [tilespmem:s23+$0xFFFFFF90]  }
0x13d: {  	v2 =	vld [tilespmem:s24+$0xFFFFFF90]  }
0x13e: {  	v3 =	vld [tilespmem:s7+$0xFFFFFFA0]  }
0x13f: {  	v4 =	vld [tilespmem:s23+$0xFFFFFFA0]  }
0x140: {  	v6 =	vld [tilespmem:s24+$0xFFFFFFA0]  }
0x141: {  	v5 =	vunpack.i.u.bf16.f32 v0  }
0x142: {  	v0 =	vunpack.i.l.bf16.f32 v0;
	v7 =	vunpack.i.u.bf16.f32 v1;
	v1 =	vunpack.i.l.bf16.f32 v1  }
0x143: {  	v8 =	vunpack.i.u.bf16.f32 v2;
	v2 =	vunpack.i.l.bf16.f32 v2;
	v12 =	vunpack.i.l.bf16.f32 v3  }
0x144: {  	v13 =	vunpack.i.l.bf16.f32 v4;
	v1 =	vmul.f32 v1, v0;
	v7 =	vmul.f32 v7, v5  }
0x145: {  	v14 =	vunpack.i.l.bf16.f32 v6;
	v0 =	vmul.f32 v2, v0;
	v11 =	vmul.f32 v8, v5  }
0x146: {  	v3 =	vunpack.i.u.bf16.f32 v3;
	v1 =	vadd.f32 v1, v7;
	v7 =	vmul.f32 v13, v12  }
0x147: {  	v4 =	vunpack.i.u.bf16.f32 v4;
	v2 =	vmul.f32 v14, v12;
	v0 =	vadd.f32 v0, v11  }
0x148: {  	v15 =	vunpack.i.u.bf16.f32 v6;
	v4 =	vmul.f32 v4, v3;
	v1 =	vadd.f32 v7, v1  }
0x149: {  	v16 =	vmul.f32 v15, v3;
	v0 =	vadd.f32 v2, v0  }
0x14a: {  	v1 =	vadd.f32 v1, v4  }
0x14b: {  	v0 =	vadd.f32 v0, v16  }
0x14c: {  	(xrf2) =	vadd.scan.msk.f32 $0xffff, v1  }
0x14d: {  	(xrf2) =	vadd.scan.msk.f32 $0xffff, v0;
	_ =	sdelay $0x1  }
0x14e: {  	v17 =	vmov s0  }
0x14f: {  	v0 =	vand.u32 $0xFFFFFFFC, v17  }
0x150: {  	v0 =	vbroadcast v0, $0x0;
	_ =	sdelay $0x4  }
0x151: {  	v1, _, _ =	vpop (xrf2)  }
0x152: {  	[tilespmem:v0+s25+$0x0] =	vst.idx.msk vm0, v1;
	v18, _, _ =	vpop (xrf2)  }
0x153: {  	[tilespmem:v0+s15+$0x0] =	vst.idx.msk vm0, v18  }
0x154: {  	v0 =	vld [tilespmem:s7+$0xFFFFFFB0]  }
0x155: {  	v1 =	vld [tilespmem:s23+$0xFFFFFFB0]  }
0x156: {  	v19 =	vld [tilespmem:s24+$0xFFFFFFB0]  }
0x157: {  	v20 =	vld [tilespmem:s7+$0xFFFFFFC0]  }
0x158: {  	v21 =	vld [tilespmem:s23+$0xFFFFFFC0]  }
0x159: {  	v23 =	vld [tilespmem:s24+$0xFFFFFFC0]  }
0x15a: {  	v22 =	vunpack.i.u.bf16.f32 v0  }
0x15b: {  	v0 =	vunpack.i.l.bf16.f32 v0;
	v24 =	vunpack.i.u.bf16.f32 v1;
	v1 =	vunpack.i.l.bf16.f32 v1  }
0x15c: {  	v25 =	vunpack.i.u.bf16.f32 v19;
	v2 =	vunpack.i.l.bf16.f32 v19;
	v27 =	vunpack.i.l.bf16.f32 v20  }
0x15d: {  	v28 =	vunpack.i.l.bf16.f32 v21;
	v1 =	vmul.f32 v1, v0;
	v7 =	vmul.f32 v24, v22  }
0x15e: {  	v29 =	vunpack.i.l.bf16.f32 v23;
	v0 =	vmul.f32 v2, v0;
	v26 =	vmul.f32 v25, v22  }
0x15f: {  	v3 =	vunpack.i.u.bf16.f32 v20;
	v1 =	vadd.f32 v1, v7;
	v7 =	vmul.f32 v28, v27  }
0x160: {  	v4 =	vunpack.i.u.bf16.f32 v21;
	v2 =	vmul.f32 v29, v27;
	v0 =	vadd.f32 v0, v26  }
0x161: {  	v30 =	vunpack.i.u.bf16.f32 v23;
	v4 =	vmul.f32 v4, v3;
	v1 =	vadd.f32 v7, v1  }
0x162: {  	v31 =	vmul.f32 v30, v3;
	v0 =	vadd.f32 v2, v0  }
0x163: {  	v1 =	vadd.f32 v1, v4  }
0x164: {  	v0 =	vadd.f32 v0, v31  }
0x165: {  	(xrf2) =	vadd.scan.msk.f32 $0xffff, v1  }
0x166: {  	(xrf2) =	vadd.scan.msk.f32 $0xffff, v0  }
0x167: {  	s26 =	sadd.s32 $0x1, s0  }
0x168: {  	v32 =	vmov s26  }
0x169: {  	v0 =	vand.u32 $0xFFFFFFFD, v32  }
0x16a: {  	v0 =	vbroadcast v0, $0x0;
	_ =	sdelay $0x4  }
0x16b: {  	v1, _, _ =	vpop (xrf2)  }
0x16c: {  	[tilespmem:v0+s25+$0x0] =	vst.idx.msk vm0, v1;
	v33, _, _ =	vpop (xrf2)  }
0x16d: {  	[tilespmem:v0+s15+$0x0] =	vst.idx.msk vm0, v33  }
0x16e: {  	v0 =	vld [tilespmem:s7+$0xFFFFFFD0]  }
0x16f: {  	v1 =	vld [tilespmem:s23+$0xFFFFFFD0]  }
0x170: {  	v34 =	vld [tilespmem:s24+$0xFFFFFFD0]  }
0x171: {  	v35 =	vld [tilespmem:s7+$0xFFFFFFE0]  }
0x172: {  	v36 =	vld [tilespmem:s23+$0xFFFFFFE0]  }
0x173: {  	v38 =	vld [tilespmem:s24+$0xFFFFFFE0]  }
0x174: {  	v37 =	vunpack.i.u.bf16.f32 v0  }
0x175: {  	v0 =	vunpack.i.l.bf16.f32 v0;
	v39 =	vunpack.i.u.bf16.f32 v1;
	v1 =	vunpack.i.l.bf16.f32 v1  }
0x176: {  	v40 =	vunpack.i.u.bf16.f32 v34;
	v2 =	vunpack.i.l.bf16.f32 v34;
	v42 =	vunpack.i.l.bf16.f32 v35  }
0x177: {  	v43 =	vunpack.i.l.bf16.f32 v36;
	v1 =	vmul.f32 v1, v0;
	v7 =	vmul.f32 v39, v37  }
0x178: {  	v44 =	vunpack.i.l.bf16.f32 v38;
	v0 =	vmul.f32 v2, v0;
	v41 =	vmul.f32 v40, v37  }
0x179: {  	v3 =	vunpack.i.u.bf16.f32 v35;
	v1 =	vadd.f32 v1, v7;
	v7 =	vmul.f32 v43, v42  }
0x17a: {  	v4 =	vunpack.i.u.bf16.f32 v36;
	v2 =	vmul.f32 v44, v42;
	v0 =	vadd.f32 v0, v41  }
0x17b: {  	v45 =	vunpack.i.u.bf16.f32 v38;
	v4 =	vmul.f32 v4, v3;
	v1 =	vadd.f32 v7, v1  }
0x17c: {  	v46 =	vmul.f32 v45, v3;
	v0 =	vadd.f32 v2, v0  }
0x17d: {  	v1 =	vadd.f32 v1, v4  }
0x17e: {  	v0 =	vadd.f32 v0, v46  }
0x17f: {  	(xrf2) =	vadd.scan.msk.f32 $0xffff, v1  }
0x180: {  	(xrf2) =	vadd.scan.msk.f32 $0xffff, v0  }
0x181: {  	s26 =	sadd.s32 $0x2, s0  }
0x182: {  	v47 =	vmov s26  }
0x183: {  	v0 =	vand.u32 $0xFFFFFFFE, v47  }
0x184: {  	v0 =	vbroadcast v0, $0x0;
	_ =	sdelay $0x4  }
0x185: {  	v1, _, _ =	vpop (xrf2)  }
0x186: {  	[tilespmem:v0+s25+$0x0] =	vst.idx.msk vm0, v1;
	v48, _, _ =	vpop (xrf2)  }
0x187: {  	[tilespmem:v0+s15+$0x0] =	vst.idx.msk vm0, v48  }
0x188: {  	v0 =	vld [tilespmem:s7+$0xFFFFFFF0]  }
0x189: {  	v1 =	vld [tilespmem:s23+$0xFFFFFFF0]  }
0x18a: {  	v49 =	vld [tilespmem:s24+$0xFFFFFFF0]  }
0x18b: {  	v50 =	vld [tilespmem:s7+$0x0]  }
0x18c: {  	v51 =	vld [tilespmem:s23+$0x0]  }
0x18d: {  	v53 =	vld [tilespmem:s24+$0x0]  }
0x18e: {  	v52 =	vunpack.i.u.bf16.f32 v0  }
0x18f: {  	v0 =	vunpack.i.l.bf16.f32 v0;
	v54 =	vunpack.i.u.bf16.f32 v1;
	v1 =	vunpack.i.l.bf16.f32 v1  }
0x190: {  	v55 =	vunpack.i.u.bf16.f32 v49;
	v2 =	vunpack.i.l.bf16.f32 v49;
	v57 =	vunpack.i.l.bf16.f32 v50  }
0x191: {  	v58 =	vunpack.i.l.bf16.f32 v51;
	v1 =	vmul.f32 v1, v0;
	v7 =	vmul.f32 v54, v52  }
0x192: {  	v59 =	vunpack.i.l.bf16.f32 v53;
	v0 =	vmul.f32 v2, v0;
	v56 =	vmul.f32 v55, v52  }
0x193: {  	v3 =	vunpack.i.u.bf16.f32 v50;
	v1 =	vadd.f32 v1, v7;
	v7 =	vmul.f32 v58, v57  }
0x194: {  	v4 =	vunpack.i.u.bf16.f32 v51;
	v2 =	vmul.f32 v59, v57;
	v0 =	vadd.f32 v0, v56  }
0x195: {  	v60 =	vunpack.i.u.bf16.f32 v53;
	v4 =	vmul.f32 v4, v3;
	v1 =	vadd.f32 v7, v1  }
0x196: {  	v61 =	vmul.f32 v60, v3;
	v0 =	vadd.f32 v2, v0  }
0x197: {  	v1 =	vadd.f32 v1, v4  }
0x198: {  	v0 =	vadd.f32 v0, v61  }
0x199: {  	(xrf2) =	vadd.scan.msk.f32 $0xffff, v1  }
0x19a: {  	(xrf2) =	vadd.scan.msk.f32 $0xffff, v0;
	_ =	sdelay $0x3  }
0x19b: {  	s26 =	sadd.s32 $0x3, s0  }
0x19c: {  	v62 =	vmov s26  }
0x19d: {  	p2 =	slt.u32 s0, $0x7C  }
.Ltmp5:
0x19e: {  	_ = 	snop;
	(pc) =	sbr.rel @p2 .LBB2_8-.Ltmp5, $4  }
0x19f: {  	_ = 	snop  }
0x1a0: {  	v1, _, _ =	vpop (xrf2)  }
0x1a1: {  	s0 =	sadd.s32 $0x4, s0;
	[tilespmem:v62+s25+$0x0] =	vst.idx.msk vm0, v1;
	v63, _, _ =	vpop (xrf2)  }
0x1a2: {  	s7 =	sadd.s32 $0x80, s7;
	s23 =	sadd.s32 $0x80, s23;
	s24 =	sadd.s32 $0x80, s24;
	[tilespmem:v62+s15+$0x0] =	vst.idx.msk vm0, v63  }
0x1a3: {  	s0 =	rddreg [dreg:$0x13]  }
0x1a4: {  	s0 =	sadd.s32 s18, s0  }
0x1a5: {  	s0 =	sshrl.u32 s0, $0x3  }
0x1a6: {  	s7 =	sadd.s32 s9, s0  }
0x1a7: {  	[hbm4b:s7+s4] =	stream.linear.scatter [tilespmem:s25], [sflag:$0xA], $0x80, $0x38;
	[tilespmem:$0xCA00] =	vst v63  }
0x1a8: {  	s0 =	sadd.s32 s10, s0  }
0x1a9: {  	[hbm4b:s0+s4] =	stream.linear.scatter [tilespmem:s15], [sflag:$0xA], $0x80, $0x38;
	[tilespmem:$0xCA00] =	vst v63  }
0x1aa: {  	s0 =	simm.s32 @p0 $0x3  }
0x1ab: {  	_ =	swait.ge @p0 [sflag:s0], $0x1000  }
0x1ac: {  	[sflag:s0] =	ssyncset.done @p0 $0x0  }
0x1ad: {  	[sflag:s0] =	ssyncadd.s32 @p0 $0xFFFFF000  }
0x1ae: {  	_ =	swait.ge @p0 [sflag:s0], $0x1000  }
0x1af: {  	[sflag:s0] =	ssyncset.done @p0 $0x0  }
0x1b0: {  	[sflag:s0] =	ssyncadd.s32 @p0 $0xFFFFF000  }
0x1b1: {  	_ =	swait.ge @p0 [sflag:s0], $0x1000  }
0x1b2: {  	[sflag:s0] =	ssyncset.done @p0 $0x0  }
0x1b3: {  	[sflag:s0] =	ssyncadd.s32 @p0 $0xFFFFF000;
	s0 =	simm.s32 @!p0 $0x6  }
0x1b4: {  	_ =	swait.ge @!p0 [sflag:s0], $0x80  }
0x1b5: {  	[sflag:s0] =	ssyncset.done @!p0 $0x0  }
0x1b6: {  	[sflag:s0] =	ssyncadd.s32 @!p0 $0xFFFFFF80  }
0x1b7: {  	_ =	swait.ge @!p0 [sflag:s0], $0x80  }
0x1b8: {  	[sflag:s0] =	ssyncset.done @!p0 $0x0  }
0x1b9: {  	[sflag:s0] =	ssyncadd.s32 @!p0 $0xFFFFFF80  }
0x1ba: {  	_ =	swait.ge @!p0 [sflag:s0], $0x80  }
0x1bb: {  	[sflag:s0] =	ssyncset.done @!p0 $0x0  }
0x1bc: {  	s7 =	simm.s32 @!p0 $0x1600;
	[sflag:s0] =	ssyncadd.s32 @!p0 $0xFFFFFF80;
	s0 =	simm.s32 @!p0 $0x80  }
0x1bd: {  	[tilespmem:s7], [sflag:$0x2] =	stream.indirect.gather @!p0 [hbm4b:s6+s0], $0x20, s0, s0, $0xb8;
	[tilespmem:$0xCA00] =	vst v63  }
0x1be: {  	s23 =	simm.s32 @!p0 $0x5600;
	s7 =	simm.s32 @!p0 $0x280  }
0x1bf: {  	[tilespmem:s23], [sflag:$0x2] =	stream.indirect.gather @!p0 [hbm4b:s8+s0], $0x20, s7, s0, $0xb8;
	[tilespmem:$0xCA00] =	vst v63  }
0x1c0: {  	s7 =	simm.s32 @!p0 $0x480;
	s23 =	simm.s32 @!p0 $0x9600  }
0x1c1: {  	[tilespmem:s23], [sflag:$0x2] =	stream.indirect.gather @!p0 [hbm4b:s8+s0], $0x20, s7, s0, $0xb8;
	[tilespmem:$0xCA00] =	vst v63  }
0x1c2: {  	s0 =	simm.s32 @!p0 $0x3  }
0x1c3: {  	_ =	swait.ge @!p0 [sflag:s0], $0x1000  }
0x1c4: {  	[sflag:s0] =	ssyncset.done @!p0 $0x0  }
0x1c5: {  	[sflag:s0] =	ssyncadd.s32 @!p0 $0xFFFFF000  }
0x1c6: {  	_ =	swait.ge @!p0 [sflag:s0], $0x1000  }
0x1c7: {  	[sflag:s0] =	ssyncset.done @!p0 $0x0  }
0x1c8: {  	[sflag:s0] =	ssyncadd.s32 @!p0 $0xFFFFF000  }
0x1c9: {  	_ =	swait.ge @!p0 [sflag:s0], $0x1000  }
0x1ca: {  	s7 =	rddreg [dreg:$0x14]  }
0x1cb: {  	[sflag:s0] =	ssyncset.done @!p0 $0x0;
	s7 =	sadd.s32 @!p0 s18, s7  }
0x1cc: {  	[sflag:s0] =	ssyncadd.s32 @!p0 $0xFFFFF000;
	s0 =	sshrl.u32 @!p0 s7, $0x3  }
0x1cd: {  	s24 =	simm.s32 @!p0 $0x100;
	s23 =	simm.s32 @!p0 $0x0;
	s7 =	sadd.s32 @!p0 s1, s0  }
0x1ce: {  	[tilespmem:s24], [sflag:$0x7] =	stream.linear.gather @!p0 [hbm4b:s7+s23], $0x80, $0x38;
	[tilespmem:$0xCA00] =	vst v63  }
0x1cf: {  	s7 =	sadd.s32 @!p0 s2, s0;
	s24 =	simm.s32 @!p0 $0x300  }
0x1d0: {  	[tilespmem:s24], [sflag:$0x7] =	stream.linear.gather @!p0 [hbm4b:s7+s23], $0x80, $0x38;
	[tilespmem:$0xCA00] =	vst v63  }
0x1d1: {  	s0 =	sadd.s32 @!p0 s5, s0;
	s7 =	simm.s32 @!p0 $0x500  }
0x1d2: {  	[tilespmem:s7], [sflag:$0x7] =	stream.linear.gather @!p0 [hbm4b:s0+s23], $0x80, $0x38;
	[tilespmem:$0xCA00] =	vst v63  }
0x1d3: {  	s0 =	simm.s32 @!p1 $0xB  }
0x1d4: {  	_ =	swait.ge @!p1 [sflag:s0], $0x80  }
0x1d5: {  	[sflag:s0] =	ssyncset.done @!p1 $0x0  }
0x1d6: {  	[sflag:s0] =	ssyncadd.s32 @!p1 $0xFFFFFF80  }
0x1d7: {  	_ =	swait.ge @!p1 [sflag:s0], $0x80  }
0x1d8: {  	s24 =	simm.s32 $0xA670;
	s7 =	simm.s32 $0x2670;
	[sflag:s0] =	ssyncset.done @!p1 $0x0  }
0x1d9: {  	s23 =	simm.s32 $0x6670;
	[sflag:s0] =	ssyncadd.s32 @!p1 $0xFFFFFF80;
	s0 =	simm.s32 $0x0  }
.LBB2_10:
0x1da: {  	v0 =	vld [tilespmem:s7+$0xFFFFFF90]  }
0x1db: {  	v1 =	vld [tilespmem:s23+$0xFFFFFF90]  }
0x1dc: {  	v2 =	vld [tilespmem:s24+$0xFFFFFF90]  }
0x1dd: {  	v3 =	vld [tilespmem:s7+$0xFFFFFFA0]  }
0x1de: {  	v4 =	vld [tilespmem:s23+$0xFFFFFFA0]  }
0x1df: {  	v6 =	vld [tilespmem:s24+$0xFFFFFFA0]  }
0x1e0: {  	v5 =	vunpack.i.u.bf16.f32 v0  }
0x1e1: {  	v0 =	vunpack.i.l.bf16.f32 v0;
	v7 =	vunpack.i.u.bf16.f32 v1;
	v1 =	vunpack.i.l.bf16.f32 v1  }
0x1e2: {  	v8 =	vunpack.i.u.bf16.f32 v2;
	v2 =	vunpack.i.l.bf16.f32 v2;
	v12 =	vunpack.i.l.bf16.f32 v3  }
0x1e3: {  	v13 =	vunpack.i.l.bf16.f32 v4;
	v1 =	vmul.f32 v1, v0;
	v7 =	vmul.f32 v7, v5  }
0x1e4: {  	v14 =	vunpack.i.l.bf16.f32 v6;
	v0 =	vmul.f32 v2, v0;
	v11 =	vmul.f32 v8, v5  }
0x1e5: {  	v3 =	vunpack.i.u.bf16.f32 v3;
	v1 =	vadd.f32 v1, v7;
	v7 =	vmul.f32 v13, v12  }
0x1e6: {  	v4 =	vunpack.i.u.bf16.f32 v4;
	v2 =	vmul.f32 v14, v12;
	v0 =	vadd.f32 v0, v11  }
0x1e7: {  	v15 =	vunpack.i.u.bf16.f32 v6;
	v4 =	vmul.f32 v4, v3;
	v1 =	vadd.f32 v7, v1  }
0x1e8: {  	v16 =	vmul.f32 v15, v3;
	v0 =	vadd.f32 v2, v0  }
0x1e9: {  	v1 =	vadd.f32 v1, v4  }
0x1ea: {  	v0 =	vadd.f32 v0, v16  }
0x1eb: {  	(xrf2) =	vadd.scan.msk.f32 $0xffff, v1  }
0x1ec: {  	(xrf2) =	vadd.scan.msk.f32 $0xffff, v0;
	_ =	sdelay $0x1  }
0x1ed: {  	v17 =	vmov s0  }
0x1ee: {  	v0 =	vand.u32 $0xFFFFFFFC, v17  }
0x1ef: {  	v0 =	vbroadcast v0, $0x0;
	_ =	sdelay $0x4  }
0x1f0: {  	v1, _, _ =	vpop (xrf2)  }
0x1f1: {  	[tilespmem:v0+s16+$0x0] =	vst.idx.msk vm0, v1;
	v18, _, _ =	vpop (xrf2)  }
0x1f2: {  	[tilespmem:v0+s3+$0x0] =	vst.idx.msk vm0, v18  }
0x1f3: {  	v0 =	vld [tilespmem:s7+$0xFFFFFFB0]  }
0x1f4: {  	v1 =	vld [tilespmem:s23+$0xFFFFFFB0]  }
0x1f5: {  	v19 =	vld [tilespmem:s24+$0xFFFFFFB0]  }
0x1f6: {  	v20 =	vld [tilespmem:s7+$0xFFFFFFC0]  }
0x1f7: {  	v21 =	vld [tilespmem:s23+$0xFFFFFFC0]  }
0x1f8: {  	v23 =	vld [tilespmem:s24+$0xFFFFFFC0]  }
0x1f9: {  	v22 =	vunpack.i.u.bf16.f32 v0  }
0x1fa: {  	v0 =	vunpack.i.l.bf16.f32 v0;
	v24 =	vunpack.i.u.bf16.f32 v1;
	v1 =	vunpack.i.l.bf16.f32 v1  }
0x1fb: {  	v25 =	vunpack.i.u.bf16.f32 v19;
	v2 =	vunpack.i.l.bf16.f32 v19;
	v27 =	vunpack.i.l.bf16.f32 v20  }
0x1fc: {  	v28 =	vunpack.i.l.bf16.f32 v21;
	v1 =	vmul.f32 v1, v0;
	v7 =	vmul.f32 v24, v22  }
0x1fd: {  	v29 =	vunpack.i.l.bf16.f32 v23;
	v0 =	vmul.f32 v2, v0;
	v26 =	vmul.f32 v25, v22  }
0x1fe: {  	v3 =	vunpack.i.u.bf16.f32 v20;
	v1 =	vadd.f32 v1, v7;
	v7 =	vmul.f32 v28, v27  }
0x1ff: {  	v4 =	vunpack.i.u.bf16.f32 v21;
	v2 =	vmul.f32 v29, v27;
	v0 =	vadd.f32 v0, v26  }
0x200: {  	v30 =	vunpack.i.u.bf16.f32 v23;
	v4 =	vmul.f32 v4, v3;
	v1 =	vadd.f32 v7, v1  }
0x201: {  	v31 =	vmul.f32 v30, v3;
	v0 =	vadd.f32 v2, v0  }
0x202: {  	v1 =	vadd.f32 v1, v4  }
0x203: {  	v0 =	vadd.f32 v0, v31  }
0x204: {  	(xrf2) =	vadd.scan.msk.f32 $0xffff, v1  }
0x205: {  	(xrf2) =	vadd.scan.msk.f32 $0xffff, v0  }
0x206: {  	s26 =	sadd.s32 $0x1, s0  }
0x207: {  	v32 =	vmov s26  }
0x208: {  	v0 =	vand.u32 $0xFFFFFFFD, v32  }
0x209: {  	v0 =	vbroadcast v0, $0x0;
	_ =	sdelay $0x4  }
0x20a: {  	v1, _, _ =	vpop (xrf2)  }
0x20b: {  	[tilespmem:v0+s16+$0x0] =	vst.idx.msk vm0, v1;
	v33, _, _ =	vpop (xrf2)  }
0x20c: {  	[tilespmem:v0+s3+$0x0] =	vst.idx.msk vm0, v33  }
0x20d: {  	v0 =	vld [tilespmem:s7+$0xFFFFFFD0]  }
0x20e: {  	v1 =	vld [tilespmem:s23+$0xFFFFFFD0]  }
0x20f: {  	v34 =	vld [tilespmem:s24+$0xFFFFFFD0]  }
0x210: {  	v35 =	vld [tilespmem:s7+$0xFFFFFFE0]  }
0x211: {  	v36 =	vld [tilespmem:s23+$0xFFFFFFE0]  }
0x212: {  	v38 =	vld [tilespmem:s24+$0xFFFFFFE0]  }
0x213: {  	v37 =	vunpack.i.u.bf16.f32 v0  }
0x214: {  	v0 =	vunpack.i.l.bf16.f32 v0;
	v39 =	vunpack.i.u.bf16.f32 v1;
	v1 =	vunpack.i.l.bf16.f32 v1  }
0x215: {  	v40 =	vunpack.i.u.bf16.f32 v34;
	v2 =	vunpack.i.l.bf16.f32 v34;
	v42 =	vunpack.i.l.bf16.f32 v35  }
0x216: {  	v43 =	vunpack.i.l.bf16.f32 v36;
	v1 =	vmul.f32 v1, v0;
	v7 =	vmul.f32 v39, v37  }
0x217: {  	v44 =	vunpack.i.l.bf16.f32 v38;
	v0 =	vmul.f32 v2, v0;
	v41 =	vmul.f32 v40, v37  }
0x218: {  	v3 =	vunpack.i.u.bf16.f32 v35;
	v1 =	vadd.f32 v1, v7;
	v7 =	vmul.f32 v43, v42  }
0x219: {  	v4 =	vunpack.i.u.bf16.f32 v36;
	v2 =	vmul.f32 v44, v42;
	v0 =	vadd.f32 v0, v41  }
0x21a: {  	v45 =	vunpack.i.u.bf16.f32 v38;
	v4 =	vmul.f32 v4, v3;
	v1 =	vadd.f32 v7, v1  }
0x21b: {  	v46 =	vmul.f32 v45, v3;
	v0 =	vadd.f32 v2, v0  }
0x21c: {  	v1 =	vadd.f32 v1, v4  }
0x21d: {  	v0 =	vadd.f32 v0, v46  }
0x21e: {  	(xrf2) =	vadd.scan.msk.f32 $0xffff, v1  }
0x21f: {  	(xrf2) =	vadd.scan.msk.f32 $0xffff, v0  }
0x220: {  	s26 =	sadd.s32 $0x2, s0  }
0x221: {  	v47 =	vmov s26  }
0x222: {  	v0 =	vand.u32 $0xFFFFFFFE, v47  }
0x223: {  	v0 =	vbroadcast v0, $0x0;
	_ =	sdelay $0x4  }
0x224: {  	v1, _, _ =	vpop (xrf2)  }
0x225: {  	[tilespmem:v0+s16+$0x0] =	vst.idx.msk vm0, v1;
	v48, _, _ =	vpop (xrf2)  }
0x226: {  	[tilespmem:v0+s3+$0x0] =	vst.idx.msk vm0, v48  }
0x227: {  	v0 =	vld [tilespmem:s7+$0xFFFFFFF0]  }
0x228: {  	v1 =	vld [tilespmem:s23+$0xFFFFFFF0]  }
0x229: {  	v49 =	vld [tilespmem:s24+$0xFFFFFFF0]  }
0x22a: {  	v50 =	vld [tilespmem:s7+$0x0]  }
0x22b: {  	v51 =	vld [tilespmem:s23+$0x0]  }
0x22c: {  	v53 =	vld [tilespmem:s24+$0x0]  }
0x22d: {  	v52 =	vunpack.i.u.bf16.f32 v0  }
0x22e: {  	v0 =	vunpack.i.l.bf16.f32 v0;
	v54 =	vunpack.i.u.bf16.f32 v1;
	v1 =	vunpack.i.l.bf16.f32 v1  }
0x22f: {  	v55 =	vunpack.i.u.bf16.f32 v49;
	v2 =	vunpack.i.l.bf16.f32 v49;
	v57 =	vunpack.i.l.bf16.f32 v50  }
0x230: {  	v58 =	vunpack.i.l.bf16.f32 v51;
	v1 =	vmul.f32 v1, v0;
	v7 =	vmul.f32 v54, v52  }
0x231: {  	v59 =	vunpack.i.l.bf16.f32 v53;
	v0 =	vmul.f32 v2, v0;
	v56 =	vmul.f32 v55, v52  }
0x232: {  	v3 =	vunpack.i.u.bf16.f32 v50;
	v1 =	vadd.f32 v1, v7;
	v7 =	vmul.f32 v58, v57  }
0x233: {  	v4 =	vunpack.i.u.bf16.f32 v51;
	v2 =	vmul.f32 v59, v57;
	v0 =	vadd.f32 v0, v56  }
0x234: {  	v60 =	vunpack.i.u.bf16.f32 v53;
	v4 =	vmul.f32 v4, v3;
	v1 =	vadd.f32 v7, v1  }
0x235: {  	v61 =	vmul.f32 v60, v3;
	v0 =	vadd.f32 v2, v0  }
0x236: {  	v1 =	vadd.f32 v1, v4  }
0x237: {  	v0 =	vadd.f32 v0, v61  }
0x238: {  	(xrf2) =	vadd.scan.msk.f32 $0xffff, v1  }
0x239: {  	(xrf2) =	vadd.scan.msk.f32 $0xffff, v0;
	_ =	sdelay $0x3  }
0x23a: {  	s26 =	sadd.s32 $0x3, s0  }
0x23b: {  	v62 =	vmov s26  }
0x23c: {  	p2 =	slt.u32 s0, $0x7C  }
.Ltmp6:
0x23d: {  	_ = 	snop;
	(pc) =	sbr.rel @p2 .LBB2_10-.Ltmp6, $4  }
0x23e: {  	_ = 	snop  }
0x23f: {  	v1, _, _ =	vpop (xrf2)  }
0x240: {  	s0 =	sadd.s32 $0x4, s0;
	[tilespmem:v62+s16+$0x0] =	vst.idx.msk vm0, v1;
	v63, _, _ =	vpop (xrf2)  }
0x241: {  	s7 =	sadd.s32 $0x80, s7;
	s23 =	sadd.s32 $0x80, s23;
	s24 =	sadd.s32 $0x80, s24;
	[tilespmem:v62+s3+$0x0] =	vst.idx.msk vm0, v63  }
0x242: {  	s0 =	sadd.s32 s18, s29  }
0x243: {  	s0 =	sshrl.u32 s0, $0x3  }
0x244: {  	s7 =	sadd.s32 s9, s0  }
0x245: {  	[hbm4b:s7+s4] =	stream.linear.scatter [tilespmem:s16], [sflag:$0xB], $0x80, $0x38;
	[tilespmem:$0xCA00] =	vst v63  }
0x246: {  	s0 =	sadd.s32 s10, s0  }
0x247: {  	[hbm4b:s0+s4] =	stream.linear.scatter [tilespmem:s3], [sflag:$0xB], $0x80, $0x38;
	[tilespmem:$0xCA00] =	vst v63  }
0x248: {  	s0 =	simm.s32 @p0 $0x4  }
0x249: {  	_ =	swait.ge @p0 [sflag:s0], $0x1000  }
0x24a: {  	[sflag:s0] =	ssyncset.done @p0 $0x0  }
0x24b: {  	[sflag:s0] =	ssyncadd.s32 @p0 $0xFFFFF000  }
0x24c: {  	_ =	swait.ge @p0 [sflag:s0], $0x1000  }
0x24d: {  	[sflag:s0] =	ssyncset.done @p0 $0x0  }
0x24e: {  	[sflag:s0] =	ssyncadd.s32 @p0 $0xFFFFF000  }
0x24f: {  	_ =	swait.ge @p0 [sflag:s0], $0x1000  }
0x250: {  	[sflag:s0] =	ssyncset.done @p0 $0x0  }
0x251: {  	[sflag:s0] =	ssyncadd.s32 @p0 $0xFFFFF000;
	s0 =	simm.s32 @!p0 $0x7  }
0x252: {  	_ =	swait.ge @!p0 [sflag:s0], $0x80  }
0x253: {  	[sflag:s0] =	ssyncset.done @!p0 $0x0  }
0x254: {  	[sflag:s0] =	ssyncadd.s32 @!p0 $0xFFFFFF80  }
0x255: {  	_ =	swait.ge @!p0 [sflag:s0], $0x80  }
0x256: {  	[sflag:s0] =	ssyncset.done @!p0 $0x0  }
0x257: {  	[sflag:s0] =	ssyncadd.s32 @!p0 $0xFFFFFF80  }
0x258: {  	_ =	swait.ge @!p0 [sflag:s0], $0x80  }
0x259: {  	s23 =	simm.s32 @!p0 $0x2600;
	[sflag:s0] =	ssyncset.done @!p0 $0x0  }
0x25a: {  	s7 =	simm.s32 @!p0 $0x100;
	[sflag:s0] =	ssyncadd.s32 @!p0 $0xFFFFFF80;
	s0 =	simm.s32 @!p0 $0x80  }
0x25b: {  	[tilespmem:s23], [sflag:$0x3] =	stream.indirect.gather @!p0 [hbm4b:s6+s0], $0x20, s7, s0, $0xb8;
	[tilespmem:$0xCA00] =	vst v63  }
0x25c: {  	s7 =	simm.s32 @!p0 $0x300;
	s23 =	simm.s32 @!p0 $0x6600  }
0x25d: {  	[tilespmem:s23], [sflag:$0x3] =	stream.indirect.gather @!p0 [hbm4b:s8+s0], $0x20, s7, s0, $0xb8;
	[tilespmem:$0xCA00] =	vst v63  }
0x25e: {  	s7 =	simm.s32 @!p0 $0x500;
	s23 =	simm.s32 @!p0 $0xA600  }
0x25f: {  	[tilespmem:s23], [sflag:$0x3] =	stream.indirect.gather @!p0 [hbm4b:s8+s0], $0x20, s7, s0, $0xb8;
	[tilespmem:$0xCA00] =	vst v63  }
0x260: {  	s0 =	simm.s32 @!p0 $0x4  }
0x261: {  	_ =	swait.ge @!p0 [sflag:s0], $0x1000  }
0x262: {  	[sflag:s0] =	ssyncset.done @!p0 $0x0  }
0x263: {  	[sflag:s0] =	ssyncadd.s32 @!p0 $0xFFFFF000  }
0x264: {  	_ =	swait.ge @!p0 [sflag:s0], $0x1000  }
0x265: {  	[sflag:s0] =	ssyncset.done @!p0 $0x0  }
0x266: {  	[sflag:s0] =	ssyncadd.s32 @!p0 $0xFFFFF000  }
0x267: {  	_ =	swait.ge @!p0 [sflag:s0], $0x1000  }
0x268: {  	s7 =	sadd.s32 @!p0 s18, s30;
	[sflag:s0] =	ssyncset.done @!p0 $0x0  }
0x269: {  	[sflag:s0] =	ssyncadd.s32 @!p0 $0xFFFFF000;
	s0 =	sshrl.u32 @!p0 s7, $0x3  }
0x26a: {  	s24 =	simm.s32 @!p0 $0x180;
	s23 =	simm.s32 @!p0 $0x0;
	s7 =	sadd.s32 @!p0 s1, s0  }
0x26b: {  	[tilespmem:s24], [sflag:$0x8] =	stream.linear.gather @!p0 [hbm4b:s7+s23], $0x80, $0x38;
	[tilespmem:$0xCA00] =	vst v63  }
0x26c: {  	s7 =	sadd.s32 @!p0 s2, s0;
	s24 =	simm.s32 @!p0 $0x380  }
0x26d: {  	[tilespmem:s24], [sflag:$0x8] =	stream.linear.gather @!p0 [hbm4b:s7+s23], $0x80, $0x38;
	[tilespmem:$0xCA00] =	vst v63  }
0x26e: {  	s0 =	sadd.s32 @!p0 s5, s0;
	s7 =	simm.s32 @!p0 $0x580  }
0x26f: {  	[tilespmem:s7], [sflag:$0x8] =	stream.linear.gather @!p0 [hbm4b:s0+s23], $0x80, $0x38;
	[tilespmem:$0xCA00] =	vst v63  }
0x270: {  	s0 =	simm.s32 @!p1 $0xC  }
0x271: {  	_ =	swait.ge @!p1 [sflag:s0], $0x80  }
0x272: {  	[sflag:s0] =	ssyncset.done @!p1 $0x0  }
0x273: {  	[sflag:s0] =	ssyncadd.s32 @!p1 $0xFFFFFF80  }
0x274: {  	_ =	swait.ge @!p1 [sflag:s0], $0x80  }
0x275: {  	s24 =	simm.s32 $0xB670;
	s7 =	simm.s32 $0x3670;
	[sflag:s0] =	ssyncset.done @!p1 $0x0  }
0x276: {  	s23 =	simm.s32 $0x7670;
	[sflag:s0] =	ssyncadd.s32 @!p1 $0xFFFFFF80;
	s0 =	simm.s32 $0x0  }
.LBB2_12:
0x277: {  	v0 =	vld [tilespmem:s7+$0xFFFFFF90]  }
0x278: {  	v1 =	vld [tilespmem:s23+$0xFFFFFF90]  }
0x279: {  	v2 =	vld [tilespmem:s24+$0xFFFFFF90]  }
0x27a: {  	v3 =	vld [tilespmem:s7+$0xFFFFFFA0]  }
0x27b: {  	v4 =	vld [tilespmem:s23+$0xFFFFFFA0]  }
0x27c: {  	v6 =	vld [tilespmem:s24+$0xFFFFFFA0]  }
0x27d: {  	v5 =	vunpack.i.u.bf16.f32 v0  }
0x27e: {  	v0 =	vunpack.i.l.bf16.f32 v0;
	v7 =	vunpack.i.u.bf16.f32 v1;
	v1 =	vunpack.i.l.bf16.f32 v1  }
0x27f: {  	v8 =	vunpack.i.u.bf16.f32 v2;
	v2 =	vunpack.i.l.bf16.f32 v2;
	v12 =	vunpack.i.l.bf16.f32 v3  }
0x280: {  	v13 =	vunpack.i.l.bf16.f32 v4;
	v1 =	vmul.f32 v1, v0;
	v7 =	vmul.f32 v7, v5  }
0x281: {  	v14 =	vunpack.i.l.bf16.f32 v6;
	v0 =	vmul.f32 v2, v0;
	v11 =	vmul.f32 v8, v5  }
0x282: {  	v3 =	vunpack.i.u.bf16.f32 v3;
	v1 =	vadd.f32 v1, v7;
	v7 =	vmul.f32 v13, v12  }
0x283: {  	v4 =	vunpack.i.u.bf16.f32 v4;
	v2 =	vmul.f32 v14, v12;
	v0 =	vadd.f32 v0, v11  }
0x284: {  	v15 =	vunpack.i.u.bf16.f32 v6;
	v4 =	vmul.f32 v4, v3;
	v1 =	vadd.f32 v7, v1  }
0x285: {  	v16 =	vmul.f32 v15, v3;
	v0 =	vadd.f32 v2, v0  }
0x286: {  	v1 =	vadd.f32 v1, v4  }
0x287: {  	v0 =	vadd.f32 v0, v16  }
0x288: {  	(xrf2) =	vadd.scan.msk.f32 $0xffff, v1  }
0x289: {  	(xrf2) =	vadd.scan.msk.f32 $0xffff, v0;
	_ =	sdelay $0x1  }
0x28a: {  	v17 =	vmov s0  }
0x28b: {  	v0 =	vand.u32 $0xFFFFFFFC, v17  }
0x28c: {  	v0 =	vbroadcast v0, $0x0;
	_ =	sdelay $0x4  }
0x28d: {  	v1, _, _ =	vpop (xrf2)  }
0x28e: {  	[tilespmem:v0+s19+$0x0] =	vst.idx.msk vm0, v1;
	v18, _, _ =	vpop (xrf2)  }
0x28f: {  	[tilespmem:v0+s20+$0x0] =	vst.idx.msk vm0, v18  }
0x290: {  	v0 =	vld [tilespmem:s7+$0xFFFFFFB0]  }
0x291: {  	v1 =	vld [tilespmem:s23+$0xFFFFFFB0]  }
0x292: {  	v19 =	vld [tilespmem:s24+$0xFFFFFFB0]  }
0x293: {  	v20 =	vld [tilespmem:s7+$0xFFFFFFC0]  }
0x294: {  	v21 =	vld [tilespmem:s23+$0xFFFFFFC0]  }
0x295: {  	v23 =	vld [tilespmem:s24+$0xFFFFFFC0]  }
0x296: {  	v22 =	vunpack.i.u.bf16.f32 v0  }
0x297: {  	v0 =	vunpack.i.l.bf16.f32 v0;
	v24 =	vunpack.i.u.bf16.f32 v1;
	v1 =	vunpack.i.l.bf16.f32 v1  }
0x298: {  	v25 =	vunpack.i.u.bf16.f32 v19;
	v2 =	vunpack.i.l.bf16.f32 v19;
	v27 =	vunpack.i.l.bf16.f32 v20  }
0x299: {  	v28 =	vunpack.i.l.bf16.f32 v21;
	v1 =	vmul.f32 v1, v0;
	v7 =	vmul.f32 v24, v22  }
0x29a: {  	v29 =	vunpack.i.l.bf16.f32 v23;
	v0 =	vmul.f32 v2, v0;
	v26 =	vmul.f32 v25, v22  }
0x29b: {  	v3 =	vunpack.i.u.bf16.f32 v20;
	v1 =	vadd.f32 v1, v7;
	v7 =	vmul.f32 v28, v27  }
0x29c: {  	v4 =	vunpack.i.u.bf16.f32 v21;
	v2 =	vmul.f32 v29, v27;
	v0 =	vadd.f32 v0, v26  }
0x29d: {  	v30 =	vunpack.i.u.bf16.f32 v23;
	v4 =	vmul.f32 v4, v3;
	v1 =	vadd.f32 v7, v1  }
0x29e: {  	v31 =	vmul.f32 v30, v3;
	v0 =	vadd.f32 v2, v0  }
0x29f: {  	v1 =	vadd.f32 v1, v4  }
0x2a0: {  	v0 =	vadd.f32 v0, v31  }
0x2a1: {  	(xrf2) =	vadd.scan.msk.f32 $0xffff, v1  }
0x2a2: {  	(xrf2) =	vadd.scan.msk.f32 $0xffff, v0  }
0x2a3: {  	s26 =	sadd.s32 $0x1, s0  }
0x2a4: {  	v32 =	vmov s26  }
0x2a5: {  	v0 =	vand.u32 $0xFFFFFFFD, v32  }
0x2a6: {  	v0 =	vbroadcast v0, $0x0;
	_ =	sdelay $0x4  }
0x2a7: {  	v1, _, _ =	vpop (xrf2)  }
0x2a8: {  	[tilespmem:v0+s19+$0x0] =	vst.idx.msk vm0, v1;
	v33, _, _ =	vpop (xrf2)  }
0x2a9: {  	[tilespmem:v0+s20+$0x0] =	vst.idx.msk vm0, v33  }
0x2aa: {  	v0 =	vld [tilespmem:s7+$0xFFFFFFD0]  }
0x2ab: {  	v1 =	vld [tilespmem:s23+$0xFFFFFFD0]  }
0x2ac: {  	v34 =	vld [tilespmem:s24+$0xFFFFFFD0]  }
0x2ad: {  	v35 =	vld [tilespmem:s7+$0xFFFFFFE0]  }
0x2ae: {  	v36 =	vld [tilespmem:s23+$0xFFFFFFE0]  }
0x2af: {  	v38 =	vld [tilespmem:s24+$0xFFFFFFE0]  }
0x2b0: {  	v37 =	vunpack.i.u.bf16.f32 v0  }
0x2b1: {  	v0 =	vunpack.i.l.bf16.f32 v0;
	v39 =	vunpack.i.u.bf16.f32 v1;
	v1 =	vunpack.i.l.bf16.f32 v1  }
0x2b2: {  	v40 =	vunpack.i.u.bf16.f32 v34;
	v2 =	vunpack.i.l.bf16.f32 v34;
	v42 =	vunpack.i.l.bf16.f32 v35  }
0x2b3: {  	v43 =	vunpack.i.l.bf16.f32 v36;
	v1 =	vmul.f32 v1, v0;
	v7 =	vmul.f32 v39, v37  }
0x2b4: {  	v44 =	vunpack.i.l.bf16.f32 v38;
	v0 =	vmul.f32 v2, v0;
	v41 =	vmul.f32 v40, v37  }
0x2b5: {  	v3 =	vunpack.i.u.bf16.f32 v35;
	v1 =	vadd.f32 v1, v7;
	v7 =	vmul.f32 v43, v42  }
0x2b6: {  	v4 =	vunpack.i.u.bf16.f32 v36;
	v2 =	vmul.f32 v44, v42;
	v0 =	vadd.f32 v0, v41  }
0x2b7: {  	v45 =	vunpack.i.u.bf16.f32 v38;
	v4 =	vmul.f32 v4, v3;
	v1 =	vadd.f32 v7, v1  }
0x2b8: {  	v46 =	vmul.f32 v45, v3;
	v0 =	vadd.f32 v2, v0  }
0x2b9: {  	v1 =	vadd.f32 v1, v4  }
0x2ba: {  	v0 =	vadd.f32 v0, v46  }
0x2bb: {  	(xrf2) =	vadd.scan.msk.f32 $0xffff, v1  }
0x2bc: {  	(xrf2) =	vadd.scan.msk.f32 $0xffff, v0  }
0x2bd: {  	s26 =	sadd.s32 $0x2, s0  }
0x2be: {  	v47 =	vmov s26  }
0x2bf: {  	v0 =	vand.u32 $0xFFFFFFFE, v47  }
0x2c0: {  	v0 =	vbroadcast v0, $0x0;
	_ =	sdelay $0x4  }
0x2c1: {  	v1, _, _ =	vpop (xrf2)  }
0x2c2: {  	[tilespmem:v0+s19+$0x0] =	vst.idx.msk vm0, v1;
	v48, _, _ =	vpop (xrf2)  }
0x2c3: {  	[tilespmem:v0+s20+$0x0] =	vst.idx.msk vm0, v48  }
0x2c4: {  	v0 =	vld [tilespmem:s7+$0xFFFFFFF0]  }
0x2c5: {  	v1 =	vld [tilespmem:s23+$0xFFFFFFF0]  }
0x2c6: {  	v49 =	vld [tilespmem:s24+$0xFFFFFFF0]  }
0x2c7: {  	v50 =	vld [tilespmem:s7+$0x0]  }
0x2c8: {  	v51 =	vld [tilespmem:s23+$0x0]  }
0x2c9: {  	v53 =	vld [tilespmem:s24+$0x0]  }
0x2ca: {  	v52 =	vunpack.i.u.bf16.f32 v0  }
0x2cb: {  	v0 =	vunpack.i.l.bf16.f32 v0;
	v54 =	vunpack.i.u.bf16.f32 v1;
	v1 =	vunpack.i.l.bf16.f32 v1  }
0x2cc: {  	v55 =	vunpack.i.u.bf16.f32 v49;
	v2 =	vunpack.i.l.bf16.f32 v49;
	v57 =	vunpack.i.l.bf16.f32 v50  }
0x2cd: {  	v58 =	vunpack.i.l.bf16.f32 v51;
	v1 =	vmul.f32 v1, v0;
	v7 =	vmul.f32 v54, v52  }
0x2ce: {  	v59 =	vunpack.i.l.bf16.f32 v53;
	v0 =	vmul.f32 v2, v0;
	v56 =	vmul.f32 v55, v52  }
0x2cf: {  	v3 =	vunpack.i.u.bf16.f32 v50;
	v1 =	vadd.f32 v1, v7;
	v7 =	vmul.f32 v58, v57  }
0x2d0: {  	v4 =	vunpack.i.u.bf16.f32 v51;
	v2 =	vmul.f32 v59, v57;
	v0 =	vadd.f32 v0, v56  }
0x2d1: {  	v60 =	vunpack.i.u.bf16.f32 v53;
	v4 =	vmul.f32 v4, v3;
	v1 =	vadd.f32 v7, v1  }
0x2d2: {  	v61 =	vmul.f32 v60, v3;
	v0 =	vadd.f32 v2, v0  }
0x2d3: {  	v1 =	vadd.f32 v1, v4  }
0x2d4: {  	v0 =	vadd.f32 v0, v61  }
0x2d5: {  	(xrf2) =	vadd.scan.msk.f32 $0xffff, v1  }
0x2d6: {  	(xrf2) =	vadd.scan.msk.f32 $0xffff, v0;
	_ =	sdelay $0x3  }
0x2d7: {  	s26 =	sadd.s32 $0x3, s0  }
0x2d8: {  	v62 =	vmov s26  }
0x2d9: {  	p1 =	slt.u32 s0, $0x7C  }
.Ltmp7:
0x2da: {  	_ = 	snop;
	(pc) =	sbr.rel @p1 .LBB2_12-.Ltmp7, $4  }
0x2db: {  	_ = 	snop  }
0x2dc: {  	v1, _, _ =	vpop (xrf2)  }
0x2dd: {  	s0 =	sadd.s32 $0x4, s0;
	[tilespmem:v62+s19+$0x0] =	vst.idx.msk vm0, v1;
	v63, _, _ =	vpop (xrf2)  }
0x2de: {  	s7 =	sadd.s32 $0x80, s7;
	s23 =	sadd.s32 $0x80, s23;
	s24 =	sadd.s32 $0x80, s24;
	[tilespmem:v62+s20+$0x0] =	vst.idx.msk vm0, v63  }
0x2df: {  	s0 =	sadd.s32 s18, s31  }
.Ltmp8:
0x2e0: {  	s0 =	sshrl.u32 s0, $0x3;
	(pc) =	sbr.rel @p0 .LBB2_15-.Ltmp8, $4  }
0x2e1: {  	s7 =	sadd.s32 s9, s0  }
0x2e2: {  	[hbm4b:s7+s4] =	stream.linear.scatter [tilespmem:s19], [sflag:$0xC], $0x80, $0x38;
	[tilespmem:$0xCA00] =	vst v63  }
0x2e3: {  	s0 =	sadd.s32 s10, s0  }
0x2e4: {  	[hbm4b:s0+s4] =	stream.linear.scatter [tilespmem:s20], [sflag:$0xC], $0x80, $0x38;
	[tilespmem:$0xCA00] =	vst v63  }
0x2e5: {  	_ =	swait.ge [sflag:s11], $0x80  }
0x2e6: {  	[sflag:s11] =	ssyncset.done $0x0  }
0x2e7: {  	[sflag:s11] =	ssyncadd.s32 $0xFFFFFF80  }
0x2e8: {  	_ =	swait.ge [sflag:s11], $0x80  }
0x2e9: {  	[sflag:s11] =	ssyncset.done $0x0  }
0x2ea: {  	[sflag:s11] =	ssyncadd.s32 $0xFFFFFF80  }
0x2eb: {  	_ =	swait.ge [sflag:s11], $0x80  }
0x2ec: {  	[sflag:s11] =	ssyncset.done $0x0  }
0x2ed: {  	s0 =	simm.s32 $0x180;
	s7 =	simm.s32 $0x3600;
	[sflag:s11] =	ssyncadd.s32 $0xFFFFFF80  }
0x2ee: {  	[tilespmem:s7], [sflag:$0x4] =	stream.indirect.gather [hbm4b:s6+s12], $0x20, s0, s12, $0xb8;
	[tilespmem:$0xCA00] =	vst v63  }
.Ltmp9:
0x2ef: {  	_ = 	snop;
	(pc) =	sbr.rel .LBB2_2-.Ltmp9, $4  }
0x2f0: {  	s18 =	simm.s32 $0x380;
	s23 =	simm.s32 $0x7600  }
0x2f1: {  	[tilespmem:s23], [sflag:$0x4] =	stream.indirect.gather [hbm4b:s8+s12], $0x20, s18, s12, $0xb8;
	[tilespmem:$0xCA00] =	vst v63  }
0x2f2: {  	s24 =	simm.s32 $0x580;
	s26 =	simm.s32 $0xB600;
	s17 =	sadd.s32 $0x1, s17  }
0x2f3: {  	[tilespmem:s26], [sflag:$0x4] =	stream.indirect.gather [hbm4b:s8+s12], $0x20, s24, s12, $0xb8;
	[tilespmem:$0xCA00] =	vst v63  }
.LBB2_16:
0x2f4: {  	_ =	sfence.sel $0x180000  }
0x2f5: {  	[bflag:$0x0] =	sbarrier.arrive $0xFFFF  }
0x2f6: {  	_ =	strace $0x90000053  }
0x2f7: {  	s0 =	stileid.u32;
	[bflag:$0x2] =	sbarrier.arrive $0xFFFF  }
0x2f8: {  	p0 =	sne.s32 s0, $0x0;
	s0 =	rddreg [dreg:$0x3]  }
0x2f9: {  	s0 =	sadd.s32 @!p0 $0x100000, s0  }
0x2fa: {  	[sflag:s0] =	ssyncadd.tile.s32 @!p0 $0x1;
	_ =	shalt  }
.Lfunc_end2:
_tile_overlayer_lowered:
.L_overlay_start_2:
0x2fb: {  	(tag) =	ssettag $0x2  }
0x2fc: {  	s0 =	rddreg [dreg:$0x0];
	s2 =	stileid.u32  }
0x2fd: {  	s1 =	rddreg [dreg:$0x1];
	p0 =	sne.s32 s2, $0x0  }
0x2fe: {  	s3 =	rddreg [dreg:$0x2];
	[bflag:$0x3] =	sbarrier.arrive $0xFFFF;
	s2 =	simm.s32 @!p0 $0x1C0D  }
0x2ff: {  	[timem:s3], [sflag:s2] =	dma.local @!p0 [hbm:s0], s1  }
0x300: {  	s0 =	simm.s32 @!p0 $0xD  }
0x301: {  	_ =	swait.ge @!p0 [sflag:s0], s1  }
0x302: {  	s1 =	ssub.s32 @!p0 $0x0, s1;
	[sflag:s0] =	ssyncset.done @!p0 $0x0  }
0x303: {  	[sflag:s0] =	ssyncadd.s32 @!p0 s1  }
0x304: {  	[bflag:$0x3] =	sbarrier.arrive $0xFFFF  }
0x305: {  	_ =	shalt  }

// kernel: sparse-core-data-format-call.1.cloned.1.call-start
scs
called_computation.1_lowered:
.L_overlay_start_0:
0x0: {  	s1 =	sld [smem:$0x3FD9]  }
0x1: {  	s2 =	sld [smem:$0x3FFE];
	_ =	sdelay $0x1  }
0x2: {  	s3 =	srdreg.scid  }
0x3: {  	s0 =	sand.u32 $0x1, s3  }
0x4: {  	s17 =	sshll.u32 s0, $0xA;
	s1 =	sadd.s32 s2, s1  }
0x5: {  	s1 =	sadd.s32 s1, s17  }
0x6: {  	[smem:$0x3FC3] =	sst s1  }
0x7: {  	_ = 	snop  }
0x8: {  	(tm) =	ssettm $0x1  }
0x9: {  	s18 =	sld [smem:$0x3FFB];
	_ =	sdelay $0x3  }
0xa: {  	_ =	strace s18  }
0xb: {  	s1 =	sld [smem:$0x3FFC];
	_ =	sdelay $0x3  }
0xc: {  	_ =	strace s1  }
0xd: {  	s1 =	sld [smem:$0x3FFD];
	_ =	sdelay $0x3  }
0xe: {  	_ =	strace s1  }
0xf: {  	_ =	strace $0x8FFFFFFF  }
0x10: {  	s19 =	sld [smem:$0x3FDB];
	_ =	sdelay $0x1  }
0x11: {  	s20 =	simm.s32 $_scs_section_size  }
0x12: {  	s4 =	simm.s32 $_size__tile_overlayer_lowered;
	s5 =	simm.s32 $_tile_overlayer_lowered  }
0x13: {  	s23 =	simm.s32 $0x1BFF;
	s22 =	sshll.u32 s5, $0x1;
	s1 =	sadd.s32 s20, s19  }
0x14: {  	s6 =	simm.s32 $0x0;
	s21 =	sshll.u32 s4, $0x1;
	s4 =	sadd.s32 s22, s1  }
0x15: {  	[timem:s6], [sflag:s23] =	dma.local [hbm:s4], s21  }
0x16: {  	_ =	swait.ge [sflag:s23], s21  }
0x17: {  	s2 =	ssub.s32 $0x0, s21;
	[sflag:s23] =	ssyncset.done $0x0  }
0x18: {  	[sflag:s23] =	ssyncadd.s32 s2;
	_ =	sdelay $0x1  }
0x19: {  	s24 =	simm.s32 $0x1B8B  }
0x1a: {  	_ =	swait.ge [sflag:s24], $0x1  }
0x1b: {  	[sflag:s24] =	ssyncset.done $0x0  }
0x1c: {  	s26 =	simm.s32 $0x1B8E;
	s25 =	sld [smem:$0x3FFE];
	[sflag:s24] =	ssyncadd.s32 $0xFFFFFFFF  }
0x1d: {  	s27 =	simm.s32 $execute0_lowered;
	[smem:$0x3FD2] =	sst s26  }
0x1e: {  	s4 =	sshll.u32 s27, $0x1;
	_ =	strace $0x80000046;
	[dreg:$0x1] =	wrdreg $0xFFFFFFFF  }
0x1f: {  	s28 =	simm.s32 $_size_execute0_lowered;
	s1 =	sadd.s32 s1, s4;
	[dreg:$0x0] =	wrdreg $0x0  }
0x20: {  	s4 =	sshll.u32 s28, $0x1;
	[dreg:$0x2] =	wrdreg s1  }
0x21: {  	[dreg:$0x3] =	wrdreg s4  }
0x22: {  	[dreg:$0x4] =	wrdreg $0xC0  }
0x23: {  	_ =	task [dreg:s6], $0x5FFFF  }
0x24: {  	[dreg:$0x1] =	wrdreg $0xFFFFFFFF  }
0x25: {  	[dreg:$0x0] =	wrdreg $0x60  }
0x26: {  	[dreg:$0x2] =	wrdreg s25  }
0x27: {  	[dreg:$0x3] =	wrdreg $0x9  }
0x28: {  	_ =	task.clear_ibuf [dreg:s6], $0x4FFFF;
	_ =	strace $0x90000046  }
0x29: {  	s29 =	simm.s32 $0x9;
	_ =	strace $0x80000048  }
0x2a: {  	_ =	swait.ge [sflag:s29], $0x1  }
0x2b: {  	[sflag:s29] =	ssyncadd.s32 $0xFFFFFFFF  }
0x2c: {  	_ =	strace $0x90000048  }
0x2d: {  	_ =	sfence  }
0x2e: {  	s30 =	sld [smem:$0x0];
	_ =	sdelay $0x2  }
0x2f: {  	s31 =	sshll.u32 s3, $0xD;
	s3 =	sshrl.u32 s3, $0x2  }
0x30: {  	s2 =	sand.u32 $0x4000, s31;
	s1 =	sadd.s32 s3, s30  }
0x31: {  	s0 =	sor.u32 s2, s0;
	s1 =	sshll.u32 s1, $0x11  }
0x32: {  	s0 =	sor.u32 s1, s0  }
0x33: {  	s0 =	sadd.s32 $0x8F2B, s0  }
0x34: {  	[sflag:s0] =	ssyncadd.remote.s32 $0x1  }
0x35: {  	_ =	sfence.sel $0xFFFF  }
0x36: {  	[dreg:$0x0] =	wrdreg $0xFFFFFFFF;
	(pc) =	sbr.abs _section_cstart, $3  }
0x37: {  	[dreg:$0x1] =	wrdreg $0xFFFFFFFF  }
0x38: {  	_ =	task.clear_ibuf [dreg:s6], $0x2FFFF;
	_ =	strace $0x9FFFFFFF  }
0x39: {  	(tm) =	ssettm $0x7FFFFFFF  }
tec
execute0_lowered:
.L_overlay_start_1:
0x0: {  	(tag) =	ssettag $0x1  }
0x1: {  	s0 =	srdreg.scid  }
0x2: {  	s5 =	rddreg [dreg:$0x0];
	s1 =	stileid.u32;
	s4 =	simm.s32 $0x1  }
0x3: {  	s6 =	simm.s32 $0x2;
	s15 =	simm.s32 $0x0;
	p0 =	por $0x0, $0x0  }
0x4: {  	s8 =	simm.s32 $0x80;
	s14 =	simm.s32 $0x0;
	s2 =	sshll.u32 s0, $0x4  }
0x5: {  	s9 =	simm.s32 $0x0;
	s10 =	simm.s32 $0x0;
	s2 =	sand.u32 $0x10, s2  }
.Ltmp0:
0x6: {  	s12 =	simm.s32 $0x0;
	s3 =	sor.u32 s1, s2;
	(pc) =	sbr.rel .LBB1_1-.Ltmp0, $4  }
0x7: {  	s0 =	rddreg [dreg:$0x1];
	_ =	strace $0x80000047;
	s3 =	sshll.u32 s3, $0x7  }
0x8: {  	s13 =	simm.s32 $0x0;
	[sflag:s4] =	ssyncpa.u1 $0x0;
	s7 =	ssub.s32 $0xF4200, s3  }
0x9: {  	s2 =	sadd.s32 $0x1E00, s5;
	[sflag:s6] =	ssyncpa.u1 $0x0;
	s6 =	sshrl.u32 s7, $0xC  }
0xa: {  	s5 =	sadd.s32 $0x3D2800, s5;
	s11 =	smov.u32 s3;
	s7 =	sadd.s32 $0x2, s6  }
.LBB1_5:
0xb: {  	p1 =	slt.u32 s13, $0x2  }
0xc: {  	s17 =	smov.u32 s15;
	p2 =	sgt.s32 @!p1 s15, $0xF41C0;
	s16 =	sshra.s32 @!p1 s15, $0x1F  }
0xd: {  	p3 =	sgt.s32 @!p1 s14, $0x40;
	s18 =	sshra.s32 @!p1 s14, $0x1F;
	p2 =	por !p2, p1  }
0xe: {  	s15 =	sand.u32 @!p1 s16, s15;
	p3 =	por !p3, p1;
	s16 =	smov.u32 s14  }
0xf: {  	s14 =	sand.u32 @!p1 s18, s14;
	s17 =	simm.s32 @p2 $0xF41C0;
	s16 =	simm.s32 @p3 $0x40  }
0x10: {  	s15 =	ssub.s32 @!p1 s17, s15;
	s14 =	ssub.s32 @!p1 s16, s14  }
0x11: {  	s18 =	smov.u32 s12;
	s16 =	sadd.s32 @!p1 $0xFFF0BE40, s15;
	s17 =	sadd.s32 @!p1 $0xFFFFFFC0, s14  }
0x12: {  	s15 =	ssub.s32 @!p1 $0xF4240, s15;
	p2 =	sgt.s32 @!p1 s16, $0x7F;
	p3 =	sgt.s32 @!p1 s17, $0x3F  }
0x13: {  	s14 =	ssub.s32 @!p1 $0x80, s14;
	p2 =	por !p2, p1;
	p3 =	por !p3, p1  }
0x14: {  	s16 =	sadd.s32 $0x1000, s11;
	s15 =	simm.s32 @!p2 $0x0;
	s14 =	simm.s32 @!p3 $0x0  }
0x15: {  	p2 =	sgt.s32 s16, $0xF423F;
	s14 =	smul.u32 @!p1 s14, s15;
	s15 =	sadd.s32 $0x40, s12  }
0x16: {  	s18 =	smov.u32 @p2 s15  }
0x17: {  	s16 =	smov.u32 @p2 s3;
	p2 =	sgt.s32 s18, $0x3F  }
0x18: {  	p0 =	por !p0, !p0;
	s18 =	simm.s32 @p2 $0x0;
	p2 =	sne.s32 s13, s7  }
.Ltmp1:
0x19: {  	s17 =	simm.s32 @!p1 $0x2;
	s14 =	sshrl.u32 @!p1 s14, $0x1;
	(pc) =	sbr.rel @!p2 .LBB1_6-.Ltmp1, $4  }
0x1a: {  	s15 =	smov.u32 s9;
	s9 =	smov.u32 s11;
	s14 =	sand.u32 @!p1 $0x3FFFFFFF, s14  }
0x1b: {  	s11 =	smov.u32 s16;
	s13 =	sadd.s32 $0x1, s13;
	_ =	swait.ge @!p1 [sflag:s17], s14  }
0x1c: {  	s19 =	ssub.s32 @!p1 $0x0, s14;
	s14 =	smov.u32 s10;
	[sflag:s17] =	ssyncset.done @!p1 $0x0  }
0x1d: {  	s10 =	smov.u32 s12;
	s12 =	smov.u32 s18;
	[sflag:s17] =	ssyncadd.s32 @!p1 s19  }
.LBB1_1:
0x1e: {  	p1 =	sgt.u32 s13, s6  }
0x1f: {  	s16 =	sshrl.u32 @!p1 s12, $0x4  }
0x20: {  	s17 =	sshll.u32 @!p1 s11, $0x4;
	s16 =	smul.u32 @!p1 $0xF42800, s16  }
0x21: {  	s18 =	sshll.u32 @!p1 s12, $0x7;
	s17 =	sand.u32 @!p1 $0xFFFFF800, s17  }
0x22: {  	s16 =	sadd.s32 @!p1 s16, s17;
	s17 =	sand.u32 @!p1 $0x700, s18;
	s18 =	sshll.u32 @!p1 s11, $0x1  }
0x23: {  	s16 =	sor.u32 @!p1 s17, s16;
	s17 =	sand.u32 @!p1 $0xFE, s18  }
0x24: {  	s18 =	sand.u32 @!p1 $0x1, s12;
	s16 =	sor.u32 @!p1 s17, s16  }
0x25: {  	s17 =	sor.u32 @!p1 s18, s16  }
0x26: {  	s18 =	smulhi.u32 @!p1 $0x218D6287, s17;
	_ =	sdelay $0x1  }
0x27: {  	s16 =	smulhi.u32 @!p1 $0x218D6287, s16;
	s18 =	sshrl.u32 @!p1 s18, $0x11  }
0x28: {  	s18 =	smul.u32 @!p1 $0xF4280, s18  }
0x29: {  	s16 =	sshrl.u32 @!p1 s16, $0x11  }
0x2a: {  	s16 =	sand.u32 @!p1 $0x3F, s16;
	s17 =	ssub.s32 @!p1 s17, s18  }
0x2b: {  	s16 =	smul.u32 @!p1 $0xF428, s16;
	s18 =	sshrl.u32 @!p1 s17, $0x4  }
0x2c: {  	s19 =	sxor.u32 @!p1 $0xFFFFFFFF, s13;
	s17 =	sshll.u32 @!p1 s17, $0x11;
	s18 =	sadd.s32 @!p1 s2, s18  }
0x2d: {  	s17 =	sand.u32 @!p1 $0x1C0000, s17;
	s16 =	sadd.s32 @!p1 s16, s18;
	s18 =	sshll.u32 @!p1 s19, $0xC  }
0x2e: {  	s17 =	sor.u32 @!p1 $0x400, s17;
	s19 =	simm.s32 @!p1 $0x7A1400;
	s18 =	sand.u32 @!p1 $0x1000, s18  }
0x2f: {  	[tilespmem:s18], [sflag:$0x1] =	stream.strided.gather @!p1 [hbm4b:s16+s17], $0x1000, s19, s17, $0x38;
	[tilespmem:$0x4080] =	vst v63  }
0x30: {  	p1 =	seq.s32 s13, $0x0  }
0x31: {  	p2 =	sge.u32 @!p1 s13, s7  }
0x32: {  	p1 =	por p1, p2  }
.Ltmp2:
0x33: {  	_ = 	snop;
	(pc) =	sbr.rel @p1 .LBB1_5-.Ltmp2, $1  }
0x34: {  	_ =	sdelay $0x3  }
0x35: {  	s16 =	simm.s32 $0x1  }
0x36: {  	_ =	swait.ge [sflag:s4], $0x1000;
	s16 =	simm.s32 @!p0 $0x0  }
0x37: {  	[sflag:s4] =	ssyncset.done $0x0;
	s16 =	sshll.u32 s16, $0xC  }
0x38: {  	[sflag:s4] =	ssyncadd.s32 $0xFFFFF000;
	s16 =	sor.u32 $0x40, s16  }
0x39: {  	v0 =	vld [tilespmem:s16+$0x20]  }
0x3a: {  	v1 =	vld [tilespmem:s16+$0x30]  }
0x3b: {  	v2 =	vld [tilespmem:s16+$0xFFFFFFD0]  }
0x3c: {  	v5 =	vld [tilespmem:s16+$0x0]  }
0x3d: {  	v6 =	vld [tilespmem:s16+$0x10]  }
0x3e: {  	s17 =	sand.u32 $0x1, s13;
	v3 =	vld [tilespmem:s16+$0xFFFFFFE0]  }
0x3f: {  	s17 =	smul.u32 $0x4100, s17;
	v4 =	vld [tilespmem:s16+$0xFFFFFFF0]  }
0x40: {  	s18 =	simm.s32 $0x0;
	v1 =	vperm.xlane.i2c.b16 v1  }
0x41: {  	s19 =	sand.u32 $0x3C, s18;
	s17 =	sshrl.u32 s17, $0x2;
	v8 =	vld [tilespmem:s16+$0xFFFFFFC0];
	s20 =	sadd.s32 $0x80, s16;
	v7 =	vperm.xlane.i2c.b16 v0;
	v0 =	vperm.xlane.i2c.b16 v2  }
0x42: {  	s30 =	sand.u32 $0x40, s18;
	s31 =	sshrl.u32 s19, $0x1;
	s16 =	sor.u32 $0x2000, s17;
	v11 =	vld [tilespmem:s20+$0x30];
	v10 =	vperm.xlane.i2c.b16 v5;
	v13 =	vperm.xlane.i2c.b16 v6  }
0x43: {  	s17 =	sshrl.u32 s30, $0x1;
	s18 =	sadd.s32 s31, s16;
	v2 =	vld [tilespmem:s20+$0x20];
	v3 =	vperm.xlane.i2c.b16 v3;
	v9 =	vcombine.low v7, v1  }
0x44: {  	v12 =	vld [tilespmem:s20+$0xFFFFFFD0];
	s17 =	sadd.s32 s17, s18;
	v4 =	vperm.xlane.i2c.b16 v4;
	v14 =	vcombine.low v10, v13  }
0x45: {  	v1 =	vcombine.high v7, v1;
	v7 =	vld [tilespmem:s20+$0xFFFFFFE0];
	[tilespmem:s17+$0xC30 ss:$0x41] =	vst.msk $0xffff, v9  }
0x46: {  	v6 =	vld [tilespmem:s20+$0xFFFFFFF0];
	v5 =	vperm.xlane.i2c.b16 v8;
	v9 =	vcombine.low v3, v4;
	[tilespmem:s17+$0x820 ss:$0x41] =	vst.msk $0xffff, v14  }
0x47: {  	s18 =	simm.s32 $0x4;
	v8 =	vperm.xlane.i2c.b16 v11;
	[tilespmem:s17+$0xC31 ss:$0x41] =	vst.msk $0xffff, v1;
	v1 =	vcombine.high v3, v4;
	v4 =	vld [tilespmem:s20+$0x0]  }
0x48: {  	s19 =	simm.s32 $0x2;
	s22 =	sand.u32 $0x3C, s18;
	v10 =	vcombine.high v10, v13;
	v3 =	vld [tilespmem:s20+$0x10];
	[tilespmem:s17+$0x410 ss:$0x41] =	vst.msk $0xffff, v9;
	v9 =	vperm.xlane.i2c.b16 v2  }
0x49: {  	s21 =	sand.u32 $0x40, s18;
	s22 =	sshrl.u32 s22, $0x1;
	v11 =	vcombine.low v5, v0;
	v2 =	vld [tilespmem:s20+$0xFFFFFFC0];
	s20 =	sadd.s32 $0x80, s20;
	[tilespmem:s17+$0x411 ss:$0x41] =	vst.msk $0xffff, v1;
	v1 =	vperm.xlane.i2c.b16 v12  }
.LBB1_3:
0x4a: {  	v12 =	vld [tilespmem:s20+$0x20];
	s22 =	sadd.s32 s22, s16;
	s21 =	sshrl.u32 s21, $0x1;
	v13 =	vperm.xlane.i2c.b16 v7;
	v7 =	vcombine.low v9, v8;
	[tilespmem:s17+$0x821 ss:$0x41] =	vst.msk $0xffff, v10  }
0x4b: {  	s19 =	sadd.s32 $0x2, s19;
	v14 =	vld [tilespmem:s20+$0x30];
	s21 =	sadd.s32 s21, s22;
	v10 =	vperm.xlane.i2c.b16 v6;
	v6 =	vcombine.high v9, v8;
	[tilespmem:s17+$0x0 ss:$0x41] =	vst.msk $0xffff, v11  }
0x4c: {  	p1 =	slt.u32 s19, $0x3E;
	v11 =	vld [tilespmem:s20+$0xFFFFFFD0];
	v8 =	vperm.xlane.i2c.b16 v4;
	[tilespmem:s21+$0xC30 ss:$0x41] =	vst.msk $0xffff, v7;
	v4 =	vcombine.high v5, v0;
	v0 =	vmov v1  }
.Ltmp3:
0x4d: {  	v7 =	vld [tilespmem:s20+$0xFFFFFFE0];
	v1 =	vcombine.low v13, v10;
	v3 =	vperm.xlane.i2c.b16 v3;
	[tilespmem:s21+$0xC31 ss:$0x41] =	vst.msk $0xffff, v6;
	(pc) =	sbr.rel @p1 .LBB1_3-.Ltmp3, $4  }
0x4e: {  	v6 =	vld [tilespmem:s20+$0xFFFFFFF0];
	v5 =	vperm.xlane.i2c.b16 v2;
	v2 =	vcombine.high v13, v10;
	[tilespmem:s17+$0x1 ss:$0x41] =	vst.msk $0xffff, v4;
	s17 =	smov.u32 s21  }
0x4f: {  	s18 =	sadd.s32 $0x4, s18;
	v4 =	vld [tilespmem:s20+$0x0];
	[tilespmem:s17+$0x410 ss:$0x41] =	vst.msk $0xffff, v1;
	v13 =	vcombine.low v8, v3;
	v10 =	vcombine.high v8, v3  }
0x50: {  	s22 =	sand.u32 $0x3C, s18;
	v9 =	vperm.xlane.i2c.b16 v12;
	v3 =	vld [tilespmem:s20+$0x10];
	v8 =	vperm.xlane.i2c.b16 v14;
	[tilespmem:s17+$0x411 ss:$0x41] =	vst.msk $0xffff, v2  }
0x51: {  	s22 =	sshrl.u32 s22, $0x1;
	s21 =	sand.u32 $0x40, s18;
	v2 =	vld [tilespmem:s20+$0xFFFFFFC0];
	v1 =	vperm.xlane.i2c.b16 v11;
	s20 =	sadd.s32 $0x80, s20;
	v11 =	vcombine.low v5, v0;
	[tilespmem:s17+$0x820 ss:$0x41] =	vst.msk $0xffff, v13  }
0x52: {  	s18 =	sadd.s32 s22, s16;
	s19 =	sshll.u32 s9, $0x7;
	s20 =	sshll.u32 s10, $0x4  }
0x53: {  	s21 =	sshrl.u32 s21, $0x1;
	s24 =	sshll.u32 s10, $0x1;
	p1 =	sgt.s32 s9, $0xF41C0  }
0x54: {  	s22 =	smov.u32 s9;
	s26 =	sshra.s32 s9, $0x1F;
	s23 =	sand.u32 $0xFFFFF800, s19  }
0x55: {  	s20 =	sand.u32 $0xFFFFF800, s20;
	s19 =	sand.u32 $0x700, s19;
	s25 =	sand.u32 $0x80, s24  }
0x56: {  	s18 =	sadd.s32 s21, s18;
	s22 =	simm.s32 @!p1 $0xF41C0;
	p1 =	sgt.s32 s10, $0x40  }
0x57: {  	s21 =	smov.u32 s10;
	s20 =	sadd.s32 s20, s23;
	s23 =	sshra.s32 s10, $0x1F  }
0x58: {  	s21 =	simm.s32 @!p1 $0x40;
	s19 =	sor.u32 s19, s20;
	s20 =	sand.u32 s26, s9  }
0x59: {  	v7 =	vperm.xlane.i2c.b16 v7;
	[tilespmem:s17+$0x821 ss:$0x41] =	vst.msk $0xffff, v10;
	v0 =	vcombine.high v5, v0;
	s23 =	sand.u32 s23, s10;
	s19 =	sor.u32 s25, s19;
	s20 =	ssub.s32 s22, s20  }
0x5a: {  	v57 =	vcombine.low v9, v8;
	v6 =	vperm.xlane.i2c.b16 v6;
	[tilespmem:s17+$0x0 ss:$0x41] =	vst.msk $0xffff, v11;
	s21 =	ssub.s32 s21, s23;
	s19 =	sshrl.u32 s19, $0x7;
	s22 =	sadd.s32 $0xFFF0BE40, s20  }
0x5b: {  	v58 =	vcombine.high v9, v8;
	v4 =	vperm.xlane.i2c.b16 v4;
	[tilespmem:s17+$0x1 ss:$0x41] =	vst.msk $0xffff, v0;
	s23 =	sadd.s32 $0xFFFFFFC0, s21;
	s20 =	ssub.s32 $0xF4240, s20;
	s21 =	ssub.s32 $0x80, s21  }
0x5c: {  	[tilespmem:s18+$0xC30 ss:$0x41] =	vst.msk $0xffff, v57;
	v59 =	vcombine.low v7, v6;
	v3 =	vperm.xlane.i2c.b16 v3;
	s27 =	smulhi.u32 $0x218DEF5, s19;
	p1 =	sgt.s32 s22, $0x7F;
	p2 =	sgt.s32 s23, $0x3F  }
0x5d: {  	[tilespmem:s18+$0xC31 ss:$0x41] =	vst.msk $0xffff, v58;
	v60 =	vcombine.high v7, v6;
	s20 =	simm.s32 @p1 $0x0;
	s21 =	simm.s32 @p2 $0x0  }
0x5e: {  	v2 =	vperm.xlane.i2c.b16 v2;
	[tilespmem:s18+$0x410 ss:$0x41] =	vst.msk $0xffff, v59;
	v61 =	vcombine.low v4, v3;
	s17 =	sshrl.u32 s27, $0xD;
	s20 =	smul.u32 s21, s20  }
0x5f: {  	v3 =	vcombine.high v4, v3;
	[tilespmem:s18+$0x411 ss:$0x41] =	vst.msk $0xffff, v60;
	s17 =	smul.u32 $0xF4240, s17  }
.Ltmp4:
0x60: {  	s28 =	sshrl.u32 s10, $0x3;
	s29 =	sand.u32 $0x7, s10;
	v62 =	vcombine.low v2, v1;
	[tilespmem:s18+$0x820 ss:$0x41] =	vst.msk $0xffff, v61;
	(pc) =	sbr.rel .LBB1_5-.Ltmp4, $4  }
0x61: {  	v63 =	vcombine.high v2, v1;
	[tilespmem:s18+$0x821 ss:$0x41] =	vst.msk $0xffff, v3;
	s21 =	sshll.u32 s29, $0x12;
	s17 =	ssub.s32 s19, s17;
	s19 =	sand.u32 $0x7, s28  }
0x62: {  	[tilespmem:s18+$0x0 ss:$0x41] =	vst.msk $0xffff, v62;
	s20 =	sshrl.u32 s20, $0x1;
	s17 =	sshll.u32 s17, $0x3;
	s19 =	sadd.s32 s5, s19  }
0x63: {  	[tilespmem:s18+$0x1 ss:$0x41] =	vst.msk $0xffff, v63;
	s31 =	sor.u32 $0x40, s21;
	s30 =	sand.u32 $0x3FFFFFFF, s20;
	s17 =	sadd.s32 s17, s19  }
0x64: {  	[hbm4b:s17+s31] =	stream.strided.scatter [tilespmem:s16], [sflag:$0x2], s30, s8, s31, $0x18;
	[tilespmem:$0x4080] =	vst v63  }
.LBB1_6:
0x65: {  	_ =	sfence.sel $0x180000  }
0x66: {  	s2 =	simm.s32 $0x1;
	[bflag:$0x0] =	sbarrier.arrive $0xFFFF  }
0x67: {  	s31 =	simm.s32 $0x2;
	[sflag:s2] =	ssyncpa.u1 $0x1  }
0x68: {  	[sflag:s31] =	ssyncpa.u1 $0x1  }
0x69: {  	p0 =	sne.s32 s1, $0x0;
	_ =	strace $0x90000047  }
0x6a: {  	s0 =	sadd.s32 @!p0 $0x100000, s0;
	[bflag:$0x2] =	sbarrier.arrive $0xFFFF  }
0x6b: {  	[sflag:s0] =	ssyncadd.tile.s32 @!p0 $0x1;
	_ =	shalt  }
.Lfunc_end1:
_tile_overlayer_lowered:
.L_overlay_start_2:
0x6c: {  	(tag) =	ssettag $0x2  }
0x6d: {  	s0 =	rddreg [dreg:$0x0];
	s2 =	stileid.u32  }
0x6e: {  	s1 =	rddreg [dreg:$0x1];
	p0 =	sne.s32 s2, $0x0  }
0x6f: {  	s3 =	rddreg [dreg:$0x2];
	[bflag:$0x3] =	sbarrier.arrive $0xFFFF;
	s2 =	simm.s32 @!p0 $0x1C01  }
0x70: {  	[timem:s3], [sflag:s2] =	dma.local @!p0 [hbm:s0], s1  }
0x71: {  	s0 =	simm.s32 @!p0 $0x1  }
0x72: {  	_ =	swait.ge @!p0 [sflag:s0], s1  }
0x73: {  	s1 =	ssub.s32 @!p0 $0x0, s1;
	[sflag:s0] =	ssyncset.done @!p0 $0x0  }
0x74: {  	[sflag:s0] =	ssyncadd.s32 @!p0 s1  }
0x75: {  	[bflag:$0x3] =	sbarrier.arrive $0xFFFF  }
0x76: {  	_ =	shalt  }

// kernel: sparse-core-data-format-call.2.cloned.1.call-start
scs
called_computation.2_lowered:
.L_overlay_start_0:
0x0: {  	s2 =	sld [smem:$0x3FD9]  }
0x1: {  	s3 =	sld [smem:$0x3FFE];
	_ =	sdelay $0x1  }
0x2: {  	s1 =	srdreg.scid  }
0x3: {  	s0 =	sand.u32 $0x1, s1  }
0x4: {  	s18 =	sshll.u32 s0, $0xA;
	s2 =	sadd.s32 s3, s2  }
0x5: {  	s2 =	sadd.s32 s2, s18  }
0x6: {  	[smem:$0x3FC3] =	sst s2  }
0x7: {  	_ = 	snop  }
0x8: {  	(tm) =	ssettm $0x1  }
0x9: {  	s19 =	sld [smem:$0x3FFB];
	_ =	sdelay $0x3  }
0xa: {  	_ =	strace s19  }
0xb: {  	s2 =	sld [smem:$0x3FFC];
	_ =	sdelay $0x3  }
0xc: {  	_ =	strace s2  }
0xd: {  	s2 =	sld [smem:$0x3FFD];
	_ =	sdelay $0x3  }
0xe: {  	_ =	strace s2  }
0xf: {  	_ =	strace $0x8FFFFFFF  }
0x10: {  	s20 =	sld [smem:$0x3FDB];
	_ =	sdelay $0x1  }
0x11: {  	s21 =	simm.s32 $_scs_section_size  }
0x12: {  	s4 =	simm.s32 $_size__tile_overlayer_lowered;
	s5 =	simm.s32 $_tile_overlayer_lowered  }
0x13: {  	s6 =	simm.s32 $0x1BFF;
	s22 =	sshll.u32 s5, $0x1;
	s3 =	sadd.s32 s21, s20  }
0x14: {  	s23 =	simm.s32 $0x0;
	s4 =	sshll.u32 s4, $0x1;
	s5 =	sadd.s32 s22, s3  }
0x15: {  	[timem:s23], [sflag:s6] =	dma.local [hbm:s5], s4  }
0x16: {  	_ =	swait.ge [sflag:s6], s4  }
0x17: {  	s4 =	ssub.s32 $0x0, s4;
	[sflag:s6] =	ssyncset.done $0x0  }
0x18: {  	[sflag:s6] =	ssyncadd.s32 s4;
	_ =	sdelay $0x1  }
0x19: {  	s24 =	simm.s32 $0x1B8B  }
0x1a: {  	_ =	swait.ge [sflag:s24], $0x1  }
0x1b: {  	[sflag:s24] =	ssyncset.done $0x0  }
0x1c: {  	[sflag:s24] =	ssyncadd.s32 $0xFFFFFFFF  }
0x1d: {  	s4 =	sld [smem:$0x0]  }
0x1e: {  	s5 =	sand.u32 $0xFFFFFFFE, s1  }
0x1f: {  	p0 =	sne.s32 s1, s5  }
0x20: {  	s5 =	sshll.u32 @p0 s5, $0xE  }
0x21: {  	s5 =	sadd.s32 @p0 $0x11B8D, s5;
	s6 =	sshll.u32 @p0 s4, $0x11  }
0x22: {  	s5 =	sor.u32 @p0 s6, s5  }
0x23: {  	[sflag:s5] =	ssyncadd.remote.s32 @p0 $0x1;
	_ =	sdelay $0x1  }
0x24: {  	s5 =	simm.s32 @p0 $0x1B8D  }
0x25: {  	_ =	swait.eq @p0 [sflag:s5], $0x1  }
0x26: {  	[sflag:s5] =	ssyncadd.s32 @p0 $0xFFFFFFFF  }
0x27: {  	s6 =	sshll.u32 @!p0 s1, $0xE  }
0x28: {  	s6 =	sor.u32 @!p0 $0x4000, s6;
	s5 =	simm.s32 @!p0 $0x1B8D  }
0x29: {  	s4 =	sshll.u32 @!p0 s4, $0x11;
	s6 =	sadd.s32 @!p0 $0x11B8D, s6;
	_ =	swait.eq @!p0 [sflag:s5], $0x1  }
0x2a: {  	s4 =	sor.u32 @!p0 s4, s6;
	[sflag:s5] =	ssyncadd.s32 @!p0 $0xFFFFFFFF  }
0x2b: {  	s26 =	simm.s32 $0x1B8E;
	s25 =	sld [smem:$0x3FFE];
	[sflag:s4] =	ssyncadd.remote.s32 @!p0 $0x1  }
0x2c: {  	s27 =	simm.s32 $execute0_lowered;
	[smem:$0x3FD2] =	sst s26  }
0x2d: {  	s5 =	sshll.u32 s27, $0x1;
	_ =	strace $0x8000004F;
	[dreg:$0x1] =	wrdreg $0xFFFFFFFF  }
0x2e: {  	s28 =	simm.s32 $_size_execute0_lowered;
	s3 =	sadd.s32 s3, s5;
	[dreg:$0x0] =	wrdreg $0x0  }
0x2f: {  	s5 =	sshll.u32 s28, $0x1;
	[dreg:$0x2] =	wrdreg s3  }
0x30: {  	[dreg:$0x3] =	wrdreg s5  }
0x31: {  	[dreg:$0x4] =	wrdreg $0xC0  }
0x32: {  	_ =	task [dreg:s23], $0x5FFFF  }
0x33: {  	[dreg:$0x1] =	wrdreg $0xFFFFFFFF  }
0x34: {  	[dreg:$0x0] =	wrdreg $0x60  }
0x35: {  	[dreg:$0x2] =	wrdreg s25  }
0x36: {  	[dreg:$0x3] =	wrdreg $0xA  }
0x37: {  	_ =	task.clear_ibuf [dreg:s23], $0x4FFFF;
	_ =	strace $0x9000004F  }
0x38: {  	s29 =	simm.s32 $0xA;
	_ =	strace $0x80000051  }
0x39: {  	_ =	swait.ge [sflag:s29], $0x1  }
0x3a: {  	[sflag:s29] =	ssyncadd.s32 $0xFFFFFFFF  }
0x3b: {  	_ =	strace $0x90000051  }
0x3c: {  	_ =	sfence  }
0x3d: {  	s30 =	sld [smem:$0x0];
	_ =	sdelay $0x2  }
0x3e: {  	s31 =	sshll.u32 s1, $0xD;
	s1 =	sshrl.u32 s1, $0x2  }
0x3f: {  	s4 =	sand.u32 $0x4000, s31;
	s1 =	sadd.s32 s1, s30  }
0x40: {  	s0 =	sor.u32 s4, s0;
	s1 =	sshll.u32 s1, $0x11  }
0x41: {  	s0 =	sor.u32 s1, s0  }
0x42: {  	s0 =	sadd.s32 $0x8F2B, s0  }
0x43: {  	[sflag:s0] =	ssyncadd.remote.s32 $0x1  }
0x44: {  	_ =	sfence.sel $0xFFFF  }
0x45: {  	[dreg:$0x0] =	wrdreg $0xFFFFFFFF;
	(pc) =	sbr.abs _section_cstart, $3  }
0x46: {  	[dreg:$0x1] =	wrdreg $0xFFFFFFFF  }
0x47: {  	_ =	task.clear_ibuf [dreg:s23], $0x2FFFF;
	_ =	strace $0x9FFFFFFF  }
0x48: {  	(tm) =	ssettm $0x7FFFFFFF  }
0x49: {  	_ =	shalt  }
tec
execute0_lowered:
.L_overlay_start_1:
0x0: {  	(tag) =	ssettag $0x1  }
0x1: {  	s0 =	srdreg.scid  }
0x2: {  	s5 =	rddreg [dreg:$0x0];
	s1 =	stileid.u32;
	s4 =	simm.s32 $0x1  }
0x3: {  	s6 =	simm.s32 $0x2;
	s8 =	simm.s32 $0x0;
	s2 =	sshll.u32 s0, $0x4  }
0x4: {  	s9 =	simm.s32 $0x0;
	s13 =	simm.s32 $0x0;
	s2 =	sand.u32 $0x10, s2  }
.Ltmp0:
0x5: {  	s10 =	simm.s32 $0x0;
	s3 =	sor.u32 s1, s2;
	(pc) =	sbr.rel .LBB1_1-.Ltmp0, $4  }
0x6: {  	s0 =	rddreg [dreg:$0x1];
	_ =	strace $0x80000050;
	s3 =	sshll.u32 s3, $0x4  }
0x7: {  	s12 =	simm.s32 $0x0;
	[sflag:s4] =	ssyncpa.u1 $0x0;
	s7 =	ssub.s32 $0x7A10, s3  }
0x8: {  	s2 =	sadd.s32 $0xB73C00, s5;
	[sflag:s6] =	ssyncpa.u1 $0x0;
	s6 =	sshrl.u32 s7, $0x9  }
0x9: {  	s5 =	sadd.s32 $0x7A3200, s5;
	s11 =	smov.u32 s3;
	s7 =	sor.u32 $0x2, s6  }
.LBB1_7:
0xa: {  	s15 =	sshll.u32 s12, $0xF  }
0xb: {  	s15 =	sand.u32 $0x8000, s15  }
0xc: {  	s16 =	sshll.u32 s10, $0x7;
	s15 =	sshrl.u32 s15, $0x1  }
0xd: {  	s16 =	sadd.s32 s5, s16;
	s15 =	sor.u32 $0x8000, s15  }
0xe: {  	[hbm4b:s16+s8] =	stream.linear.scatter [tilespmem:s15], [sflag:$0x2], s14, $0x38;
	[tilespmem:$0x10000] =	vst v63  }
.LBB1_8:
0xf: {  	p0 =	slt.u32 s12, $0x2  }
0x10: {  	p1 =	sgt.s32 @!p0 s13, $0x7A02  }
0x11: {  	s14 =	smov.u32 s13;
	s15 =	sshra.s32 @!p0 s13, $0x1F;
	p1 =	por !p1, p0  }
0x12: {  	s13 =	sand.u32 @!p0 s15, s13;
	s14 =	simm.s32 @p1 $0x7A02  }
0x13: {  	s13 =	ssub.s32 @!p0 s14, s13  }
0x14: {  	s13 =	sadd.s32 @!p0 $0xFFFF85FE, s13  }
0x15: {  	s14 =	sshll.u32 @!p0 s13, $0xC  }
0x16: {  	p1 =	sgt.s32 @!p0 s13, $0xF;
	s13 =	ssub.s32 @!p0 $0x10000, s14  }
0x17: {  	s15 =	sadd.s32 $0x200, s11;
	p1 =	por !p1, p0;
	s13 =	sshrl.u32 @!p0 s13, $0x2  }
0x18: {  	s13 =	simm.s32 @!p1 $0x0;
	p1 =	sgt.s32 s15, $0x7A11  }
0x19: {  	s15 =	smov.u32 @p1 s3;
	p1 =	sne.s32 s12, s7  }
.Ltmp1:
0x1a: {  	_ = 	snop;
	(pc) =	sbr.rel @!p1 .LBB1_9-.Ltmp1, $4  }
0x1b: {  	s14 =	simm.s32 @!p0 $0x2  }
0x1c: {  	s9 =	sadd.s32 $0x8000, s9;
	_ =	swait.ge @!p0 [sflag:s14], s13;
	s16 =	ssub.s32 @!p0 $0x0, s13  }
0x1d: {  	s13 =	smov.u32 s10;
	s12 =	sadd.s32 $0x1, s12;
	[sflag:s14] =	ssyncset.done @!p0 $0x0  }
0x1e: {  	s10 =	smov.u32 s11;
	s11 =	smov.u32 s15;
	[sflag:s14] =	ssyncadd.s32 @!p0 s16  }
.LBB1_1:
0x1f: {  	p0 =	sgt.u32 s12, s6  }
0x20: {  	p1 =	sgt.s32 @!p0 s11, $0x7A02  }
0x21: {  	s14 =	smov.u32 s11;
	s15 =	sshra.s32 @!p0 s11, $0x1F;
	p1 =	por !p1, p0  }
0x22: {  	s15 =	sand.u32 @!p0 s15, s11;
	s14 =	simm.s32 @p1 $0x7A02  }
0x23: {  	s14 =	ssub.s32 @!p0 s14, s15  }
0x24: {  	s14 =	sadd.s32 @!p0 $0xFFFF85FE, s14  }
0x25: {  	s16 =	sshll.u32 @!p0 s11, $0x7;
	s17 =	simm.s32 @!p0 $0x0;
	s15 =	sshll.u32 @!p0 s14, $0xC  }
0x26: {  	p1 =	sgt.s32 @!p0 s14, $0xF;
	s14 =	ssub.s32 @!p0 $0x10000, s15;
	s15 =	sxor.u32 @!p0 $0xFFFFFFFF, s12  }
0x27: {  	p1 =	por !p1, p0;
	s14 =	sshrl.u32 @!p0 s14, $0x2;
	s15 =	sshll.u32 @!p0 s15, $0xE  }
0x28: {  	s16 =	sadd.s32 @!p0 s2, s16;
	s14 =	simm.s32 @!p1 $0x0;
	s15 =	sand.u32 @!p0 $0x4000, s15  }
0x29: {  	[tilespmem:s15], [sflag:$0x1] =	stream.linear.gather @!p0 [hbm4b:s16+s17], s14, $0x38;
	[tilespmem:$0x10000] =	vst v63  }
0x2a: {  	p0 =	seq.s32 s12, $0x0  }
0x2b: {  	p1 =	sge.u32 @!p0 s12, s7  }
0x2c: {  	p0 =	por p0, p1  }
.Ltmp2:
0x2d: {  	_ = 	snop;
	(pc) =	sbr.rel @p0 .LBB1_8-.Ltmp2, $1  }
0x2e: {  	_ =	sdelay $0x3  }
0x2f: {  	p0 =	sgt.s32 s10, $0x7A02;
	s14 =	smov.u32 s10;
	s15 =	sshra.s32 s10, $0x1F  }
0x30: {  	s14 =	simm.s32 @!p0 $0x7A02;
	s15 =	sand.u32 s15, s10  }
0x31: {  	s14 =	ssub.s32 s14, s15  }
0x32: {  	s16 =	sadd.s32 $0x10, s10;
	s14 =	sadd.s32 $0xFFFF85FE, s14  }
0x33: {  	p1 =	slt.s32 s16, $0x7A12;
	s30 =	sshll.u32 s14, $0xC  }
0x34: {  	s16 =	simm.s32 @!p1 $0x7A12;
	s15 =	ssub.s32 $0x10000, s30  }
0x35: {  	p0 =	sgt.s32 s14, $0xF;
	s14 =	sshrl.u32 s15, $0x2;
	s15 =	ssub.s32 s16, s10  }
0x36: {  	s14 =	simm.s32 @p0 $0x0;
	p0 =	slt.s32 s15, $0x1  }
.Ltmp3:
0x37: {  	_ = 	snop;
	(pc) =	sbr.rel @p0 .LBB1_7-.Ltmp3, $4  }
0x38: {  	_ = 	snop  }
0x39: {  	_ =	swait.ge [sflag:s4], s14  }
0x3a: {  	s31 =	ssub.s32 $0x0, s14;
	[sflag:s4] =	ssyncset.done $0x0  }
0x3b: {  	[sflag:s4] =	ssyncadd.s32 s31  }
0x3c: {  	s16 =	sshrl.u32 s9, $0x1  }
0x3d: {  	s17 =	sand.u32 $0x4000, s16  }
0x3e: {  	s18 =	simm.s32 $0x0;
	s16 =	sor.u32 $0x200, s17;
	s17 =	sor.u32 $0x8080, s17  }
.LBB1_4:
0x3f: {  	v0 =	vld [tilespmem:s16+$0xFFFFFE70]  }
0x40: {  	v1 =	vld [tilespmem:s16+$0x70]  }
0x41: {  	v2 =	vld [tilespmem:s16+$0x0]  }
0x42: {  	v3 =	vld [tilespmem:s16+$0xFFFFFE10]  }
0x43: {  	v4 =	vld [tilespmem:s16+$0x10]  }
0x44: {  	v5 =	vld [tilespmem:s16+$0xFFFFFE20]  }
0x45: {  	v7 =	vld [tilespmem:s16+$0x20]  }
0x46: {  	v11 =	vld [tilespmem:s16+$0x30];
	v6 =	vunpack.i.l.s16.s32 v0;
	v8 =	vunpack.i.u.s16.s32 v0;
	v9 =	vunpack.i.u.s16.s32 v1  }
0x47: {  	v10 =	vunpack.i.l.s16.s32 v1;
	v0 =	vunpack.i.u.s16.s32 v2;
	v1 =	vunpack.i.l.s16.s32 v2;
	v2 =	vld [tilespmem:s16+$0xFFFFFE30]  }
0x48: {  	v8 =	vpack.i.b32.b16 v9, v8;
	v9 =	vunpack.i.u.s16.s32 v3;
	v3 =	vunpack.i.l.s16.s32 v3  }
0x49: {  	v12 =	vld [tilespmem:s16+$0xFFFFFE40];
	v6 =	vpack.i.b32.b16 v10, v6;
	[tilespmem:s17+$0x70] =	vst v8;
	v8 =	vunpack.i.u.s16.s32 v4;
	v4 =	vunpack.i.l.s16.s32 v4  }
0x4a: {  	v13 =	vld [tilespmem:s16+$0x40];
	v10 =	vunpack.i.u.s16.s32 v5;
	v5 =	vunpack.i.l.s16.s32 v5;
	[tilespmem:s17+$0xFFFFFFF0] =	vst v6;
	v3 =	vpack.i.b32.b16 v4, v3  }
0x4b: {  	v6 =	vunpack.i.l.s16.s32 v7;
	v4 =	vld [tilespmem:s16+$0xFFFFFE50];
	[tilespmem:s17+$0xFFFFFF90] =	vst v3;
	v3 =	vpack.i.b32.b16 v8, v9;
	v8 =	vunpack.i.u.s16.s32 v7  }
0x4c: {  	v7 =	vunpack.i.l.s16.s32 v11;
	[tilespmem:s17+$0x10] =	vst v3;
	v3 =	vpack.i.b32.b16 v6, v5;
	v9 =	vunpack.i.u.s16.s32 v2;
	v6 =	vld [tilespmem:s16+$0x50]  }
0x4d: {  	v5 =	vunpack.i.l.s16.s32 v2;
	v2 =	vld [tilespmem:s16+$0xFFFFFE60];
	[tilespmem:s17+$0xFFFFFFA0] =	vst v3;
	v3 =	vpack.i.b32.b16 v8, v10;
	v10 =	vunpack.i.u.s16.s32 v11  }
0x4e: {  	s21 =	simm.s32 $0x0;
	v11 =	vpack.i.b32.b16 v7, v5;
	v7 =	vunpack.i.u.s16.s32 v12;
	v8 =	vunpack.i.l.s16.s32 v12;
	[tilespmem:s17+$0x20] =	vst v3;
	v3 =	vld [tilespmem:s16+$0x60]  }
0x4f: {  	s22 =	sadd.s32 $0x80, s16;
	s20 =	smov.u32 s17;
	s19 =	smov.u32 s17;
	v5 =	vld [tilespmem:s16+$0xFFFFFE00];
	[tilespmem:s17+$0xFFFFFFB0] =	vst v11;
	v10 =	vpack.i.b32.b16 v10, v9;
	v9 =	vunpack.i.u.s16.s32 v13;
	v11 =	vunpack.i.l.s16.s32 v13  }
.LBB1_5:
0x50: {  	v12 =	vld [tilespmem:s22+$0xFFFFFE70];
	[tilespmem:s20+$0x30] =	vst v10;
	v8 =	vpack.i.b32.b16 v11, v8;
	v10 =	vunpack.i.u.s16.s32 v4;
	v4 =	vunpack.i.l.s16.s32 v4  }
0x51: {  	s21 =	sadd.s32 $0x2, s21;
	v7 =	vpack.i.b32.b16 v9, v7;
	v11 =	vld [tilespmem:s22+$0x70];
	[tilespmem:s20+$0xFFFFFFC0] =	vst v8;
	v8 =	vunpack.i.u.s16.s32 v6;
	v6 =	vunpack.i.l.s16.s32 v6  }
0x52: {  	p0 =	slt.u32 s21, $0x6;
	v9 =	vld [tilespmem:s22+$0x0];
	[tilespmem:s20+$0x40] =	vst v7;
	v4 =	vpack.i.b32.b16 v6, v4;
	v6 =	vunpack.i.u.s16.s32 v2;
	v2 =	vunpack.i.l.s16.s32 v2  }
0x53: {  	v7 =	vld [tilespmem:s22+$0xFFFFFE10];
	[tilespmem:s20+$0xFFFFFFD0] =	vst v4;
	v4 =	vpack.i.b32.b16 v8, v10;
	v8 =	vunpack.i.u.s16.s32 v3;
	v3 =	vunpack.i.l.s16.s32 v3  }
0x54: {  	v10 =	vld [tilespmem:s22+$0x10];
	v13 =	vunpack.i.u.s16.s32 v5;
	v5 =	vunpack.i.l.s16.s32 v5;
	[tilespmem:s20+$0x50] =	vst v4;
	v2 =	vpack.i.b32.b16 v3, v2  }
0x55: {  	v3 =	vld [tilespmem:s22+$0xFFFFFE20];
	v4 =	vunpack.i.l.s16.s32 v12;
	v1 =	vpack.i.b32.b16 v1, v5;
	v5 =	vpack.i.b32.b16 v0, v13;
	[tilespmem:s20+$0xFFFFFFE0] =	vst v2  }
0x56: {  	v12 =	vunpack.i.u.s16.s32 v12;
	v2 =	vld [tilespmem:s22+$0x20];
	v13 =	vunpack.i.u.s16.s32 v11;
	v11 =	vunpack.i.l.s16.s32 v11;
	[tilespmem:s20+$0xFFFFFF80] =	vst v1  }
0x57: {  	s20 =	sadd.s32 $0x100, s20;
	v0 =	vunpack.i.u.s16.s32 v9;
	v1 =	vunpack.i.l.s16.s32 v9;
	v9 =	vld [tilespmem:s22+$0xFFFFFE30];
	v12 =	vpack.i.b32.b16 v13, v12;
	[tilespmem:s19+$0x0] =	vst v5  }
0x58: {  	v6 =	vpack.i.b32.b16 v8, v6;
	v5 =	vunpack.i.u.s16.s32 v7;
	v7 =	vunpack.i.l.s16.s32 v7;
	v13 =	vld [tilespmem:s22+$0x30];
	[tilespmem:s20+$0x70] =	vst v12  }
0x59: {  	v4 =	vpack.i.b32.b16 v11, v4;
	v8 =	vunpack.i.u.s16.s32 v10;
	v10 =	vunpack.i.l.s16.s32 v10;
	v12 =	vld [tilespmem:s22+$0xFFFFFE40];
	[tilespmem:s19+$0x60] =	vst v6;
	s19 =	smov.u32 s20  }
0x5a: {  	v6 =	vpack.i.b32.b16 v10, v7;
	v7 =	vunpack.i.u.s16.s32 v3;
	v3 =	vunpack.i.l.s16.s32 v3;
	v11 =	vld [tilespmem:s22+$0x40];
	[tilespmem:s20+$0xFFFFFFF0] =	vst v4  }
.Ltmp4:
0x5b: {  	v5 =	vpack.i.b32.b16 v8, v5;
	[tilespmem:s20+$0xFFFFFF90] =	vst v6;
	v8 =	vunpack.i.u.s16.s32 v2;
	v2 =	vunpack.i.l.s16.s32 v2;
	v4 =	vld [tilespmem:s22+$0xFFFFFE50];
	(pc) =	sbr.rel @p0 .LBB1_5-.Ltmp4, $4  }
0x5c: {  	[tilespmem:s20+$0x10] =	vst v5;
	v2 =	vpack.i.b32.b16 v2, v3;
	v10 =	vunpack.i.u.s16.s32 v9;
	v3 =	vunpack.i.l.s16.s32 v9;
	v6 =	vld [tilespmem:s22+$0x50]  }
0x5d: {  	v5 =	vpack.i.b32.b16 v8, v7;
	[tilespmem:s20+$0xFFFFFFA0] =	vst v2;
	v9 =	vunpack.i.u.s16.s32 v13;
	v7 =	vunpack.i.l.s16.s32 v13;
	v2 =	vld [tilespmem:s22+$0xFFFFFE60]  }
0x5e: {  	[tilespmem:s20+$0x20] =	vst v5;
	v13 =	vpack.i.b32.b16 v7, v3;
	v7 =	vunpack.i.u.s16.s32 v12;
	v8 =	vunpack.i.l.s16.s32 v12;
	v3 =	vld [tilespmem:s22+$0x60]  }
0x5f: {  	v10 =	vpack.i.b32.b16 v9, v10;
	v5 =	vld [tilespmem:s22+$0xFFFFFE00];
	[tilespmem:s20+$0xFFFFFFB0] =	vst v13;
	v9 =	vunpack.i.u.s16.s32 v11;
	v11 =	vunpack.i.l.s16.s32 v11;
	s22 =	sadd.s32 $0x80, s22  }
0x60: {  	[tilespmem:s20+$0x30] =	vst v10;
	v8 =	vpack.i.b32.b16 v11, v8  }
0x61: {  	v51 =	vunpack.i.l.s16.s32 v4;
	v7 =	vpack.i.b32.b16 v9, v7;
	[tilespmem:s20+$0xFFFFFFC0] =	vst v8;
	v52 =	vunpack.i.l.s16.s32 v6  }
0x62: {  	v53 =	vunpack.i.u.s16.s32 v4;
	s18 =	sadd.s32 $0x1, s18;
	v54 =	vunpack.i.u.s16.s32 v6;
	[tilespmem:s20+$0x40] =	vst v7;
	v55 =	vpack.i.b32.b16 v52, v51  }
0x63: {  	p0 =	sne.s32 s18, s15;
	v56 =	vunpack.i.l.s16.s32 v2;
	v4 =	vpack.i.b32.b16 v54, v53;
	[tilespmem:s20+$0xFFFFFFD0] =	vst v55;
	v57 =	vunpack.i.l.s16.s32 v3  }
.Ltmp5:
0x64: {  	[tilespmem:s20+$0x50] =	vst v4;
	v58 =	vunpack.i.l.s16.s32 v5;
	v59 =	vpack.i.b32.b16 v57, v56;
	(pc) =	sbr.rel @p0 .LBB1_4-.Ltmp5, $4  }
.Ltmp6:
0x65: {  	v61 =	vunpack.i.u.s16.s32 v2;
	v62 =	vunpack.i.u.s16.s32 v3;
	v1 =	vpack.i.b32.b16 v1, v58;
	[tilespmem:s20+$0xFFFFFFE0] =	vst v59;
	(pc) =	sbr.rel @!p0 .LBB1_7-.Ltmp6, $4  }
0x66: {  	v60 =	vunpack.i.u.s16.s32 v5;
	v63 =	vpack.i.b32.b16 v62, v61;
	[tilespmem:s20+$0xFFFFFF80] =	vst v1  }
0x67: {  	v0 =	vpack.i.b32.b16 v0, v60;
	[tilespmem:s19+$0x60] =	vst v63  }
0x68: {  	s16 =	sadd.s32 $0x400, s16;
	s17 =	sadd.s32 $0x400, s17;
	[tilespmem:s19+$0x0] =	vst v0  }
0x69: {  	_ = 	snop  }
.LBB1_9:
0x6a: {  	_ =	sfence.sel $0x180000  }
0x6b: {  	s2 =	simm.s32 $0x1;
	[bflag:$0x0] =	sbarrier.arrive $0xFFFF  }
0x6c: {  	s31 =	simm.s32 $0x2;
	[sflag:s2] =	ssyncpa.u1 $0x1  }
0x6d: {  	[sflag:s31] =	ssyncpa.u1 $0x1  }
0x6e: {  	p0 =	sne.s32 s1, $0x0;
	_ =	strace $0x90000050  }
0x6f: {  	s0 =	sadd.s32 @!p0 $0x100000, s0;
	[bflag:$0x2] =	sbarrier.arrive $0xFFFF  }
0x70: {  	[sflag:s0] =	ssyncadd.tile.s32 @!p0 $0x1;
	_ =	shalt  }
.Lfunc_end1:
_tile_overlayer_lowered:
.L_overlay_start_2:
0x71: {  	(tag) =	ssettag $0x2  }
0x72: {  	s0 =	rddreg [dreg:$0x0];
	s2 =	stileid.u32  }
0x73: {  	s1 =	rddreg [dreg:$0x1];
	p0 =	sne.s32 s2, $0x0  }
0x74: {  	s3 =	rddreg [dreg:$0x2];
	[bflag:$0x3] =	sbarrier.arrive $0xFFFF;
	s2 =	simm.s32 @!p0 $0x1C01  }
0x75: {  	[timem:s3], [sflag:s2] =	dma.local @!p0 [hbm:s0], s1  }
0x76: {  	s0 =	simm.s32 @!p0 $0x1  }
0x77: {  	_ =	swait.ge @!p0 [sflag:s0], s1  }
0x78: {  	s1 =	ssub.s32 @!p0 $0x0, s1;
	[sflag:s0] =	ssyncset.done @!p0 $0x0  }
0x79: {  	[sflag:s0] =	ssyncadd.s32 @!p0 s1  }
0x7a: {  	[bflag:$0x3] =	sbarrier.arrive $0xFFFF  }
0x7b: {  	_ =	shalt  }

// kernel: sparse-core-data-format-call.3.cloned.1.call-start
scs
called_computation.3_lowered:
.L_overlay_start_0:
0x0: {  	s2 =	sld [smem:$0x3FD9]  }
0x1: {  	s3 =	sld [smem:$0x3FFE];
	_ =	sdelay $0x1  }
0x2: {  	s1 =	srdreg.scid  }
0x3: {  	s0 =	sand.u32 $0x1, s1  }
0x4: {  	s18 =	sshll.u32 s0, $0xA;
	s2 =	sadd.s32 s3, s2  }
0x5: {  	s2 =	sadd.s32 s2, s18  }
0x6: {  	[smem:$0x3FC3] =	sst s2  }
0x7: {  	_ = 	snop  }
0x8: {  	(tm) =	ssettm $0x1  }
0x9: {  	s19 =	sld [smem:$0x3FFB];
	_ =	sdelay $0x3  }
0xa: {  	_ =	strace s19  }
0xb: {  	s2 =	sld [smem:$0x3FFC];
	_ =	sdelay $0x3  }
0xc: {  	_ =	strace s2  }
0xd: {  	s2 =	sld [smem:$0x3FFD];
	_ =	sdelay $0x3  }
0xe: {  	_ =	strace s2  }
0xf: {  	_ =	strace $0x8FFFFFFF  }
0x10: {  	s20 =	sld [smem:$0x3FDB];
	_ =	sdelay $0x1  }
0x11: {  	s21 =	simm.s32 $_scs_section_size  }
0x12: {  	s4 =	simm.s32 $_size__tile_overlayer_lowered;
	s5 =	simm.s32 $_tile_overlayer_lowered  }
0x13: {  	s6 =	simm.s32 $0x1BFF;
	s22 =	sshll.u32 s5, $0x1;
	s3 =	sadd.s32 s21, s20  }
0x14: {  	s23 =	simm.s32 $0x0;
	s4 =	sshll.u32 s4, $0x1;
	s5 =	sadd.s32 s22, s3  }
0x15: {  	[timem:s23], [sflag:s6] =	dma.local [hbm:s5], s4  }
0x16: {  	_ =	swait.ge [sflag:s6], s4  }
0x17: {  	s4 =	ssub.s32 $0x0, s4;
	[sflag:s6] =	ssyncset.done $0x0  }
0x18: {  	[sflag:s6] =	ssyncadd.s32 s4;
	_ =	sdelay $0x1  }
0x19: {  	s24 =	simm.s32 $0x1B8B  }
0x1a: {  	_ =	swait.ge [sflag:s24], $0x1  }
0x1b: {  	[sflag:s24] =	ssyncset.done $0x0  }
0x1c: {  	[sflag:s24] =	ssyncadd.s32 $0xFFFFFFFF  }
0x1d: {  	s4 =	sld [smem:$0x0]  }
0x1e: {  	s5 =	sand.u32 $0xFFFFFFFE, s1  }
0x1f: {  	p0 =	sne.s32 s1, s5  }
0x20: {  	s5 =	sshll.u32 @p0 s5, $0xE  }
0x21: {  	s5 =	sadd.s32 @p0 $0x11B8D, s5;
	s6 =	sshll.u32 @p0 s4, $0x11  }
0x22: {  	s5 =	sor.u32 @p0 s6, s5  }
0x23: {  	[sflag:s5] =	ssyncadd.remote.s32 @p0 $0x1;
	_ =	sdelay $0x1  }
0x24: {  	s5 =	simm.s32 @p0 $0x1B8D  }
0x25: {  	_ =	swait.eq @p0 [sflag:s5], $0x1  }
0x26: {  	[sflag:s5] =	ssyncadd.s32 @p0 $0xFFFFFFFF  }
0x27: {  	s6 =	sshll.u32 @!p0 s1, $0xE  }
0x28: {  	s6 =	sor.u32 @!p0 $0x4000, s6;
	s5 =	simm.s32 @!p0 $0x1B8D  }
0x29: {  	s4 =	sshll.u32 @!p0 s4, $0x11;
	s6 =	sadd.s32 @!p0 $0x11B8D, s6;
	_ =	swait.eq @!p0 [sflag:s5], $0x1  }
0x2a: {  	s4 =	sor.u32 @!p0 s4, s6;
	[sflag:s5] =	ssyncadd.s32 @!p0 $0xFFFFFFFF  }
0x2b: {  	s26 =	simm.s32 $0x1B8E;
	s25 =	sld [smem:$0x3FFE];
	[sflag:s4] =	ssyncadd.remote.s32 @!p0 $0x1  }
0x2c: {  	s27 =	simm.s32 $execute0_lowered;
	[smem:$0x3FD2] =	sst s26  }
0x2d: {  	s5 =	sshll.u32 s27, $0x1;
	_ =	strace $0x80000049;
	[dreg:$0x1] =	wrdreg $0xFFFFFFFF  }
0x2e: {  	s28 =	simm.s32 $_size_execute0_lowered;
	s3 =	sadd.s32 s3, s5;
	[dreg:$0x0] =	wrdreg $0x0  }
0x2f: {  	s5 =	sshll.u32 s28, $0x1;
	[dreg:$0x2] =	wrdreg s3  }
0x30: {  	[dreg:$0x3] =	wrdreg s5  }
0x31: {  	[dreg:$0x4] =	wrdreg $0xC0  }
0x32: {  	_ =	task [dreg:s23], $0x5FFFF  }
0x33: {  	[dreg:$0x1] =	wrdreg $0xFFFFFFFF  }
0x34: {  	[dreg:$0x0] =	wrdreg $0x60  }
0x35: {  	[dreg:$0x2] =	wrdreg s25  }
0x36: {  	[dreg:$0x3] =	wrdreg $0xA  }
0x37: {  	_ =	task.clear_ibuf [dreg:s23], $0x4FFFF;
	_ =	strace $0x90000049  }
0x38: {  	s29 =	simm.s32 $0xA;
	_ =	strace $0x8000004B  }
0x39: {  	_ =	swait.ge [sflag:s29], $0x1  }
0x3a: {  	[sflag:s29] =	ssyncadd.s32 $0xFFFFFFFF  }
0x3b: {  	_ =	strace $0x9000004B  }
0x3c: {  	_ =	sfence  }
0x3d: {  	s30 =	sld [smem:$0x0];
	_ =	sdelay $0x2  }
0x3e: {  	s31 =	sshll.u32 s1, $0xD;
	s1 =	sshrl.u32 s1, $0x2  }
0x3f: {  	s4 =	sand.u32 $0x4000, s31;
	s1 =	sadd.s32 s1, s30  }
0x40: {  	s0 =	sor.u32 s4, s0;
	s1 =	sshll.u32 s1, $0x11  }
0x41: {  	s0 =	sor.u32 s1, s0  }
0x42: {  	s0 =	sadd.s32 $0x8F2B, s0  }
0x43: {  	[sflag:s0] =	ssyncadd.remote.s32 $0x1  }
0x44: {  	_ =	sfence.sel $0xFFFF  }
0x45: {  	[dreg:$0x0] =	wrdreg $0xFFFFFFFF;
	(pc) =	sbr.abs _section_cstart, $3  }
0x46: {  	[dreg:$0x1] =	wrdreg $0xFFFFFFFF  }
0x47: {  	_ =	task.clear_ibuf [dreg:s23], $0x2FFFF;
	_ =	strace $0x9FFFFFFF  }
0x48: {  	(tm) =	ssettm $0x7FFFFFFF  }
0x49: {  	_ =	shalt  }
tec
execute0_lowered:
.L_overlay_start_1:
0x0: {  	(tag) =	ssettag $0x1  }
0x1: {  	s0 =	srdreg.scid  }
0x2: {  	s5 =	rddreg [dreg:$0x0];
	s1 =	stileid.u32;
	s4 =	simm.s32 $0x1  }
0x3: {  	s6 =	simm.s32 $0x2;
	s15 =	simm.s32 $0x0;
	p0 =	por $0x0, $0x0  }
0x4: {  	s8 =	simm.s32 $0x80;
	s14 =	simm.s32 $0x0;
	s2 =	sshll.u32 s0, $0x4  }
0x5: {  	s9 =	simm.s32 $0x0;
	s10 =	simm.s32 $0x0;
	s2 =	sand.u32 $0x10, s2  }
.Ltmp0:
0x6: {  	s12 =	simm.s32 $0x0;
	s3 =	sor.u32 s1, s2;
	(pc) =	sbr.rel .LBB1_1-.Ltmp0, $4  }
0x7: {  	s0 =	rddreg [dreg:$0x1];
	_ =	strace $0x8000004A;
	s3 =	sshll.u32 s3, $0x7  }
0x8: {  	s13 =	simm.s32 $0x0;
	[sflag:s4] =	ssyncpa.u1 $0x0;
	s7 =	ssub.s32 $0xF4200, s3  }
0x9: {  	s2 =	sadd.s32 $0xB73A00, s5;
	[sflag:s6] =	ssyncpa.u1 $0x0;
	s6 =	sshrl.u32 s7, $0xC  }
0xa: {  	s5 =	sadd.s32 $0xF44400, s5;
	s11 =	smov.u32 s3;
	s7 =	sadd.s32 $0x2, s6  }
.LBB1_5:
0xb: {  	p1 =	slt.u32 s13, $0x2  }
0xc: {  	s17 =	smov.u32 s15;
	p2 =	sgt.s32 @!p1 s15, $0xF41C0;
	s16 =	sshra.s32 @!p1 s15, $0x1F  }
0xd: {  	p3 =	sgt.s32 @!p1 s14, $0x40;
	s18 =	sshra.s32 @!p1 s14, $0x1F;
	p2 =	por !p2, p1  }
0xe: {  	s15 =	sand.u32 @!p1 s16, s15;
	p3 =	por !p3, p1;
	s16 =	smov.u32 s14  }
0xf: {  	s14 =	sand.u32 @!p1 s18, s14;
	s17 =	simm.s32 @p2 $0xF41C0;
	s16 =	simm.s32 @p3 $0x40  }
0x10: {  	s15 =	ssub.s32 @!p1 s17, s15;
	s14 =	ssub.s32 @!p1 s16, s14  }
0x11: {  	s18 =	smov.u32 s12;
	s16 =	sadd.s32 @!p1 $0xFFF0BE40, s15;
	s17 =	sadd.s32 @!p1 $0xFFFFFFC0, s14  }
0x12: {  	s15 =	ssub.s32 @!p1 $0xF4240, s15;
	p2 =	sgt.s32 @!p1 s16, $0x7F;
	p3 =	sgt.s32 @!p1 s17, $0x3F  }
0x13: {  	s14 =	ssub.s32 @!p1 $0x80, s14;
	p2 =	por !p2, p1;
	p3 =	por !p3, p1  }
0x14: {  	s16 =	sadd.s32 $0x1000, s11;
	s15 =	simm.s32 @!p2 $0x0;
	s14 =	simm.s32 @!p3 $0x0  }
0x15: {  	p2 =	sgt.s32 s16, $0xF423F;
	s14 =	smul.u32 @!p1 s14, s15;
	s15 =	sadd.s32 $0x40, s12  }
0x16: {  	s18 =	smov.u32 @p2 s15  }
0x17: {  	s16 =	smov.u32 @p2 s3;
	p2 =	sgt.s32 s18, $0x3F  }
0x18: {  	p0 =	por !p0, !p0;
	s18 =	simm.s32 @p2 $0x0;
	p2 =	sne.s32 s13, s7  }
.Ltmp1:
0x19: {  	s17 =	simm.s32 @!p1 $0x2;
	s14 =	sshrl.u32 @!p1 s14, $0x1;
	(pc) =	sbr.rel @!p2 .LBB1_6-.Ltmp1, $4  }
0x1a: {  	s15 =	smov.u32 s9;
	s9 =	smov.u32 s11;
	s14 =	sand.u32 @!p1 $0x3FFFFFFF, s14  }
0x1b: {  	s11 =	smov.u32 s16;
	s13 =	sadd.s32 $0x1, s13;
	_ =	swait.ge @!p1 [sflag:s17], s14  }
0x1c: {  	s19 =	ssub.s32 @!p1 $0x0, s14;
	s14 =	smov.u32 s10;
	[sflag:s17] =	ssyncset.done @!p1 $0x0  }
0x1d: {  	s10 =	smov.u32 s12;
	s12 =	smov.u32 s18;
	[sflag:s17] =	ssyncadd.s32 @!p1 s19  }
.LBB1_1:
0x1e: {  	p1 =	sgt.u32 s13, s6  }
0x1f: {  	s16 =	sshrl.u32 @!p1 s12, $0x4  }
0x20: {  	s17 =	sshll.u32 @!p1 s11, $0x4;
	s16 =	smul.u32 @!p1 $0xF42800, s16  }
0x21: {  	s18 =	sshll.u32 @!p1 s12, $0x7;
	s17 =	sand.u32 @!p1 $0xFFFFF800, s17  }
0x22: {  	s16 =	sadd.s32 @!p1 s16, s17;
	s17 =	sand.u32 @!p1 $0x700, s18;
	s18 =	sshll.u32 @!p1 s11, $0x1  }
0x23: {  	s16 =	sor.u32 @!p1 s17, s16;
	s17 =	sand.u32 @!p1 $0xFE, s18  }
0x24: {  	s18 =	sand.u32 @!p1 $0x1, s12;
	s16 =	sor.u32 @!p1 s17, s16  }
0x25: {  	s17 =	sor.u32 @!p1 s18, s16  }
0x26: {  	s18 =	smulhi.u32 @!p1 $0x218D6287, s17;
	_ =	sdelay $0x1  }
0x27: {  	s16 =	smulhi.u32 @!p1 $0x218D6287, s16;
	s18 =	sshrl.u32 @!p1 s18, $0x11  }
0x28: {  	s18 =	smul.u32 @!p1 $0xF4280, s18  }
0x29: {  	s16 =	sshrl.u32 @!p1 s16, $0x11  }
0x2a: {  	s16 =	sand.u32 @!p1 $0x3F, s16;
	s17 =	ssub.s32 @!p1 s17, s18  }
0x2b: {  	s16 =	smul.u32 @!p1 $0xF428, s16;
	s18 =	sshrl.u32 @!p1 s17, $0x4  }
0x2c: {  	s19 =	sxor.u32 @!p1 $0xFFFFFFFF, s13;
	s17 =	sshll.u32 @!p1 s17, $0x11;
	s18 =	sadd.s32 @!p1 s2, s18  }
0x2d: {  	s17 =	sand.u32 @!p1 $0x1C0000, s17;
	s16 =	sadd.s32 @!p1 s16, s18;
	s18 =	sshll.u32 @!p1 s19, $0xC  }
0x2e: {  	s17 =	sor.u32 @!p1 $0x400, s17;
	s19 =	simm.s32 @!p1 $0x7A1400;
	s18 =	sand.u32 @!p1 $0x1000, s18  }
0x2f: {  	[tilespmem:s18], [sflag:$0x1] =	stream.strided.gather @!p1 [hbm4b:s16+s17], $0x1000, s19, s17, $0x38;
	[tilespmem:$0x4080] =	vst v63  }
0x30: {  	p1 =	seq.s32 s13, $0x0  }
0x31: {  	p2 =	sge.u32 @!p1 s13, s7  }
0x32: {  	p1 =	por p1, p2  }
.Ltmp2:
0x33: {  	_ = 	snop;
	(pc) =	sbr.rel @p1 .LBB1_5-.Ltmp2, $1  }
0x34: {  	_ =	sdelay $0x3  }
0x35: {  	s16 =	simm.s32 $0x1  }
0x36: {  	_ =	swait.ge [sflag:s4], $0x1000;
	s16 =	simm.s32 @!p0 $0x0  }
0x37: {  	[sflag:s4] =	ssyncset.done $0x0;
	s16 =	sshll.u32 s16, $0xC  }
0x38: {  	[sflag:s4] =	ssyncadd.s32 $0xFFFFF000;
	s16 =	sor.u32 $0x40, s16  }
0x39: {  	v0 =	vld [tilespmem:s16+$0x20]  }
0x3a: {  	v1 =	vld [tilespmem:s16+$0x30]  }
0x3b: {  	v2 =	vld [tilespmem:s16+$0xFFFFFFD0]  }
0x3c: {  	v5 =	vld [tilespmem:s16+$0x0]  }
0x3d: {  	v6 =	vld [tilespmem:s16+$0x10]  }
0x3e: {  	s17 =	sand.u32 $0x1, s13;
	v3 =	vld [tilespmem:s16+$0xFFFFFFE0]  }
0x3f: {  	s17 =	smul.u32 $0x4100, s17;
	v4 =	vld [tilespmem:s16+$0xFFFFFFF0]  }
0x40: {  	s18 =	simm.s32 $0x0;
	v1 =	vperm.xlane.i2c.b16 v1  }
0x41: {  	s19 =	sand.u32 $0x3C, s18;
	s17 =	sshrl.u32 s17, $0x2;
	v8 =	vld [tilespmem:s16+$0xFFFFFFC0];
	s20 =	sadd.s32 $0x80, s16;
	v7 =	vperm.xlane.i2c.b16 v0;
	v0 =	vperm.xlane.i2c.b16 v2  }
0x42: {  	s30 =	sand.u32 $0x40, s18;
	s31 =	sshrl.u32 s19, $0x1;
	s16 =	sor.u32 $0x2000, s17;
	v11 =	vld [tilespmem:s20+$0x30];
	v10 =	vperm.xlane.i2c.b16 v5;
	v13 =	vperm.xlane.i2c.b16 v6  }
0x43: {  	s17 =	sshrl.u32 s30, $0x1;
	s18 =	sadd.s32 s31, s16;
	v2 =	vld [tilespmem:s20+$0x20];
	v3 =	vperm.xlane.i2c.b16 v3;
	v9 =	vcombine.low v7, v1  }
0x44: {  	v12 =	vld [tilespmem:s20+$0xFFFFFFD0];
	s17 =	sadd.s32 s17, s18;
	v4 =	vperm.xlane.i2c.b16 v4;
	v14 =	vcombine.low v10, v13  }
0x45: {  	v1 =	vcombine.high v7, v1;
	v7 =	vld [tilespmem:s20+$0xFFFFFFE0];
	[tilespmem:s17+$0xC30 ss:$0x41] =	vst.msk $0xffff, v9  }
0x46: {  	v6 =	vld [tilespmem:s20+$0xFFFFFFF0];
	v5 =	vperm.xlane.i2c.b16 v8;
	v9 =	vcombine.low v3, v4;
	[tilespmem:s17+$0x820 ss:$0x41] =	vst.msk $0xffff, v14  }
0x47: {  	s18 =	simm.s32 $0x4;
	v8 =	vperm.xlane.i2c.b16 v11;
	[tilespmem:s17+$0xC31 ss:$0x41] =	vst.msk $0xffff, v1;
	v1 =	vcombine.high v3, v4;
	v4 =	vld [tilespmem:s20+$0x0]  }
0x48: {  	s19 =	simm.s32 $0x2;
	s22 =	sand.u32 $0x3C, s18;
	v10 =	vcombine.high v10, v13;
	v3 =	vld [tilespmem:s20+$0x10];
	[tilespmem:s17+$0x410 ss:$0x41] =	vst.msk $0xffff, v9;
	v9 =	vperm.xlane.i2c.b16 v2  }
0x49: {  	s21 =	sand.u32 $0x40, s18;
	s22 =	sshrl.u32 s22, $0x1;
	v11 =	vcombine.low v5, v0;
	v2 =	vld [tilespmem:s20+$0xFFFFFFC0];
	s20 =	sadd.s32 $0x80, s20;
	[tilespmem:s17+$0x411 ss:$0x41] =	vst.msk $0xffff, v1;
	v1 =	vperm.xlane.i2c.b16 v12  }
.LBB1_3:
0x4a: {  	v12 =	vld [tilespmem:s20+$0x20];
	s22 =	sadd.s32 s22, s16;
	s21 =	sshrl.u32 s21, $0x1;
	v13 =	vperm.xlane.i2c.b16 v7;
	v7 =	vcombine.low v9, v8;
	[tilespmem:s17+$0x821 ss:$0x41] =	vst.msk $0xffff, v10  }
0x4b: {  	s19 =	sadd.s32 $0x2, s19;
	v14 =	vld [tilespmem:s20+$0x30];
	s21 =	sadd.s32 s21, s22;
	v10 =	vperm.xlane.i2c.b16 v6;
	v6 =	vcombine.high v9, v8;
	[tilespmem:s17+$0x0 ss:$0x41] =	vst.msk $0xffff, v11  }
0x4c: {  	p1 =	slt.u32 s19, $0x3E;
	v11 =	vld [tilespmem:s20+$0xFFFFFFD0];
	v8 =	vperm.xlane.i2c.b16 v4;
	[tilespmem:s21+$0xC30 ss:$0x41] =	vst.msk $0xffff, v7;
	v4 =	vcombine.high v5, v0;
	v0 =	vmov v1  }
.Ltmp3:
0x4d: {  	v7 =	vld [tilespmem:s20+$0xFFFFFFE0];
	v1 =	vcombine.low v13, v10;
	v3 =	vperm.xlane.i2c.b16 v3;
	[tilespmem:s21+$0xC31 ss:$0x41] =	vst.msk $0xffff, v6;
	(pc) =	sbr.rel @p1 .LBB1_3-.Ltmp3, $4  }
0x4e: {  	v6 =	vld [tilespmem:s20+$0xFFFFFFF0];
	v5 =	vperm.xlane.i2c.b16 v2;
	v2 =	vcombine.high v13, v10;
	[tilespmem:s17+$0x1 ss:$0x41] =	vst.msk $0xffff, v4;
	s17 =	smov.u32 s21  }
0x4f: {  	s18 =	sadd.s32 $0x4, s18;
	v4 =	vld [tilespmem:s20+$0x0];
	[tilespmem:s17+$0x410 ss:$0x41] =	vst.msk $0xffff, v1;
	v13 =	vcombine.low v8, v3;
	v10 =	vcombine.high v8, v3  }
0x50: {  	s22 =	sand.u32 $0x3C, s18;
	v9 =	vperm.xlane.i2c.b16 v12;
	v3 =	vld [tilespmem:s20+$0x10];
	v8 =	vperm.xlane.i2c.b16 v14;
	[tilespmem:s17+$0x411 ss:$0x41] =	vst.msk $0xffff, v2  }
0x51: {  	s22 =	sshrl.u32 s22, $0x1;
	s21 =	sand.u32 $0x40, s18;
	v2 =	vld [tilespmem:s20+$0xFFFFFFC0];
	v1 =	vperm.xlane.i2c.b16 v11;
	s20 =	sadd.s32 $0x80, s20;
	v11 =	vcombine.low v5, v0;
	[tilespmem:s17+$0x820 ss:$0x41] =	vst.msk $0xffff, v13  }
0x52: {  	s18 =	sadd.s32 s22, s16;
	s19 =	sshll.u32 s9, $0x7;
	s20 =	sshll.u32 s10, $0x4  }
0x53: {  	s21 =	sshrl.u32 s21, $0x1;
	s24 =	sshll.u32 s10, $0x1;
	p1 =	sgt.s32 s9, $0xF41C0  }
0x54: {  	s22 =	smov.u32 s9;
	s26 =	sshra.s32 s9, $0x1F;
	s23 =	sand.u32 $0xFFFFF800, s19  }
0x55: {  	s20 =	sand.u32 $0xFFFFF800, s20;
	s19 =	sand.u32 $0x700, s19;
	s25 =	sand.u32 $0x80, s24  }
0x56: {  	s18 =	sadd.s32 s21, s18;
	s22 =	simm.s32 @!p1 $0xF41C0;
	p1 =	sgt.s32 s10, $0x40  }
0x57: {  	s21 =	smov.u32 s10;
	s20 =	sadd.s32 s20, s23;
	s23 =	sshra.s32 s10, $0x1F  }
0x58: {  	s21 =	simm.s32 @!p1 $0x40;
	s19 =	sor.u32 s19, s20;
	s20 =	sand.u32 s26, s9  }
0x59: {  	v7 =	vperm.xlane.i2c.b16 v7;
	[tilespmem:s17+$0x821 ss:$0x41] =	vst.msk $0xffff, v10;
	v0 =	vcombine.high v5, v0;
	s23 =	sand.u32 s23, s10;
	s19 =	sor.u32 s25, s19;
	s20 =	ssub.s32 s22, s20  }
0x5a: {  	v57 =	vcombine.low v9, v8;
	v6 =	vperm.xlane.i2c.b16 v6;
	[tilespmem:s17+$0x0 ss:$0x41] =	vst.msk $0xffff, v11;
	s21 =	ssub.s32 s21, s23;
	s19 =	sshrl.u32 s19, $0x7;
	s22 =	sadd.s32 $0xFFF0BE40, s20  }
0x5b: {  	v58 =	vcombine.high v9, v8;
	v4 =	vperm.xlane.i2c.b16 v4;
	[tilespmem:s17+$0x1 ss:$0x41] =	vst.msk $0xffff, v0;
	s23 =	sadd.s32 $0xFFFFFFC0, s21;
	s20 =	ssub.s32 $0xF4240, s20;
	s21 =	ssub.s32 $0x80, s21  }
0x5c: {  	[tilespmem:s18+$0xC30 ss:$0x41] =	vst.msk $0xffff, v57;
	v59 =	vcombine.low v7, v6;
	v3 =	vperm.xlane.i2c.b16 v3;
	s27 =	smulhi.u32 $0x218DEF5, s19;
	p1 =	sgt.s32 s22, $0x7F;
	p2 =	sgt.s32 s23, $0x3F  }
0x5d: {  	[tilespmem:s18+$0xC31 ss:$0x41] =	vst.msk $0xffff, v58;
	v60 =	vcombine.high v7, v6;
	s20 =	simm.s32 @p1 $0x0;
	s21 =	simm.s32 @p2 $0x0  }
0x5e: {  	v2 =	vperm.xlane.i2c.b16 v2;
	[tilespmem:s18+$0x410 ss:$0x41] =	vst.msk $0xffff, v59;
	v61 =	vcombine.low v4, v3;
	s17 =	sshrl.u32 s27, $0xD;
	s20 =	smul.u32 s21, s20  }
0x5f: {  	v3 =	vcombine.high v4, v3;
	[tilespmem:s18+$0x411 ss:$0x41] =	vst.msk $0xffff, v60;
	s17 =	smul.u32 $0xF4240, s17  }
.Ltmp4:
0x60: {  	s28 =	sshrl.u32 s10, $0x3;
	s29 =	sand.u32 $0x7, s10;
	v62 =	vcombine.low v2, v1;
	[tilespmem:s18+$0x820 ss:$0x41] =	vst.msk $0xffff, v61;
	(pc) =	sbr.rel .LBB1_5-.Ltmp4, $4  }
0x61: {  	v63 =	vcombine.high v2, v1;
	[tilespmem:s18+$0x821 ss:$0x41] =	vst.msk $0xffff, v3;
	s21 =	sshll.u32 s29, $0x12;
	s17 =	ssub.s32 s19, s17;
	s19 =	sand.u32 $0x7, s28  }
0x62: {  	[tilespmem:s18+$0x0 ss:$0x41] =	vst.msk $0xffff, v62;
	s20 =	sshrl.u32 s20, $0x1;
	s17 =	sshll.u32 s17, $0x3;
	s19 =	sadd.s32 s5, s19  }
0x63: {  	[tilespmem:s18+$0x1 ss:$0x41] =	vst.msk $0xffff, v63;
	s31 =	sor.u32 $0x40, s21;
	s30 =	sand.u32 $0x3FFFFFFF, s20;
	s17 =	sadd.s32 s17, s19  }
0x64: {  	[hbm4b:s17+s31] =	stream.strided.scatter [tilespmem:s16], [sflag:$0x2], s30, s8, s31, $0x18;
	[tilespmem:$0x4080] =	vst v63  }
.LBB1_6:
0x65: {  	_ =	sfence.sel $0x180000  }
0x66: {  	s2 =	simm.s32 $0x1;
	[bflag:$0x0] =	sbarrier.arrive $0xFFFF  }
0x67: {  	s31 =	simm.s32 $0x2;
	[sflag:s2] =	ssyncpa.u1 $0x1  }
0x68: {  	[sflag:s31] =	ssyncpa.u1 $0x1  }
0x69: {  	p0 =	sne.s32 s1, $0x0;
	_ =	strace $0x9000004A  }
0x6a: {  	s0 =	sadd.s32 @!p0 $0x100000, s0;
	[bflag:$0x2] =	sbarrier.arrive $0xFFFF  }
0x6b: {  	[sflag:s0] =	ssyncadd.tile.s32 @!p0 $0x1;
	_ =	shalt  }
.Lfunc_end1:
_tile_overlayer_lowered:
.L_overlay_start_2:
0x6c: {  	(tag) =	ssettag $0x2  }
0x6d: {  	s0 =	rddreg [dreg:$0x0];
	s2 =	stileid.u32  }
0x6e: {  	s1 =	rddreg [dreg:$0x1];
	p0 =	sne.s32 s2, $0x0  }
0x6f: {  	s3 =	rddreg [dreg:$0x2];
	[bflag:$0x3] =	sbarrier.arrive $0xFFFF;
	s2 =	simm.s32 @!p0 $0x1C01  }
0x70: {  	[timem:s3], [sflag:s2] =	dma.local @!p0 [hbm:s0], s1  }
0x71: {  	s0 =	simm.s32 @!p0 $0x1  }
0x72: {  	_ =	swait.ge @!p0 [sflag:s0], s1  }
0x73: {  	s1 =	ssub.s32 @!p0 $0x0, s1;
	[sflag:s0] =	ssyncset.done @!p0 $0x0  }
0x74: {  	[sflag:s0] =	ssyncadd.s32 @!p0 s1  }
0x75: {  	[bflag:$0x3] =	sbarrier.arrive $0xFFFF  }
0x76: {  	_ =	shalt  }

// kernel: sparse-core-data-format-call.cloned.1.call-start
scs
called_computation_lowered:
.L_overlay_start_0:
0x0: {  	s2 =	sld [smem:$0x3FD9]  }
0x1: {  	s3 =	sld [smem:$0x3FFE];
	_ =	sdelay $0x1  }
0x2: {  	s1 =	srdreg.scid  }
0x3: {  	s0 =	sand.u32 $0x1, s1  }
0x4: {  	s18 =	sshll.u32 s0, $0xA;
	s2 =	sadd.s32 s3, s2  }
0x5: {  	s2 =	sadd.s32 s2, s18  }
0x6: {  	[smem:$0x3FC3] =	sst s2  }
0x7: {  	_ = 	snop  }
0x8: {  	(tm) =	ssettm $0x1  }
0x9: {  	s19 =	sld [smem:$0x3FFB];
	_ =	sdelay $0x3  }
0xa: {  	_ =	strace s19  }
0xb: {  	s2 =	sld [smem:$0x3FFC];
	_ =	sdelay $0x3  }
0xc: {  	_ =	strace s2  }
0xd: {  	s2 =	sld [smem:$0x3FFD];
	_ =	sdelay $0x3  }
0xe: {  	_ =	strace s2  }
0xf: {  	_ =	strace $0x8FFFFFFF  }
0x10: {  	s20 =	sld [smem:$0x3FDB];
	_ =	sdelay $0x1  }
0x11: {  	s21 =	simm.s32 $_scs_section_size  }
0x12: {  	s4 =	simm.s32 $_size__tile_overlayer_lowered;
	s5 =	simm.s32 $_tile_overlayer_lowered  }
0x13: {  	s6 =	simm.s32 $0x1BFF;
	s22 =	sshll.u32 s5, $0x1;
	s3 =	sadd.s32 s21, s20  }
0x14: {  	s23 =	simm.s32 $0x0;
	s4 =	sshll.u32 s4, $0x1;
	s5 =	sadd.s32 s22, s3  }
0x15: {  	[timem:s23], [sflag:s6] =	dma.local [hbm:s5], s4  }
0x16: {  	_ =	swait.ge [sflag:s6], s4  }
0x17: {  	s4 =	ssub.s32 $0x0, s4;
	[sflag:s6] =	ssyncset.done $0x0  }
0x18: {  	[sflag:s6] =	ssyncadd.s32 s4;
	_ =	sdelay $0x1  }
0x19: {  	s24 =	simm.s32 $0x1B8B  }
0x1a: {  	_ =	swait.ge [sflag:s24], $0x1  }
0x1b: {  	[sflag:s24] =	ssyncset.done $0x0  }
0x1c: {  	[sflag:s24] =	ssyncadd.s32 $0xFFFFFFFF  }
0x1d: {  	s4 =	sld [smem:$0x0]  }
0x1e: {  	s5 =	sand.u32 $0xFFFFFFFE, s1  }
0x1f: {  	p0 =	sne.s32 s1, s5  }
0x20: {  	s5 =	sshll.u32 @p0 s5, $0xE  }
0x21: {  	s5 =	sadd.s32 @p0 $0x11B8D, s5;
	s6 =	sshll.u32 @p0 s4, $0x11  }
0x22: {  	s5 =	sor.u32 @p0 s6, s5  }
0x23: {  	[sflag:s5] =	ssyncadd.remote.s32 @p0 $0x1;
	_ =	sdelay $0x1  }
0x24: {  	s5 =	simm.s32 @p0 $0x1B8D  }
0x25: {  	_ =	swait.eq @p0 [sflag:s5], $0x1  }
0x26: {  	[sflag:s5] =	ssyncadd.s32 @p0 $0xFFFFFFFF  }
0x27: {  	s6 =	sshll.u32 @!p0 s1, $0xE  }
0x28: {  	s6 =	sor.u32 @!p0 $0x4000, s6;
	s5 =	simm.s32 @!p0 $0x1B8D  }
0x29: {  	s4 =	sshll.u32 @!p0 s4, $0x11;
	s6 =	sadd.s32 @!p0 $0x11B8D, s6;
	_ =	swait.eq @!p0 [sflag:s5], $0x1  }
0x2a: {  	s4 =	sor.u32 @!p0 s4, s6;
	[sflag:s5] =	ssyncadd.s32 @!p0 $0xFFFFFFFF  }
0x2b: {  	s26 =	simm.s32 $0x1B8E;
	s25 =	sld [smem:$0x3FFE];
	[sflag:s4] =	ssyncadd.remote.s32 @!p0 $0x1  }
0x2c: {  	s27 =	simm.s32 $execute0_lowered;
	[smem:$0x3FD2] =	sst s26  }
0x2d: {  	s5 =	sshll.u32 s27, $0x1;
	_ =	strace $0x8000004C;
	[dreg:$0x1] =	wrdreg $0xFFFFFFFF  }
0x2e: {  	s28 =	simm.s32 $_size_execute0_lowered;
	s3 =	sadd.s32 s3, s5;
	[dreg:$0x0] =	wrdreg $0x0  }
0x2f: {  	s5 =	sshll.u32 s28, $0x1;
	[dreg:$0x2] =	wrdreg s3  }
0x30: {  	[dreg:$0x3] =	wrdreg s5  }
0x31: {  	[dreg:$0x4] =	wrdreg $0xC0  }
0x32: {  	_ =	task [dreg:s23], $0x5FFFF  }
0x33: {  	[dreg:$0x1] =	wrdreg $0xFFFFFFFF  }
0x34: {  	[dreg:$0x0] =	wrdreg $0x60  }
0x35: {  	[dreg:$0x2] =	wrdreg s25  }
0x36: {  	[dreg:$0x3] =	wrdreg $0x9  }
0x37: {  	_ =	task.clear_ibuf [dreg:s23], $0x4FFFF;
	_ =	strace $0x9000004C  }
0x38: {  	s29 =	simm.s32 $0x9;
	_ =	strace $0x8000004E  }
0x39: {  	_ =	swait.ge [sflag:s29], $0x1  }
0x3a: {  	[sflag:s29] =	ssyncadd.s32 $0xFFFFFFFF  }
0x3b: {  	_ =	strace $0x9000004E  }
0x3c: {  	_ =	sfence  }
0x3d: {  	s30 =	sld [smem:$0x0];
	_ =	sdelay $0x2  }
0x3e: {  	s31 =	sshll.u32 s1, $0xD;
	s1 =	sshrl.u32 s1, $0x2  }
0x3f: {  	s4 =	sand.u32 $0x4000, s31;
	s1 =	sadd.s32 s1, s30  }
0x40: {  	s0 =	sor.u32 s4, s0;
	s1 =	sshll.u32 s1, $0x11  }
0x41: {  	s0 =	sor.u32 s1, s0  }
0x42: {  	s0 =	sadd.s32 $0x8F2B, s0  }
0x43: {  	[sflag:s0] =	ssyncadd.remote.s32 $0x1  }
0x44: {  	_ =	sfence.sel $0xFFFF  }
0x45: {  	[dreg:$0x0] =	wrdreg $0xFFFFFFFF;
	(pc) =	sbr.abs _section_cstart, $3  }
0x46: {  	[dreg:$0x1] =	wrdreg $0xFFFFFFFF  }
0x47: {  	_ =	task.clear_ibuf [dreg:s23], $0x2FFFF;
	_ =	strace $0x9FFFFFFF  }
0x48: {  	(tm) =	ssettm $0x7FFFFFFF  }
0x49: {  	_ =	shalt  }
tec
execute0_lowered:
.L_overlay_start_1:
0x0: {  	(tag) =	ssettag $0x1  }
0x1: {  	s0 =	srdreg.scid  }
0x2: {  	s5 =	rddreg [dreg:$0x0];
	s1 =	stileid.u32;
	s4 =	simm.s32 $0x1  }
0x3: {  	s6 =	simm.s32 $0x2;
	s8 =	simm.s32 $0x0;
	s2 =	sshll.u32 s0, $0x4  }
0x4: {  	s9 =	simm.s32 $0x0;
	s13 =	simm.s32 $0x0;
	s2 =	sand.u32 $0x10, s2  }
.Ltmp0:
0x5: {  	s10 =	simm.s32 $0x0;
	s3 =	sor.u32 s1, s2;
	(pc) =	sbr.rel .LBB1_1-.Ltmp0, $4  }
0x6: {  	s0 =	rddreg [dreg:$0x1];
	_ =	strace $0x8000004D;
	s3 =	sshll.u32 s3, $0x4  }
0x7: {  	s12 =	simm.s32 $0x0;
	[sflag:s4] =	ssyncpa.u1 $0x0;
	s7 =	ssub.s32 $0x7A10, s3  }
0x8: {  	s2 =	sadd.s32 $0x3D2800, s5;
	[sflag:s6] =	ssyncpa.u1 $0x0;
	s6 =	sshrl.u32 s7, $0x9  }
0x9: {  	s5 =	sadd.s32 $0x1E00, s5;
	s11 =	smov.u32 s3;
	s7 =	sor.u32 $0x2, s6  }
.LBB1_7:
0xa: {  	s15 =	sshll.u32 s12, $0xF  }
0xb: {  	s15 =	sand.u32 $0x8000, s15  }
0xc: {  	s16 =	sshll.u32 s10, $0x7;
	s15 =	sshrl.u32 s15, $0x1  }
0xd: {  	s16 =	sadd.s32 s5, s16;
	s15 =	sor.u32 $0x8000, s15  }
0xe: {  	[hbm4b:s16+s8] =	stream.linear.scatter [tilespmem:s15], [sflag:$0x2], s14, $0x38;
	[tilespmem:$0x10000] =	vst v63  }
.LBB1_8:
0xf: {  	p0 =	slt.u32 s12, $0x2  }
0x10: {  	p1 =	sgt.s32 @!p0 s13, $0x7A02  }
0x11: {  	s14 =	smov.u32 s13;
	s15 =	sshra.s32 @!p0 s13, $0x1F;
	p1 =	por !p1, p0  }
0x12: {  	s13 =	sand.u32 @!p0 s15, s13;
	s14 =	simm.s32 @p1 $0x7A02  }
0x13: {  	s13 =	ssub.s32 @!p0 s14, s13  }
0x14: {  	s13 =	sadd.s32 @!p0 $0xFFFF85FE, s13  }
0x15: {  	s14 =	sshll.u32 @!p0 s13, $0xC  }
0x16: {  	p1 =	sgt.s32 @!p0 s13, $0xF;
	s13 =	ssub.s32 @!p0 $0x10000, s14  }
0x17: {  	s15 =	sadd.s32 $0x200, s11;
	p1 =	por !p1, p0;
	s13 =	sshrl.u32 @!p0 s13, $0x2  }
0x18: {  	s13 =	simm.s32 @!p1 $0x0;
	p1 =	sgt.s32 s15, $0x7A11  }
0x19: {  	s15 =	smov.u32 @p1 s3;
	p1 =	sne.s32 s12, s7  }
.Ltmp1:
0x1a: {  	_ = 	snop;
	(pc) =	sbr.rel @!p1 .LBB1_9-.Ltmp1, $4  }
0x1b: {  	s14 =	simm.s32 @!p0 $0x2  }
0x1c: {  	s9 =	sadd.s32 $0x8000, s9;
	_ =	swait.ge @!p0 [sflag:s14], s13;
	s16 =	ssub.s32 @!p0 $0x0, s13  }
0x1d: {  	s13 =	smov.u32 s10;
	s12 =	sadd.s32 $0x1, s12;
	[sflag:s14] =	ssyncset.done @!p0 $0x0  }
0x1e: {  	s10 =	smov.u32 s11;
	s11 =	smov.u32 s15;
	[sflag:s14] =	ssyncadd.s32 @!p0 s16  }
.LBB1_1:
0x1f: {  	p0 =	sgt.u32 s12, s6  }
0x20: {  	p1 =	sgt.s32 @!p0 s11, $0x7A02  }
0x21: {  	s14 =	smov.u32 s11;
	s15 =	sshra.s32 @!p0 s11, $0x1F;
	p1 =	por !p1, p0  }
0x22: {  	s15 =	sand.u32 @!p0 s15, s11;
	s14 =	simm.s32 @p1 $0x7A02  }
0x23: {  	s14 =	ssub.s32 @!p0 s14, s15  }
0x24: {  	s14 =	sadd.s32 @!p0 $0xFFFF85FE, s14  }
0x25: {  	s16 =	sshll.u32 @!p0 s11, $0x7;
	s17 =	simm.s32 @!p0 $0x0;
	s15 =	sshll.u32 @!p0 s14, $0xC  }
0x26: {  	p1 =	sgt.s32 @!p0 s14, $0xF;
	s14 =	ssub.s32 @!p0 $0x10000, s15;
	s15 =	sxor.u32 @!p0 $0xFFFFFFFF, s12  }
0x27: {  	p1 =	por !p1, p0;
	s14 =	sshrl.u32 @!p0 s14, $0x2;
	s15 =	sshll.u32 @!p0 s15, $0xE  }
0x28: {  	s16 =	sadd.s32 @!p0 s2, s16;
	s14 =	simm.s32 @!p1 $0x0;
	s15 =	sand.u32 @!p0 $0x4000, s15  }
0x29: {  	[tilespmem:s15], [sflag:$0x1] =	stream.linear.gather @!p0 [hbm4b:s16+s17], s14, $0x38;
	[tilespmem:$0x10000] =	vst v63  }
0x2a: {  	p0 =	seq.s32 s12, $0x0  }
0x2b: {  	p1 =	sge.u32 @!p0 s12, s7  }
0x2c: {  	p0 =	por p0, p1  }
.Ltmp2:
0x2d: {  	_ = 	snop;
	(pc) =	sbr.rel @p0 .LBB1_8-.Ltmp2, $1  }
0x2e: {  	_ =	sdelay $0x3  }
0x2f: {  	p0 =	sgt.s32 s10, $0x7A02;
	s14 =	smov.u32 s10;
	s15 =	sshra.s32 s10, $0x1F  }
0x30: {  	s14 =	simm.s32 @!p0 $0x7A02;
	s15 =	sand.u32 s15, s10  }
0x31: {  	s14 =	ssub.s32 s14, s15  }
0x32: {  	s16 =	sadd.s32 $0x10, s10;
	s14 =	sadd.s32 $0xFFFF85FE, s14  }
0x33: {  	p1 =	slt.s32 s16, $0x7A12;
	s30 =	sshll.u32 s14, $0xC  }
0x34: {  	s16 =	simm.s32 @!p1 $0x7A12;
	s15 =	ssub.s32 $0x10000, s30  }
0x35: {  	p0 =	sgt.s32 s14, $0xF;
	s14 =	sshrl.u32 s15, $0x2;
	s15 =	ssub.s32 s16, s10  }
0x36: {  	s14 =	simm.s32 @p0 $0x0;
	p0 =	slt.s32 s15, $0x1  }
.Ltmp3:
0x37: {  	_ = 	snop;
	(pc) =	sbr.rel @p0 .LBB1_7-.Ltmp3, $4  }
0x38: {  	_ = 	snop  }
0x39: {  	_ =	swait.ge [sflag:s4], s14  }
0x3a: {  	s31 =	ssub.s32 $0x0, s14;
	[sflag:s4] =	ssyncset.done $0x0  }
0x3b: {  	[sflag:s4] =	ssyncadd.s32 s31  }
0x3c: {  	s16 =	sshrl.u32 s9, $0x1  }
0x3d: {  	s17 =	sand.u32 $0x4000, s16  }
0x3e: {  	s18 =	simm.s32 $0x0;
	s16 =	sor.u32 $0x200, s17;
	s17 =	sor.u32 $0x8080, s17  }
.LBB1_4:
0x3f: {  	v0 =	vld [tilespmem:s16+$0xFFFFFE70]  }
0x40: {  	v1 =	vld [tilespmem:s16+$0x70]  }
0x41: {  	v2 =	vld [tilespmem:s16+$0x0]  }
0x42: {  	v3 =	vld [tilespmem:s16+$0xFFFFFE10]  }
0x43: {  	v4 =	vld [tilespmem:s16+$0x10]  }
0x44: {  	v5 =	vld [tilespmem:s16+$0xFFFFFE20]  }
0x45: {  	v7 =	vld [tilespmem:s16+$0x20]  }
0x46: {  	v11 =	vld [tilespmem:s16+$0x30];
	v6 =	vunpack.i.l.s16.s32 v0;
	v8 =	vunpack.i.u.s16.s32 v0;
	v9 =	vunpack.i.u.s16.s32 v1  }
0x47: {  	v10 =	vunpack.i.l.s16.s32 v1;
	v0 =	vunpack.i.u.s16.s32 v2;
	v1 =	vunpack.i.l.s16.s32 v2;
	v2 =	vld [tilespmem:s16+$0xFFFFFE30]  }
0x48: {  	v8 =	vpack.i.b32.b16 v9, v8;
	v9 =	vunpack.i.u.s16.s32 v3;
	v3 =	vunpack.i.l.s16.s32 v3  }
0x49: {  	v12 =	vld [tilespmem:s16+$0xFFFFFE40];
	v6 =	vpack.i.b32.b16 v10, v6;
	[tilespmem:s17+$0x70] =	vst v8;
	v8 =	vunpack.i.u.s16.s32 v4;
	v4 =	vunpack.i.l.s16.s32 v4  }
0x4a: {  	v13 =	vld [tilespmem:s16+$0x40];
	v10 =	vunpack.i.u.s16.s32 v5;
	v5 =	vunpack.i.l.s16.s32 v5;
	[tilespmem:s17+$0xFFFFFFF0] =	vst v6;
	v3 =	vpack.i.b32.b16 v4, v3  }
0x4b: {  	v6 =	vunpack.i.l.s16.s32 v7;
	v4 =	vld [tilespmem:s16+$0xFFFFFE50];
	[tilespmem:s17+$0xFFFFFF90] =	vst v3;
	v3 =	vpack.i.b32.b16 v8, v9;
	v8 =	vunpack.i.u.s16.s32 v7  }
0x4c: {  	v7 =	vunpack.i.l.s16.s32 v11;
	[tilespmem:s17+$0x10] =	vst v3;
	v3 =	vpack.i.b32.b16 v6, v5;
	v9 =	vunpack.i.u.s16.s32 v2;
	v6 =	vld [tilespmem:s16+$0x50]  }
0x4d: {  	v5 =	vunpack.i.l.s16.s32 v2;
	v2 =	vld [tilespmem:s16+$0xFFFFFE60];
	[tilespmem:s17+$0xFFFFFFA0] =	vst v3;
	v3 =	vpack.i.b32.b16 v8, v10;
	v10 =	vunpack.i.u.s16.s32 v11  }
0x4e: {  	s21 =	simm.s32 $0x0;
	v11 =	vpack.i.b32.b16 v7, v5;
	v7 =	vunpack.i.u.s16.s32 v12;
	v8 =	vunpack.i.l.s16.s32 v12;
	[tilespmem:s17+$0x20] =	vst v3;
	v3 =	vld [tilespmem:s16+$0x60]  }
0x4f: {  	s22 =	sadd.s32 $0x80, s16;
	s20 =	smov.u32 s17;
	s19 =	smov.u32 s17;
	v5 =	vld [tilespmem:s16+$0xFFFFFE00];
	[tilespmem:s17+$0xFFFFFFB0] =	vst v11;
	v10 =	vpack.i.b32.b16 v10, v9;
	v9 =	vunpack.i.u.s16.s32 v13;
	v11 =	vunpack.i.l.s16.s32 v13  }
.LBB1_5:
0x50: {  	v12 =	vld [tilespmem:s22+$0xFFFFFE70];
	[tilespmem:s20+$0x30] =	vst v10;
	v8 =	vpack.i.b32.b16 v11, v8;
	v10 =	vunpack.i.u.s16.s32 v4;
	v4 =	vunpack.i.l.s16.s32 v4  }
0x51: {  	s21 =	sadd.s32 $0x2, s21;
	v7 =	vpack.i.b32.b16 v9, v7;
	v11 =	vld [tilespmem:s22+$0x70];
	[tilespmem:s20+$0xFFFFFFC0] =	vst v8;
	v8 =	vunpack.i.u.s16.s32 v6;
	v6 =	vunpack.i.l.s16.s32 v6  }
0x52: {  	p0 =	slt.u32 s21, $0x6;
	v9 =	vld [tilespmem:s22+$0x0];
	[tilespmem:s20+$0x40] =	vst v7;
	v4 =	vpack.i.b32.b16 v6, v4;
	v6 =	vunpack.i.u.s16.s32 v2;
	v2 =	vunpack.i.l.s16.s32 v2  }
0x53: {  	v7 =	vld [tilespmem:s22+$0xFFFFFE10];
	[tilespmem:s20+$0xFFFFFFD0] =	vst v4;
	v4 =	vpack.i.b32.b16 v8, v10;
	v8 =	vunpack.i.u.s16.s32 v3;
	v3 =	vunpack.i.l.s16.s32 v3  }
0x54: {  	v10 =	vld [tilespmem:s22+$0x10];
	v13 =	vunpack.i.u.s16.s32 v5;
	v5 =	vunpack.i.l.s16.s32 v5;
	[tilespmem:s20+$0x50] =	vst v4;
	v2 =	vpack.i.b32.b16 v3, v2  }
0x55: {  	v3 =	vld [tilespmem:s22+$0xFFFFFE20];
	v4 =	vunpack.i.l.s16.s32 v12;
	v1 =	vpack.i.b32.b16 v1, v5;
	v5 =	vpack.i.b32.b16 v0, v13;
	[tilespmem:s20+$0xFFFFFFE0] =	vst v2  }
0x56: {  	v12 =	vunpack.i.u.s16.s32 v12;
	v2 =	vld [tilespmem:s22+$0x20];
	v13 =	vunpack.i.u.s16.s32 v11;
	v11 =	vunpack.i.l.s16.s32 v11;
	[tilespmem:s20+$0xFFFFFF80] =	vst v1  }
0x57: {  	s20 =	sadd.s32 $0x100, s20;
	v0 =	vunpack.i.u.s16.s32 v9;
	v1 =	vunpack.i.l.s16.s32 v9;
	v9 =	vld [tilespmem:s22+$0xFFFFFE30];
	v12 =	vpack.i.b32.b16 v13, v12;
	[tilespmem:s19+$0x0] =	vst v5  }
0x58: {  	v6 =	vpack.i.b32.b16 v8, v6;
	v5 =	vunpack.i.u.s16.s32 v7;
	v7 =	vunpack.i.l.s16.s32 v7;
	v13 =	vld [tilespmem:s22+$0x30];
	[tilespmem:s20+$0x70] =	vst v12  }
0x59: {  	v4 =	vpack.i.b32.b16 v11, v4;
	v8 =	vunpack.i.u.s16.s32 v10;
	v10 =	vunpack.i.l.s16.s32 v10;
	v12 =	vld [tilespmem:s22+$0xFFFFFE40];
	[tilespmem:s19+$0x60] =	vst v6;
	s19 =	smov.u32 s20  }
0x5a: {  	v6 =	vpack.i.b32.b16 v10, v7;
	v7 =	vunpack.i.u.s16.s32 v3;
	v3 =	vunpack.i.l.s16.s32 v3;
	v11 =	vld [tilespmem:s22+$0x40];
	[tilespmem:s20+$0xFFFFFFF0] =	vst v4  }
.Ltmp4:
0x5b: {  	v5 =	vpack.i.b32.b16 v8, v5;
	[tilespmem:s20+$0xFFFFFF90] =	vst v6;
	v8 =	vunpack.i.u.s16.s32 v2;
	v2 =	vunpack.i.l.s16.s32 v2;
	v4 =	vld [tilespmem:s22+$0xFFFFFE50];
	(pc) =	sbr.rel @p0 .LBB1_5-.Ltmp4, $4  }
0x5c: {  	[tilespmem:s20+$0x10] =	vst v5;
	v2 =	vpack.i.b32.b16 v2, v3;
	v10 =	vunpack.i.u.s16.s32 v9;
	v3 =	vunpack.i.l.s16.s32 v9;
	v6 =	vld [tilespmem:s22+$0x50]  }
0x5d: {  	v5 =	vpack.i.b32.b16 v8, v7;
	[tilespmem:s20+$0xFFFFFFA0] =	vst v2;
	v9 =	vunpack.i.u.s16.s32 v13;
	v7 =	vunpack.i.l.s16.s32 v13;
	v2 =	vld [tilespmem:s22+$0xFFFFFE60]  }
0x5e: {  	[tilespmem:s20+$0x20] =	vst v5;
	v13 =	vpack.i.b32.b16 v7, v3;
	v7 =	vunpack.i.u.s16.s32 v12;
	v8 =	vunpack.i.l.s16.s32 v12;
	v3 =	vld [tilespmem:s22+$0x60]  }
0x5f: {  	v10 =	vpack.i.b32.b16 v9, v10;
	v5 =	vld [tilespmem:s22+$0xFFFFFE00];
	[tilespmem:s20+$0xFFFFFFB0] =	vst v13;
	v9 =	vunpack.i.u.s16.s32 v11;
	v11 =	vunpack.i.l.s16.s32 v11;
	s22 =	sadd.s32 $0x80, s22  }
0x60: {  	[tilespmem:s20+$0x30] =	vst v10;
	v8 =	vpack.i.b32.b16 v11, v8  }
0x61: {  	v51 =	vunpack.i.l.s16.s32 v4;
	v7 =	vpack.i.b32.b16 v9, v7;
	[tilespmem:s20+$0xFFFFFFC0] =	vst v8;
	v52 =	vunpack.i.l.s16.s32 v6  }
0x62: {  	v53 =	vunpack.i.u.s16.s32 v4;
	s18 =	sadd.s32 $0x1, s18;
	v54 =	vunpack.i.u.s16.s32 v6;
	[tilespmem:s20+$0x40] =	vst v7;
	v55 =	vpack.i.b32.b16 v52, v51  }
0x63: {  	p0 =	sne.s32 s18, s15;
	v56 =	vunpack.i.l.s16.s32 v2;
	v4 =	vpack.i.b32.b16 v54, v53;
	[tilespmem:s20+$0xFFFFFFD0] =	vst v55;
	v57 =	vunpack.i.l.s16.s32 v3  }
.Ltmp5:
0x64: {  	[tilespmem:s20+$0x50] =	vst v4;
	v58 =	vunpack.i.l.s16.s32 v5;
	v59 =	vpack.i.b32.b16 v57, v56;
	(pc) =	sbr.rel @p0 .LBB1_4-.Ltmp5, $4  }
.Ltmp6:
0x65: {  	v61 =	vunpack.i.u.s16.s32 v2;
	v62 =	vunpack.i.u.s16.s32 v3;
	v1 =	vpack.i.b32.b16 v1, v58;
	[tilespmem:s20+$0xFFFFFFE0] =	vst v59;
	(pc) =	sbr.rel @!p0 .LBB1_7-.Ltmp6, $4  }
0x66: {  	v60 =	vunpack.i.u.s16.s32 v5;
	v63 =	vpack.i.b32.b16 v62, v61;
	[tilespmem:s20+$0xFFFFFF80] =	vst v1  }
0x67: {  	v0 =	vpack.i.b32.b16 v0, v60;
	[tilespmem:s19+$0x60] =	vst v63  }
0x68: {  	s16 =	sadd.s32 $0x400, s16;
	s17 =	sadd.s32 $0x400, s17;
	[tilespmem:s19+$0x0] =	vst v0  }
0x69: {  	_ = 	snop  }
.LBB1_9:
0x6a: {  	_ =	sfence.sel $0x180000  }
0x6b: {  	s2 =	simm.s32 $0x1;
	[bflag:$0x0] =	sbarrier.arrive $0xFFFF  }
0x6c: {  	s31 =	simm.s32 $0x2;
	[sflag:s2] =	ssyncpa.u1 $0x1  }
0x6d: {  	[sflag:s31] =	ssyncpa.u1 $0x1  }
0x6e: {  	p0 =	sne.s32 s1, $0x0;
	_ =	strace $0x9000004D  }
0x6f: {  	s0 =	sadd.s32 @!p0 $0x100000, s0;
	[bflag:$0x2] =	sbarrier.arrive $0xFFFF  }
0x70: {  	[sflag:s0] =	ssyncadd.tile.s32 @!p0 $0x1;
	_ =	shalt  }
.Lfunc_end1:
_tile_overlayer_lowered:
.L_overlay_start_2:
0x71: {  	(tag) =	ssettag $0x2  }
0x72: {  	s0 =	rddreg [dreg:$0x0];
	s2 =	stileid.u32  }
0x73: {  	s1 =	rddreg [dreg:$0x1];
	p0 =	sne.s32 s2, $0x0  }
0x74: {  	s3 =	rddreg [dreg:$0x2];
	[bflag:$0x3] =	sbarrier.arrive $0xFFFF;
	s2 =	simm.s32 @!p0 $0x1C01  }
0x75: {  	[timem:s3], [sflag:s2] =	dma.local @!p0 [hbm:s0], s1  }
0x76: {  	s0 =	simm.s32 @!p0 $0x1  }
0x77: {  	_ =	swait.ge @!p0 [sflag:s0], s1  }
0x78: {  	s1 =	ssub.s32 @!p0 $0x0, s1;
	[sflag:s0] =	ssyncset.done @!p0 $0x0  }
0x79: {  	[sflag:s0] =	ssyncadd.s32 @!p0 s1  }
0x7a: {  	[bflag:$0x3] =	sbarrier.arrive $0xFFFF  }
0x7b: {  	_ =	shalt  }

</sc_bundles>
